<compile_context>
chip_gen: v7x
topology: tpu7x:2x2x1
jax: 0.10.2.dev20260603
libtpu: 0.0.44.dev20260713+nightly
codegen_flags: <defaults>
</compile_context>

<pallas_src>
import jax
import jax.numpy as jnp
from jax import lax
from jax.experimental import pallas as pl
from jax.experimental.pallas import tpu as pltpu
from jax.experimental.pallas import tpu_sc as plsc

IN = 4096
HID = 4096
B = 64
RB = 64
DT = 0.1
NNZ = 167772

NC = 2
NS = 16
NW = NC * NS
CHUNK = 128
NCHUNK = 41
PER_W = NCHUNK * CHUNK
NNZ_PAD = NW * PER_W
NCHUNK_ST = NCHUNK + 1
ROWS_PER_TILE = HID // NS
LANES = 16

_MESH = plsc.VectorSubcoreMesh(core_axis_name="c", subcore_axis_name="s")


def _zero_contrib(contrib):
    zero16 = jnp.zeros((LANES,), jnp.float32)

    def zrow(i, _):
        for t in range(B // LANES):
            contrib[i, pl.ds(LANES * t, LANES)] = zero16
        return 0

    lax.fori_loop(0, CHUNK, zrow, 0)


def _accumulate(src_hbm, rows_hbm, cols_hbm, vals_hbm, acc, wid,
                rows_v, cols_v, vals_v, cbufs, gsems, ssems):
    pltpu.sync_copy(rows_hbm.at[wid], rows_v)
    pltpu.sync_copy(cols_hbm.at[wid], cols_v)
    pltpu.sync_copy(vals_hbm.at[wid], vals_v)

    def g_start(j, b):
        return pltpu.async_copy(src_hbm.at[rows_v.at[j]], cbufs[b], gsems[b])

    def s_start(j, b):
        return pltpu.async_copy(cbufs[b], acc.at[cols_v.at[j]], ssems[b],
                                add=True)

    def scale(j, b):
        cb = cbufs[b]

        def sgroup(g, _):
            vv = vals_v[j, pl.ds(LANES * g, LANES)]
            base_r = LANES * g
            for l in range(LANES):
                v = vv[l]
                for t in range(B // LANES):
                    sl = pl.ds(LANES * t, LANES)
                    cb[base_r + l, sl] = cb[base_r + l, sl] * v
            return 0

        lax.fori_loop(0, CHUNK // LANES, sgroup, 0)

    def chunk_body(j, _):
        g_start(j, 0).wait()
        scale(j, 0)
        pltpu.sync_copy(cbufs[0], acc.at[cols_v.at[j]], add=True)
        return 0

    lax.fori_loop(0, NCHUNK, chunk_body, 0)
    del s_start


def _spmm_sc_kernel(n_mats):

    def body(*refs):
        srcs = refs[0:n_mats]
        coo = refs[n_mats:4 * n_mats]
        outs = refs[4 * n_mats:5 * n_mats]
        accs = refs[5 * n_mats:6 * n_mats]
        rest = refs[6 * n_mats:]
        rows_v, cols_v, vals_v = rest[0:3]
        cbufs = rest[3:6]
        gsems = rest[6:9]
        ssems = rest[9:12]

        cid = lax.axis_index("c")
        sid = lax.axis_index("s")
        wid = sid * NC + cid
        base = sid * ROWS_PER_TILE

        _zero_contrib(cbufs[2])
        for m in range(n_mats):
            for h in range(ROWS_PER_TILE // CHUNK):
                pltpu.sync_copy(
                    cbufs[2], accs[m].at[pl.ds(base + h * CHUNK, CHUNK)])
        plsc.subcore_barrier()

        for m in range(n_mats):
            _accumulate(srcs[m], coo[3 * m], coo[3 * m + 1], coo[3 * m + 2],
                        accs[m], wid, rows_v, cols_v, vals_v,
                        cbufs, gsems, ssems)
        plsc.subcore_barrier()

        for m in range(n_mats):
            pltpu.sync_copy(accs[m].at[pl.ds(base, ROWS_PER_TILE)],
                            outs[m].at[cid, pl.ds(base, ROWS_PER_TILE)])

    out_type = tuple(jax.ShapeDtypeStruct((NC, HID, B), jnp.float32)
                     for _ in range(n_mats))
    scratch = (
        [pltpu.MemorySpace.VMEM_SHARED((HID, B), jnp.float32) for _ in range(n_mats)]
        + [pltpu.VMEM((NCHUNK_ST, CHUNK), jnp.int32),
           pltpu.VMEM((NCHUNK_ST, CHUNK), jnp.int32),
           pltpu.VMEM((NCHUNK_ST, CHUNK), jnp.float32)]
        + [pltpu.VMEM((CHUNK, B), jnp.float32) for _ in range(3)]
        + [pltpu.SemaphoreType.DMA for _ in range(6)]
    )
    return pl.kernel(body, out_type=out_type, mesh=_MESH, scratch_types=scratch,
                     compiler_params=pltpu.CompilerParams(use_tc_tiling_on_sc=False))


_spmm2 = _spmm_sc_kernel(2)
_spmm1 = _spmm_sc_kernel(1)


def _fuse_body(xT, rW, rb, yW, yR, wb, rbias, hT, gT, tauT, out):
    rg = lax.dot_general(rW[...], xT[...], (((0,), (0,)), ((), ())),
                         preferred_element_type=jnp.float32)
    rg = jax.nn.sigmoid(rg + rb[...])
    mask = jnp.reshape(jnp.broadcast_to(rg[:, None, :], (RB, HID // RB, B)),
                       (HID, B))
    sensory = (yW[0] + yW[1] + wb[...]) * mask
    rec = yR[0] + yR[1] + rbias[...]
    target = jnp.tanh(sensory + rec)
    h = hT[...]
    out[...] = h + gT[...] * (target - h) * (DT / tauT[...])


_fuse = pl.pallas_call(
    _fuse_body,
    out_shape=jax.ShapeDtypeStruct((HID, B), jnp.float32),
)


def _combine_body(p, pb, out):
    out[...] = p[0] + p[1] + pb[...]


_combine = pl.pallas_call(
    _combine_body,
    out_shape=jax.ShapeDtypeStruct((HID, B), jnp.float32),
)


def _coo(rows, cols, vals):
    pad = NNZ_PAD - NNZ

    def prep(a):
        a = jnp.pad(a, (0, pad)).reshape(NW, NCHUNK, CHUNK)
        extra = jnp.zeros((NW, 1, CHUNK), a.dtype)
        return jnp.concatenate([a, extra], axis=1)

    return (prep(rows.astype(jnp.int32)), prep(cols.astype(jnp.int32)),
            prep(vals))


def kernel(x, h_prev, gate, W_rows, W_cols, W_vals, W_bias,
           R_rows, R_cols, R_vals, R_bias, P_rows, P_cols, P_vals, P_bias,
           router_W, router_b, tau):
    xT = x.T
    hT = h_prev.T
    gT = gate.T
    Wr, Wc, Wv = _coo(W_rows, W_cols, W_vals)
    Rr, Rc, Rv = _coo(R_rows, R_cols, R_vals)
    Pr, Pc, Pv = _coo(P_rows, P_cols, P_vals)

    yW, yR = _spmm2(xT, hT, Wr, Wc, Wv, Rr, Rc, Rv)
    h_newT = _fuse(xT, router_W, router_b.reshape(RB, 1), yW, yR,
                   W_bias.reshape(HID, 1), R_bias.reshape(HID, 1),
                   hT, gT, tau.reshape(HID, 1))
    (p,) = _spmm1(h_newT, Pr, Pc, Pv)
    predT = _combine(p, P_bias.reshape(HID, 1))
    return (h_newT.T, predT.T)

# --- scband reference (transcript-rebuilt; emitter-appended) ---
"""Pipeline reference for scband-neuromodulated-holographic-brain-14413910245943 (READ-ONLY COPY).

The authoritative reference and input builder live on the scoring server;
editing this copy changes nothing except your own understanding.
"""

import jax, jax.numpy as jnp
import numpy as np

IN = 4096
HID = 4096
RB = 64
SPARSITY = 0.99
NNZ = int(IN * HID * (1.0 - SPARSITY))  # 167772
B = 64
DT = 0.1


def _spmm(x, rows, cols, vals, out_dim):
    # x: (B, in), W sparse (in, out) given as COO (rows, cols, vals).
    # y[b, j] = sum_k x[b, rows[k]] * vals[k] for cols[k]==j  (duplicates sum,
    # matching torch coalesce + addmm semantics).
    contrib = x[:, rows] * vals[None, :]  # (B, nnz) gather
    out = jnp.zeros((x.shape[0], out_dim), dtype=x.dtype)
    return out.at[:, cols].add(contrib)  # scatter-add


def setup_inputs(seed: int = 0) -> dict:
    key = jax.random.key(seed)
    ks = jax.random.split(key, 20)
    scale_in = 1.0 / np.sqrt(IN)
    scale_h = 1.0 / np.sqrt(HID)

    x = jax.random.normal(ks[0], (B, IN), dtype=jnp.float32)
    h_prev = jax.random.normal(ks[1], (B, HID), dtype=jnp.float32)
    gate = jax.random.uniform(ks[2], (B, HID), dtype=jnp.float32)

    # SparseLinear W: in -> hidden
    W_rows = jax.random.randint(ks[3], (NNZ,), 0, IN)
    W_cols = jax.random.randint(ks[4], (NNZ,), 0, HID)
    W_vals = jax.random.normal(ks[5], (NNZ,), dtype=jnp.float32) * scale_in
    W_bias = jnp.zeros((HID,), dtype=jnp.float32)

    # SparseLinear R: hidden -> hidden
    R_rows = jax.random.randint(ks[6], (NNZ,), 0, HID)
    R_cols = jax.random.randint(ks[7], (NNZ,), 0, HID)
    R_vals = jax.random.normal(ks[8], (NNZ,), dtype=jnp.float32) * scale_h
    R_bias = jnp.zeros((HID,), dtype=jnp.float32)

    # SparseLinear P: hidden -> hidden
    P_rows = jax.random.randint(ks[9], (NNZ,), 0, HID)
    P_cols = jax.random.randint(ks[10], (NNZ,), 0, HID)
    P_vals = jax.random.normal(ks[11], (NNZ,), dtype=jnp.float32) * scale_h
    P_bias = jnp.zeros((HID,), dtype=jnp.float32)

    # dense router: in -> RB
    router_W = jax.random.normal(ks[12], (IN, RB), dtype=jnp.float32) * scale_in
    router_b = jnp.zeros((RB,), dtype=jnp.float32)

    # tau in [0.1, 0.5] (TAU_CONCEPT_RANGE)
    tau = jax.random.uniform(ks[13], (HID,), dtype=jnp.float32) * 0.4 + 0.1

    return {
        'x': x, 'h_prev': h_prev, 'gate': gate,
        'W_rows': W_rows, 'W_cols': W_cols, 'W_vals': W_vals, 'W_bias': W_bias,
        'R_rows': R_rows, 'R_cols': R_cols, 'R_vals': R_vals, 'R_bias': R_bias,
        'P_rows': P_rows, 'P_cols': P_cols, 'P_vals': P_vals, 'P_bias': P_bias,
        'router_W': router_W, 'router_b': router_b, 'tau': tau,
    }


def reference(x, h_prev, gate, W_rows, W_cols, W_vals, W_bias, R_rows, R_cols, R_vals, R_bias, P_rows, P_cols, P_vals, P_bias, router_W, router_b, tau):
    r_gate = jax.nn.sigmoid(x @ router_W + router_b)  # (B, RB)
    mask = jnp.repeat(r_gate, 64, axis=1)[:, :HID]    # repeat_interleave(64)
    sensory = (_spmm(x, W_rows, W_cols, W_vals, HID) + W_bias) * mask
    rec = _spmm(h_prev, R_rows, R_cols, R_vals, HID) + R_bias
    target = jnp.tanh(sensory + rec)
    h_new = h_prev + gate * (target - h_prev) * (DT / tau)
    pred = _spmm(h_new, P_rows, P_cols, P_vals, HID) + P_bias
    return (h_new, pred)

if __name__ == "__main__":
    import jax
    _d = setup_inputs()
    print(jax.jit(kernel)(*tuple(_d.values())))

</pallas_src>

<mosaic_0001>
#map = affine_map<(d0, d1) -> (0, 0)>
#map1 = affine_map<(d0, d1) -> (0, 0, 0)>
module attributes {stable_mosaic.version = 14 : i64} {
  func.func @body(%arg0: i32, %arg1: i32, %arg2: memref<4096x64xf32, #tpu.memory_space<hbm>>, %arg3: memref<4096x64xf32, #tpu.memory_space<hbm>>, %arg4: memref<32x42x128xi32, #tpu.memory_space<hbm>>, %arg5: memref<32x42x128xi32, #tpu.memory_space<hbm>>, %arg6: memref<32x42x128xf32, #tpu.memory_space<hbm>>, %arg7: memref<32x42x128xi32, #tpu.memory_space<hbm>>, %arg8: memref<32x42x128xi32, #tpu.memory_space<hbm>>, %arg9: memref<32x42x128xf32, #tpu.memory_space<hbm>>, %arg10: memref<2x4096x64xf32, #tpu.memory_space<hbm>>, %arg11: memref<2x4096x64xf32, #tpu.memory_space<hbm>>, %arg12: memref<4096x64xf32, #tpu.memory_space<vmem_shared>>, %arg13: memref<4096x64xf32, #tpu.memory_space<vmem_shared>>, %arg14: memref<42x128xi32, #tpu.memory_space<vmem>>, %arg15: memref<42x128xi32, #tpu.memory_space<vmem>>, %arg16: memref<42x128xf32, #tpu.memory_space<vmem>>, %arg17: memref<128x64xf32, #tpu.memory_space<vmem>>, %arg18: memref<128x64xf32, #tpu.memory_space<vmem>>, %arg19: memref<128x64xf32, #tpu.memory_space<vmem>>, %arg20: memref<!tpu.dma_semaphore, #tpu.memory_space<semaphore_mem>>, %arg21: memref<!tpu.dma_semaphore, #tpu.memory_space<semaphore_mem>>, %arg22: memref<!tpu.dma_semaphore, #tpu.memory_space<semaphore_mem>>, %arg23: memref<!tpu.dma_semaphore, #tpu.memory_space<semaphore_mem>>, %arg24: memref<!tpu.dma_semaphore, #tpu.memory_space<semaphore_mem>>, %arg25: memref<!tpu.dma_semaphore, #tpu.memory_space<semaphore_mem>>) attributes {dimension_semantics = [#tpu.dimension_semantics<core_parallel>, #tpu.dimension_semantics<subcore_parallel>], iteration_bounds = array<i64: 2, 16>, scalar_prefetch = 0 : i64, scratch_operands = 14 : i64, tpu.core_type = #tpu.core_type<sc_vector_subcore>, window_params = [{transform_indices = #map}, {transform_indices = #map}, {transform_indices = #map1}, {transform_indices = #map1}, {transform_indices = #map1}, {transform_indices = #map1}, {transform_indices = #map1}, {transform_indices = #map1}, {transform_indices = #map1}, {transform_indices = #map1}]} {
    %mul3A = arith.constant 2 : i32
    %mul3A_0 = arith.muli %arg1, %mul3A : i32
    %add3A = arith.addi %mul3A_0, %arg0 : i32
    %mul3A_1 = arith.constant 256 : i32
    %mul3A_2 = arith.muli %arg1, %mul3A_1 : i32
    %broadcast_in_dim3A = arith.constant 0.000000e+00 : f32
    %broadcast_in_dim3A_3 = vector.broadcast %broadcast_in_dim3A : f32 to vector<16xf32>
    %scan3A = arith.constant 0 : i32
    %scan3A_4 = arith.constant 0 : i32
    %scan3A_5 = arith.constant 128 : i32
    %scan3A_6 = arith.addi %scan3A_4, %scan3A_5 : i32
    %scan3A_7 = arith.constant 1 : i32
    %scan3A_8 = scf.for %scan3A_33 = %scan3A_4 to %scan3A_6 step %scan3A_7 iter_args(%scan3A_34 = %scan3A) -> (i32)  : i32 {
      %swap3A = arith.index_cast %scan3A_33 : i32 to index
      %swap3A_35 = arith.constant 0 : index
      %swap3A_36 = tpu.vector_load %arg19[%swap3A, %swap3A_35] {strides = array<i32>} : memref<128x64xf32, #tpu.memory_space<vmem>>, vector<1x16xf32>,
      %swap3A_37 = vector.shape_cast %swap3A_36 : vector<1x16xf32> to vector<16xf32>
      %swap3A_38 = vector.shape_cast %broadcast_in_dim3A_3 : vector<16xf32> to vector<1x16xf32>
      tpu.vector_store %arg19[%swap3A, %swap3A_35], %swap3A_38 {strides = array<i32>} : memref<128x64xf32, #tpu.memory_space<vmem>>, vector<1x16xf32>,
      %swap3A_39 = arith.index_cast %scan3A_33 : i32 to index
      %swap3A_40 = arith.constant 16 : index
      %swap3A_41 = tpu.vector_load %arg19[%swap3A_39, %swap3A_40] {strides = array<i32>} : memref<128x64xf32, #tpu.memory_space<vmem>>, vector<1x16xf32>,
      %swap3A_42 = vector.shape_cast %swap3A_41 : vector<1x16xf32> to vector<16xf32>
      %swap3A_43 = vector.shape_cast %broadcast_in_dim3A_3 : vector<16xf32> to vector<1x16xf32>
      tpu.vector_store %arg19[%swap3A_39, %swap3A_40], %swap3A_43 {strides = array<i32>} : memref<128x64xf32, #tpu.memory_space<vmem>>, vector<1x16xf32>,
      %swap3A_44 = arith.index_cast %scan3A_33 : i32 to index
      %swap3A_45 = arith.constant 32 : index
      %swap3A_46 = tpu.vector_load %arg19[%swap3A_44, %swap3A_45] {strides = array<i32>} : memref<128x64xf32, #tpu.memory_space<vmem>>, vector<1x16xf32>,
      %swap3A_47 = vector.shape_cast %swap3A_46 : vector<1x16xf32> to vector<16xf32>
      %swap3A_48 = vector.shape_cast %broadcast_in_dim3A_3 : vector<16xf32> to vector<1x16xf32>
      tpu.vector_store %arg19[%swap3A_44, %swap3A_45], %swap3A_48 {strides = array<i32>} : memref<128x64xf32, #tpu.memory_space<vmem>>, vector<1x16xf32>,
      %swap3A_49 = arith.index_cast %scan3A_33 : i32 to index
      %swap3A_50 = arith.constant 48 : index
      %swap3A_51 = tpu.vector_load %arg19[%swap3A_49, %swap3A_50] {strides = array<i32>} : memref<128x64xf32, #tpu.memory_space<vmem>>, vector<1x16xf32>,
      %swap3A_52 = vector.shape_cast %swap3A_51 : vector<1x16xf32> to vector<16xf32>
      %swap3A_53 = vector.shape_cast %broadcast_in_dim3A_3 : vector<16xf32> to vector<1x16xf32>
      tpu.vector_store %arg19[%swap3A_49, %swap3A_50], %swap3A_53 {strides = array<i32>} : memref<128x64xf32, #tpu.memory_space<vmem>>, vector<1x16xf32>,
      %scan3A_54 = arith.constant 0 : i32
      scf.yield %scan3A_54 : i32
    }
    %scan3A_9 = arith.constant 128 : i32
    %add3A_10 = arith.constant 0 : i32
    %add3A_11 = arith.addi %mul3A_2, %add3A_10 : i32
    "tpu.region"() ({
      %run_scoped3A = tpu.sem_alloc : memref<!tpu.dma_semaphore, #tpu.memory_space<semaphore_mem>>
      %dma_start3A = arith.constant 0 : i32
      %dma_start3A_33 = tpu.memref_slice %arg12[%add3A_11, %dma_start3A] : memref<4096x64xf32, #tpu.memory_space<vmem_shared>> -> memref<128x64xf32, #tpu.memory_space<vmem_shared>>
      %dma_start3A_34 = arith.constant 0 : i32
      %dma_start3A_35 = tpu.memref_slice %arg12[%add3A_11, %dma_start3A_34] : memref<4096x64xf32, #tpu.memory_space<vmem_shared>> -> memref<128x64xf32, #tpu.memory_space<vmem_shared>>
      tpu.enqueue_dma source(%arg19 : memref<128x64xf32, #tpu.memory_space<vmem>>) target(%dma_start3A_35 : memref<128x64xf32, #tpu.memory_space<vmem_shared>>) target_semaphore(%run_scoped3A : memref<!tpu.dma_semaphore, #tpu.memory_space<semaphore_mem>>)
      %dma_wait3A = arith.constant 0 : i32
      %dma_wait3A_36 = tpu.memref_slice %arg12[%add3A_11, %dma_wait3A] : memref<4096x64xf32, #tpu.memory_space<vmem_shared>> -> memref<128x64xf32, #tpu.memory_space<vmem_shared>>
      %dma_wait3A_37 = arith.constant 0 : i32
      %dma_wait3A_38 = tpu.memref_slice %arg12[%add3A_11, %dma_wait3A_37] : memref<4096x64xf32, #tpu.memory_space<vmem_shared>> -> memref<128x64xf32, #tpu.memory_space<vmem_shared>>
      tpu.wait_dma2 semaphore(%run_scoped3A : memref<!tpu.dma_semaphore, #tpu.memory_space<semaphore_mem>>) src(%arg19 : memref<128x64xf32, #tpu.memory_space<vmem>>) dst(%dma_wait3A_38 : memref<128x64xf32, #tpu.memory_space<vmem_shared>>)
      tpu.yield
    }) : () -> ()
    %add3A_12 = arith.constant 128 : i32
    %add3A_13 = arith.addi %mul3A_2, %add3A_12 : i32
    "tpu.region"() ({
      %run_scoped3A = tpu.sem_alloc : memref<!tpu.dma_semaphore, #tpu.memory_space<semaphore_mem>>
      %dma_start3A = arith.constant 0 : i32
      %dma_start3A_33 = tpu.memref_slice %arg12[%add3A_13, %dma_start3A] : memref<4096x64xf32, #tpu.memory_space<vmem_shared>> -> memref<128x64xf32, #tpu.memory_space<vmem_shared>>
      %dma_start3A_34 = arith.constant 0 : i32
      %dma_start3A_35 = tpu.memref_slice %arg12[%add3A_13, %dma_start3A_34] : memref<4096x64xf32, #tpu.memory_space<vmem_shared>> -> memref<128x64xf32, #tpu.memory_space<vmem_shared>>
      tpu.enqueue_dma source(%arg19 : memref<128x64xf32, #tpu.memory_space<vmem>>) target(%dma_start3A_35 : memref<128x64xf32, #tpu.memory_space<vmem_shared>>) target_semaphore(%run_scoped3A : memref<!tpu.dma_semaphore, #tpu.memory_space<semaphore_mem>>)
      %dma_wait3A = arith.constant 0 : i32
      %dma_wait3A_36 = tpu.memref_slice %arg12[%add3A_13, %dma_wait3A] : memref<4096x64xf32, #tpu.memory_space<vmem_shared>> -> memref<128x64xf32, #tpu.memory_space<vmem_shared>>
      %dma_wait3A_37 = arith.constant 0 : i32
      %dma_wait3A_38 = tpu.memref_slice %arg12[%add3A_13, %dma_wait3A_37] : memref<4096x64xf32, #tpu.memory_space<vmem_shared>> -> memref<128x64xf32, #tpu.memory_space<vmem_shared>>
      tpu.wait_dma2 semaphore(%run_scoped3A : memref<!tpu.dma_semaphore, #tpu.memory_space<semaphore_mem>>) src(%arg19 : memref<128x64xf32, #tpu.memory_space<vmem>>) dst(%dma_wait3A_38 : memref<128x64xf32, #tpu.memory_space<vmem_shared>>)
      tpu.yield
    }) : () -> ()
    %add3A_14 = arith.constant 0 : i32
    %add3A_15 = arith.addi %mul3A_2, %add3A_14 : i32
    "tpu.region"() ({
      %run_scoped3A = tpu.sem_alloc : memref<!tpu.dma_semaphore, #tpu.memory_space<semaphore_mem>>
      %dma_start3A = arith.constant 0 : i32
      %dma_start3A_33 = tpu.memref_slice %arg13[%add3A_15, %dma_start3A] : memref<4096x64xf32, #tpu.memory_space<vmem_shared>> -> memref<128x64xf32, #tpu.memory_space<vmem_shared>>
      %dma_start3A_34 = arith.constant 0 : i32
      %dma_start3A_35 = tpu.memref_slice %arg13[%add3A_15, %dma_start3A_34] : memref<4096x64xf32, #tpu.memory_space<vmem_shared>> -> memref<128x64xf32, #tpu.memory_space<vmem_shared>>
      tpu.enqueue_dma source(%arg19 : memref<128x64xf32, #tpu.memory_space<vmem>>) target(%dma_start3A_35 : memref<128x64xf32, #tpu.memory_space<vmem_shared>>) target_semaphore(%run_scoped3A : memref<!tpu.dma_semaphore, #tpu.memory_space<semaphore_mem>>)
      %dma_wait3A = arith.constant 0 : i32
      %dma_wait3A_36 = tpu.memref_slice %arg13[%add3A_15, %dma_wait3A] : memref<4096x64xf32, #tpu.memory_space<vmem_shared>> -> memref<128x64xf32, #tpu.memory_space<vmem_shared>>
      %dma_wait3A_37 = arith.constant 0 : i32
      %dma_wait3A_38 = tpu.memref_slice %arg13[%add3A_15, %dma_wait3A_37] : memref<4096x64xf32, #tpu.memory_space<vmem_shared>> -> memref<128x64xf32, #tpu.memory_space<vmem_shared>>
      tpu.wait_dma2 semaphore(%run_scoped3A : memref<!tpu.dma_semaphore, #tpu.memory_space<semaphore_mem>>) src(%arg19 : memref<128x64xf32, #tpu.memory_space<vmem>>) dst(%dma_wait3A_38 : memref<128x64xf32, #tpu.memory_space<vmem_shared>>)
      tpu.yield
    }) : () -> ()
    %add3A_16 = arith.constant 128 : i32
    %add3A_17 = arith.addi %mul3A_2, %add3A_16 : i32
    "tpu.region"() ({
      %run_scoped3A = tpu.sem_alloc : memref<!tpu.dma_semaphore, #tpu.memory_space<semaphore_mem>>
      %dma_start3A = arith.constant 0 : i32
      %dma_start3A_33 = tpu.memref_slice %arg13[%add3A_17, %dma_start3A] : memref<4096x64xf32, #tpu.memory_space<vmem_shared>> -> memref<128x64xf32, #tpu.memory_space<vmem_shared>>
      %dma_start3A_34 = arith.constant 0 : i32
      %dma_start3A_35 = tpu.memref_slice %arg13[%add3A_17, %dma_start3A_34] : memref<4096x64xf32, #tpu.memory_space<vmem_shared>> -> memref<128x64xf32, #tpu.memory_space<vmem_shared>>
      tpu.enqueue_dma source(%arg19 : memref<128x64xf32, #tpu.memory_space<vmem>>) target(%dma_start3A_35 : memref<128x64xf32, #tpu.memory_space<vmem_shared>>) target_semaphore(%run_scoped3A : memref<!tpu.dma_semaphore, #tpu.memory_space<semaphore_mem>>)
      %dma_wait3A = arith.constant 0 : i32
      %dma_wait3A_36 = tpu.memref_slice %arg13[%add3A_17, %dma_wait3A] : memref<4096x64xf32, #tpu.memory_space<vmem_shared>> -> memref<128x64xf32, #tpu.memory_space<vmem_shared>>
      %dma_wait3A_37 = arith.constant 0 : i32
      %dma_wait3A_38 = tpu.memref_slice %arg13[%add3A_17, %dma_wait3A_37] : memref<4096x64xf32, #tpu.memory_space<vmem_shared>> -> memref<128x64xf32, #tpu.memory_space<vmem_shared>>
      tpu.wait_dma2 semaphore(%run_scoped3A : memref<!tpu.dma_semaphore, #tpu.memory_space<semaphore_mem>>) src(%arg19 : memref<128x64xf32, #tpu.memory_space<vmem>>) dst(%dma_wait3A_38 : memref<128x64xf32, #tpu.memory_space<vmem_shared>>)
      tpu.yield
    }) : () -> ()
    %barrier3A = arith.constant 0 : index
    tpu.barrier barrier_id(%barrier3A)
    "tpu.region"() ({
      %run_scoped3A = tpu.sem_alloc : memref<!tpu.dma_semaphore, #tpu.memory_space<semaphore_mem>>
      %dma_start3A = arith.constant 0 : i32
      %dma_start3A_33 = arith.constant 0 : i32
      %dma_start3A_34 = tpu.memref_slice %arg4[%add3A, %dma_start3A, %dma_start3A_33] : memref<32x42x128xi32, #tpu.memory_space<hbm>> -> memref<1x42x128xi32, #tpu.memory_space<hbm>>
      %dma_start3A_35 = tpu.memref_squeeze %dma_start3A_34 : memref<1x42x128xi32, #tpu.memory_space<hbm>> -> memref<42x128xi32, #tpu.memory_space<hbm>>
      %dma_start3A_36 = arith.constant 0 : i32
      %dma_start3A_37 = arith.constant 0 : i32
      %dma_start3A_38 = tpu.memref_slice %arg4[%add3A, %dma_start3A_36, %dma_start3A_37] : memref<32x42x128xi32, #tpu.memory_space<hbm>> -> memref<1x42x128xi32, #tpu.memory_space<hbm>>
      %dma_start3A_39 = tpu.memref_squeeze %dma_start3A_38 : memref<1x42x128xi32, #tpu.memory_space<hbm>> -> memref<42x128xi32, #tpu.memory_space<hbm>>
      tpu.enqueue_dma source(%dma_start3A_39 : memref<42x128xi32, #tpu.memory_space<hbm>>) target(%arg14 : memref<42x128xi32, #tpu.memory_space<vmem>>) target_semaphore(%run_scoped3A : memref<!tpu.dma_semaphore, #tpu.memory_space<semaphore_mem>>)
      %dma_wait3A = arith.constant 0 : i32
      %dma_wait3A_40 = arith.constant 0 : i32
      %dma_wait3A_41 = tpu.memref_slice %arg4[%add3A, %dma_wait3A, %dma_wait3A_40] : memref<32x42x128xi32, #tpu.memory_space<hbm>> -> memref<1x42x128xi32, #tpu.memory_space<hbm>>
      %dma_wait3A_42 = tpu.memref_squeeze %dma_wait3A_41 : memref<1x42x128xi32, #tpu.memory_space<hbm>> -> memref<42x128xi32, #tpu.memory_space<hbm>>
      %dma_wait3A_43 = arith.constant 0 : i32
      %dma_wait3A_44 = arith.constant 0 : i32
      %dma_wait3A_45 = tpu.memref_slice %arg4[%add3A, %dma_wait3A_43, %dma_wait3A_44] : memref<32x42x128xi32, #tpu.memory_space<hbm>> -> memref<1x42x128xi32, #tpu.memory_space<hbm>>
      %dma_wait3A_46 = tpu.memref_squeeze %dma_wait3A_45 : memref<1x42x128xi32, #tpu.memory_space<hbm>> -> memref<42x128xi32, #tpu.memory_space<hbm>>
      tpu.wait_dma2 semaphore(%run_scoped3A : memref<!tpu.dma_semaphore, #tpu.memory_space<semaphore_mem>>) src(%dma_wait3A_46 : memref<42x128xi32, #tpu.memory_space<hbm>>) dst(%arg14 : memref<42x128xi32, #tpu.memory_space<vmem>>)
      tpu.yield
    }) : () -> ()
    "tpu.region"() ({
      %run_scoped3A = tpu.sem_alloc : memref<!tpu.dma_semaphore, #tpu.memory_space<semaphore_mem>>
      %dma_start3A = arith.constant 0 : i32
      %dma_start3A_33 = arith.constant 0 : i32
      %dma_start3A_34 = tpu.memref_slice %arg5[%add3A, %dma_start3A, %dma_start3A_33] : memref<32x42x128xi32, #tpu.memory_space<hbm>> -> memref<1x42x128xi32, #tpu.memory_space<hbm>>
      %dma_start3A_35 = tpu.memref_squeeze %dma_start3A_34 : memref<1x42x128xi32, #tpu.memory_space<hbm>> -> memref<42x128xi32, #tpu.memory_space<hbm>>
      %dma_start3A_36 = arith.constant 0 : i32
      %dma_start3A_37 = arith.constant 0 : i32
      %dma_start3A_38 = tpu.memref_slice %arg5[%add3A, %dma_start3A_36, %dma_start3A_37] : memref<32x42x128xi32, #tpu.memory_space<hbm>> -> memref<1x42x128xi32, #tpu.memory_space<hbm>>
      %dma_start3A_39 = tpu.memref_squeeze %dma_start3A_38 : memref<1x42x128xi32, #tpu.memory_space<hbm>> -> memref<42x128xi32, #tpu.memory_space<hbm>>
      tpu.enqueue_dma source(%dma_start3A_39 : memref<42x128xi32, #tpu.memory_space<hbm>>) target(%arg15 : memref<42x128xi32, #tpu.memory_space<vmem>>) target_semaphore(%run_scoped3A : memref<!tpu.dma_semaphore, #tpu.memory_space<semaphore_mem>>)
      %dma_wait3A = arith.constant 0 : i32
      %dma_wait3A_40 = arith.constant 0 : i32
      %dma_wait3A_41 = tpu.memref_slice %arg5[%add3A, %dma_wait3A, %dma_wait3A_40] : memref<32x42x128xi32, #tpu.memory_space<hbm>> -> memref<1x42x128xi32, #tpu.memory_space<hbm>>
      %dma_wait3A_42 = tpu.memref_squeeze %dma_wait3A_41 : memref<1x42x128xi32, #tpu.memory_space<hbm>> -> memref<42x128xi32, #tpu.memory_space<hbm>>
      %dma_wait3A_43 = arith.constant 0 : i32
      %dma_wait3A_44 = arith.constant 0 : i32
      %dma_wait3A_45 = tpu.memref_slice %arg5[%add3A, %dma_wait3A_43, %dma_wait3A_44] : memref<32x42x128xi32, #tpu.memory_space<hbm>> -> memref<1x42x128xi32, #tpu.memory_space<hbm>>
      %dma_wait3A_46 = tpu.memref_squeeze %dma_wait3A_45 : memref<1x42x128xi32, #tpu.memory_space<hbm>> -> memref<42x128xi32, #tpu.memory_space<hbm>>
      tpu.wait_dma2 semaphore(%run_scoped3A : memref<!tpu.dma_semaphore, #tpu.memory_space<semaphore_mem>>) src(%dma_wait3A_46 : memref<42x128xi32, #tpu.memory_space<hbm>>) dst(%arg15 : memref<42x128xi32, #tpu.memory_space<vmem>>)
      tpu.yield
    }) : () -> ()
    "tpu.region"() ({
      %run_scoped3A = tpu.sem_alloc : memref<!tpu.dma_semaphore, #tpu.memory_space<semaphore_mem>>
      %dma_start3A = arith.constant 0 : i32
      %dma_start3A_33 = arith.constant 0 : i32
      %dma_start3A_34 = tpu.memref_slice %arg6[%add3A, %dma_start3A, %dma_start3A_33] : memref<32x42x128xf32, #tpu.memory_space<hbm>> -> memref<1x42x128xf32, #tpu.memory_space<hbm>>
      %dma_start3A_35 = tpu.memref_squeeze %dma_start3A_34 : memref<1x42x128xf32, #tpu.memory_space<hbm>> -> memref<42x128xf32, #tpu.memory_space<hbm>>
      %dma_start3A_36 = arith.constant 0 : i32
      %dma_start3A_37 = arith.constant 0 : i32
      %dma_start3A_38 = tpu.memref_slice %arg6[%add3A, %dma_start3A_36, %dma_start3A_37] : memref<32x42x128xf32, #tpu.memory_space<hbm>> -> memref<1x42x128xf32, #tpu.memory_space<hbm>>
      %dma_start3A_39 = tpu.memref_squeeze %dma_start3A_38 : memref<1x42x128xf32, #tpu.memory_space<hbm>> -> memref<42x128xf32, #tpu.memory_space<hbm>>
      tpu.enqueue_dma source(%dma_start3A_39 : memref<42x128xf32, #tpu.memory_space<hbm>>) target(%arg16 : memref<42x128xf32, #tpu.memory_space<vmem>>) target_semaphore(%run_scoped3A : memref<!tpu.dma_semaphore, #tpu.memory_space<semaphore_mem>>)
      %dma_wait3A = arith.constant 0 : i32
      %dma_wait3A_40 = arith.constant 0 : i32
      %dma_wait3A_41 = tpu.memref_slice %arg6[%add3A, %dma_wait3A, %dma_wait3A_40] : memref<32x42x128xf32, #tpu.memory_space<hbm>> -> memref<1x42x128xf32, #tpu.memory_space<hbm>>
      %dma_wait3A_42 = tpu.memref_squeeze %dma_wait3A_41 : memref<1x42x128xf32, #tpu.memory_space<hbm>> -> memref<42x128xf32, #tpu.memory_space<hbm>>
      %dma_wait3A_43 = arith.constant 0 : i32
      %dma_wait3A_44 = arith.constant 0 : i32
      %dma_wait3A_45 = tpu.memref_slice %arg6[%add3A, %dma_wait3A_43, %dma_wait3A_44] : memref<32x42x128xf32, #tpu.memory_space<hbm>> -> memref<1x42x128xf32, #tpu.memory_space<hbm>>
      %dma_wait3A_46 = tpu.memref_squeeze %dma_wait3A_45 : memref<1x42x128xf32, #tpu.memory_space<hbm>> -> memref<42x128xf32, #tpu.memory_space<hbm>>
      tpu.wait_dma2 semaphore(%run_scoped3A : memref<!tpu.dma_semaphore, #tpu.memory_space<semaphore_mem>>) src(%dma_wait3A_46 : memref<42x128xf32, #tpu.memory_space<hbm>>) dst(%arg16 : memref<42x128xf32, #tpu.memory_space<vmem>>)
      tpu.yield
    }) : () -> ()
    %scan3A_18 = arith.constant 0 : i32
    %scan3A_19 = arith.constant 0 : i32
    %scan3A_20 = arith.constant 41 : i32
    %scan3A_21 = arith.addi %scan3A_19, %scan3A_20 : i32
    %scan3A_22 = arith.constant 1 : i32
    %scan3A_23 = scf.for %scan3A_33 = %scan3A_19 to %scan3A_21 step %scan3A_22 iter_args(%scan3A_34 = %scan3A_18) -> (i32)  : i32 {
      %dma_start3A = arith.constant 0 : i32
      %dma_start3A_35 = tpu.memref_slice %arg14[%scan3A_33, %dma_start3A] : memref<42x128xi32, #tpu.memory_space<vmem>> -> memref<1x128xi32, #tpu.memory_space<vmem>>
      %dma_start3A_36 = tpu.memref_squeeze %dma_start3A_35 : memref<1x128xi32, #tpu.memory_space<vmem>> -> memref<128xi32, #tpu.memory_space<vmem>>
      %dma_start3A_37 = arith.constant 0 : i32
      %dma_start3A_38 = arith.constant 0 : i32
      %dma_start3A_39 = tpu.memref_slice %arg2[%dma_start3A_37, %dma_start3A_38] : memref<4096x64xf32, #tpu.memory_space<hbm>> -> memref<4096x64xf32, #tpu.memory_space<hbm>>
      tpu.enqueue_indirect_dma source(%dma_start3A_39 : memref<4096x64xf32, #tpu.memory_space<hbm>>) target(%arg17 : memref<128x64xf32, #tpu.memory_space<vmem>>) offsets(%dma_start3A_36 : memref<128xi32, #tpu.memory_space<vmem>>) semaphore(%arg20 : memref<!tpu.dma_semaphore, #tpu.memory_space<semaphore_mem>>)
      %dma_wait3A = arith.constant 0 : i32
      %dma_wait3A_40 = tpu.memref_slice %arg14[%scan3A_33, %dma_wait3A] : memref<42x128xi32, #tpu.memory_space<vmem>> -> memref<1x128xi32, #tpu.memory_space<vmem>>
      %dma_wait3A_41 = tpu.memref_squeeze %dma_wait3A_40 : memref<1x128xi32, #tpu.memory_space<vmem>> -> memref<128xi32, #tpu.memory_space<vmem>>
      %dma_wait3A_42 = arith.constant 0 : i32
      %dma_wait3A_43 = arith.constant 0 : i32
      %dma_wait3A_44 = tpu.memref_slice %arg2[%dma_wait3A_42, %dma_wait3A_43] : memref<4096x64xf32, #tpu.memory_space<hbm>> -> memref<4096x64xf32, #tpu.memory_space<hbm>>
      tpu.wait_indirect_dma semaphore(%arg20 : memref<!tpu.dma_semaphore, #tpu.memory_space<semaphore_mem>>) src(%dma_wait3A_44 : memref<4096x64xf32, #tpu.memory_space<hbm>>) dst(%arg17 : memref<128x64xf32, #tpu.memory_space<vmem>>)
      %scan3A_45 = arith.constant 0 : i32
      %scan3A_46 = arith.constant 0 : i32
      %scan3A_47 = arith.constant 8 : i32
      %scan3A_48 = arith.addi %scan3A_46, %scan3A_47 : i32
      %scan3A_49 = arith.constant 1 : i32
      %scan3A_50 = scf.for %scan3A_53 = %scan3A_46 to %scan3A_48 step %scan3A_49 iter_args(%scan3A_54 = %scan3A_45) -> (i32)  : i32 {
        %mul3A_55 = arith.constant 16 : i32
        %mul3A_56 = arith.muli %mul3A_55, %scan3A_53 : i32
        %get3A = arith.index_cast %scan3A_33 : i32 to index
        %get3A_57 = arith.index_cast %mul3A_56 : i32 to index
        %get3A_58 = tpu.vector_load %arg16[%get3A, %get3A_57] {strides = array<i32>} : memref<42x128xf32, #tpu.memory_space<vmem>>, vector<1x16xf32>,
        %get3A_59 = vector.shape_cast %get3A_58 : vector<1x16xf32> to vector<16xf32>
        %mul3A_60 = arith.constant 16 : i32
        %mul3A_61 = arith.muli %mul3A_60, %scan3A_53 : i32
        %slice3A = vector.extract_strided_slice %get3A_59 {offsets = [0], sizes = [1], strides = [1]} : vector<16xf32> to vector<1xf32>
        %squeeze3A = vector.extract %slice3A[0] : f32 from vector<1xf32>
        %add3A_62 = arith.constant 0 : i32
        %add3A_63 = arith.addi %mul3A_61, %add3A_62 : i32
        %get3A_64 = arith.index_cast %add3A_63 : i32 to index
        %get3A_65 = arith.constant 0 : index
        %get3A_66 = tpu.vector_load %arg17[%get3A_64, %get3A_65] {strides = array<i32>} : memref<128x64xf32, #tpu.memory_space<vmem>>, vector<1x16xf32>,
        %get3A_67 = vector.shape_cast %get3A_66 : vector<1x16xf32> to vector<16xf32>
        %mul3A_68 = vector.broadcast %squeeze3A : f32 to vector<16xf32>
        %mul3A_69 = arith.mulf %get3A_67, %mul3A_68 : vector<16xf32>
        %add3A_70 = arith.constant 0 : i32
        %add3A_71 = arith.addi %mul3A_61, %add3A_70 : i32
        %swap3A = arith.index_cast %add3A_71 : i32 to index
        %swap3A_72 = arith.constant 0 : index
        %swap3A_73 = tpu.vector_load %arg17[%swap3A, %swap3A_72] {strides = array<i32>} : memref<128x64xf32, #tpu.memory_space<vmem>>, vector<1x16xf32>,
        %swap3A_74 = vector.shape_cast %swap3A_73 : vector<1x16xf32> to vector<16xf32>
        %swap3A_75 = vector.shape_cast %mul3A_69 : vector<16xf32> to vector<1x16xf32>
        tpu.vector_store %arg17[%swap3A, %swap3A_72], %swap3A_75 {strides = array<i32>} : memref<128x64xf32, #tpu.memory_space<vmem>>, vector<1x16xf32>,
        %add3A_76 = arith.constant 0 : i32
        %add3A_77 = arith.addi %mul3A_61, %add3A_76 : i32
        %get3A_78 = arith.index_cast %add3A_77 : i32 to index
        %get3A_79 = arith.constant 16 : index
        %get3A_80 = tpu.vector_load %arg17[%get3A_78, %get3A_79] {strides = array<i32>} : memref<128x64xf32, #tpu.memory_space<vmem>>, vector<1x16xf32>,
        %get3A_81 = vector.shape_cast %get3A_80 : vector<1x16xf32> to vector<16xf32>
        %mul3A_82 = vector.broadcast %squeeze3A : f32 to vector<16xf32>
        %mul3A_83 = arith.mulf %get3A_81, %mul3A_82 : vector<16xf32>
        %add3A_84 = arith.constant 0 : i32
        %add3A_85 = arith.addi %mul3A_61, %add3A_84 : i32
        %swap3A_86 = arith.index_cast %add3A_85 : i32 to index
        %swap3A_87 = arith.constant 16 : index
        %swap3A_88 = tpu.vector_load %arg17[%swap3A_86, %swap3A_87] {strides = array<i32>} : memref<128x64xf32, #tpu.memory_space<vmem>>, vector<1x16xf32>,
        %swap3A_89 = vector.shape_cast %swap3A_88 : vector<1x16xf32> to vector<16xf32>
        %swap3A_90 = vector.shape_cast %mul3A_83 : vector<16xf32> to vector<1x16xf32>
        tpu.vector_store %arg17[%swap3A_86, %swap3A_87], %swap3A_90 {strides = array<i32>} : memref<128x64xf32, #tpu.memory_space<vmem>>, vector<1x16xf32>,
        %add3A_91 = arith.constant 0 : i32
        %add3A_92 = arith.addi %mul3A_61, %add3A_91 : i32
        %get3A_93 = arith.index_cast %add3A_92 : i32 to index
        %get3A_94 = arith.constant 32 : index
        %get3A_95 = tpu.vector_load %arg17[%get3A_93, %get3A_94] {strides = array<i32>} : memref<128x64xf32, #tpu.memory_space<vmem>>, vector<1x16xf32>,
        %get3A_96 = vector.shape_cast %get3A_95 : vector<1x16xf32> to vector<16xf32>
        %mul3A_97 = vector.broadcast %squeeze3A : f32 to vector<16xf32>
        %mul3A_98 = arith.mulf %get3A_96, %mul3A_97 : vector<16xf32>
        %add3A_99 = arith.constant 0 : i32
        %add3A_100 = arith.addi %mul3A_61, %add3A_99 : i32
        %swap3A_101 = arith.index_cast %add3A_100 : i32 to index
        %swap3A_102 = arith.constant 32 : index
        %swap3A_103 = tpu.vector_load %arg17[%swap3A_101, %swap3A_102] {strides = array<i32>} : memref<128x64xf32, #tpu.memory_space<vmem>>, vector<1x16xf32>,
        %swap3A_104 = vector.shape_cast %swap3A_103 : vector<1x16xf32> to vector<16xf32>
        %swap3A_105 = vector.shape_cast %mul3A_98 : vector<16xf32> to vector<1x16xf32>
        tpu.vector_store %arg17[%swap3A_101, %swap3A_102], %swap3A_105 {strides = array<i32>} : memref<128x64xf32, #tpu.memory_space<vmem>>, vector<1x16xf32>,
        %add3A_106 = arith.constant 0 : i32
        %add3A_107 = arith.addi %mul3A_61, %add3A_106 : i32
        %get3A_108 = arith.index_cast %add3A_107 : i32 to index
        %get3A_109 = arith.constant 48 : index
        %get3A_110 = tpu.vector_load %arg17[%get3A_108, %get3A_109] {strides = array<i32>} : memref<128x64xf32, #tpu.memory_space<vmem>>, vector<1x16xf32>,
        %get3A_111 = vector.shape_cast %get3A_110 : vector<1x16xf32> to vector<16xf32>
        %mul3A_112 = vector.broadcast %squeeze3A : f32 to vector<16xf32>
        %mul3A_113 = arith.mulf %get3A_111, %mul3A_112 : vector<16xf32>
        %add3A_114 = arith.constant 0 : i32
        %add3A_115 = arith.addi %mul3A_61, %add3A_114 : i32
        %swap3A_116 = arith.index_cast %add3A_115 : i32 to index
        %swap3A_117 = arith.constant 48 : index
        %swap3A_118 = tpu.vector_load %arg17[%swap3A_116, %swap3A_117] {strides = array<i32>} : memref<128x64xf32, #tpu.memory_space<vmem>>, vector<1x16xf32>,
        %swap3A_119 = vector.shape_cast %swap3A_118 : vector<1x16xf32> to vector<16xf32>
        %swap3A_120 = vector.shape_cast %mul3A_113 : vector<16xf32> to vector<1x16xf32>
        tpu.vector_store %arg17[%swap3A_116, %swap3A_117], %swap3A_120 {strides = array<i32>} : memref<128x64xf32, #tpu.memory_space<vmem>>, vector<1x16xf32>,
        %slice3A_121 = vector.extract_strided_slice %get3A_59 {offsets = [1], sizes = [1], strides = [1]} : vector<16xf32> to vector<1xf32>
        %squeeze3A_122 = vector.extract %slice3A_121[0] : f32 from vector<1xf32>
        %add3A_123 = arith.constant 1 : i32
        %add3A_124 = arith.addi %mul3A_61, %add3A_123 : i32
        %get3A_125 = arith.index_cast %add3A_124 : i32 to index
        %get3A_126 = arith.constant 0 : index
        %get3A_127 = tpu.vector_load %arg17[%get3A_125, %get3A_126] {strides = array<i32>} : memref<128x64xf32, #tpu.memory_space<vmem>>, vector<1x16xf32>,
        %get3A_128 = vector.shape_cast %get3A_127 : vector<1x16xf32> to vector<16xf32>
        %mul3A_129 = vector.broadcast %squeeze3A_122 : f32 to vector<16xf32>
        %mul3A_130 = arith.mulf %get3A_128, %mul3A_129 : vector<16xf32>
        %add3A_131 = arith.constant 1 : i32
        %add3A_132 = arith.addi %mul3A_61, %add3A_131 : i32
        %swap3A_133 = arith.index_cast %add3A_132 : i32 to index
        %swap3A_134 = arith.constant 0 : index
        %swap3A_135 = tpu.vector_load %arg17[%swap3A_133, %swap3A_134] {strides = array<i32>} : memref<128x64xf32, #tpu.memory_space<vmem>>, vector<1x16xf32>,
        %swap3A_136 = vector.shape_cast %swap3A_135 : vector<1x16xf32> to vector<16xf32>
        %swap3A_137 = vector.shape_cast %mul3A_130 : vector<16xf32> to vector<1x16xf32>
        tpu.vector_store %arg17[%swap3A_133, %swap3A_134], %swap3A_137 {strides = array<i32>} : memref<128x64xf32, #tpu.memory_space<vmem>>, vector<1x16xf32>,
        %add3A_138 = arith.constant 1 : i32
        %add3A_139 = arith.addi %mul3A_61, %add3A_138 : i32
        %get3A_140 = arith.index_cast %add3A_139 : i32 to index
        %get3A_141 = arith.constant 16 : index
        %get3A_142 = tpu.vector_load %arg17[%get3A_140, %get3A_141] {strides = array<i32>} : memref<128x64xf32, #tpu.memory_space<vmem>>, vector<1x16xf32>,
        %get3A_143 = vector.shape_cast %get3A_142 : vector<1x16xf32> to vector<16xf32>
        %mul3A_144 = vector.broadcast %squeeze3A_122 : f32 to vector<16xf32>
        %mul3A_145 = arith.mulf %get3A_143, %mul3A_144 : vector<16xf32>
        %add3A_146 = arith.constant 1 : i32
        %add3A_147 = arith.addi %mul3A_61, %add3A_146 : i32
        %swap3A_148 = arith.index_cast %add3A_147 : i32 to index
        %swap3A_149 = arith.constant 16 : index
        %swap3A_150 = tpu.vector_load %arg17[%swap3A_148, %swap3A_149] {strides = array<i32>} : memref<128x64xf32, #tpu.memory_space<vmem>>, vector<1x16xf32>,
        %swap3A_151 = vector.shape_cast %swap3A_150 : vector<1x16xf32> to vector<16xf32>
        %swap3A_152 = vector.shape_cast %mul3A_145 : vector<16xf32> to vector<1x16xf32>
        tpu.vector_store %arg17[%swap3A_148, %swap3A_149], %swap3A_152 {strides = array<i32>} : memref<128x64xf32, #tpu.memory_space<vmem>>, vector<1x16xf32>,
        %add3A_153 = arith.constant 1 : i32
        %add3A_154 = arith.addi %mul3A_61, %add3A_153 : i32
        %get3A_155 = arith.index_cast %add3A_154 : i32 to index
        %get3A_156 = arith.constant 32 : index
        %get3A_157 = tpu.vector_load %arg17[%get3A_155, %get3A_156] {strides = array<i32>} : memref<128x64xf32, #tpu.memory_space<vmem>>, vector<1x16xf32>,
        %get3A_158 = vector.shape_cast %get3A_157 : vector<1x16xf32> to vector<16xf32>
        %mul3A_159 = vector.broadcast %squeeze3A_122 : f32 to vector<16xf32>
        %mul3A_160 = arith.mulf %get3A_158, %mul3A_159 : vector<16xf32>
        %add3A_161 = arith.constant 1 : i32
        %add3A_162 = arith.addi %mul3A_61, %add3A_161 : i32
        %swap3A_163 = arith.index_cast %add3A_162 : i32 to index
        %swap3A_164 = arith.constant 32 : index
        %swap3A_165 = tpu.vector_load %arg17[%swap3A_163, %swap3A_164] {strides = array<i32>} : memref<128x64xf32, #tpu.memory_space<vmem>>, vector<1x16xf32>,
        %swap3A_166 = vector.shape_cast %swap3A_165 : vector<1x16xf32> to vector<16xf32>
        %swap3A_167 = vector.shape_cast %mul3A_160 : vector<16xf32> to vector<1x16xf32>
        tpu.vector_store %arg17[%swap3A_163, %swap3A_164], %swap3A_167 {strides = array<i32>} : memref<128x64xf32, #tpu.memory_space<vmem>>, vector<1x16xf32>,
        %add3A_168 = arith.constant 1 : i32
        %add3A_169 = arith.addi %mul3A_61, %add3A_168 : i32
        %get3A_170 = arith.index_cast %add3A_169 : i32 to index
        %get3A_171 = arith.constant 48 : index
        %get3A_172 = tpu.vector_load %arg17[%get3A_170, %get3A_171] {strides = array<i32>} : memref<128x64xf32, #tpu.memory_space<vmem>>, vector<1x16xf32>,
        %get3A_173 = vector.shape_cast %get3A_172 : vector<1x16xf32> to vector<16xf32>
        %mul3A_174 = vector.broadcast %squeeze3A_122 : f32 to vector<16xf32>
        %mul3A_175 = arith.mulf %get3A_173, %mul3A_174 : vector<16xf32>
        %add3A_176 = arith.constant 1 : i32
        %add3A_177 = arith.addi %mul3A_61, %add3A_176 : i32
        %swap3A_178 = arith.index_cast %add3A_177 : i32 to index
        %swap3A_179 = arith.constant 48 : index
        %swap3A_180 = tpu.vector_load %arg17[%swap3A_178, %swap3A_179] {strides = array<i32>} : memref<128x64xf32, #tpu.memory_space<vmem>>, vector<1x16xf32>,
        %swap3A_181 = vector.shape_cast %swap3A_180 : vector<1x16xf32> to vector<16xf32>
        %swap3A_182 = vector.shape_cast %mul3A_175 : vector<16xf32> to vector<1x16xf32>
        tpu.vector_store %arg17[%swap3A_178, %swap3A_179], %swap3A_182 {strides = array<i32>} : memref<128x64xf32, #tpu.memory_space<vmem>>, vector<1x16xf32>,
        %slice3A_183 = vector.extract_strided_slice %get3A_59 {offsets = [2], sizes = [1], strides = [1]} : vector<16xf32> to vector<1xf32>
        %squeeze3A_184 = vector.extract %slice3A_183[0] : f32 from vector<1xf32>
        %add3A_185 = arith.constant 2 : i32
        %add3A_186 = arith.addi %mul3A_61, %add3A_185 : i32
        %get3A_187 = arith.index_cast %add3A_186 : i32 to index
        %get3A_188 = arith.constant 0 : index
        %get3A_189 = tpu.vector_load %arg17[%get3A_187, %get3A_188] {strides = array<i32>} : memref<128x64xf32, #tpu.memory_space<vmem>>, vector<1x16xf32>,
        %get3A_190 = vector.shape_cast %get3A_189 : vector<1x16xf32> to vector<16xf32>
        %mul3A_191 = vector.broadcast %squeeze3A_184 : f32 to vector<16xf32>
        %mul3A_192 = arith.mulf %get3A_190, %mul3A_191 : vector<16xf32>
        %add3A_193 = arith.constant 2 : i32
        %add3A_194 = arith.addi %mul3A_61, %add3A_193 : i32
        %swap3A_195 = arith.index_cast %add3A_194 : i32 to index
        %swap3A_196 = arith.constant 0 : index
        %swap3A_197 = tpu.vector_load %arg17[%swap3A_195, %swap3A_196] {strides = array<i32>} : memref<128x64xf32, #tpu.memory_space<vmem>>, vector<1x16xf32>,
        %swap3A_198 = vector.shape_cast %swap3A_197 : vector<1x16xf32> to vector<16xf32>
        %swap3A_199 = vector.shape_cast %mul3A_192 : vector<16xf32> to vector<1x16xf32>
        tpu.vector_store %arg17[%swap3A_195, %swap3A_196], %swap3A_199 {strides = array<i32>} : memref<128x64xf32, #tpu.memory_space<vmem>>, vector<1x16xf32>,
        %add3A_200 = arith.constant 2 : i32
        %add3A_201 = arith.addi %mul3A_61, %add3A_200 : i32
        %get3A_202 = arith.index_cast %add3A_201 : i32 to index
        %get3A_203 = arith.constant 16 : index
        %get3A_204 = tpu.vector_load %arg17[%get3A_202, %get3A_203] {strides = array<i32>} : memref<128x64xf32, #tpu.memory_space<vmem>>, vector<1x16xf32>,
        %get3A_205 = vector.shape_cast %get3A_204 : vector<1x16xf32> to vector<16xf32>
        %mul3A_206 = vector.broadcast %squeeze3A_184 : f32 to vector<16xf32>
        %mul3A_207 = arith.mulf %get3A_205, %mul3A_206 : vector<16xf32>
        %add3A_208 = arith.constant 2 : i32
        %add3A_209 = arith.addi %mul3A_61, %add3A_208 : i32
        %swap3A_210 = arith.index_cast %add3A_209 : i32 to index
        %swap3A_211 = arith.constant 16 : index
        %swap3A_212 = tpu.vector_load %arg17[%swap3A_210, %swap3A_211] {strides = array<i32>} : memref<128x64xf32, #tpu.memory_space<vmem>>, vector<1x16xf32>,
        %swap3A_213 = vector.shape_cast %swap3A_212 : vector<1x16xf32> to vector<16xf32>
        %swap3A_214 = vector.shape_cast %mul3A_207 : vector<16xf32> to vector<1x16xf32>
        tpu.vector_store %arg17[%swap3A_210, %swap3A_211], %swap3A_214 {strides = array<i32>} : memref<128x64xf32, #tpu.memory_space<vmem>>, vector<1x16xf32>,
        %add3A_215 = arith.constant 2 : i32
        %add3A_216 = arith.addi %mul3A_61, %add3A_215 : i32
        %get3A_217 = arith.index_cast %add3A_216 : i32 to index
        %get3A_218 = arith.constant 32 : index
        %get3A_219 = tpu.vector_load %arg17[%get3A_217, %get3A_218] {strides = array<i32>} : memref<128x64xf32, #tpu.memory_space<vmem>>, vector<1x16xf32>,
        %get3A_220 = vector.shape_cast %get3A_219 : vector<1x16xf32> to vector<16xf32>
        %mul3A_221 = vector.broadcast %squeeze3A_184 : f32 to vector<16xf32>
        %mul3A_222 = arith.mulf %get3A_220, %mul3A_221 : vector<16xf32>
        %add3A_223 = arith.constant 2 : i32
        %add3A_224 = arith.addi %mul3A_61, %add3A_223 : i32
        %swap3A_225 = arith.index_cast %add3A_224 : i32 to index
        %swap3A_226 = arith.constant 32 : index
        %swap3A_227 = tpu.vector_load %arg17[%swap3A_225, %swap3A_226] {strides = array<i32>} : memref<128x64xf32, #tpu.memory_space<vmem>>, vector<1x16xf32>,
        %swap3A_228 = vector.shape_cast %swap3A_227 : vector<1x16xf32> to vector<16xf32>
        %swap3A_229 = vector.shape_cast %mul3A_222 : vector<16xf32> to vector<1x16xf32>
        tpu.vector_store %arg17[%swap3A_225, %swap3A_226], %swap3A_229 {strides = array<i32>} : memref<128x64xf32, #tpu.memory_space<vmem>>, vector<1x16xf32>,
        %add3A_230 = arith.constant 2 : i32
        %add3A_231 = arith.addi %mul3A_61, %add3A_230 : i32
        %get3A_232 = arith.index_cast %add3A_231 : i32 to index
        %get3A_233 = arith.constant 48 : index
        %get3A_234 = tpu.vector_load %arg17[%get3A_232, %get3A_233] {strides = array<i32>} : memref<128x64xf32, #tpu.memory_space<vmem>>, vector<1x16xf32>,
        %get3A_235 = vector.shape_cast %get3A_234 : vector<1x16xf32> to vector<16xf32>
        %mul3A_236 = vector.broadcast %squeeze3A_184 : f32 to vector<16xf32>
        %mul3A_237 = arith.mulf %get3A_235, %mul3A_236 : vector<16xf32>
        %add3A_238 = arith.constant 2 : i32
        %add3A_239 = arith.addi %mul3A_61, %add3A_238 : i32
        %swap3A_240 = arith.index_cast %add3A_239 : i32 to index
        %swap3A_241 = arith.constant 48 : index
        %swap3A_242 = tpu.vector_load %arg17[%swap3A_240, %swap3A_241] {strides = array<i32>} : memref<128x64xf32, #tpu.memory_space<vmem>>, vector<1x16xf32>,
        %swap3A_243 = vector.shape_cast %swap3A_242 : vector<1x16xf32> to vector<16xf32>
        %swap3A_244 = vector.shape_cast %mul3A_237 : vector<16xf32> to vector<1x16xf32>
        tpu.vector_store %arg17[%swap3A_240, %swap3A_241], %swap3A_244 {strides = array<i32>} : memref<128x64xf32, #tpu.memory_space<vmem>>, vector<1x16xf32>,
        %slice3A_245 = vector.extract_strided_slice %get3A_59 {offsets = [3], sizes = [1], strides = [1]} : vector<16xf32> to vector<1xf32>
        %squeeze3A_246 = vector.extract %slice3A_245[0] : f32 from vector<1xf32>
        %add3A_247 = arith.constant 3 : i32
        %add3A_248 = arith.addi %mul3A_61, %add3A_247 : i32
        %get3A_249 = arith.index_cast %add3A_248 : i32 to index
        %get3A_250 = arith.constant 0 : index
        %get3A_251 = tpu.vector_load %arg17[%get3A_249, %get3A_250] {strides = array<i32>} : memref<128x64xf32, #tpu.memory_space<vmem>>, vector<1x16xf32>,
        %get3A_252 = vector.shape_cast %get3A_251 : vector<1x16xf32> to vector<16xf32>
        %mul3A_253 = vector.broadcast %squeeze3A_246 : f32 to vector<16xf32>
        %mul3A_254 = arith.mulf %get3A_252, %mul3A_253 : vector<16xf32>
        %add3A_255 = arith.constant 3 : i32
        %add3A_256 = arith.addi %mul3A_61, %add3A_255 : i32
        %swap3A_257 = arith.index_cast %add3A_256 : i32 to index
        %swap3A_258 = arith.constant 0 : index
        %swap3A_259 = tpu.vector_load %arg17[%swap3A_257, %swap3A_258] {strides = array<i32>} : memref<128x64xf32, #tpu.memory_space<vmem>>, vector<1x16xf32>,
        %swap3A_260 = vector.shape_cast %swap3A_259 : vector<1x16xf32> to vector<16xf32>
        %swap3A_261 = vector.shape_cast %mul3A_254 : vector<16xf32> to vector<1x16xf32>
        tpu.vector_store %arg17[%swap3A_257, %swap3A_258], %swap3A_261 {strides = array<i32>} : memref<128x64xf32, #tpu.memory_space<vmem>>, vector<1x16xf32>,
        %add3A_262 = arith.constant 3 : i32
        %add3A_263 = arith.addi %mul3A_61, %add3A_262 : i32
        %get3A_264 = arith.index_cast %add3A_263 : i32 to index
        %get3A_265 = arith.constant 16 : index
        %get3A_266 = tpu.vector_load %arg17[%get3A_264, %get3A_265] {strides = array<i32>} : memref<128x64xf32, #tpu.memory_space<vmem>>, vector<1x16xf32>,
        %get3A_267 = vector.shape_cast %get3A_266 : vector<1x16xf32> to vector<16xf32>
        %mul3A_268 = vector.broadcast %squeeze3A_246 : f32 to vector<16xf32>
        %mul3A_269 = arith.mulf %get3A_267, %mul3A_268 : vector<16xf32>
        %add3A_270 = arith.constant 3 : i32
        %add3A_271 = arith.addi %mul3A_61, %add3A_270 : i32
        %swap3A_272 = arith.index_cast %add3A_271 : i32 to index
        %swap3A_273 = arith.constant 16 : index
        %swap3A_274 = tpu.vector_load %arg17[%swap3A_272, %swap3A_273] {strides = array<i32>} : memref<128x64xf32, #tpu.memory_space<vmem>>, vector<1x16xf32>,
        %swap3A_275 = vector.shape_cast %swap3A_274 : vector<1x16xf32> to vector<16xf32>
        %swap3A_276 = vector.shape_cast %mul3A_269 : vector<16xf32> to vector<1x16xf32>
        tpu.vector_store %arg17[%swap3A_272, %swap3A_273], %swap3A_276 {strides = array<i32>} : memref<128x64xf32, #tpu.memory_space<vmem>>, vector<1x16xf32>,
        %add3A_277 = arith.constant 3 : i32
        %add3A_278 = arith.addi %mul3A_61, %add3A_277 : i32
        %get3A_279 = arith.index_cast %add3A_278 : i32 to index
        %get3A_280 = arith.constant 32 : index
        %get3A_281 = tpu.vector_load %arg17[%get3A_279, %get3A_280] {strides = array<i32>} : memref<128x64xf32, #tpu.memory_space<vmem>>, vector<1x16xf32>,
        %get3A_282 = vector.shape_cast %get3A_281 : vector<1x16xf32> to vector<16xf32>
        %mul3A_283 = vector.broadcast %squeeze3A_246 : f32 to vector<16xf32>
        %mul3A_284 = arith.mulf %get3A_282, %mul3A_283 : vector<16xf32>
        %add3A_285 = arith.constant 3 : i32
        %add3A_286 = arith.addi %mul3A_61, %add3A_285 : i32
        %swap3A_287 = arith.index_cast %add3A_286 : i32 to index
        %swap3A_288 = arith.constant 32 : index
        %swap3A_289 = tpu.vector_load %arg17[%swap3A_287, %swap3A_288] {strides = array<i32>} : memref<128x64xf32, #tpu.memory_space<vmem>>, vector<1x16xf32>,
        %swap3A_290 = vector.shape_cast %swap3A_289 : vector<1x16xf32> to vector<16xf32>
        %swap3A_291 = vector.shape_cast %mul3A_284 : vector<16xf32> to vector<1x16xf32>
        tpu.vector_store %arg17[%swap3A_287, %swap3A_288], %swap3A_291 {strides = array<i32>} : memref<128x64xf32, #tpu.memory_space<vmem>>, vector<1x16xf32>,
        %add3A_292 = arith.constant 3 : i32
        %add3A_293 = arith.addi %mul3A_61, %add3A_292 : i32
        %get3A_294 = arith.index_cast %add3A_293 : i32 to index
        %get3A_295 = arith.constant 48 : index
        %get3A_296 = tpu.vector_load %arg17[%get3A_294, %get3A_295] {strides = array<i32>} : memref<128x64xf32, #tpu.memory_space<vmem>>, vector<1x16xf32>,
        %get3A_297 = vector.shape_cast %get3A_296 : vector<1x16xf32> to vector<16xf32>
        %mul3A_298 = vector.broadcast %squeeze3A_246 : f32 to vector<16xf32>
        %mul3A_299 = arith.mulf %get3A_297, %mul3A_298 : vector<16xf32>
        %add3A_300 = arith.constant 3 : i32
        %add3A_301 = arith.addi %mul3A_61, %add3A_300 : i32
        %swap3A_302 = arith.index_cast %add3A_301 : i32 to index
        %swap3A_303 = arith.constant 48 : index
        %swap3A_304 = tpu.vector_load %arg17[%swap3A_302, %swap3A_303] {strides = array<i32>} : memref<128x64xf32, #tpu.memory_space<vmem>>, vector<1x16xf32>,
        %swap3A_305 = vector.shape_cast %swap3A_304 : vector<1x16xf32> to vector<16xf32>
        %swap3A_306 = vector.shape_cast %mul3A_299 : vector<16xf32> to vector<1x16xf32>
        tpu.vector_store %arg17[%swap3A_302, %swap3A_303], %swap3A_306 {strides = array<i32>} : memref<128x64xf32, #tpu.memory_space<vmem>>, vector<1x16xf32>,
        %slice3A_307 = vector.extract_strided_slice %get3A_59 {offsets = [4], sizes = [1], strides = [1]} : vector<16xf32> to vector<1xf32>
        %squeeze3A_308 = vector.extract %slice3A_307[0] : f32 from vector<1xf32>
        %add3A_309 = arith.constant 4 : i32
        %add3A_310 = arith.addi %mul3A_61, %add3A_309 : i32
        %get3A_311 = arith.index_cast %add3A_310 : i32 to index
        %get3A_312 = arith.constant 0 : index
        %get3A_313 = tpu.vector_load %arg17[%get3A_311, %get3A_312] {strides = array<i32>} : memref<128x64xf32, #tpu.memory_space<vmem>>, vector<1x16xf32>,
        %get3A_314 = vector.shape_cast %get3A_313 : vector<1x16xf32> to vector<16xf32>
        %mul3A_315 = vector.broadcast %squeeze3A_308 : f32 to vector<16xf32>
        %mul3A_316 = arith.mulf %get3A_314, %mul3A_315 : vector<16xf32>
        %add3A_317 = arith.constant 4 : i32
        %add3A_318 = arith.addi %mul3A_61, %add3A_317 : i32
        %swap3A_319 = arith.index_cast %add3A_318 : i32 to index
        %swap3A_320 = arith.constant 0 : index
        %swap3A_321 = tpu.vector_load %arg17[%swap3A_319, %swap3A_320] {strides = array<i32>} : memref<128x64xf32, #tpu.memory_space<vmem>>, vector<1x16xf32>,
        %swap3A_322 = vector.shape_cast %swap3A_321 : vector<1x16xf32> to vector<16xf32>
        %swap3A_323 = vector.shape_cast %mul3A_316 : vector<16xf32> to vector<1x16xf32>
        tpu.vector_store %arg17[%swap3A_319, %swap3A_320], %swap3A_323 {strides = array<i32>} : memref<128x64xf32, #tpu.memory_space<vmem>>, vector<1x16xf32>,
        %add3A_324 = arith.constant 4 : i32
        %add3A_325 = arith.addi %mul3A_61, %add3A_324 : i32
        %get3A_326 = arith.index_cast %add3A_325 : i32 to index
        %get3A_327 = arith.constant 16 : index
        %get3A_328 = tpu.vector_load %arg17[%get3A_326, %get3A_327] {strides = array<i32>} : memref<128x64xf32, #tpu.memory_space<vmem>>, vector<1x16xf32>,
        %get3A_329 = vector.shape_cast %get3A_328 : vector<1x16xf32> to vector<16xf32>
        %mul3A_330 = vector.broadcast %squeeze3A_308 : f32 to vector<16xf32>
        %mul3A_331 = arith.mulf %get3A_329, %mul3A_330 : vector<16xf32>
        %add3A_332 = arith.constant 4 : i32
        %add3A_333 = arith.addi %mul3A_61, %add3A_332 : i32
        %swap3A_334 = arith.index_cast %add3A_333 : i32 to index
        %swap3A_335 = arith.constant 16 : index
        %swap3A_336 = tpu.vector_load %arg17[%swap3A_334, %swap3A_335] {strides = array<i32>} : memref<128x64xf32, #tpu.memory_space<vmem>>, vector<1x16xf32>,
        %swap3A_337 = vector.shape_cast %swap3A_336 : vector<1x16xf32> to vector<16xf32>
        %swap3A_338 = vector.shape_cast %mul3A_331 : vector<16xf32> to vector<1x16xf32>
        tpu.vector_store %arg17[%swap3A_334, %swap3A_335], %swap3A_338 {strides = array<i32>} : memref<128x64xf32, #tpu.memory_space<vmem>>, vector<1x16xf32>,
        %add3A_339 = arith.constant 4 : i32
        %add3A_340 = arith.addi %mul3A_61, %add3A_339 : i32
        %get3A_341 = arith.index_cast %add3A_340 : i32 to index
        %get3A_342 = arith.constant 32 : index
        %get3A_343 = tpu.vector_load %arg17[%get3A_341, %get3A_342] {strides = array<i32>} : memref<128x64xf32, #tpu.memory_space<vmem>>, vector<1x16xf32>,
        %get3A_344 = vector.shape_cast %get3A_343 : vector<1x16xf32> to vector<16xf32>
        %mul3A_345 = vector.broadcast %squeeze3A_308 : f32 to vector<16xf32>
        %mul3A_346 = arith.mulf %get3A_344, %mul3A_345 : vector<16xf32>
        %add3A_347 = arith.constant 4 : i32
        %add3A_348 = arith.addi %mul3A_61, %add3A_347 : i32
        %swap3A_349 = arith.index_cast %add3A_348 : i32 to index
        %swap3A_350 = arith.constant 32 : index
        %swap3A_351 = tpu.vector_load %arg17[%swap3A_349, %swap3A_350] {strides = array<i32>} : memref<128x64xf32, #tpu.memory_space<vmem>>, vector<1x16xf32>,
        %swap3A_352 = vector.shape_cast %swap3A_351 : vector<1x16xf32> to vector<16xf32>
        %swap3A_353 = vector.shape_cast %mul3A_346 : vector<16xf32> to vector<1x16xf32>
        tpu.vector_store %arg17[%swap3A_349, %swap3A_350], %swap3A_353 {strides = array<i32>} : memref<128x64xf32, #tpu.memory_space<vmem>>, vector<1x16xf32>,
        %add3A_354 = arith.constant 4 : i32
        %add3A_355 = arith.addi %mul3A_61, %add3A_354 : i32
        %get3A_356 = arith.index_cast %add3A_355 : i32 to index
        %get3A_357 = arith.constant 48 : index
        %get3A_358 = tpu.vector_load %arg17[%get3A_356, %get3A_357] {strides = array<i32>} : memref<128x64xf32, #tpu.memory_space<vmem>>, vector<1x16xf32>,
        %get3A_359 = vector.shape_cast %get3A_358 : vector<1x16xf32> to vector<16xf32>
        %mul3A_360 = vector.broadcast %squeeze3A_308 : f32 to vector<16xf32>
        %mul3A_361 = arith.mulf %get3A_359, %mul3A_360 : vector<16xf32>
        %add3A_362 = arith.constant 4 : i32
        %add3A_363 = arith.addi %mul3A_61, %add3A_362 : i32
        %swap3A_364 = arith.index_cast %add3A_363 : i32 to index
        %swap3A_365 = arith.constant 48 : index
        %swap3A_366 = tpu.vector_load %arg17[%swap3A_364, %swap3A_365] {strides = array<i32>} : memref<128x64xf32, #tpu.memory_space<vmem>>, vector<1x16xf32>,
        %swap3A_367 = vector.shape_cast %swap3A_366 : vector<1x16xf32> to vector<16xf32>
        %swap3A_368 = vector.shape_cast %mul3A_361 : vector<16xf32> to vector<1x16xf32>
        tpu.vector_store %arg17[%swap3A_364, %swap3A_365], %swap3A_368 {strides = array<i32>} : memref<128x64xf32, #tpu.memory_space<vmem>>, vector<1x16xf32>,
        %slice3A_369 = vector.extract_strided_slice %get3A_59 {offsets = [5], sizes = [1], strides = [1]} : vector<16xf32> to vector<1xf32>
        %squeeze3A_370 = vector.extract %slice3A_369[0] : f32 from vector<1xf32>
        %add3A_371 = arith.constant 5 : i32
        %add3A_372 = arith.addi %mul3A_61, %add3A_371 : i32
        %get3A_373 = arith.index_cast %add3A_372 : i32 to index
        %get3A_374 = arith.constant 0 : index
        %get3A_375 = tpu.vector_load %arg17[%get3A_373, %get3A_374] {strides = array<i32>} : memref<128x64xf32, #tpu.memory_space<vmem>>, vector<1x16xf32>,
        %get3A_376 = vector.shape_cast %get3A_375 : vector<1x16xf32> to vector<16xf32>
        %mul3A_377 = vector.broadcast %squeeze3A_370 : f32 to vector<16xf32>
        %mul3A_378 = arith.mulf %get3A_376, %mul3A_377 : vector<16xf32>
        %add3A_379 = arith.constant 5 : i32
        %add3A_380 = arith.addi %mul3A_61, %add3A_379 : i32
        %swap3A_381 = arith.index_cast %add3A_380 : i32 to index
        %swap3A_382 = arith.constant 0 : index
        %swap3A_383 = tpu.vector_load %arg17[%swap3A_381, %swap3A_382] {strides = array<i32>} : memref<128x64xf32, #tpu.memory_space<vmem>>, vector<1x16xf32>,
        %swap3A_384 = vector.shape_cast %swap3A_383 : vector<1x16xf32> to vector<16xf32>
        %swap3A_385 = vector.shape_cast %mul3A_378 : vector<16xf32> to vector<1x16xf32>
        tpu.vector_store %arg17[%swap3A_381, %swap3A_382], %swap3A_385 {strides = array<i32>} : memref<128x64xf32, #tpu.memory_space<vmem>>, vector<1x16xf32>,
        %add3A_386 = arith.constant 5 : i32
        %add3A_387 = arith.addi %mul3A_61, %add3A_386 : i32
        %get3A_388 = arith.index_cast %add3A_387 : i32 to index
        %get3A_389 = arith.constant 16 : index
        %get3A_390 = tpu.vector_load %arg17[%get3A_388, %get3A_389] {strides = array<i32>} : memref<128x64xf32, #tpu.memory_space<vmem>>, vector<1x16xf32>,
        %get3A_391 = vector.shape_cast %get3A_390 : vector<1x16xf32> to vector<16xf32>
        %mul3A_392 = vector.broadcast %squeeze3A_370 : f32 to vector<16xf32>
        %mul3A_393 = arith.mulf %get3A_391, %mul3A_392 : vector<16xf32>
        %add3A_394 = arith.constant 5 : i32
        %add3A_395 = arith.addi %mul3A_61, %add3A_394 : i32
        %swap3A_396 = arith.index_cast %add3A_395 : i32 to index
        %swap3A_397 = arith.constant 16 : index
        %swap3A_398 = tpu.vector_load %arg17[%swap3A_396, %swap3A_397] {strides = array<i32>} : memref<128x64xf32, #tpu.memory_space<vmem>>, vector<1x16xf32>,
        %swap3A_399 = vector.shape_cast %swap3A_398 : vector<1x16xf32> to vector<16xf32>
        %swap3A_400 = vector.shape_cast %mul3A_393 : vector<16xf32> to vector<1x16xf32>
        tpu.vector_store %arg17[%swap3A_396, %swap3A_397], %swap3A_400 {strides = array<i32>} : memref<128x64xf32, #tpu.memory_space<vmem>>, vector<1x16xf32>,
        %add3A_401 = arith.constant 5 : i32
        %add3A_402 = arith.addi %mul3A_61, %add3A_401 : i32
        %get3A_403 = arith.index_cast %add3A_402 : i32 to index
        %get3A_404 = arith.constant 32 : index
        %get3A_405 = tpu.vector_load %arg17[%get3A_403, %get3A_404] {strides = array<i32>} : memref<128x64xf32, #tpu.memory_space<vmem>>, vector<1x16xf32>,
        %get3A_406 = vector.shape_cast %get3A_405 : vector<1x16xf32> to vector<16xf32>
        %mul3A_407 = vector.broadcast %squeeze3A_370 : f32 to vector<16xf32>
        %mul3A_408 = arith.mulf %get3A_406, %mul3A_407 : vector<16xf32>
        %add3A_409 = arith.constant 5 : i32
        %add3A_410 = arith.addi %mul3A_61, %add3A_409 : i32
        %swap3A_411 = arith.index_cast %add3A_410 : i32 to index
        %swap3A_412 = arith.constant 32 : index
        %swap3A_413 = tpu.vector_load %arg17[%swap3A_411, %swap3A_412] {strides = array<i32>} : memref<128x64xf32, #tpu.memory_space<vmem>>, vector<1x16xf32>,
        %swap3A_414 = vector.shape_cast %swap3A_413 : vector<1x16xf32> to vector<16xf32>
        %swap3A_415 = vector.shape_cast %mul3A_408 : vector<16xf32> to vector<1x16xf32>
        tpu.vector_store %arg17[%swap3A_411, %swap3A_412], %swap3A_415 {strides = array<i32>} : memref<128x64xf32, #tpu.memory_space<vmem>>, vector<1x16xf32>,
        %add3A_416 = arith.constant 5 : i32
        %add3A_417 = arith.addi %mul3A_61, %add3A_416 : i32
        %get3A_418 = arith.index_cast %add3A_417 : i32 to index
        %get3A_419 = arith.constant 48 : index
        %get3A_420 = tpu.vector_load %arg17[%get3A_418, %get3A_419] {strides = array<i32>} : memref<128x64xf32, #tpu.memory_space<vmem>>, vector<1x16xf32>,
        %get3A_421 = vector.shape_cast %get3A_420 : vector<1x16xf32> to vector<16xf32>
        %mul3A_422 = vector.broadcast %squeeze3A_370 : f32 to vector<16xf32>
        %mul3A_423 = arith.mulf %get3A_421, %mul3A_422 : vector<16xf32>
        %add3A_424 = arith.constant 5 : i32
        %add3A_425 = arith.addi %mul3A_61, %add3A_424 : i32
        %swap3A_426 = arith.index_cast %add3A_425 : i32 to index
        %swap3A_427 = arith.constant 48 : index
        %swap3A_428 = tpu.vector_load %arg17[%swap3A_426, %swap3A_427] {strides = array<i32>} : memref<128x64xf32, #tpu.memory_space<vmem>>, vector<1x16xf32>,
        %swap3A_429 = vector.shape_cast %swap3A_428 : vector<1x16xf32> to vector<16xf32>
        %swap3A_430 = vector.shape_cast %mul3A_423 : vector<16xf32> to vector<1x16xf32>
        tpu.vector_store %arg17[%swap3A_426, %swap3A_427], %swap3A_430 {strides = array<i32>} : memref<128x64xf32, #tpu.memory_space<vmem>>, vector<1x16xf32>,
        %slice3A_431 = vector.extract_strided_slice %get3A_59 {offsets = [6], sizes = [1], strides = [1]} : vector<16xf32> to vector<1xf32>
        %squeeze3A_432 = vector.extract %slice3A_431[0] : f32 from vector<1xf32>
        %add3A_433 = arith.constant 6 : i32
        %add3A_434 = arith.addi %mul3A_61, %add3A_433 : i32
        %get3A_435 = arith.index_cast %add3A_434 : i32 to index
        %get3A_436 = arith.constant 0 : index
        %get3A_437 = tpu.vector_load %arg17[%get3A_435, %get3A_436] {strides = array<i32>} : memref<128x64xf32, #tpu.memory_space<vmem>>, vector<1x16xf32>,
        %get3A_438 = vector.shape_cast %get3A_437 : vector<1x16xf32> to vector<16xf32>
        %mul3A_439 = vector.broadcast %squeeze3A_432 : f32 to vector<16xf32>
        %mul3A_440 = arith.mulf %get3A_438, %mul3A_439 : vector<16xf32>
        %add3A_441 = arith.constant 6 : i32
        %add3A_442 = arith.addi %mul3A_61, %add3A_441 : i32
        %swap3A_443 = arith.index_cast %add3A_442 : i32 to index
        %swap3A_444 = arith.constant 0 : index
        %swap3A_445 = tpu.vector_load %arg17[%swap3A_443, %swap3A_444] {strides = array<i32>} : memref<128x64xf32, #tpu.memory_space<vmem>>, vector<1x16xf32>,
        %swap3A_446 = vector.shape_cast %swap3A_445 : vector<1x16xf32> to vector<16xf32>
        %swap3A_447 = vector.shape_cast %mul3A_440 : vector<16xf32> to vector<1x16xf32>
        tpu.vector_store %arg17[%swap3A_443, %swap3A_444], %swap3A_447 {strides = array<i32>} : memref<128x64xf32, #tpu.memory_space<vmem>>, vector<1x16xf32>,
        %add3A_448 = arith.constant 6 : i32
        %add3A_449 = arith.addi %mul3A_61, %add3A_448 : i32
        %get3A_450 = arith.index_cast %add3A_449 : i32 to index
        %get3A_451 = arith.constant 16 : index
        %get3A_452 = tpu.vector_load %arg17[%get3A_450, %get3A_451] {strides = array<i32>} : memref<128x64xf32, #tpu.memory_space<vmem>>, vector<1x16xf32>,
        %get3A_453 = vector.shape_cast %get3A_452 : vector<1x16xf32> to vector<16xf32>
        %mul3A_454 = vector.broadcast %squeeze3A_432 : f32 to vector<16xf32>
        %mul3A_455 = arith.mulf %get3A_453, %mul3A_454 : vector<16xf32>
        %add3A_456 = arith.constant 6 : i32
        %add3A_457 = arith.addi %mul3A_61, %add3A_456 : i32
        %swap3A_458 = arith.index_cast %add3A_457 : i32 to index
        %swap3A_459 = arith.constant 16 : index
        %swap3A_460 = tpu.vector_load %arg17[%swap3A_458, %swap3A_459] {strides = array<i32>} : memref<128x64xf32, #tpu.memory_space<vmem>>, vector<1x16xf32>,
        %swap3A_461 = vector.shape_cast %swap3A_460 : vector<1x16xf32> to vector<16xf32>
        %swap3A_462 = vector.shape_cast %mul3A_455 : vector<16xf32> to vector<1x16xf32>
        tpu.vector_store %arg17[%swap3A_458, %swap3A_459], %swap3A_462 {strides = array<i32>} : memref<128x64xf32, #tpu.memory_space<vmem>>, vector<1x16xf32>,
        %add3A_463 = arith.constant 6 : i32
        %add3A_464 = arith.addi %mul3A_61, %add3A_463 : i32
        %get3A_465 = arith.index_cast %add3A_464 : i32 to index
        %get3A_466 = arith.constant 32 : index
        %get3A_467 = tpu.vector_load %arg17[%get3A_465, %get3A_466] {strides = array<i32>} : memref<128x64xf32, #tpu.memory_space<vmem>>, vector<1x16xf32>,
        %get3A_468 = vector.shape_cast %get3A_467 : vector<1x16xf32> to vector<16xf32>
        %mul3A_469 = vector.broadcast %squeeze3A_432 : f32 to vector<16xf32>
        %mul3A_470 = arith.mulf %get3A_468, %mul3A_469 : vector<16xf32>
        %add3A_471 = arith.constant 6 : i32
        %add3A_472 = arith.addi %mul3A_61, %add3A_471 : i32
        %swap3A_473 = arith.index_cast %add3A_472 : i32 to index
        %swap3A_474 = arith.constant 32 : index
        %swap3A_475 = tpu.vector_load %arg17[%swap3A_473, %swap3A_474] {strides = array<i32>} : memref<128x64xf32, #tpu.memory_space<vmem>>, vector<1x16xf32>,
        %swap3A_476 = vector.shape_cast %swap3A_475 : vector<1x16xf32> to vector<16xf32>
        %swap3A_477 = vector.shape_cast %mul3A_470 : vector<16xf32> to vector<1x16xf32>
        tpu.vector_store %arg17[%swap3A_473, %swap3A_474], %swap3A_477 {strides = array<i32>} : memref<128x64xf32, #tpu.memory_space<vmem>>, vector<1x16xf32>,
        %add3A_478 = arith.constant 6 : i32
        %add3A_479 = arith.addi %mul3A_61, %add3A_478 : i32
        %get3A_480 = arith.index_cast %add3A_479 : i32 to index
        %get3A_481 = arith.constant 48 : index
        %get3A_482 = tpu.vector_load %arg17[%get3A_480, %get3A_481] {strides = array<i32>} : memref<128x64xf32, #tpu.memory_space<vmem>>, vector<1x16xf32>,
        %get3A_483 = vector.shape_cast %get3A_482 : vector<1x16xf32> to vector<16xf32>
        %mul3A_484 = vector.broadcast %squeeze3A_432 : f32 to vector<16xf32>
        %mul3A_485 = arith.mulf %get3A_483, %mul3A_484 : vector<16xf32>
        %add3A_486 = arith.constant 6 : i32
        %add3A_487 = arith.addi %mul3A_61, %add3A_486 : i32
        %swap3A_488 = arith.index_cast %add3A_487 : i32 to index
        %swap3A_489 = arith.constant 48 : index
        %swap3A_490 = tpu.vector_load %arg17[%swap3A_488, %swap3A_489] {strides = array<i32>} : memref<128x64xf32, #tpu.memory_space<vmem>>, vector<1x16xf32>,
        %swap3A_491 = vector.shape_cast %swap3A_490 : vector<1x16xf32> to vector<16xf32>
        %swap3A_492 = vector.shape_cast %mul3A_485 : vector<16xf32> to vector<1x16xf32>
        tpu.vector_store %arg17[%swap3A_488, %swap3A_489], %swap3A_492 {strides = array<i32>} : memref<128x64xf32, #tpu.memory_space<vmem>>, vector<1x16xf32>,
        %slice3A_493 = vector.extract_strided_slice %get3A_59 {offsets = [7], sizes = [1], strides = [1]} : vector<16xf32> to vector<1xf32>
        %squeeze3A_494 = vector.extract %slice3A_493[0] : f32 from vector<1xf32>
        %add3A_495 = arith.constant 7 : i32
        %add3A_496 = arith.addi %mul3A_61, %add3A_495 : i32
        %get3A_497 = arith.index_cast %add3A_496 : i32 to index
        %get3A_498 = arith.constant 0 : index
        %get3A_499 = tpu.vector_load %arg17[%get3A_497, %get3A_498] {strides = array<i32>} : memref<128x64xf32, #tpu.memory_space<vmem>>, vector<1x16xf32>,
        %get3A_500 = vector.shape_cast %get3A_499 : vector<1x16xf32> to vector<16xf32>
        %mul3A_501 = vector.broadcast %squeeze3A_494 : f32 to vector<16xf32>
        %mul3A_502 = arith.mulf %get3A_500, %mul3A_501 : vector<16xf32>
        %add3A_503 = arith.constant 7 : i32
        %add3A_504 = arith.addi %mul3A_61, %add3A_503 : i32
        %swap3A_505 = arith.index_cast %add3A_504 : i32 to index
        %swap3A_506 = arith.constant 0 : index
        %swap3A_507 = tpu.vector_load %arg17[%swap3A_505, %swap3A_506] {strides = array<i32>} : memref<128x64xf32, #tpu.memory_space<vmem>>, vector<1x16xf32>,
        %swap3A_508 = vector.shape_cast %swap3A_507 : vector<1x16xf32> to vector<16xf32>
        %swap3A_509 = vector.shape_cast %mul3A_502 : vector<16xf32> to vector<1x16xf32>
        tpu.vector_store %arg17[%swap3A_505, %swap3A_506], %swap3A_509 {strides = array<i32>} : memref<128x64xf32, #tpu.memory_space<vmem>>, vector<1x16xf32>,
        %add3A_510 = arith.constant 7 : i32
        %add3A_511 = arith.addi %mul3A_61, %add3A_510 : i32
        %get3A_512 = arith.index_cast %add3A_511 : i32 to index
        %get3A_513 = arith.constant 16 : index
        %get3A_514 = tpu.vector_load %arg17[%get3A_512, %get3A_513] {strides = array<i32>} : memref<128x64xf32, #tpu.memory_space<vmem>>, vector<1x16xf32>,
        %get3A_515 = vector.shape_cast %get3A_514 : vector<1x16xf32> to vector<16xf32>
        %mul3A_516 = vector.broadcast %squeeze3A_494 : f32 to vector<16xf32>
        %mul3A_517 = arith.mulf %get3A_515, %mul3A_516 : vector<16xf32>
        %add3A_518 = arith.constant 7 : i32
        %add3A_519 = arith.addi %mul3A_61, %add3A_518 : i32
        %swap3A_520 = arith.index_cast %add3A_519 : i32 to index
        %swap3A_521 = arith.constant 16 : index
        %swap3A_522 = tpu.vector_load %arg17[%swap3A_520, %swap3A_521] {strides = array<i32>} : memref<128x64xf32, #tpu.memory_space<vmem>>, vector<1x16xf32>,
        %swap3A_523 = vector.shape_cast %swap3A_522 : vector<1x16xf32> to vector<16xf32>
        %swap3A_524 = vector.shape_cast %mul3A_517 : vector<16xf32> to vector<1x16xf32>
        tpu.vector_store %arg17[%swap3A_520, %swap3A_521], %swap3A_524 {strides = array<i32>} : memref<128x64xf32, #tpu.memory_space<vmem>>, vector<1x16xf32>,
        %add3A_525 = arith.constant 7 : i32
        %add3A_526 = arith.addi %mul3A_61, %add3A_525 : i32
        %get3A_527 = arith.index_cast %add3A_526 : i32 to index
        %get3A_528 = arith.constant 32 : index
        %get3A_529 = tpu.vector_load %arg17[%get3A_527, %get3A_528] {strides = array<i32>} : memref<128x64xf32, #tpu.memory_space<vmem>>, vector<1x16xf32>,
        %get3A_530 = vector.shape_cast %get3A_529 : vector<1x16xf32> to vector<16xf32>
        %mul3A_531 = vector.broadcast %squeeze3A_494 : f32 to vector<16xf32>
        %mul3A_532 = arith.mulf %get3A_530, %mul3A_531 : vector<16xf32>
        %add3A_533 = arith.constant 7 : i32
        %add3A_534 = arith.addi %mul3A_61, %add3A_533 : i32
        %swap3A_535 = arith.index_cast %add3A_534 : i32 to index
        %swap3A_536 = arith.constant 32 : index
        %swap3A_537 = tpu.vector_load %arg17[%swap3A_535, %swap3A_536] {strides = array<i32>} : memref<128x64xf32, #tpu.memory_space<vmem>>, vector<1x16xf32>,
        %swap3A_538 = vector.shape_cast %swap3A_537 : vector<1x16xf32> to vector<16xf32>
        %swap3A_539 = vector.shape_cast %mul3A_532 : vector<16xf32> to vector<1x16xf32>
        tpu.vector_store %arg17[%swap3A_535, %swap3A_536], %swap3A_539 {strides = array<i32>} : memref<128x64xf32, #tpu.memory_space<vmem>>, vector<1x16xf32>,
        %add3A_540 = arith.constant 7 : i32
        %add3A_541 = arith.addi %mul3A_61, %add3A_540 : i32
        %get3A_542 = arith.index_cast %add3A_541 : i32 to index
        %get3A_543 = arith.constant 48 : index
        %get3A_544 = tpu.vector_load %arg17[%get3A_542, %get3A_543] {strides = array<i32>} : memref<128x64xf32, #tpu.memory_space<vmem>>, vector<1x16xf32>,
        %get3A_545 = vector.shape_cast %get3A_544 : vector<1x16xf32> to vector<16xf32>
        %mul3A_546 = vector.broadcast %squeeze3A_494 : f32 to vector<16xf32>
        %mul3A_547 = arith.mulf %get3A_545, %mul3A_546 : vector<16xf32>
        %add3A_548 = arith.constant 7 : i32
        %add3A_549 = arith.addi %mul3A_61, %add3A_548 : i32
        %swap3A_550 = arith.index_cast %add3A_549 : i32 to index
        %swap3A_551 = arith.constant 48 : index
        %swap3A_552 = tpu.vector_load %arg17[%swap3A_550, %swap3A_551] {strides = array<i32>} : memref<128x64xf32, #tpu.memory_space<vmem>>, vector<1x16xf32>,
        %swap3A_553 = vector.shape_cast %swap3A_552 : vector<1x16xf32> to vector<16xf32>
        %swap3A_554 = vector.shape_cast %mul3A_547 : vector<16xf32> to vector<1x16xf32>
        tpu.vector_store %arg17[%swap3A_550, %swap3A_551], %swap3A_554 {strides = array<i32>} : memref<128x64xf32, #tpu.memory_space<vmem>>, vector<1x16xf32>,
        %slice3A_555 = vector.extract_strided_slice %get3A_59 {offsets = [8], sizes = [1], strides = [1]} : vector<16xf32> to vector<1xf32>
        %squeeze3A_556 = vector.extract %slice3A_555[0] : f32 from vector<1xf32>
        %add3A_557 = arith.constant 8 : i32
        %add3A_558 = arith.addi %mul3A_61, %add3A_557 : i32
        %get3A_559 = arith.index_cast %add3A_558 : i32 to index
        %get3A_560 = arith.constant 0 : index
        %get3A_561 = tpu.vector_load %arg17[%get3A_559, %get3A_560] {strides = array<i32>} : memref<128x64xf32, #tpu.memory_space<vmem>>, vector<1x16xf32>,
        %get3A_562 = vector.shape_cast %get3A_561 : vector<1x16xf32> to vector<16xf32>
        %mul3A_563 = vector.broadcast %squeeze3A_556 : f32 to vector<16xf32>
        %mul3A_564 = arith.mulf %get3A_562, %mul3A_563 : vector<16xf32>
        %add3A_565 = arith.constant 8 : i32
        %add3A_566 = arith.addi %mul3A_61, %add3A_565 : i32
        %swap3A_567 = arith.index_cast %add3A_566 : i32 to index
        %swap3A_568 = arith.constant 0 : index
        %swap3A_569 = tpu.vector_load %arg17[%swap3A_567, %swap3A_568] {strides = array<i32>} : memref<128x64xf32, #tpu.memory_space<vmem>>, vector<1x16xf32>,
        %swap3A_570 = vector.shape_cast %swap3A_569 : vector<1x16xf32> to vector<16xf32>
        %swap3A_571 = vector.shape_cast %mul3A_564 : vector<16xf32> to vector<1x16xf32>
        tpu.vector_store %arg17[%swap3A_567, %swap3A_568], %swap3A_571 {strides = array<i32>} : memref<128x64xf32, #tpu.memory_space<vmem>>, vector<1x16xf32>,
        %add3A_572 = arith.constant 8 : i32
        %add3A_573 = arith.addi %mul3A_61, %add3A_572 : i32
        %get3A_574 = arith.index_cast %add3A_573 : i32 to index
        %get3A_575 = arith.constant 16 : index
        %get3A_576 = tpu.vector_load %arg17[%get3A_574, %get3A_575] {strides = array<i32>} : memref<128x64xf32, #tpu.memory_space<vmem>>, vector<1x16xf32>,
        %get3A_577 = vector.shape_cast %get3A_576 : vector<1x16xf32> to vector<16xf32>
        %mul3A_578 = vector.broadcast %squeeze3A_556 : f32 to vector<16xf32>
        %mul3A_579 = arith.mulf %get3A_577, %mul3A_578 : vector<16xf32>
        %add3A_580 = arith.constant 8 : i32
        %add3A_581 = arith.addi %mul3A_61, %add3A_580 : i32
        %swap3A_582 = arith.index_cast %add3A_581 : i32 to index
        %swap3A_583 = arith.constant 16 : index
        %swap3A_584 = tpu.vector_load %arg17[%swap3A_582, %swap3A_583] {strides = array<i32>} : memref<128x64xf32, #tpu.memory_space<vmem>>, vector<1x16xf32>,
        %swap3A_585 = vector.shape_cast %swap3A_584 : vector<1x16xf32> to vector<16xf32>
        %swap3A_586 = vector.shape_cast %mul3A_579 : vector<16xf32> to vector<1x16xf32>
        tpu.vector_store %arg17[%swap3A_582, %swap3A_583], %swap3A_586 {strides = array<i32>} : memref<128x64xf32, #tpu.memory_space<vmem>>, vector<1x16xf32>,
        %add3A_587 = arith.constant 8 : i32
        %add3A_588 = arith.addi %mul3A_61, %add3A_587 : i32
        %get3A_589 = arith.index_cast %add3A_588 : i32 to index
        %get3A_590 = arith.constant 32 : index
        %get3A_591 = tpu.vector_load %arg17[%get3A_589, %get3A_590] {strides = array<i32>} : memref<128x64xf32, #tpu.memory_space<vmem>>, vector<1x16xf32>,
        %get3A_592 = vector.shape_cast %get3A_591 : vector<1x16xf32> to vector<16xf32>
        %mul3A_593 = vector.broadcast %squeeze3A_556 : f32 to vector<16xf32>
        %mul3A_594 = arith.mulf %get3A_592, %mul3A_593 : vector<16xf32>
        %add3A_595 = arith.constant 8 : i32
        %add3A_596 = arith.addi %mul3A_61, %add3A_595 : i32
        %swap3A_597 = arith.index_cast %add3A_596 : i32 to index
        %swap3A_598 = arith.constant 32 : index
        %swap3A_599 = tpu.vector_load %arg17[%swap3A_597, %swap3A_598] {strides = array<i32>} : memref<128x64xf32, #tpu.memory_space<vmem>>, vector<1x16xf32>,
        %swap3A_600 = vector.shape_cast %swap3A_599 : vector<1x16xf32> to vector<16xf32>
        %swap3A_601 = vector.shape_cast %mul3A_594 : vector<16xf32> to vector<1x16xf32>
        tpu.vector_store %arg17[%swap3A_597, %swap3A_598], %swap3A_601 {strides = array<i32>} : memref<128x64xf32, #tpu.memory_space<vmem>>, vector<1x16xf32>,
        %add3A_602 = arith.constant 8 : i32
        %add3A_603 = arith.addi %mul3A_61, %add3A_602 : i32
        %get3A_604 = arith.index_cast %add3A_603 : i32 to index
        %get3A_605 = arith.constant 48 : index
        %get3A_606 = tpu.vector_load %arg17[%get3A_604, %get3A_605] {strides = array<i32>} : memref<128x64xf32, #tpu.memory_space<vmem>>, vector<1x16xf32>,
        %get3A_607 = vector.shape_cast %get3A_606 : vector<1x16xf32> to vector<16xf32>
        %mul3A_608 = vector.broadcast %squeeze3A_556 : f32 to vector<16xf32>
        %mul3A_609 = arith.mulf %get3A_607, %mul3A_608 : vector<16xf32>
        %add3A_610 = arith.constant 8 : i32
        %add3A_611 = arith.addi %mul3A_61, %add3A_610 : i32
        %swap3A_612 = arith.index_cast %add3A_611 : i32 to index
        %swap3A_613 = arith.constant 48 : index
        %swap3A_614 = tpu.vector_load %arg17[%swap3A_612, %swap3A_613] {strides = array<i32>} : memref<128x64xf32, #tpu.memory_space<vmem>>, vector<1x16xf32>,
        %swap3A_615 = vector.shape_cast %swap3A_614 : vector<1x16xf32> to vector<16xf32>
        %swap3A_616 = vector.shape_cast %mul3A_609 : vector<16xf32> to vector<1x16xf32>
        tpu.vector_store %arg17[%swap3A_612, %swap3A_613], %swap3A_616 {strides = array<i32>} : memref<128x64xf32, #tpu.memory_space<vmem>>, vector<1x16xf32>,
        %slice3A_617 = vector.extract_strided_slice %get3A_59 {offsets = [9], sizes = [1], strides = [1]} : vector<16xf32> to vector<1xf32>
        %squeeze3A_618 = vector.extract %slice3A_617[0] : f32 from vector<1xf32>
        %add3A_619 = arith.constant 9 : i32
        %add3A_620 = arith.addi %mul3A_61, %add3A_619 : i32
        %get3A_621 = arith.index_cast %add3A_620 : i32 to index
        %get3A_622 = arith.constant 0 : index
        %get3A_623 = tpu.vector_load %arg17[%get3A_621, %get3A_622] {strides = array<i32>} : memref<128x64xf32, #tpu.memory_space<vmem>>, vector<1x16xf32>,
        %get3A_624 = vector.shape_cast %get3A_623 : vector<1x16xf32> to vector<16xf32>
        %mul3A_625 = vector.broadcast %squeeze3A_618 : f32 to vector<16xf32>
        %mul3A_626 = arith.mulf %get3A_624, %mul3A_625 : vector<16xf32>
        %add3A_627 = arith.constant 9 : i32
        %add3A_628 = arith.addi %mul3A_61, %add3A_627 : i32
        %swap3A_629 = arith.index_cast %add3A_628 : i32 to index
        %swap3A_630 = arith.constant 0 : index
        %swap3A_631 = tpu.vector_load %arg17[%swap3A_629, %swap3A_630] {strides = array<i32>} : memref<128x64xf32, #tpu.memory_space<vmem>>, vector<1x16xf32>,
        %swap3A_632 = vector.shape_cast %swap3A_631 : vector<1x16xf32> to vector<16xf32>
        %swap3A_633 = vector.shape_cast %mul3A_626 : vector<16xf32> to vector<1x16xf32>
        tpu.vector_store %arg17[%swap3A_629, %swap3A_630], %swap3A_633 {strides = array<i32>} : memref<128x64xf32, #tpu.memory_space<vmem>>, vector<1x16xf32>,
        %add3A_634 = arith.constant 9 : i32
        %add3A_635 = arith.addi %mul3A_61, %add3A_634 : i32
        %get3A_636 = arith.index_cast %add3A_635 : i32 to index
        %get3A_637 = arith.constant 16 : index
        %get3A_638 = tpu.vector_load %arg17[%get3A_636, %get3A_637] {strides = array<i32>} : memref<128x64xf32, #tpu.memory_space<vmem>>, vector<1x16xf32>,
        %get3A_639 = vector.shape_cast %get3A_638 : vector<1x16xf32> to vector<16xf32>
        %mul3A_640 = vector.broadcast %squeeze3A_618 : f32 to vector<16xf32>
        %mul3A_641 = arith.mulf %get3A_639, %mul3A_640 : vector<16xf32>
        %add3A_642 = arith.constant 9 : i32
        %add3A_643 = arith.addi %mul3A_61, %add3A_642 : i32
        %swap3A_644 = arith.index_cast %add3A_643 : i32 to index
        %swap3A_645 = arith.constant 16 : index
        %swap3A_646 = tpu.vector_load %arg17[%swap3A_644, %swap3A_645] {strides = array<i32>} : memref<128x64xf32, #tpu.memory_space<vmem>>, vector<1x16xf32>,
        %swap3A_647 = vector.shape_cast %swap3A_646 : vector<1x16xf32> to vector<16xf32>
        %swap3A_648 = vector.shape_cast %mul3A_641 : vector<16xf32> to vector<1x16xf32>
        tpu.vector_store %arg17[%swap3A_644, %swap3A_645], %swap3A_648 {strides = array<i32>} : memref<128x64xf32, #tpu.memory_space<vmem>>, vector<1x16xf32>,
        %add3A_649 = arith.constant 9 : i32
        %add3A_650 = arith.addi %mul3A_61, %add3A_649 : i32
        %get3A_651 = arith.index_cast %add3A_650 : i32 to index
        %get3A_652 = arith.constant 32 : index
        %get3A_653 = tpu.vector_load %arg17[%get3A_651, %get3A_652] {strides = array<i32>} : memref<128x64xf32, #tpu.memory_space<vmem>>, vector<1x16xf32>,
        %get3A_654 = vector.shape_cast %get3A_653 : vector<1x16xf32> to vector<16xf32>
        %mul3A_655 = vector.broadcast %squeeze3A_618 : f32 to vector<16xf32>
        %mul3A_656 = arith.mulf %get3A_654, %mul3A_655 : vector<16xf32>
        %add3A_657 = arith.constant 9 : i32
        %add3A_658 = arith.addi %mul3A_61, %add3A_657 : i32
        %swap3A_659 = arith.index_cast %add3A_658 : i32 to index
        %swap3A_660 = arith.constant 32 : index
        %swap3A_661 = tpu.vector_load %arg17[%swap3A_659, %swap3A_660] {strides = array<i32>} : memref<128x64xf32, #tpu.memory_space<vmem>>, vector<1x16xf32>,
        %swap3A_662 = vector.shape_cast %swap3A_661 : vector<1x16xf32> to vector<16xf32>
        %swap3A_663 = vector.shape_cast %mul3A_656 : vector<16xf32> to vector<1x16xf32>
        tpu.vector_store %arg17[%swap3A_659, %swap3A_660], %swap3A_663 {strides = array<i32>} : memref<128x64xf32, #tpu.memory_space<vmem>>, vector<1x16xf32>,
        %add3A_664 = arith.constant 9 : i32
        %add3A_665 = arith.addi %mul3A_61, %add3A_664 : i32
        %get3A_666 = arith.index_cast %add3A_665 : i32 to index
        %get3A_667 = arith.constant 48 : index
        %get3A_668 = tpu.vector_load %arg17[%get3A_666, %get3A_667] {strides = array<i32>} : memref<128x64xf32, #tpu.memory_space<vmem>>, vector<1x16xf32>,
        %get3A_669 = vector.shape_cast %get3A_668 : vector<1x16xf32> to vector<16xf32>
        %mul3A_670 = vector.broadcast %squeeze3A_618 : f32 to vector<16xf32>
        %mul3A_671 = arith.mulf %get3A_669, %mul3A_670 : vector<16xf32>
        %add3A_672 = arith.constant 9 : i32
        %add3A_673 = arith.addi %mul3A_61, %add3A_672 : i32
        %swap3A_674 = arith.index_cast %add3A_673 : i32 to index
        %swap3A_675 = arith.constant 48 : index
        %swap3A_676 = tpu.vector_load %arg17[%swap3A_674, %swap3A_675] {strides = array<i32>} : memref<128x64xf32, #tpu.memory_space<vmem>>, vector<1x16xf32>,
        %swap3A_677 = vector.shape_cast %swap3A_676 : vector<1x16xf32> to vector<16xf32>
        %swap3A_678 = vector.shape_cast %mul3A_671 : vector<16xf32> to vector<1x16xf32>
        tpu.vector_store %arg17[%swap3A_674, %swap3A_675], %swap3A_678 {strides = array<i32>} : memref<128x64xf32, #tpu.memory_space<vmem>>, vector<1x16xf32>,
        %slice3A_679 = vector.extract_strided_slice %get3A_59 {offsets = [10], sizes = [1], strides = [1]} : vector<16xf32> to vector<1xf32>
        %squeeze3A_680 = vector.extract %slice3A_679[0] : f32 from vector<1xf32>
        %add3A_681 = arith.constant 10 : i32
        %add3A_682 = arith.addi %mul3A_61, %add3A_681 : i32
        %get3A_683 = arith.index_cast %add3A_682 : i32 to index
        %get3A_684 = arith.constant 0 : index
        %get3A_685 = tpu.vector_load %arg17[%get3A_683, %get3A_684] {strides = array<i32>} : memref<128x64xf32, #tpu.memory_space<vmem>>, vector<1x16xf32>,
        %get3A_686 = vector.shape_cast %get3A_685 : vector<1x16xf32> to vector<16xf32>
        %mul3A_687 = vector.broadcast %squeeze3A_680 : f32 to vector<16xf32>
        %mul3A_688 = arith.mulf %get3A_686, %mul3A_687 : vector<16xf32>
        %add3A_689 = arith.constant 10 : i32
        %add3A_690 = arith.addi %mul3A_61, %add3A_689 : i32
        %swap3A_691 = arith.index_cast %add3A_690 : i32 to index
        %swap3A_692 = arith.constant 0 : index
        %swap3A_693 = tpu.vector_load %arg17[%swap3A_691, %swap3A_692] {strides = array<i32>} : memref<128x64xf32, #tpu.memory_space<vmem>>, vector<1x16xf32>,
        %swap3A_694 = vector.shape_cast %swap3A_693 : vector<1x16xf32> to vector<16xf32>
        %swap3A_695 = vector.shape_cast %mul3A_688 : vector<16xf32> to vector<1x16xf32>
        tpu.vector_store %arg17[%swap3A_691, %swap3A_692], %swap3A_695 {strides = array<i32>} : memref<128x64xf32, #tpu.memory_space<vmem>>, vector<1x16xf32>,
        %add3A_696 = arith.constant 10 : i32
        %add3A_697 = arith.addi %mul3A_61, %add3A_696 : i32
        %get3A_698 = arith.index_cast %add3A_697 : i32 to index
        %get3A_699 = arith.constant 16 : index
        %get3A_700 = tpu.vector_load %arg17[%get3A_698, %get3A_699] {strides = array<i32>} : memref<128x64xf32, #tpu.memory_space<vmem>>, vector<1x16xf32>,
        %get3A_701 = vector.shape_cast %get3A_700 : vector<1x16xf32> to vector<16xf32>
        %mul3A_702 = vector.broadcast %squeeze3A_680 : f32 to vector<16xf32>
        %mul3A_703 = arith.mulf %get3A_701, %mul3A_702 : vector<16xf32>
        %add3A_704 = arith.constant 10 : i32
        %add3A_705 = arith.addi %mul3A_61, %add3A_704 : i32
        %swap3A_706 = arith.index_cast %add3A_705 : i32 to index
        %swap3A_707 = arith.constant 16 : index
        %swap3A_708 = tpu.vector_load %arg17[%swap3A_706, %swap3A_707] {strides = array<i32>} : memref<128x64xf32, #tpu.memory_space<vmem>>, vector<1x16xf32>,
        %swap3A_709 = vector.shape_cast %swap3A_708 : vector<1x16xf32> to vector<16xf32>
        %swap3A_710 = vector.shape_cast %mul3A_703 : vector<16xf32> to vector<1x16xf32>
        tpu.vector_store %arg17[%swap3A_706, %swap3A_707], %swap3A_710 {strides = array<i32>} : memref<128x64xf32, #tpu.memory_space<vmem>>, vector<1x16xf32>,
        %add3A_711 = arith.constant 10 : i32
        %add3A_712 = arith.addi %mul3A_61, %add3A_711 : i32
        %get3A_713 = arith.index_cast %add3A_712 : i32 to index
        %get3A_714 = arith.constant 32 : index
        %get3A_715 = tpu.vector_load %arg17[%get3A_713, %get3A_714] {strides = array<i32>} : memref<128x64xf32, #tpu.memory_space<vmem>>, vector<1x16xf32>,
        %get3A_716 = vector.shape_cast %get3A_715 : vector<1x16xf32> to vector<16xf32>
        %mul3A_717 = vector.broadcast %squeeze3A_680 : f32 to vector<16xf32>
        %mul3A_718 = arith.mulf %get3A_716, %mul3A_717 : vector<16xf32>
        %add3A_719 = arith.constant 10 : i32
        %add3A_720 = arith.addi %mul3A_61, %add3A_719 : i32
        %swap3A_721 = arith.index_cast %add3A_720 : i32 to index
        %swap3A_722 = arith.constant 32 : index
        %swap3A_723 = tpu.vector_load %arg17[%swap3A_721, %swap3A_722] {strides = array<i32>} : memref<128x64xf32, #tpu.memory_space<vmem>>, vector<1x16xf32>,
        %swap3A_724 = vector.shape_cast %swap3A_723 : vector<1x16xf32> to vector<16xf32>
        %swap3A_725 = vector.shape_cast %mul3A_718 : vector<16xf32> to vector<1x16xf32>
        tpu.vector_store %arg17[%swap3A_721, %swap3A_722], %swap3A_725 {strides = array<i32>} : memref<128x64xf32, #tpu.memory_space<vmem>>, vector<1x16xf32>,
        %add3A_726 = arith.constant 10 : i32
        %add3A_727 = arith.addi %mul3A_61, %add3A_726 : i32
        %get3A_728 = arith.index_cast %add3A_727 : i32 to index
        %get3A_729 = arith.constant 48 : index
        %get3A_730 = tpu.vector_load %arg17[%get3A_728, %get3A_729] {strides = array<i32>} : memref<128x64xf32, #tpu.memory_space<vmem>>, vector<1x16xf32>,
        %get3A_731 = vector.shape_cast %get3A_730 : vector<1x16xf32> to vector<16xf32>
        %mul3A_732 = vector.broadcast %squeeze3A_680 : f32 to vector<16xf32>
        %mul3A_733 = arith.mulf %get3A_731, %mul3A_732 : vector<16xf32>
        %add3A_734 = arith.constant 10 : i32
        %add3A_735 = arith.addi %mul3A_61, %add3A_734 : i32
        %swap3A_736 = arith.index_cast %add3A_735 : i32 to index
        %swap3A_737 = arith.constant 48 : index
        %swap3A_738 = tpu.vector_load %arg17[%swap3A_736, %swap3A_737] {strides = array<i32>} : memref<128x64xf32, #tpu.memory_space<vmem>>, vector<1x16xf32>,
        %swap3A_739 = vector.shape_cast %swap3A_738 : vector<1x16xf32> to vector<16xf32>
        %swap3A_740 = vector.shape_cast %mul3A_733 : vector<16xf32> to vector<1x16xf32>
        tpu.vector_store %arg17[%swap3A_736, %swap3A_737], %swap3A_740 {strides = array<i32>} : memref<128x64xf32, #tpu.memory_space<vmem>>, vector<1x16xf32>,
        %slice3A_741 = vector.extract_strided_slice %get3A_59 {offsets = [11], sizes = [1], strides = [1]} : vector<16xf32> to vector<1xf32>
        %squeeze3A_742 = vector.extract %slice3A_741[0] : f32 from vector<1xf32>
        %add3A_743 = arith.constant 11 : i32
        %add3A_744 = arith.addi %mul3A_61, %add3A_743 : i32
        %get3A_745 = arith.index_cast %add3A_744 : i32 to index
        %get3A_746 = arith.constant 0 : index
        %get3A_747 = tpu.vector_load %arg17[%get3A_745, %get3A_746] {strides = array<i32>} : memref<128x64xf32, #tpu.memory_space<vmem>>, vector<1x16xf32>,
        %get3A_748 = vector.shape_cast %get3A_747 : vector<1x16xf32> to vector<16xf32>
        %mul3A_749 = vector.broadcast %squeeze3A_742 : f32 to vector<16xf32>
        %mul3A_750 = arith.mulf %get3A_748, %mul3A_749 : vector<16xf32>
        %add3A_751 = arith.constant 11 : i32
        %add3A_752 = arith.addi %mul3A_61, %add3A_751 : i32
        %swap3A_753 = arith.index_cast %add3A_752 : i32 to index
        %swap3A_754 = arith.constant 0 : index
        %swap3A_755 = tpu.vector_load %arg17[%swap3A_753, %swap3A_754] {strides = array<i32>} : memref<128x64xf32, #tpu.memory_space<vmem>>, vector<1x16xf32>,
        %swap3A_756 = vector.shape_cast %swap3A_755 : vector<1x16xf32> to vector<16xf32>
        %swap3A_757 = vector.shape_cast %mul3A_750 : vector<16xf32> to vector<1x16xf32>
        tpu.vector_store %arg17[%swap3A_753, %swap3A_754], %swap3A_757 {strides = array<i32>} : memref<128x64xf32, #tpu.memory_space<vmem>>, vector<1x16xf32>,
        %add3A_758 = arith.constant 11 : i32
        %add3A_759 = arith.addi %mul3A_61, %add3A_758 : i32
        %get3A_760 = arith.index_cast %add3A_759 : i32 to index
        %get3A_761 = arith.constant 16 : index
        %get3A_762 = tpu.vector_load %arg17[%get3A_760, %get3A_761] {strides = array<i32>} : memref<128x64xf32, #tpu.memory_space<vmem>>, vector<1x16xf32>,
        %get3A_763 = vector.shape_cast %get3A_762 : vector<1x16xf32> to vector<16xf32>
        %mul3A_764 = vector.broadcast %squeeze3A_742 : f32 to vector<16xf32>
        %mul3A_765 = arith.mulf %get3A_763, %mul3A_764 : vector<16xf32>
        %add3A_766 = arith.constant 11 : i32
        %add3A_767 = arith.addi %mul3A_61, %add3A_766 : i32
        %swap3A_768 = arith.index_cast %add3A_767 : i32 to index
        %swap3A_769 = arith.constant 16 : index
        %swap3A_770 = tpu.vector_load %arg17[%swap3A_768, %swap3A_769] {strides = array<i32>} : memref<128x64xf32, #tpu.memory_space<vmem>>, vector<1x16xf32>,
        %swap3A_771 = vector.shape_cast %swap3A_770 : vector<1x16xf32> to vector<16xf32>
        %swap3A_772 = vector.shape_cast %mul3A_765 : vector<16xf32> to vector<1x16xf32>
        tpu.vector_store %arg17[%swap3A_768, %swap3A_769], %swap3A_772 {strides = array<i32>} : memref<128x64xf32, #tpu.memory_space<vmem>>, vector<1x16xf32>,
        %add3A_773 = arith.constant 11 : i32
        %add3A_774 = arith.addi %mul3A_61, %add3A_773 : i32
        %get3A_775 = arith.index_cast %add3A_774 : i32 to index
        %get3A_776 = arith.constant 32 : index
        %get3A_777 = tpu.vector_load %arg17[%get3A_775, %get3A_776] {strides = array<i32>} : memref<128x64xf32, #tpu.memory_space<vmem>>, vector<1x16xf32>,
        %get3A_778 = vector.shape_cast %get3A_777 : vector<1x16xf32> to vector<16xf32>
        %mul3A_779 = vector.broadcast %squeeze3A_742 : f32 to vector<16xf32>
        %mul3A_780 = arith.mulf %get3A_778, %mul3A_779 : vector<16xf32>
        %add3A_781 = arith.constant 11 : i32
        %add3A_782 = arith.addi %mul3A_61, %add3A_781 : i32
        %swap3A_783 = arith.index_cast %add3A_782 : i32 to index
        %swap3A_784 = arith.constant 32 : index
        %swap3A_785 = tpu.vector_load %arg17[%swap3A_783, %swap3A_784] {strides = array<i32>} : memref<128x64xf32, #tpu.memory_space<vmem>>, vector<1x16xf32>,
        %swap3A_786 = vector.shape_cast %swap3A_785 : vector<1x16xf32> to vector<16xf32>
        %swap3A_787 = vector.shape_cast %mul3A_780 : vector<16xf32> to vector<1x16xf32>
        tpu.vector_store %arg17[%swap3A_783, %swap3A_784], %swap3A_787 {strides = array<i32>} : memref<128x64xf32, #tpu.memory_space<vmem>>, vector<1x16xf32>,
        %add3A_788 = arith.constant 11 : i32
        %add3A_789 = arith.addi %mul3A_61, %add3A_788 : i32
        %get3A_790 = arith.index_cast %add3A_789 : i32 to index
        %get3A_791 = arith.constant 48 : index
        %get3A_792 = tpu.vector_load %arg17[%get3A_790, %get3A_791] {strides = array<i32>} : memref<128x64xf32, #tpu.memory_space<vmem>>, vector<1x16xf32>,
        %get3A_793 = vector.shape_cast %get3A_792 : vector<1x16xf32> to vector<16xf32>
        %mul3A_794 = vector.broadcast %squeeze3A_742 : f32 to vector<16xf32>
        %mul3A_795 = arith.mulf %get3A_793, %mul3A_794 : vector<16xf32>
        %add3A_796 = arith.constant 11 : i32
        %add3A_797 = arith.addi %mul3A_61, %add3A_796 : i32
        %swap3A_798 = arith.index_cast %add3A_797 : i32 to index
        %swap3A_799 = arith.constant 48 : index
        %swap3A_800 = tpu.vector_load %arg17[%swap3A_798, %swap3A_799] {strides = array<i32>} : memref<128x64xf32, #tpu.memory_space<vmem>>, vector<1x16xf32>,
        %swap3A_801 = vector.shape_cast %swap3A_800 : vector<1x16xf32> to vector<16xf32>
        %swap3A_802 = vector.shape_cast %mul3A_795 : vector<16xf32> to vector<1x16xf32>
        tpu.vector_store %arg17[%swap3A_798, %swap3A_799], %swap3A_802 {strides = array<i32>} : memref<128x64xf32, #tpu.memory_space<vmem>>, vector<1x16xf32>,
        %slice3A_803 = vector.extract_strided_slice %get3A_59 {offsets = [12], sizes = [1], strides = [1]} : vector<16xf32> to vector<1xf32>
        %squeeze3A_804 = vector.extract %slice3A_803[0] : f32 from vector<1xf32>
        %add3A_805 = arith.constant 12 : i32
        %add3A_806 = arith.addi %mul3A_61, %add3A_805 : i32
        %get3A_807 = arith.index_cast %add3A_806 : i32 to index
        %get3A_808 = arith.constant 0 : index
        %get3A_809 = tpu.vector_load %arg17[%get3A_807, %get3A_808] {strides = array<i32>} : memref<128x64xf32, #tpu.memory_space<vmem>>, vector<1x16xf32>,
        %get3A_810 = vector.shape_cast %get3A_809 : vector<1x16xf32> to vector<16xf32>
        %mul3A_811 = vector.broadcast %squeeze3A_804 : f32 to vector<16xf32>
        %mul3A_812 = arith.mulf %get3A_810, %mul3A_811 : vector<16xf32>
        %add3A_813 = arith.constant 12 : i32
        %add3A_814 = arith.addi %mul3A_61, %add3A_813 : i32
        %swap3A_815 = arith.index_cast %add3A_814 : i32 to index
        %swap3A_816 = arith.constant 0 : index
        %swap3A_817 = tpu.vector_load %arg17[%swap3A_815, %swap3A_816] {strides = array<i32>} : memref<128x64xf32, #tpu.memory_space<vmem>>, vector<1x16xf32>,
        %swap3A_818 = vector.shape_cast %swap3A_817 : vector<1x16xf32> to vector<16xf32>
        %swap3A_819 = vector.shape_cast %mul3A_812 : vector<16xf32> to vector<1x16xf32>
        tpu.vector_store %arg17[%swap3A_815, %swap3A_816], %swap3A_819 {strides = array<i32>} : memref<128x64xf32, #tpu.memory_space<vmem>>, vector<1x16xf32>,
        %add3A_820 = arith.constant 12 : i32
        %add3A_821 = arith.addi %mul3A_61, %add3A_820 : i32
        %get3A_822 = arith.index_cast %add3A_821 : i32 to index
        %get3A_823 = arith.constant 16 : index
        %get3A_824 = tpu.vector_load %arg17[%get3A_822, %get3A_823] {strides = array<i32>} : memref<128x64xf32, #tpu.memory_space<vmem>>, vector<1x16xf32>,
        %get3A_825 = vector.shape_cast %get3A_824 : vector<1x16xf32> to vector<16xf32>
        %mul3A_826 = vector.broadcast %squeeze3A_804 : f32 to vector<16xf32>
        %mul3A_827 = arith.mulf %get3A_825, %mul3A_826 : vector<16xf32>
        %add3A_828 = arith.constant 12 : i32
        %add3A_829 = arith.addi %mul3A_61, %add3A_828 : i32
        %swap3A_830 = arith.index_cast %add3A_829 : i32 to index
        %swap3A_831 = arith.constant 16 : index
        %swap3A_832 = tpu.vector_load %arg17[%swap3A_830, %swap3A_831] {strides = array<i32>} : memref<128x64xf32, #tpu.memory_space<vmem>>, vector<1x16xf32>,
        %swap3A_833 = vector.shape_cast %swap3A_832 : vector<1x16xf32> to vector<16xf32>
        %swap3A_834 = vector.shape_cast %mul3A_827 : vector<16xf32> to vector<1x16xf32>
        tpu.vector_store %arg17[%swap3A_830, %swap3A_831], %swap3A_834 {strides = array<i32>} : memref<128x64xf32, #tpu.memory_space<vmem>>, vector<1x16xf32>,
        %add3A_835 = arith.constant 12 : i32
        %add3A_836 = arith.addi %mul3A_61, %add3A_835 : i32
        %get3A_837 = arith.index_cast %add3A_836 : i32 to index
        %get3A_838 = arith.constant 32 : index
        %get3A_839 = tpu.vector_load %arg17[%get3A_837, %get3A_838] {strides = array<i32>} : memref<128x64xf32, #tpu.memory_space<vmem>>, vector<1x16xf32>,
        %get3A_840 = vector.shape_cast %get3A_839 : vector<1x16xf32> to vector<16xf32>
        %mul3A_841 = vector.broadcast %squeeze3A_804 : f32 to vector<16xf32>
        %mul3A_842 = arith.mulf %get3A_840, %mul3A_841 : vector<16xf32>
        %add3A_843 = arith.constant 12 : i32
        %add3A_844 = arith.addi %mul3A_61, %add3A_843 : i32
        %swap3A_845 = arith.index_cast %add3A_844 : i32 to index
        %swap3A_846 = arith.constant 32 : index
        %swap3A_847 = tpu.vector_load %arg17[%swap3A_845, %swap3A_846] {strides = array<i32>} : memref<128x64xf32, #tpu.memory_space<vmem>>, vector<1x16xf32>,
        %swap3A_848 = vector.shape_cast %swap3A_847 : vector<1x16xf32> to vector<16xf32>
        %swap3A_849 = vector.shape_cast %mul3A_842 : vector<16xf32> to vector<1x16xf32>
        tpu.vector_store %arg17[%swap3A_845, %swap3A_846], %swap3A_849 {strides = array<i32>} : memref<128x64xf32, #tpu.memory_space<vmem>>, vector<1x16xf32>,
        %add3A_850 = arith.constant 12 : i32
        %add3A_851 = arith.addi %mul3A_61, %add3A_850 : i32
        %get3A_852 = arith.index_cast %add3A_851 : i32 to index
        %get3A_853 = arith.constant 48 : index
        %get3A_854 = tpu.vector_load %arg17[%get3A_852, %get3A_853] {strides = array<i32>} : memref<128x64xf32, #tpu.memory_space<vmem>>, vector<1x16xf32>,
        %get3A_855 = vector.shape_cast %get3A_854 : vector<1x16xf32> to vector<16xf32>
        %mul3A_856 = vector.broadcast %squeeze3A_804 : f32 to vector<16xf32>
        %mul3A_857 = arith.mulf %get3A_855, %mul3A_856 : vector<16xf32>
        %add3A_858 = arith.constant 12 : i32
        %add3A_859 = arith.addi %mul3A_61, %add3A_858 : i32
        %swap3A_860 = arith.index_cast %add3A_859 : i32 to index
        %swap3A_861 = arith.constant 48 : index
        %swap3A_862 = tpu.vector_load %arg17[%swap3A_860, %swap3A_861] {strides = array<i32>} : memref<128x64xf32, #tpu.memory_space<vmem>>, vector<1x16xf32>,
        %swap3A_863 = vector.shape_cast %swap3A_862 : vector<1x16xf32> to vector<16xf32>
        %swap3A_864 = vector.shape_cast %mul3A_857 : vector<16xf32> to vector<1x16xf32>
        tpu.vector_store %arg17[%swap3A_860, %swap3A_861], %swap3A_864 {strides = array<i32>} : memref<128x64xf32, #tpu.memory_space<vmem>>, vector<1x16xf32>,
        %slice3A_865 = vector.extract_strided_slice %get3A_59 {offsets = [13], sizes = [1], strides = [1]} : vector<16xf32> to vector<1xf32>
        %squeeze3A_866 = vector.extract %slice3A_865[0] : f32 from vector<1xf32>
        %add3A_867 = arith.constant 13 : i32
        %add3A_868 = arith.addi %mul3A_61, %add3A_867 : i32
        %get3A_869 = arith.index_cast %add3A_868 : i32 to index
        %get3A_870 = arith.constant 0 : index
        %get3A_871 = tpu.vector_load %arg17[%get3A_869, %get3A_870] {strides = array<i32>} : memref<128x64xf32, #tpu.memory_space<vmem>>, vector<1x16xf32>,
        %get3A_872 = vector.shape_cast %get3A_871 : vector<1x16xf32> to vector<16xf32>
        %mul3A_873 = vector.broadcast %squeeze3A_866 : f32 to vector<16xf32>
        %mul3A_874 = arith.mulf %get3A_872, %mul3A_873 : vector<16xf32>
        %add3A_875 = arith.constant 13 : i32
        %add3A_876 = arith.addi %mul3A_61, %add3A_875 : i32
        %swap3A_877 = arith.index_cast %add3A_876 : i32 to index
        %swap3A_878 = arith.constant 0 : index
        %swap3A_879 = tpu.vector_load %arg17[%swap3A_877, %swap3A_878] {strides = array<i32>} : memref<128x64xf32, #tpu.memory_space<vmem>>, vector<1x16xf32>,
        %swap3A_880 = vector.shape_cast %swap3A_879 : vector<1x16xf32> to vector<16xf32>
        %swap3A_881 = vector.shape_cast %mul3A_874 : vector<16xf32> to vector<1x16xf32>
        tpu.vector_store %arg17[%swap3A_877, %swap3A_878], %swap3A_881 {strides = array<i32>} : memref<128x64xf32, #tpu.memory_space<vmem>>, vector<1x16xf32>,
        %add3A_882 = arith.constant 13 : i32
        %add3A_883 = arith.addi %mul3A_61, %add3A_882 : i32
        %get3A_884 = arith.index_cast %add3A_883 : i32 to index
        %get3A_885 = arith.constant 16 : index
        %get3A_886 = tpu.vector_load %arg17[%get3A_884, %get3A_885] {strides = array<i32>} : memref<128x64xf32, #tpu.memory_space<vmem>>, vector<1x16xf32>,
        %get3A_887 = vector.shape_cast %get3A_886 : vector<1x16xf32> to vector<16xf32>
        %mul3A_888 = vector.broadcast %squeeze3A_866 : f32 to vector<16xf32>
        %mul3A_889 = arith.mulf %get3A_887, %mul3A_888 : vector<16xf32>
        %add3A_890 = arith.constant 13 : i32
        %add3A_891 = arith.addi %mul3A_61, %add3A_890 : i32
        %swap3A_892 = arith.index_cast %add3A_891 : i32 to index
        %swap3A_893 = arith.constant 16 : index
        %swap3A_894 = tpu.vector_load %arg17[%swap3A_892, %swap3A_893] {strides = array<i32>} : memref<128x64xf32, #tpu.memory_space<vmem>>, vector<1x16xf32>,
        %swap3A_895 = vector.shape_cast %swap3A_894 : vector<1x16xf32> to vector<16xf32>
        %swap3A_896 = vector.shape_cast %mul3A_889 : vector<16xf32> to vector<1x16xf32>
        tpu.vector_store %arg17[%swap3A_892, %swap3A_893], %swap3A_896 {strides = array<i32>} : memref<128x64xf32, #tpu.memory_space<vmem>>, vector<1x16xf32>,
        %add3A_897 = arith.constant 13 : i32
        %add3A_898 = arith.addi %mul3A_61, %add3A_897 : i32
        %get3A_899 = arith.index_cast %add3A_898 : i32 to index
        %get3A_900 = arith.constant 32 : index
        %get3A_901 = tpu.vector_load %arg17[%get3A_899, %get3A_900] {strides = array<i32>} : memref<128x64xf32, #tpu.memory_space<vmem>>, vector<1x16xf32>,
        %get3A_902 = vector.shape_cast %get3A_901 : vector<1x16xf32> to vector<16xf32>
        %mul3A_903 = vector.broadcast %squeeze3A_866 : f32 to vector<16xf32>
        %mul3A_904 = arith.mulf %get3A_902, %mul3A_903 : vector<16xf32>
        %add3A_905 = arith.constant 13 : i32
        %add3A_906 = arith.addi %mul3A_61, %add3A_905 : i32
        %swap3A_907 = arith.index_cast %add3A_906 : i32 to index
        %swap3A_908 = arith.constant 32 : index
        %swap3A_909 = tpu.vector_load %arg17[%swap3A_907, %swap3A_908] {strides = array<i32>} : memref<128x64xf32, #tpu.memory_space<vmem>>, vector<1x16xf32>,
        %swap3A_910 = vector.shape_cast %swap3A_909 : vector<1x16xf32> to vector<16xf32>
        %swap3A_911 = vector.shape_cast %mul3A_904 : vector<16xf32> to vector<1x16xf32>
        tpu.vector_store %arg17[%swap3A_907, %swap3A_908], %swap3A_911 {strides = array<i32>} : memref<128x64xf32, #tpu.memory_space<vmem>>, vector<1x16xf32>,
        %add3A_912 = arith.constant 13 : i32
        %add3A_913 = arith.addi %mul3A_61, %add3A_912 : i32
        %get3A_914 = arith.index_cast %add3A_913 : i32 to index
        %get3A_915 = arith.constant 48 : index
        %get3A_916 = tpu.vector_load %arg17[%get3A_914, %get3A_915] {strides = array<i32>} : memref<128x64xf32, #tpu.memory_space<vmem>>, vector<1x16xf32>,
        %get3A_917 = vector.shape_cast %get3A_916 : vector<1x16xf32> to vector<16xf32>
        %mul3A_918 = vector.broadcast %squeeze3A_866 : f32 to vector<16xf32>
        %mul3A_919 = arith.mulf %get3A_917, %mul3A_918 : vector<16xf32>
        %add3A_920 = arith.constant 13 : i32
        %add3A_921 = arith.addi %mul3A_61, %add3A_920 : i32
        %swap3A_922 = arith.index_cast %add3A_921 : i32 to index
        %swap3A_923 = arith.constant 48 : index
        %swap3A_924 = tpu.vector_load %arg17[%swap3A_922, %swap3A_923] {strides = array<i32>} : memref<128x64xf32, #tpu.memory_space<vmem>>, vector<1x16xf32>,
        %swap3A_925 = vector.shape_cast %swap3A_924 : vector<1x16xf32> to vector<16xf32>
        %swap3A_926 = vector.shape_cast %mul3A_919 : vector<16xf32> to vector<1x16xf32>
        tpu.vector_store %arg17[%swap3A_922, %swap3A_923], %swap3A_926 {strides = array<i32>} : memref<128x64xf32, #tpu.memory_space<vmem>>, vector<1x16xf32>,
        %slice3A_927 = vector.extract_strided_slice %get3A_59 {offsets = [14], sizes = [1], strides = [1]} : vector<16xf32> to vector<1xf32>
        %squeeze3A_928 = vector.extract %slice3A_927[0] : f32 from vector<1xf32>
        %add3A_929 = arith.constant 14 : i32
        %add3A_930 = arith.addi %mul3A_61, %add3A_929 : i32
        %get3A_931 = arith.index_cast %add3A_930 : i32 to index
        %get3A_932 = arith.constant 0 : index
        %get3A_933 = tpu.vector_load %arg17[%get3A_931, %get3A_932] {strides = array<i32>} : memref<128x64xf32, #tpu.memory_space<vmem>>, vector<1x16xf32>,
        %get3A_934 = vector.shape_cast %get3A_933 : vector<1x16xf32> to vector<16xf32>
        %mul3A_935 = vector.broadcast %squeeze3A_928 : f32 to vector<16xf32>
        %mul3A_936 = arith.mulf %get3A_934, %mul3A_935 : vector<16xf32>
        %add3A_937 = arith.constant 14 : i32
        %add3A_938 = arith.addi %mul3A_61, %add3A_937 : i32
        %swap3A_939 = arith.index_cast %add3A_938 : i32 to index
        %swap3A_940 = arith.constant 0 : index
        %swap3A_941 = tpu.vector_load %arg17[%swap3A_939, %swap3A_940] {strides = array<i32>} : memref<128x64xf32, #tpu.memory_space<vmem>>, vector<1x16xf32>,
        %swap3A_942 = vector.shape_cast %swap3A_941 : vector<1x16xf32> to vector<16xf32>
        %swap3A_943 = vector.shape_cast %mul3A_936 : vector<16xf32> to vector<1x16xf32>
        tpu.vector_store %arg17[%swap3A_939, %swap3A_940], %swap3A_943 {strides = array<i32>} : memref<128x64xf32, #tpu.memory_space<vmem>>, vector<1x16xf32>,
        %add3A_944 = arith.constant 14 : i32
        %add3A_945 = arith.addi %mul3A_61, %add3A_944 : i32
        %get3A_946 = arith.index_cast %add3A_945 : i32 to index
        %get3A_947 = arith.constant 16 : index
        %get3A_948 = tpu.vector_load %arg17[%get3A_946, %get3A_947] {strides = array<i32>} : memref<128x64xf32, #tpu.memory_space<vmem>>, vector<1x16xf32>,
        %get3A_949 = vector.shape_cast %get3A_948 : vector<1x16xf32> to vector<16xf32>
        %mul3A_950 = vector.broadcast %squeeze3A_928 : f32 to vector<16xf32>
        %mul3A_951 = arith.mulf %get3A_949, %mul3A_950 : vector<16xf32>
        %add3A_952 = arith.constant 14 : i32
        %add3A_953 = arith.addi %mul3A_61, %add3A_952 : i32
        %swap3A_954 = arith.index_cast %add3A_953 : i32 to index
        %swap3A_955 = arith.constant 16 : index
        %swap3A_956 = tpu.vector_load %arg17[%swap3A_954, %swap3A_955] {strides = array<i32>} : memref<128x64xf32, #tpu.memory_space<vmem>>, vector<1x16xf32>,
        %swap3A_957 = vector.shape_cast %swap3A_956 : vector<1x16xf32> to vector<16xf32>
        %swap3A_958 = vector.shape_cast %mul3A_951 : vector<16xf32> to vector<1x16xf32>
        tpu.vector_store %arg17[%swap3A_954, %swap3A_955], %swap3A_958 {strides = array<i32>} : memref<128x64xf32, #tpu.memory_space<vmem>>, vector<1x16xf32>,
        %add3A_959 = arith.constant 14 : i32
        %add3A_960 = arith.addi %mul3A_61, %add3A_959 : i32
        %get3A_961 = arith.index_cast %add3A_960 : i32 to index
        %get3A_962 = arith.constant 32 : index
        %get3A_963 = tpu.vector_load %arg17[%get3A_961, %get3A_962] {strides = array<i32>} : memref<128x64xf32, #tpu.memory_space<vmem>>, vector<1x16xf32>,
        %get3A_964 = vector.shape_cast %get3A_963 : vector<1x16xf32> to vector<16xf32>
        %mul3A_965 = vector.broadcast %squeeze3A_928 : f32 to vector<16xf32>
        %mul3A_966 = arith.mulf %get3A_964, %mul3A_965 : vector<16xf32>
        %add3A_967 = arith.constant 14 : i32
        %add3A_968 = arith.addi %mul3A_61, %add3A_967 : i32
        %swap3A_969 = arith.index_cast %add3A_968 : i32 to index
        %swap3A_970 = arith.constant 32 : index
        %swap3A_971 = tpu.vector_load %arg17[%swap3A_969, %swap3A_970] {strides = array<i32>} : memref<128x64xf32, #tpu.memory_space<vmem>>, vector<1x16xf32>,
        %swap3A_972 = vector.shape_cast %swap3A_971 : vector<1x16xf32> to vector<16xf32>
        %swap3A_973 = vector.shape_cast %mul3A_966 : vector<16xf32> to vector<1x16xf32>
        tpu.vector_store %arg17[%swap3A_969, %swap3A_970], %swap3A_973 {strides = array<i32>} : memref<128x64xf32, #tpu.memory_space<vmem>>, vector<1x16xf32>,
        %add3A_974 = arith.constant 14 : i32
        %add3A_975 = arith.addi %mul3A_61, %add3A_974 : i32
        %get3A_976 = arith.index_cast %add3A_975 : i32 to index
        %get3A_977 = arith.constant 48 : index
        %get3A_978 = tpu.vector_load %arg17[%get3A_976, %get3A_977] {strides = array<i32>} : memref<128x64xf32, #tpu.memory_space<vmem>>, vector<1x16xf32>,
        %get3A_979 = vector.shape_cast %get3A_978 : vector<1x16xf32> to vector<16xf32>
        %mul3A_980 = vector.broadcast %squeeze3A_928 : f32 to vector<16xf32>
        %mul3A_981 = arith.mulf %get3A_979, %mul3A_980 : vector<16xf32>
        %add3A_982 = arith.constant 14 : i32
        %add3A_983 = arith.addi %mul3A_61, %add3A_982 : i32
        %swap3A_984 = arith.index_cast %add3A_983 : i32 to index
        %swap3A_985 = arith.constant 48 : index
        %swap3A_986 = tpu.vector_load %arg17[%swap3A_984, %swap3A_985] {strides = array<i32>} : memref<128x64xf32, #tpu.memory_space<vmem>>, vector<1x16xf32>,
        %swap3A_987 = vector.shape_cast %swap3A_986 : vector<1x16xf32> to vector<16xf32>
        %swap3A_988 = vector.shape_cast %mul3A_981 : vector<16xf32> to vector<1x16xf32>
        tpu.vector_store %arg17[%swap3A_984, %swap3A_985], %swap3A_988 {strides = array<i32>} : memref<128x64xf32, #tpu.memory_space<vmem>>, vector<1x16xf32>,
        %slice3A_989 = vector.extract_strided_slice %get3A_59 {offsets = [15], sizes = [1], strides = [1]} : vector<16xf32> to vector<1xf32>
        %squeeze3A_990 = vector.extract %slice3A_989[0] : f32 from vector<1xf32>
        %add3A_991 = arith.constant 15 : i32
        %add3A_992 = arith.addi %mul3A_61, %add3A_991 : i32
        %get3A_993 = arith.index_cast %add3A_992 : i32 to index
        %get3A_994 = arith.constant 0 : index
        %get3A_995 = tpu.vector_load %arg17[%get3A_993, %get3A_994] {strides = array<i32>} : memref<128x64xf32, #tpu.memory_space<vmem>>, vector<1x16xf32>,
        %get3A_996 = vector.shape_cast %get3A_995 : vector<1x16xf32> to vector<16xf32>
        %mul3A_997 = vector.broadcast %squeeze3A_990 : f32 to vector<16xf32>
        %mul3A_998 = arith.mulf %get3A_996, %mul3A_997 : vector<16xf32>
        %add3A_999 = arith.constant 15 : i32
        %add3A_1000 = arith.addi %mul3A_61, %add3A_999 : i32
        %swap3A_1001 = arith.index_cast %add3A_1000 : i32 to index
        %swap3A_1002 = arith.constant 0 : index
        %swap3A_1003 = tpu.vector_load %arg17[%swap3A_1001, %swap3A_1002] {strides = array<i32>} : memref<128x64xf32, #tpu.memory_space<vmem>>, vector<1x16xf32>,
        %swap3A_1004 = vector.shape_cast %swap3A_1003 : vector<1x16xf32> to vector<16xf32>
        %swap3A_1005 = vector.shape_cast %mul3A_998 : vector<16xf32> to vector<1x16xf32>
        tpu.vector_store %arg17[%swap3A_1001, %swap3A_1002], %swap3A_1005 {strides = array<i32>} : memref<128x64xf32, #tpu.memory_space<vmem>>, vector<1x16xf32>,
        %add3A_1006 = arith.constant 15 : i32
        %add3A_1007 = arith.addi %mul3A_61, %add3A_1006 : i32
        %get3A_1008 = arith.index_cast %add3A_1007 : i32 to index
        %get3A_1009 = arith.constant 16 : index
        %get3A_1010 = tpu.vector_load %arg17[%get3A_1008, %get3A_1009] {strides = array<i32>} : memref<128x64xf32, #tpu.memory_space<vmem>>, vector<1x16xf32>,
        %get3A_1011 = vector.shape_cast %get3A_1010 : vector<1x16xf32> to vector<16xf32>
        %mul3A_1012 = vector.broadcast %squeeze3A_990 : f32 to vector<16xf32>
        %mul3A_1013 = arith.mulf %get3A_1011, %mul3A_1012 : vector<16xf32>
        %add3A_1014 = arith.constant 15 : i32
        %add3A_1015 = arith.addi %mul3A_61, %add3A_1014 : i32
        %swap3A_1016 = arith.index_cast %add3A_1015 : i32 to index
        %swap3A_1017 = arith.constant 16 : index
        %swap3A_1018 = tpu.vector_load %arg17[%swap3A_1016, %swap3A_1017] {strides = array<i32>} : memref<128x64xf32, #tpu.memory_space<vmem>>, vector<1x16xf32>,
        %swap3A_1019 = vector.shape_cast %swap3A_1018 : vector<1x16xf32> to vector<16xf32>
        %swap3A_1020 = vector.shape_cast %mul3A_1013 : vector<16xf32> to vector<1x16xf32>
        tpu.vector_store %arg17[%swap3A_1016, %swap3A_1017], %swap3A_1020 {strides = array<i32>} : memref<128x64xf32, #tpu.memory_space<vmem>>, vector<1x16xf32>,
        %add3A_1021 = arith.constant 15 : i32
        %add3A_1022 = arith.addi %mul3A_61, %add3A_1021 : i32
        %get3A_1023 = arith.index_cast %add3A_1022 : i32 to index
        %get3A_1024 = arith.constant 32 : index
        %get3A_1025 = tpu.vector_load %arg17[%get3A_1023, %get3A_1024] {strides = array<i32>} : memref<128x64xf32, #tpu.memory_space<vmem>>, vector<1x16xf32>,
        %get3A_1026 = vector.shape_cast %get3A_1025 : vector<1x16xf32> to vector<16xf32>
        %mul3A_1027 = vector.broadcast %squeeze3A_990 : f32 to vector<16xf32>
        %mul3A_1028 = arith.mulf %get3A_1026, %mul3A_1027 : vector<16xf32>
        %add3A_1029 = arith.constant 15 : i32
        %add3A_1030 = arith.addi %mul3A_61, %add3A_1029 : i32
        %swap3A_1031 = arith.index_cast %add3A_1030 : i32 to index
        %swap3A_1032 = arith.constant 32 : index
        %swap3A_1033 = tpu.vector_load %arg17[%swap3A_1031, %swap3A_1032] {strides = array<i32>} : memref<128x64xf32, #tpu.memory_space<vmem>>, vector<1x16xf32>,
        %swap3A_1034 = vector.shape_cast %swap3A_1033 : vector<1x16xf32> to vector<16xf32>
        %swap3A_1035 = vector.shape_cast %mul3A_1028 : vector<16xf32> to vector<1x16xf32>
        tpu.vector_store %arg17[%swap3A_1031, %swap3A_1032], %swap3A_1035 {strides = array<i32>} : memref<128x64xf32, #tpu.memory_space<vmem>>, vector<1x16xf32>,
        %add3A_1036 = arith.constant 15 : i32
        %add3A_1037 = arith.addi %mul3A_61, %add3A_1036 : i32
        %get3A_1038 = arith.index_cast %add3A_1037 : i32 to index
        %get3A_1039 = arith.constant 48 : index
        %get3A_1040 = tpu.vector_load %arg17[%get3A_1038, %get3A_1039] {strides = array<i32>} : memref<128x64xf32, #tpu.memory_space<vmem>>, vector<1x16xf32>,
        %get3A_1041 = vector.shape_cast %get3A_1040 : vector<1x16xf32> to vector<16xf32>
        %mul3A_1042 = vector.broadcast %squeeze3A_990 : f32 to vector<16xf32>
        %mul3A_1043 = arith.mulf %get3A_1041, %mul3A_1042 : vector<16xf32>
        %add3A_1044 = arith.constant 15 : i32
        %add3A_1045 = arith.addi %mul3A_61, %add3A_1044 : i32
        %swap3A_1046 = arith.index_cast %add3A_1045 : i32 to index
        %swap3A_1047 = arith.constant 48 : index
        %swap3A_1048 = tpu.vector_load %arg17[%swap3A_1046, %swap3A_1047] {strides = array<i32>} : memref<128x64xf32, #tpu.memory_space<vmem>>, vector<1x16xf32>,
        %swap3A_1049 = vector.shape_cast %swap3A_1048 : vector<1x16xf32> to vector<16xf32>
        %swap3A_1050 = vector.shape_cast %mul3A_1043 : vector<16xf32> to vector<1x16xf32>
        tpu.vector_store %arg17[%swap3A_1046, %swap3A_1047], %swap3A_1050 {strides = array<i32>} : memref<128x64xf32, #tpu.memory_space<vmem>>, vector<1x16xf32>,
        %scan3A_1051 = arith.constant 0 : i32
        scf.yield %scan3A_1051 : i32
      }
      %scan3A_51 = arith.constant 8 : i32
      "tpu.region"() ({
        %run_scoped3A = tpu.sem_alloc : memref<!tpu.dma_semaphore, #tpu.memory_space<semaphore_mem>>
        %dma_start3A_53 = arith.constant 0 : i32
        %dma_start3A_54 = tpu.memref_slice %arg15[%scan3A_33, %dma_start3A_53] : memref<42x128xi32, #tpu.memory_space<vmem>> -> memref<1x128xi32, #tpu.memory_space<vmem>>
        %dma_start3A_55 = tpu.memref_squeeze %dma_start3A_54 : memref<1x128xi32, #tpu.memory_space<vmem>> -> memref<128xi32, #tpu.memory_space<vmem>>
        %dma_start3A_56 = arith.constant 0 : i32
        %dma_start3A_57 = arith.constant 0 : i32
        %dma_start3A_58 = tpu.memref_slice %arg12[%dma_start3A_56, %dma_start3A_57] : memref<4096x64xf32, #tpu.memory_space<vmem_shared>> -> memref<4096x64xf32, #tpu.memory_space<vmem_shared>>
        tpu.enqueue_indirect_dma source(%arg17 : memref<128x64xf32, #tpu.memory_space<vmem>>) target(%dma_start3A_58 : memref<4096x64xf32, #tpu.memory_space<vmem_shared>>) offsets(%dma_start3A_55 : memref<128xi32, #tpu.memory_space<vmem>>) semaphore(%run_scoped3A : memref<!tpu.dma_semaphore, #tpu.memory_space<semaphore_mem>>) {add = true}
        %dma_wait3A_59 = arith.constant 0 : i32
        %dma_wait3A_60 = tpu.memref_slice %arg15[%scan3A_33, %dma_wait3A_59] : memref<42x128xi32, #tpu.memory_space<vmem>> -> memref<1x128xi32, #tpu.memory_space<vmem>>
        %dma_wait3A_61 = tpu.memref_squeeze %dma_wait3A_60 : memref<1x128xi32, #tpu.memory_space<vmem>> -> memref<128xi32, #tpu.memory_space<vmem>>
        %dma_wait3A_62 = arith.constant 0 : i32
        %dma_wait3A_63 = arith.constant 0 : i32
        %dma_wait3A_64 = tpu.memref_slice %arg12[%dma_wait3A_62, %dma_wait3A_63] : memref<4096x64xf32, #tpu.memory_space<vmem_shared>> -> memref<4096x64xf32, #tpu.memory_space<vmem_shared>>
        tpu.wait_indirect_dma semaphore(%run_scoped3A : memref<!tpu.dma_semaphore, #tpu.memory_space<semaphore_mem>>) src(%arg17 : memref<128x64xf32, #tpu.memory_space<vmem>>) dst(%dma_wait3A_64 : memref<4096x64xf32, #tpu.memory_space<vmem_shared>>)
        tpu.yield
      }) : () -> ()
      %scan3A_52 = arith.constant 0 : i32
      scf.yield %scan3A_52 : i32
    }
    %scan3A_24 = arith.constant 41 : i32
    "tpu.region"() ({
      %run_scoped3A = tpu.sem_alloc : memref<!tpu.dma_semaphore, #tpu.memory_space<semaphore_mem>>
      %dma_start3A = arith.constant 0 : i32
      %dma_start3A_33 = arith.constant 0 : i32
      %dma_start3A_34 = tpu.memref_slice %arg7[%add3A, %dma_start3A, %dma_start3A_33] : memref<32x42x128xi32, #tpu.memory_space<hbm>> -> memref<1x42x128xi32, #tpu.memory_space<hbm>>
      %dma_start3A_35 = tpu.memref_squeeze %dma_start3A_34 : memref<1x42x128xi32, #tpu.memory_space<hbm>> -> memref<42x128xi32, #tpu.memory_space<hbm>>
      %dma_start3A_36 = arith.constant 0 : i32
      %dma_start3A_37 = arith.constant 0 : i32
      %dma_start3A_38 = tpu.memref_slice %arg7[%add3A, %dma_start3A_36, %dma_start3A_37] : memref<32x42x128xi32, #tpu.memory_space<hbm>> -> memref<1x42x128xi32, #tpu.memory_space<hbm>>
      %dma_start3A_39 = tpu.memref_squeeze %dma_start3A_38 : memref<1x42x128xi32, #tpu.memory_space<hbm>> -> memref<42x128xi32, #tpu.memory_space<hbm>>
      tpu.enqueue_dma source(%dma_start3A_39 : memref<42x128xi32, #tpu.memory_space<hbm>>) target(%arg14 : memref<42x128xi32, #tpu.memory_space<vmem>>) target_semaphore(%run_scoped3A : memref<!tpu.dma_semaphore, #tpu.memory_space<semaphore_mem>>)
      %dma_wait3A = arith.constant 0 : i32
      %dma_wait3A_40 = arith.constant 0 : i32
      %dma_wait3A_41 = tpu.memref_slice %arg7[%add3A, %dma_wait3A, %dma_wait3A_40] : memref<32x42x128xi32, #tpu.memory_space<hbm>> -> memref<1x42x128xi32, #tpu.memory_space<hbm>>
      %dma_wait3A_42 = tpu.memref_squeeze %dma_wait3A_41 : memref<1x42x128xi32, #tpu.memory_space<hbm>> -> memref<42x128xi32, #tpu.memory_space<hbm>>
      %dma_wait3A_43 = arith.constant 0 : i32
      %dma_wait3A_44 = arith.constant 0 : i32
      %dma_wait3A_45 = tpu.memref_slice %arg7[%add3A, %dma_wait3A_43, %dma_wait3A_44] : memref<32x42x128xi32, #tpu.memory_space<hbm>> -> memref<1x42x128xi32, #tpu.memory_space<hbm>>
      %dma_wait3A_46 = tpu.memref_squeeze %dma_wait3A_45 : memref<1x42x128xi32, #tpu.memory_space<hbm>> -> memref<42x128xi32, #tpu.memory_space<hbm>>
      tpu.wait_dma2 semaphore(%run_scoped3A : memref<!tpu.dma_semaphore, #tpu.memory_space<semaphore_mem>>) src(%dma_wait3A_46 : memref<42x128xi32, #tpu.memory_space<hbm>>) dst(%arg14 : memref<42x128xi32, #tpu.memory_space<vmem>>)
      tpu.yield
    }) : () -> ()
    "tpu.region"() ({
      %run_scoped3A = tpu.sem_alloc : memref<!tpu.dma_semaphore, #tpu.memory_space<semaphore_mem>>
      %dma_start3A = arith.constant 0 : i32
      %dma_start3A_33 = arith.constant 0 : i32
      %dma_start3A_34 = tpu.memref_slice %arg8[%add3A, %dma_start3A, %dma_start3A_33] : memref<32x42x128xi32, #tpu.memory_space<hbm>> -> memref<1x42x128xi32, #tpu.memory_space<hbm>>
      %dma_start3A_35 = tpu.memref_squeeze %dma_start3A_34 : memref<1x42x128xi32, #tpu.memory_space<hbm>> -> memref<42x128xi32, #tpu.memory_space<hbm>>
      %dma_start3A_36 = arith.constant 0 : i32
      %dma_start3A_37 = arith.constant 0 : i32
      %dma_start3A_38 = tpu.memref_slice %arg8[%add3A, %dma_start3A_36, %dma_start3A_37] : memref<32x42x128xi32, #tpu.memory_space<hbm>> -> memref<1x42x128xi32, #tpu.memory_space<hbm>>
      %dma_start3A_39 = tpu.memref_squeeze %dma_start3A_38 : memref<1x42x128xi32, #tpu.memory_space<hbm>> -> memref<42x128xi32, #tpu.memory_space<hbm>>
      tpu.enqueue_dma source(%dma_start3A_39 : memref<42x128xi32, #tpu.memory_space<hbm>>) target(%arg15 : memref<42x128xi32, #tpu.memory_space<vmem>>) target_semaphore(%run_scoped3A : memref<!tpu.dma_semaphore, #tpu.memory_space<semaphore_mem>>)
      %dma_wait3A = arith.constant 0 : i32
      %dma_wait3A_40 = arith.constant 0 : i32
      %dma_wait3A_41 = tpu.memref_slice %arg8[%add3A, %dma_wait3A, %dma_wait3A_40] : memref<32x42x128xi32, #tpu.memory_space<hbm>> -> memref<1x42x128xi32, #tpu.memory_space<hbm>>
      %dma_wait3A_42 = tpu.memref_squeeze %dma_wait3A_41 : memref<1x42x128xi32, #tpu.memory_space<hbm>> -> memref<42x128xi32, #tpu.memory_space<hbm>>
      %dma_wait3A_43 = arith.constant 0 : i32
      %dma_wait3A_44 = arith.constant 0 : i32
      %dma_wait3A_45 = tpu.memref_slice %arg8[%add3A, %dma_wait3A_43, %dma_wait3A_44] : memref<32x42x128xi32, #tpu.memory_space<hbm>> -> memref<1x42x128xi32, #tpu.memory_space<hbm>>
      %dma_wait3A_46 = tpu.memref_squeeze %dma_wait3A_45 : memref<1x42x128xi32, #tpu.memory_space<hbm>> -> memref<42x128xi32, #tpu.memory_space<hbm>>
      tpu.wait_dma2 semaphore(%run_scoped3A : memref<!tpu.dma_semaphore, #tpu.memory_space<semaphore_mem>>) src(%dma_wait3A_46 : memref<42x128xi32, #tpu.memory_space<hbm>>) dst(%arg15 : memref<42x128xi32, #tpu.memory_space<vmem>>)
      tpu.yield
    }) : () -> ()
    "tpu.region"() ({
      %run_scoped3A = tpu.sem_alloc : memref<!tpu.dma_semaphore, #tpu.memory_space<semaphore_mem>>
      %dma_start3A = arith.constant 0 : i32
      %dma_start3A_33 = arith.constant 0 : i32
      %dma_start3A_34 = tpu.memref_slice %arg9[%add3A, %dma_start3A, %dma_start3A_33] : memref<32x42x128xf32, #tpu.memory_space<hbm>> -> memref<1x42x128xf32, #tpu.memory_space<hbm>>
      %dma_start3A_35 = tpu.memref_squeeze %dma_start3A_34 : memref<1x42x128xf32, #tpu.memory_space<hbm>> -> memref<42x128xf32, #tpu.memory_space<hbm>>
      %dma_start3A_36 = arith.constant 0 : i32
      %dma_start3A_37 = arith.constant 0 : i32
      %dma_start3A_38 = tpu.memref_slice %arg9[%add3A, %dma_start3A_36, %dma_start3A_37] : memref<32x42x128xf32, #tpu.memory_space<hbm>> -> memref<1x42x128xf32, #tpu.memory_space<hbm>>
      %dma_start3A_39 = tpu.memref_squeeze %dma_start3A_38 : memref<1x42x128xf32, #tpu.memory_space<hbm>> -> memref<42x128xf32, #tpu.memory_space<hbm>>
      tpu.enqueue_dma source(%dma_start3A_39 : memref<42x128xf32, #tpu.memory_space<hbm>>) target(%arg16 : memref<42x128xf32, #tpu.memory_space<vmem>>) target_semaphore(%run_scoped3A : memref<!tpu.dma_semaphore, #tpu.memory_space<semaphore_mem>>)
      %dma_wait3A = arith.constant 0 : i32
      %dma_wait3A_40 = arith.constant 0 : i32
      %dma_wait3A_41 = tpu.memref_slice %arg9[%add3A, %dma_wait3A, %dma_wait3A_40] : memref<32x42x128xf32, #tpu.memory_space<hbm>> -> memref<1x42x128xf32, #tpu.memory_space<hbm>>
      %dma_wait3A_42 = tpu.memref_squeeze %dma_wait3A_41 : memref<1x42x128xf32, #tpu.memory_space<hbm>> -> memref<42x128xf32, #tpu.memory_space<hbm>>
      %dma_wait3A_43 = arith.constant 0 : i32
      %dma_wait3A_44 = arith.constant 0 : i32
      %dma_wait3A_45 = tpu.memref_slice %arg9[%add3A, %dma_wait3A_43, %dma_wait3A_44] : memref<32x42x128xf32, #tpu.memory_space<hbm>> -> memref<1x42x128xf32, #tpu.memory_space<hbm>>
      %dma_wait3A_46 = tpu.memref_squeeze %dma_wait3A_45 : memref<1x42x128xf32, #tpu.memory_space<hbm>> -> memref<42x128xf32, #tpu.memory_space<hbm>>
      tpu.wait_dma2 semaphore(%run_scoped3A : memref<!tpu.dma_semaphore, #tpu.memory_space<semaphore_mem>>) src(%dma_wait3A_46 : memref<42x128xf32, #tpu.memory_space<hbm>>) dst(%arg16 : memref<42x128xf32, #tpu.memory_space<vmem>>)
      tpu.yield
    }) : () -> ()
    %scan3A_25 = arith.constant 0 : i32
    %scan3A_26 = arith.constant 0 : i32
    %scan3A_27 = arith.constant 41 : i32
    %scan3A_28 = arith.addi %scan3A_26, %scan3A_27 : i32
    %scan3A_29 = arith.constant 1 : i32
    %scan3A_30 = scf.for %scan3A_33 = %scan3A_26 to %scan3A_28 step %scan3A_29 iter_args(%scan3A_34 = %scan3A_25) -> (i32)  : i32 {
      %dma_start3A = arith.constant 0 : i32
      %dma_start3A_35 = tpu.memref_slice %arg14[%scan3A_33, %dma_start3A] : memref<42x128xi32, #tpu.memory_space<vmem>> -> memref<1x128xi32, #tpu.memory_space<vmem>>
      %dma_start3A_36 = tpu.memref_squeeze %dma_start3A_35 : memref<1x128xi32, #tpu.memory_space<vmem>> -> memref<128xi32, #tpu.memory_space<vmem>>
      %dma_start3A_37 = arith.constant 0 : i32
      %dma_start3A_38 = arith.constant 0 : i32
      %dma_start3A_39 = tpu.memref_slice %arg3[%dma_start3A_37, %dma_start3A_38] : memref<4096x64xf32, #tpu.memory_space<hbm>> -> memref<4096x64xf32, #tpu.memory_space<hbm>>
      tpu.enqueue_indirect_dma source(%dma_start3A_39 : memref<4096x64xf32, #tpu.memory_space<hbm>>) target(%arg17 : memref<128x64xf32, #tpu.memory_space<vmem>>) offsets(%dma_start3A_36 : memref<128xi32, #tpu.memory_space<vmem>>) semaphore(%arg20 : memref<!tpu.dma_semaphore, #tpu.memory_space<semaphore_mem>>)
      %dma_wait3A = arith.constant 0 : i32
      %dma_wait3A_40 = tpu.memref_slice %arg14[%scan3A_33, %dma_wait3A] : memref<42x128xi32, #tpu.memory_space<vmem>> -> memref<1x128xi32, #tpu.memory_space<vmem>>
      %dma_wait3A_41 = tpu.memref_squeeze %dma_wait3A_40 : memref<1x128xi32, #tpu.memory_space<vmem>> -> memref<128xi32, #tpu.memory_space<vmem>>
      %dma_wait3A_42 = arith.constant 0 : i32
      %dma_wait3A_43 = arith.constant 0 : i32
      %dma_wait3A_44 = tpu.memref_slice %arg3[%dma_wait3A_42, %dma_wait3A_43] : memref<4096x64xf32, #tpu.memory_space<hbm>> -> memref<4096x64xf32, #tpu.memory_space<hbm>>
      tpu.wait_indirect_dma semaphore(%arg20 : memref<!tpu.dma_semaphore, #tpu.memory_space<semaphore_mem>>) src(%dma_wait3A_44 : memref<4096x64xf32, #tpu.memory_space<hbm>>) dst(%arg17 : memref<128x64xf32, #tpu.memory_space<vmem>>)
      %scan3A_45 = arith.constant 0 : i32
      %scan3A_46 = arith.constant 0 : i32
      %scan3A_47 = arith.constant 8 : i32
      %scan3A_48 = arith.addi %scan3A_46, %scan3A_47 : i32
      %scan3A_49 = arith.constant 1 : i32
      %scan3A_50 = scf.for %scan3A_53 = %scan3A_46 to %scan3A_48 step %scan3A_49 iter_args(%scan3A_54 = %scan3A_45) -> (i32)  : i32 {
        %mul3A_55 = arith.constant 16 : i32
        %mul3A_56 = arith.muli %mul3A_55, %scan3A_53 : i32
        %get3A = arith.index_cast %scan3A_33 : i32 to index
        %get3A_57 = arith.index_cast %mul3A_56 : i32 to index
        %get3A_58 = tpu.vector_load %arg16[%get3A, %get3A_57] {strides = array<i32>} : memref<42x128xf32, #tpu.memory_space<vmem>>, vector<1x16xf32>,
        %get3A_59 = vector.shape_cast %get3A_58 : vector<1x16xf32> to vector<16xf32>
        %mul3A_60 = arith.constant 16 : i32
        %mul3A_61 = arith.muli %mul3A_60, %scan3A_53 : i32
        %slice3A = vector.extract_strided_slice %get3A_59 {offsets = [0], sizes = [1], strides = [1]} : vector<16xf32> to vector<1xf32>
        %squeeze3A = vector.extract %slice3A[0] : f32 from vector<1xf32>
        %add3A_62 = arith.constant 0 : i32
        %add3A_63 = arith.addi %mul3A_61, %add3A_62 : i32
        %get3A_64 = arith.index_cast %add3A_63 : i32 to index
        %get3A_65 = arith.constant 0 : index
        %get3A_66 = tpu.vector_load %arg17[%get3A_64, %get3A_65] {strides = array<i32>} : memref<128x64xf32, #tpu.memory_space<vmem>>, vector<1x16xf32>,
        %get3A_67 = vector.shape_cast %get3A_66 : vector<1x16xf32> to vector<16xf32>
        %mul3A_68 = vector.broadcast %squeeze3A : f32 to vector<16xf32>
        %mul3A_69 = arith.mulf %get3A_67, %mul3A_68 : vector<16xf32>
        %add3A_70 = arith.constant 0 : i32
        %add3A_71 = arith.addi %mul3A_61, %add3A_70 : i32
        %swap3A = arith.index_cast %add3A_71 : i32 to index
        %swap3A_72 = arith.constant 0 : index
        %swap3A_73 = tpu.vector_load %arg17[%swap3A, %swap3A_72] {strides = array<i32>} : memref<128x64xf32, #tpu.memory_space<vmem>>, vector<1x16xf32>,
        %swap3A_74 = vector.shape_cast %swap3A_73 : vector<1x16xf32> to vector<16xf32>
        %swap3A_75 = vector.shape_cast %mul3A_69 : vector<16xf32> to vector<1x16xf32>
        tpu.vector_store %arg17[%swap3A, %swap3A_72], %swap3A_75 {strides = array<i32>} : memref<128x64xf32, #tpu.memory_space<vmem>>, vector<1x16xf32>,
        %add3A_76 = arith.constant 0 : i32
        %add3A_77 = arith.addi %mul3A_61, %add3A_76 : i32
        %get3A_78 = arith.index_cast %add3A_77 : i32 to index
        %get3A_79 = arith.constant 16 : index
        %get3A_80 = tpu.vector_load %arg17[%get3A_78, %get3A_79] {strides = array<i32>} : memref<128x64xf32, #tpu.memory_space<vmem>>, vector<1x16xf32>,
        %get3A_81 = vector.shape_cast %get3A_80 : vector<1x16xf32> to vector<16xf32>
        %mul3A_82 = vector.broadcast %squeeze3A : f32 to vector<16xf32>
        %mul3A_83 = arith.mulf %get3A_81, %mul3A_82 : vector<16xf32>
        %add3A_84 = arith.constant 0 : i32
        %add3A_85 = arith.addi %mul3A_61, %add3A_84 : i32
        %swap3A_86 = arith.index_cast %add3A_85 : i32 to index
        %swap3A_87 = arith.constant 16 : index
        %swap3A_88 = tpu.vector_load %arg17[%swap3A_86, %swap3A_87] {strides = array<i32>} : memref<128x64xf32, #tpu.memory_space<vmem>>, vector<1x16xf32>,
        %swap3A_89 = vector.shape_cast %swap3A_88 : vector<1x16xf32> to vector<16xf32>
        %swap3A_90 = vector.shape_cast %mul3A_83 : vector<16xf32> to vector<1x16xf32>
        tpu.vector_store %arg17[%swap3A_86, %swap3A_87], %swap3A_90 {strides = array<i32>} : memref<128x64xf32, #tpu.memory_space<vmem>>, vector<1x16xf32>,
        %add3A_91 = arith.constant 0 : i32
        %add3A_92 = arith.addi %mul3A_61, %add3A_91 : i32
        %get3A_93 = arith.index_cast %add3A_92 : i32 to index
        %get3A_94 = arith.constant 32 : index
        %get3A_95 = tpu.vector_load %arg17[%get3A_93, %get3A_94] {strides = array<i32>} : memref<128x64xf32, #tpu.memory_space<vmem>>, vector<1x16xf32>,
        %get3A_96 = vector.shape_cast %get3A_95 : vector<1x16xf32> to vector<16xf32>
        %mul3A_97 = vector.broadcast %squeeze3A : f32 to vector<16xf32>
        %mul3A_98 = arith.mulf %get3A_96, %mul3A_97 : vector<16xf32>
        %add3A_99 = arith.constant 0 : i32
        %add3A_100 = arith.addi %mul3A_61, %add3A_99 : i32
        %swap3A_101 = arith.index_cast %add3A_100 : i32 to index
        %swap3A_102 = arith.constant 32 : index
        %swap3A_103 = tpu.vector_load %arg17[%swap3A_101, %swap3A_102] {strides = array<i32>} : memref<128x64xf32, #tpu.memory_space<vmem>>, vector<1x16xf32>,
        %swap3A_104 = vector.shape_cast %swap3A_103 : vector<1x16xf32> to vector<16xf32>
        %swap3A_105 = vector.shape_cast %mul3A_98 : vector<16xf32> to vector<1x16xf32>
        tpu.vector_store %arg17[%swap3A_101, %swap3A_102], %swap3A_105 {strides = array<i32>} : memref<128x64xf32, #tpu.memory_space<vmem>>, vector<1x16xf32>,
        %add3A_106 = arith.constant 0 : i32
        %add3A_107 = arith.addi %mul3A_61, %add3A_106 : i32
        %get3A_108 = arith.index_cast %add3A_107 : i32 to index
        %get3A_109 = arith.constant 48 : index
        %get3A_110 = tpu.vector_load %arg17[%get3A_108, %get3A_109] {strides = array<i32>} : memref<128x64xf32, #tpu.memory_space<vmem>>, vector<1x16xf32>,
        %get3A_111 = vector.shape_cast %get3A_110 : vector<1x16xf32> to vector<16xf32>
        %mul3A_112 = vector.broadcast %squeeze3A : f32 to vector<16xf32>
        %mul3A_113 = arith.mulf %get3A_111, %mul3A_112 : vector<16xf32>
        %add3A_114 = arith.constant 0 : i32
        %add3A_115 = arith.addi %mul3A_61, %add3A_114 : i32
        %swap3A_116 = arith.index_cast %add3A_115 : i32 to index
        %swap3A_117 = arith.constant 48 : index
        %swap3A_118 = tpu.vector_load %arg17[%swap3A_116, %swap3A_117] {strides = array<i32>} : memref<128x64xf32, #tpu.memory_space<vmem>>, vector<1x16xf32>,
        %swap3A_119 = vector.shape_cast %swap3A_118 : vector<1x16xf32> to vector<16xf32>
        %swap3A_120 = vector.shape_cast %mul3A_113 : vector<16xf32> to vector<1x16xf32>
        tpu.vector_store %arg17[%swap3A_116, %swap3A_117], %swap3A_120 {strides = array<i32>} : memref<128x64xf32, #tpu.memory_space<vmem>>, vector<1x16xf32>,
        %slice3A_121 = vector.extract_strided_slice %get3A_59 {offsets = [1], sizes = [1], strides = [1]} : vector<16xf32> to vector<1xf32>
        %squeeze3A_122 = vector.extract %slice3A_121[0] : f32 from vector<1xf32>
        %add3A_123 = arith.constant 1 : i32
        %add3A_124 = arith.addi %mul3A_61, %add3A_123 : i32
        %get3A_125 = arith.index_cast %add3A_124 : i32 to index
        %get3A_126 = arith.constant 0 : index
        %get3A_127 = tpu.vector_load %arg17[%get3A_125, %get3A_126] {strides = array<i32>} : memref<128x64xf32, #tpu.memory_space<vmem>>, vector<1x16xf32>,
        %get3A_128 = vector.shape_cast %get3A_127 : vector<1x16xf32> to vector<16xf32>
        %mul3A_129 = vector.broadcast %squeeze3A_122 : f32 to vector<16xf32>
        %mul3A_130 = arith.mulf %get3A_128, %mul3A_129 : vector<16xf32>
        %add3A_131 = arith.constant 1 : i32
        %add3A_132 = arith.addi %mul3A_61, %add3A_131 : i32
        %swap3A_133 = arith.index_cast %add3A_132 : i32 to index
        %swap3A_134 = arith.constant 0 : index
        %swap3A_135 = tpu.vector_load %arg17[%swap3A_133, %swap3A_134] {strides = array<i32>} : memref<128x64xf32, #tpu.memory_space<vmem>>, vector<1x16xf32>,
        %swap3A_136 = vector.shape_cast %swap3A_135 : vector<1x16xf32> to vector<16xf32>
        %swap3A_137 = vector.shape_cast %mul3A_130 : vector<16xf32> to vector<1x16xf32>
        tpu.vector_store %arg17[%swap3A_133, %swap3A_134], %swap3A_137 {strides = array<i32>} : memref<128x64xf32, #tpu.memory_space<vmem>>, vector<1x16xf32>,
        %add3A_138 = arith.constant 1 : i32
        %add3A_139 = arith.addi %mul3A_61, %add3A_138 : i32
        %get3A_140 = arith.index_cast %add3A_139 : i32 to index
        %get3A_141 = arith.constant 16 : index
        %get3A_142 = tpu.vector_load %arg17[%get3A_140, %get3A_141] {strides = array<i32>} : memref<128x64xf32, #tpu.memory_space<vmem>>, vector<1x16xf32>,
        %get3A_143 = vector.shape_cast %get3A_142 : vector<1x16xf32> to vector<16xf32>
        %mul3A_144 = vector.broadcast %squeeze3A_122 : f32 to vector<16xf32>
        %mul3A_145 = arith.mulf %get3A_143, %mul3A_144 : vector<16xf32>
        %add3A_146 = arith.constant 1 : i32
        %add3A_147 = arith.addi %mul3A_61, %add3A_146 : i32
        %swap3A_148 = arith.index_cast %add3A_147 : i32 to index
        %swap3A_149 = arith.constant 16 : index
        %swap3A_150 = tpu.vector_load %arg17[%swap3A_148, %swap3A_149] {strides = array<i32>} : memref<128x64xf32, #tpu.memory_space<vmem>>, vector<1x16xf32>,
        %swap3A_151 = vector.shape_cast %swap3A_150 : vector<1x16xf32> to vector<16xf32>
        %swap3A_152 = vector.shape_cast %mul3A_145 : vector<16xf32> to vector<1x16xf32>
        tpu.vector_store %arg17[%swap3A_148, %swap3A_149], %swap3A_152 {strides = array<i32>} : memref<128x64xf32, #tpu.memory_space<vmem>>, vector<1x16xf32>,
        %add3A_153 = arith.constant 1 : i32
        %add3A_154 = arith.addi %mul3A_61, %add3A_153 : i32
        %get3A_155 = arith.index_cast %add3A_154 : i32 to index
        %get3A_156 = arith.constant 32 : index
        %get3A_157 = tpu.vector_load %arg17[%get3A_155, %get3A_156] {strides = array<i32>} : memref<128x64xf32, #tpu.memory_space<vmem>>, vector<1x16xf32>,
        %get3A_158 = vector.shape_cast %get3A_157 : vector<1x16xf32> to vector<16xf32>
        %mul3A_159 = vector.broadcast %squeeze3A_122 : f32 to vector<16xf32>
        %mul3A_160 = arith.mulf %get3A_158, %mul3A_159 : vector<16xf32>
        %add3A_161 = arith.constant 1 : i32
        %add3A_162 = arith.addi %mul3A_61, %add3A_161 : i32
        %swap3A_163 = arith.index_cast %add3A_162 : i32 to index
        %swap3A_164 = arith.constant 32 : index
        %swap3A_165 = tpu.vector_load %arg17[%swap3A_163, %swap3A_164] {strides = array<i32>} : memref<128x64xf32, #tpu.memory_space<vmem>>, vector<1x16xf32>,
        %swap3A_166 = vector.shape_cast %swap3A_165 : vector<1x16xf32> to vector<16xf32>
        %swap3A_167 = vector.shape_cast %mul3A_160 : vector<16xf32> to vector<1x16xf32>
        tpu.vector_store %arg17[%swap3A_163, %swap3A_164], %swap3A_167 {strides = array<i32>} : memref<128x64xf32, #tpu.memory_space<vmem>>, vector<1x16xf32>,
        %add3A_168 = arith.constant 1 : i32
        %add3A_169 = arith.addi %mul3A_61, %add3A_168 : i32
        %get3A_170 = arith.index_cast %add3A_169 : i32 to index
        %get3A_171 = arith.constant 48 : index
        %get3A_172 = tpu.vector_load %arg17[%get3A_170, %get3A_171] {strides = array<i32>} : memref<128x64xf32, #tpu.memory_space<vmem>>, vector<1x16xf32>,
        %get3A_173 = vector.shape_cast %get3A_172 : vector<1x16xf32> to vector<16xf32>
        %mul3A_174 = vector.broadcast %squeeze3A_122 : f32 to vector<16xf32>
        %mul3A_175 = arith.mulf %get3A_173, %mul3A_174 : vector<16xf32>
        %add3A_176 = arith.constant 1 : i32
        %add3A_177 = arith.addi %mul3A_61, %add3A_176 : i32
        %swap3A_178 = arith.index_cast %add3A_177 : i32 to index
        %swap3A_179 = arith.constant 48 : index
        %swap3A_180 = tpu.vector_load %arg17[%swap3A_178, %swap3A_179] {strides = array<i32>} : memref<128x64xf32, #tpu.memory_space<vmem>>, vector<1x16xf32>,
        %swap3A_181 = vector.shape_cast %swap3A_180 : vector<1x16xf32> to vector<16xf32>
        %swap3A_182 = vector.shape_cast %mul3A_175 : vector<16xf32> to vector<1x16xf32>
        tpu.vector_store %arg17[%swap3A_178, %swap3A_179], %swap3A_182 {strides = array<i32>} : memref<128x64xf32, #tpu.memory_space<vmem>>, vector<1x16xf32>,
        %slice3A_183 = vector.extract_strided_slice %get3A_59 {offsets = [2], sizes = [1], strides = [1]} : vector<16xf32> to vector<1xf32>
        %squeeze3A_184 = vector.extract %slice3A_183[0] : f32 from vector<1xf32>
        %add3A_185 = arith.constant 2 : i32
        %add3A_186 = arith.addi %mul3A_61, %add3A_185 : i32
        %get3A_187 = arith.index_cast %add3A_186 : i32 to index
        %get3A_188 = arith.constant 0 : index
        %get3A_189 = tpu.vector_load %arg17[%get3A_187, %get3A_188] {strides = array<i32>} : memref<128x64xf32, #tpu.memory_space<vmem>>, vector<1x16xf32>,
        %get3A_190 = vector.shape_cast %get3A_189 : vector<1x16xf32> to vector<16xf32>
        %mul3A_191 = vector.broadcast %squeeze3A_184 : f32 to vector<16xf32>
        %mul3A_192 = arith.mulf %get3A_190, %mul3A_191 : vector<16xf32>
        %add3A_193 = arith.constant 2 : i32
        %add3A_194 = arith.addi %mul3A_61, %add3A_193 : i32
        %swap3A_195 = arith.index_cast %add3A_194 : i32 to index
        %swap3A_196 = arith.constant 0 : index
        %swap3A_197 = tpu.vector_load %arg17[%swap3A_195, %swap3A_196] {strides = array<i32>} : memref<128x64xf32, #tpu.memory_space<vmem>>, vector<1x16xf32>,
        %swap3A_198 = vector.shape_cast %swap3A_197 : vector<1x16xf32> to vector<16xf32>
        %swap3A_199 = vector.shape_cast %mul3A_192 : vector<16xf32> to vector<1x16xf32>
        tpu.vector_store %arg17[%swap3A_195, %swap3A_196], %swap3A_199 {strides = array<i32>} : memref<128x64xf32, #tpu.memory_space<vmem>>, vector<1x16xf32>,
        %add3A_200 = arith.constant 2 : i32
        %add3A_201 = arith.addi %mul3A_61, %add3A_200 : i32
        %get3A_202 = arith.index_cast %add3A_201 : i32 to index
        %get3A_203 = arith.constant 16 : index
        %get3A_204 = tpu.vector_load %arg17[%get3A_202, %get3A_203] {strides = array<i32>} : memref<128x64xf32, #tpu.memory_space<vmem>>, vector<1x16xf32>,
        %get3A_205 = vector.shape_cast %get3A_204 : vector<1x16xf32> to vector<16xf32>
        %mul3A_206 = vector.broadcast %squeeze3A_184 : f32 to vector<16xf32>
        %mul3A_207 = arith.mulf %get3A_205, %mul3A_206 : vector<16xf32>
        %add3A_208 = arith.constant 2 : i32
        %add3A_209 = arith.addi %mul3A_61, %add3A_208 : i32
        %swap3A_210 = arith.index_cast %add3A_209 : i32 to index
        %swap3A_211 = arith.constant 16 : index
        %swap3A_212 = tpu.vector_load %arg17[%swap3A_210, %swap3A_211] {strides = array<i32>} : memref<128x64xf32, #tpu.memory_space<vmem>>, vector<1x16xf32>,
        %swap3A_213 = vector.shape_cast %swap3A_212 : vector<1x16xf32> to vector<16xf32>
        %swap3A_214 = vector.shape_cast %mul3A_207 : vector<16xf32> to vector<1x16xf32>
        tpu.vector_store %arg17[%swap3A_210, %swap3A_211], %swap3A_214 {strides = array<i32>} : memref<128x64xf32, #tpu.memory_space<vmem>>, vector<1x16xf32>,
        %add3A_215 = arith.constant 2 : i32
        %add3A_216 = arith.addi %mul3A_61, %add3A_215 : i32
        %get3A_217 = arith.index_cast %add3A_216 : i32 to index
        %get3A_218 = arith.constant 32 : index
        %get3A_219 = tpu.vector_load %arg17[%get3A_217, %get3A_218] {strides = array<i32>} : memref<128x64xf32, #tpu.memory_space<vmem>>, vector<1x16xf32>,
        %get3A_220 = vector.shape_cast %get3A_219 : vector<1x16xf32> to vector<16xf32>
        %mul3A_221 = vector.broadcast %squeeze3A_184 : f32 to vector<16xf32>
        %mul3A_222 = arith.mulf %get3A_220, %mul3A_221 : vector<16xf32>
        %add3A_223 = arith.constant 2 : i32
        %add3A_224 = arith.addi %mul3A_61, %add3A_223 : i32
        %swap3A_225 = arith.index_cast %add3A_224 : i32 to index
        %swap3A_226 = arith.constant 32 : index
        %swap3A_227 = tpu.vector_load %arg17[%swap3A_225, %swap3A_226] {strides = array<i32>} : memref<128x64xf32, #tpu.memory_space<vmem>>, vector<1x16xf32>,
        %swap3A_228 = vector.shape_cast %swap3A_227 : vector<1x16xf32> to vector<16xf32>
        %swap3A_229 = vector.shape_cast %mul3A_222 : vector<16xf32> to vector<1x16xf32>
        tpu.vector_store %arg17[%swap3A_225, %swap3A_226], %swap3A_229 {strides = array<i32>} : memref<128x64xf32, #tpu.memory_space<vmem>>, vector<1x16xf32>,
        %add3A_230 = arith.constant 2 : i32
        %add3A_231 = arith.addi %mul3A_61, %add3A_230 : i32
        %get3A_232 = arith.index_cast %add3A_231 : i32 to index
        %get3A_233 = arith.constant 48 : index
        %get3A_234 = tpu.vector_load %arg17[%get3A_232, %get3A_233] {strides = array<i32>} : memref<128x64xf32, #tpu.memory_space<vmem>>, vector<1x16xf32>,
        %get3A_235 = vector.shape_cast %get3A_234 : vector<1x16xf32> to vector<16xf32>
        %mul3A_236 = vector.broadcast %squeeze3A_184 : f32 to vector<16xf32>
        %mul3A_237 = arith.mulf %get3A_235, %mul3A_236 : vector<16xf32>
        %add3A_238 = arith.constant 2 : i32
        %add3A_239 = arith.addi %mul3A_61, %add3A_238 : i32
        %swap3A_240 = arith.index_cast %add3A_239 : i32 to index
        %swap3A_241 = arith.constant 48 : index
        %swap3A_242 = tpu.vector_load %arg17[%swap3A_240, %swap3A_241] {strides = array<i32>} : memref<128x64xf32, #tpu.memory_space<vmem>>, vector<1x16xf32>,
        %swap3A_243 = vector.shape_cast %swap3A_242 : vector<1x16xf32> to vector<16xf32>
        %swap3A_244 = vector.shape_cast %mul3A_237 : vector<16xf32> to vector<1x16xf32>
        tpu.vector_store %arg17[%swap3A_240, %swap3A_241], %swap3A_244 {strides = array<i32>} : memref<128x64xf32, #tpu.memory_space<vmem>>, vector<1x16xf32>,
        %slice3A_245 = vector.extract_strided_slice %get3A_59 {offsets = [3], sizes = [1], strides = [1]} : vector<16xf32> to vector<1xf32>
        %squeeze3A_246 = vector.extract %slice3A_245[0] : f32 from vector<1xf32>
        %add3A_247 = arith.constant 3 : i32
        %add3A_248 = arith.addi %mul3A_61, %add3A_247 : i32
        %get3A_249 = arith.index_cast %add3A_248 : i32 to index
        %get3A_250 = arith.constant 0 : index
        %get3A_251 = tpu.vector_load %arg17[%get3A_249, %get3A_250] {strides = array<i32>} : memref<128x64xf32, #tpu.memory_space<vmem>>, vector<1x16xf32>,
        %get3A_252 = vector.shape_cast %get3A_251 : vector<1x16xf32> to vector<16xf32>
        %mul3A_253 = vector.broadcast %squeeze3A_246 : f32 to vector<16xf32>
        %mul3A_254 = arith.mulf %get3A_252, %mul3A_253 : vector<16xf32>
        %add3A_255 = arith.constant 3 : i32
        %add3A_256 = arith.addi %mul3A_61, %add3A_255 : i32
        %swap3A_257 = arith.index_cast %add3A_256 : i32 to index
        %swap3A_258 = arith.constant 0 : index
        %swap3A_259 = tpu.vector_load %arg17[%swap3A_257, %swap3A_258] {strides = array<i32>} : memref<128x64xf32, #tpu.memory_space<vmem>>, vector<1x16xf32>,
        %swap3A_260 = vector.shape_cast %swap3A_259 : vector<1x16xf32> to vector<16xf32>
        %swap3A_261 = vector.shape_cast %mul3A_254 : vector<16xf32> to vector<1x16xf32>
        tpu.vector_store %arg17[%swap3A_257, %swap3A_258], %swap3A_261 {strides = array<i32>} : memref<128x64xf32, #tpu.memory_space<vmem>>, vector<1x16xf32>,
        %add3A_262 = arith.constant 3 : i32
        %add3A_263 = arith.addi %mul3A_61, %add3A_262 : i32
        %get3A_264 = arith.index_cast %add3A_263 : i32 to index
        %get3A_265 = arith.constant 16 : index
        %get3A_266 = tpu.vector_load %arg17[%get3A_264, %get3A_265] {strides = array<i32>} : memref<128x64xf32, #tpu.memory_space<vmem>>, vector<1x16xf32>,
        %get3A_267 = vector.shape_cast %get3A_266 : vector<1x16xf32> to vector<16xf32>
        %mul3A_268 = vector.broadcast %squeeze3A_246 : f32 to vector<16xf32>
        %mul3A_269 = arith.mulf %get3A_267, %mul3A_268 : vector<16xf32>
        %add3A_270 = arith.constant 3 : i32
        %add3A_271 = arith.addi %mul3A_61, %add3A_270 : i32
        %swap3A_272 = arith.index_cast %add3A_271 : i32 to index
        %swap3A_273 = arith.constant 16 : index
        %swap3A_274 = tpu.vector_load %arg17[%swap3A_272, %swap3A_273] {strides = array<i32>} : memref<128x64xf32, #tpu.memory_space<vmem>>, vector<1x16xf32>,
        %swap3A_275 = vector.shape_cast %swap3A_274 : vector<1x16xf32> to vector<16xf32>
        %swap3A_276 = vector.shape_cast %mul3A_269 : vector<16xf32> to vector<1x16xf32>
        tpu.vector_store %arg17[%swap3A_272, %swap3A_273], %swap3A_276 {strides = array<i32>} : memref<128x64xf32, #tpu.memory_space<vmem>>, vector<1x16xf32>,
        %add3A_277 = arith.constant 3 : i32
        %add3A_278 = arith.addi %mul3A_61, %add3A_277 : i32
        %get3A_279 = arith.index_cast %add3A_278 : i32 to index
        %get3A_280 = arith.constant 32 : index
        %get3A_281 = tpu.vector_load %arg17[%get3A_279, %get3A_280] {strides = array<i32>} : memref<128x64xf32, #tpu.memory_space<vmem>>, vector<1x16xf32>,
        %get3A_282 = vector.shape_cast %get3A_281 : vector<1x16xf32> to vector<16xf32>
        %mul3A_283 = vector.broadcast %squeeze3A_246 : f32 to vector<16xf32>
        %mul3A_284 = arith.mulf %get3A_282, %mul3A_283 : vector<16xf32>
        %add3A_285 = arith.constant 3 : i32
        %add3A_286 = arith.addi %mul3A_61, %add3A_285 : i32
        %swap3A_287 = arith.index_cast %add3A_286 : i32 to index
        %swap3A_288 = arith.constant 32 : index
        %swap3A_289 = tpu.vector_load %arg17[%swap3A_287, %swap3A_288] {strides = array<i32>} : memref<128x64xf32, #tpu.memory_space<vmem>>, vector<1x16xf32>,
        %swap3A_290 = vector.shape_cast %swap3A_289 : vector<1x16xf32> to vector<16xf32>
        %swap3A_291 = vector.shape_cast %mul3A_284 : vector<16xf32> to vector<1x16xf32>
        tpu.vector_store %arg17[%swap3A_287, %swap3A_288], %swap3A_291 {strides = array<i32>} : memref<128x64xf32, #tpu.memory_space<vmem>>, vector<1x16xf32>,
        %add3A_292 = arith.constant 3 : i32
        %add3A_293 = arith.addi %mul3A_61, %add3A_292 : i32
        %get3A_294 = arith.index_cast %add3A_293 : i32 to index
        %get3A_295 = arith.constant 48 : index
        %get3A_296 = tpu.vector_load %arg17[%get3A_294, %get3A_295] {strides = array<i32>} : memref<128x64xf32, #tpu.memory_space<vmem>>, vector<1x16xf32>,
        %get3A_297 = vector.shape_cast %get3A_296 : vector<1x16xf32> to vector<16xf32>
        %mul3A_298 = vector.broadcast %squeeze3A_246 : f32 to vector<16xf32>
        %mul3A_299 = arith.mulf %get3A_297, %mul3A_298 : vector<16xf32>
        %add3A_300 = arith.constant 3 : i32
        %add3A_301 = arith.addi %mul3A_61, %add3A_300 : i32
        %swap3A_302 = arith.index_cast %add3A_301 : i32 to index
        %swap3A_303 = arith.constant 48 : index
        %swap3A_304 = tpu.vector_load %arg17[%swap3A_302, %swap3A_303] {strides = array<i32>} : memref<128x64xf32, #tpu.memory_space<vmem>>, vector<1x16xf32>,
        %swap3A_305 = vector.shape_cast %swap3A_304 : vector<1x16xf32> to vector<16xf32>
        %swap3A_306 = vector.shape_cast %mul3A_299 : vector<16xf32> to vector<1x16xf32>
        tpu.vector_store %arg17[%swap3A_302, %swap3A_303], %swap3A_306 {strides = array<i32>} : memref<128x64xf32, #tpu.memory_space<vmem>>, vector<1x16xf32>,
        %slice3A_307 = vector.extract_strided_slice %get3A_59 {offsets = [4], sizes = [1], strides = [1]} : vector<16xf32> to vector<1xf32>
        %squeeze3A_308 = vector.extract %slice3A_307[0] : f32 from vector<1xf32>
        %add3A_309 = arith.constant 4 : i32
        %add3A_310 = arith.addi %mul3A_61, %add3A_309 : i32
        %get3A_311 = arith.index_cast %add3A_310 : i32 to index
        %get3A_312 = arith.constant 0 : index
        %get3A_313 = tpu.vector_load %arg17[%get3A_311, %get3A_312] {strides = array<i32>} : memref<128x64xf32, #tpu.memory_space<vmem>>, vector<1x16xf32>,
        %get3A_314 = vector.shape_cast %get3A_313 : vector<1x16xf32> to vector<16xf32>
        %mul3A_315 = vector.broadcast %squeeze3A_308 : f32 to vector<16xf32>
        %mul3A_316 = arith.mulf %get3A_314, %mul3A_315 : vector<16xf32>
        %add3A_317 = arith.constant 4 : i32
        %add3A_318 = arith.addi %mul3A_61, %add3A_317 : i32
        %swap3A_319 = arith.index_cast %add3A_318 : i32 to index
        %swap3A_320 = arith.constant 0 : index
        %swap3A_321 = tpu.vector_load %arg17[%swap3A_319, %swap3A_320] {strides = array<i32>} : memref<128x64xf32, #tpu.memory_space<vmem>>, vector<1x16xf32>,
        %swap3A_322 = vector.shape_cast %swap3A_321 : vector<1x16xf32> to vector<16xf32>
        %swap3A_323 = vector.shape_cast %mul3A_316 : vector<16xf32> to vector<1x16xf32>
        tpu.vector_store %arg17[%swap3A_319, %swap3A_320], %swap3A_323 {strides = array<i32>} : memref<128x64xf32, #tpu.memory_space<vmem>>, vector<1x16xf32>,
        %add3A_324 = arith.constant 4 : i32
        %add3A_325 = arith.addi %mul3A_61, %add3A_324 : i32
        %get3A_326 = arith.index_cast %add3A_325 : i32 to index
        %get3A_327 = arith.constant 16 : index
        %get3A_328 = tpu.vector_load %arg17[%get3A_326, %get3A_327] {strides = array<i32>} : memref<128x64xf32, #tpu.memory_space<vmem>>, vector<1x16xf32>,
        %get3A_329 = vector.shape_cast %get3A_328 : vector<1x16xf32> to vector<16xf32>
        %mul3A_330 = vector.broadcast %squeeze3A_308 : f32 to vector<16xf32>
        %mul3A_331 = arith.mulf %get3A_329, %mul3A_330 : vector<16xf32>
        %add3A_332 = arith.constant 4 : i32
        %add3A_333 = arith.addi %mul3A_61, %add3A_332 : i32
        %swap3A_334 = arith.index_cast %add3A_333 : i32 to index
        %swap3A_335 = arith.constant 16 : index
        %swap3A_336 = tpu.vector_load %arg17[%swap3A_334, %swap3A_335] {strides = array<i32>} : memref<128x64xf32, #tpu.memory_space<vmem>>, vector<1x16xf32>,
        %swap3A_337 = vector.shape_cast %swap3A_336 : vector<1x16xf32> to vector<16xf32>
        %swap3A_338 = vector.shape_cast %mul3A_331 : vector<16xf32> to vector<1x16xf32>
        tpu.vector_store %arg17[%swap3A_334, %swap3A_335], %swap3A_338 {strides = array<i32>} : memref<128x64xf32, #tpu.memory_space<vmem>>, vector<1x16xf32>,
        %add3A_339 = arith.constant 4 : i32
        %add3A_340 = arith.addi %mul3A_61, %add3A_339 : i32
        %get3A_341 = arith.index_cast %add3A_340 : i32 to index
        %get3A_342 = arith.constant 32 : index
        %get3A_343 = tpu.vector_load %arg17[%get3A_341, %get3A_342] {strides = array<i32>} : memref<128x64xf32, #tpu.memory_space<vmem>>, vector<1x16xf32>,
        %get3A_344 = vector.shape_cast %get3A_343 : vector<1x16xf32> to vector<16xf32>
        %mul3A_345 = vector.broadcast %squeeze3A_308 : f32 to vector<16xf32>
        %mul3A_346 = arith.mulf %get3A_344, %mul3A_345 : vector<16xf32>
        %add3A_347 = arith.constant 4 : i32
        %add3A_348 = arith.addi %mul3A_61, %add3A_347 : i32
        %swap3A_349 = arith.index_cast %add3A_348 : i32 to index
        %swap3A_350 = arith.constant 32 : index
        %swap3A_351 = tpu.vector_load %arg17[%swap3A_349, %swap3A_350] {strides = array<i32>} : memref<128x64xf32, #tpu.memory_space<vmem>>, vector<1x16xf32>,
        %swap3A_352 = vector.shape_cast %swap3A_351 : vector<1x16xf32> to vector<16xf32>
        %swap3A_353 = vector.shape_cast %mul3A_346 : vector<16xf32> to vector<1x16xf32>
        tpu.vector_store %arg17[%swap3A_349, %swap3A_350], %swap3A_353 {strides = array<i32>} : memref<128x64xf32, #tpu.memory_space<vmem>>, vector<1x16xf32>,
        %add3A_354 = arith.constant 4 : i32
        %add3A_355 = arith.addi %mul3A_61, %add3A_354 : i32
        %get3A_356 = arith.index_cast %add3A_355 : i32 to index
        %get3A_357 = arith.constant 48 : index
        %get3A_358 = tpu.vector_load %arg17[%get3A_356, %get3A_357] {strides = array<i32>} : memref<128x64xf32, #tpu.memory_space<vmem>>, vector<1x16xf32>,
        %get3A_359 = vector.shape_cast %get3A_358 : vector<1x16xf32> to vector<16xf32>
        %mul3A_360 = vector.broadcast %squeeze3A_308 : f32 to vector<16xf32>
        %mul3A_361 = arith.mulf %get3A_359, %mul3A_360 : vector<16xf32>
        %add3A_362 = arith.constant 4 : i32
        %add3A_363 = arith.addi %mul3A_61, %add3A_362 : i32
        %swap3A_364 = arith.index_cast %add3A_363 : i32 to index
        %swap3A_365 = arith.constant 48 : index
        %swap3A_366 = tpu.vector_load %arg17[%swap3A_364, %swap3A_365] {strides = array<i32>} : memref<128x64xf32, #tpu.memory_space<vmem>>, vector<1x16xf32>,
        %swap3A_367 = vector.shape_cast %swap3A_366 : vector<1x16xf32> to vector<16xf32>
        %swap3A_368 = vector.shape_cast %mul3A_361 : vector<16xf32> to vector<1x16xf32>
        tpu.vector_store %arg17[%swap3A_364, %swap3A_365], %swap3A_368 {strides = array<i32>} : memref<128x64xf32, #tpu.memory_space<vmem>>, vector<1x16xf32>,
        %slice3A_369 = vector.extract_strided_slice %get3A_59 {offsets = [5], sizes = [1], strides = [1]} : vector<16xf32> to vector<1xf32>
        %squeeze3A_370 = vector.extract %slice3A_369[0] : f32 from vector<1xf32>
        %add3A_371 = arith.constant 5 : i32
        %add3A_372 = arith.addi %mul3A_61, %add3A_371 : i32
        %get3A_373 = arith.index_cast %add3A_372 : i32 to index
        %get3A_374 = arith.constant 0 : index
        %get3A_375 = tpu.vector_load %arg17[%get3A_373, %get3A_374] {strides = array<i32>} : memref<128x64xf32, #tpu.memory_space<vmem>>, vector<1x16xf32>,
        %get3A_376 = vector.shape_cast %get3A_375 : vector<1x16xf32> to vector<16xf32>
        %mul3A_377 = vector.broadcast %squeeze3A_370 : f32 to vector<16xf32>
        %mul3A_378 = arith.mulf %get3A_376, %mul3A_377 : vector<16xf32>
        %add3A_379 = arith.constant 5 : i32
        %add3A_380 = arith.addi %mul3A_61, %add3A_379 : i32
        %swap3A_381 = arith.index_cast %add3A_380 : i32 to index
        %swap3A_382 = arith.constant 0 : index
        %swap3A_383 = tpu.vector_load %arg17[%swap3A_381, %swap3A_382] {strides = array<i32>} : memref<128x64xf32, #tpu.memory_space<vmem>>, vector<1x16xf32>,
        %swap3A_384 = vector.shape_cast %swap3A_383 : vector<1x16xf32> to vector<16xf32>
        %swap3A_385 = vector.shape_cast %mul3A_378 : vector<16xf32> to vector<1x16xf32>
        tpu.vector_store %arg17[%swap3A_381, %swap3A_382], %swap3A_385 {strides = array<i32>} : memref<128x64xf32, #tpu.memory_space<vmem>>, vector<1x16xf32>,
        %add3A_386 = arith.constant 5 : i32
        %add3A_387 = arith.addi %mul3A_61, %add3A_386 : i32
        %get3A_388 = arith.index_cast %add3A_387 : i32 to index
        %get3A_389 = arith.constant 16 : index
        %get3A_390 = tpu.vector_load %arg17[%get3A_388, %get3A_389] {strides = array<i32>} : memref<128x64xf32, #tpu.memory_space<vmem>>, vector<1x16xf32>,
        %get3A_391 = vector.shape_cast %get3A_390 : vector<1x16xf32> to vector<16xf32>
        %mul3A_392 = vector.broadcast %squeeze3A_370 : f32 to vector<16xf32>
        %mul3A_393 = arith.mulf %get3A_391, %mul3A_392 : vector<16xf32>
        %add3A_394 = arith.constant 5 : i32
        %add3A_395 = arith.addi %mul3A_61, %add3A_394 : i32
        %swap3A_396 = arith.index_cast %add3A_395 : i32 to index
        %swap3A_397 = arith.constant 16 : index
        %swap3A_398 = tpu.vector_load %arg17[%swap3A_396, %swap3A_397] {strides = array<i32>} : memref<128x64xf32, #tpu.memory_space<vmem>>, vector<1x16xf32>,
        %swap3A_399 = vector.shape_cast %swap3A_398 : vector<1x16xf32> to vector<16xf32>
        %swap3A_400 = vector.shape_cast %mul3A_393 : vector<16xf32> to vector<1x16xf32>
        tpu.vector_store %arg17[%swap3A_396, %swap3A_397], %swap3A_400 {strides = array<i32>} : memref<128x64xf32, #tpu.memory_space<vmem>>, vector<1x16xf32>,
        %add3A_401 = arith.constant 5 : i32
        %add3A_402 = arith.addi %mul3A_61, %add3A_401 : i32
        %get3A_403 = arith.index_cast %add3A_402 : i32 to index
        %get3A_404 = arith.constant 32 : index
        %get3A_405 = tpu.vector_load %arg17[%get3A_403, %get3A_404] {strides = array<i32>} : memref<128x64xf32, #tpu.memory_space<vmem>>, vector<1x16xf32>,
        %get3A_406 = vector.shape_cast %get3A_405 : vector<1x16xf32> to vector<16xf32>
        %mul3A_407 = vector.broadcast %squeeze3A_370 : f32 to vector<16xf32>
        %mul3A_408 = arith.mulf %get3A_406, %mul3A_407 : vector<16xf32>
        %add3A_409 = arith.constant 5 : i32
        %add3A_410 = arith.addi %mul3A_61, %add3A_409 : i32
        %swap3A_411 = arith.index_cast %add3A_410 : i32 to index
        %swap3A_412 = arith.constant 32 : index
        %swap3A_413 = tpu.vector_load %arg17[%swap3A_411, %swap3A_412] {strides = array<i32>} : memref<128x64xf32, #tpu.memory_space<vmem>>, vector<1x16xf32>,
        %swap3A_414 = vector.shape_cast %swap3A_413 : vector<1x16xf32> to vector<16xf32>
        %swap3A_415 = vector.shape_cast %mul3A_408 : vector<16xf32> to vector<1x16xf32>
        tpu.vector_store %arg17[%swap3A_411, %swap3A_412], %swap3A_415 {strides = array<i32>} : memref<128x64xf32, #tpu.memory_space<vmem>>, vector<1x16xf32>,
        %add3A_416 = arith.constant 5 : i32
        %add3A_417 = arith.addi %mul3A_61, %add3A_416 : i32
        %get3A_418 = arith.index_cast %add3A_417 : i32 to index
        %get3A_419 = arith.constant 48 : index
        %get3A_420 = tpu.vector_load %arg17[%get3A_418, %get3A_419] {strides = array<i32>} : memref<128x64xf32, #tpu.memory_space<vmem>>, vector<1x16xf32>,
        %get3A_421 = vector.shape_cast %get3A_420 : vector<1x16xf32> to vector<16xf32>
        %mul3A_422 = vector.broadcast %squeeze3A_370 : f32 to vector<16xf32>
        %mul3A_423 = arith.mulf %get3A_421, %mul3A_422 : vector<16xf32>
        %add3A_424 = arith.constant 5 : i32
        %add3A_425 = arith.addi %mul3A_61, %add3A_424 : i32
        %swap3A_426 = arith.index_cast %add3A_425 : i32 to index
        %swap3A_427 = arith.constant 48 : index
        %swap3A_428 = tpu.vector_load %arg17[%swap3A_426, %swap3A_427] {strides = array<i32>} : memref<128x64xf32, #tpu.memory_space<vmem>>, vector<1x16xf32>,
        %swap3A_429 = vector.shape_cast %swap3A_428 : vector<1x16xf32> to vector<16xf32>
        %swap3A_430 = vector.shape_cast %mul3A_423 : vector<16xf32> to vector<1x16xf32>
        tpu.vector_store %arg17[%swap3A_426, %swap3A_427], %swap3A_430 {strides = array<i32>} : memref<128x64xf32, #tpu.memory_space<vmem>>, vector<1x16xf32>,
        %slice3A_431 = vector.extract_strided_slice %get3A_59 {offsets = [6], sizes = [1], strides = [1]} : vector<16xf32> to vector<1xf32>
        %squeeze3A_432 = vector.extract %slice3A_431[0] : f32 from vector<1xf32>
        %add3A_433 = arith.constant 6 : i32
        %add3A_434 = arith.addi %mul3A_61, %add3A_433 : i32
        %get3A_435 = arith.index_cast %add3A_434 : i32 to index
        %get3A_436 = arith.constant 0 : index
        %get3A_437 = tpu.vector_load %arg17[%get3A_435, %get3A_436] {strides = array<i32>} : memref<128x64xf32, #tpu.memory_space<vmem>>, vector<1x16xf32>,
        %get3A_438 = vector.shape_cast %get3A_437 : vector<1x16xf32> to vector<16xf32>
        %mul3A_439 = vector.broadcast %squeeze3A_432 : f32 to vector<16xf32>
        %mul3A_440 = arith.mulf %get3A_438, %mul3A_439 : vector<16xf32>
        %add3A_441 = arith.constant 6 : i32
        %add3A_442 = arith.addi %mul3A_61, %add3A_441 : i32
        %swap3A_443 = arith.index_cast %add3A_442 : i32 to index
        %swap3A_444 = arith.constant 0 : index
        %swap3A_445 = tpu.vector_load %arg17[%swap3A_443, %swap3A_444] {strides = array<i32>} : memref<128x64xf32, #tpu.memory_space<vmem>>, vector<1x16xf32>,
        %swap3A_446 = vector.shape_cast %swap3A_445 : vector<1x16xf32> to vector<16xf32>
        %swap3A_447 = vector.shape_cast %mul3A_440 : vector<16xf32> to vector<1x16xf32>
        tpu.vector_store %arg17[%swap3A_443, %swap3A_444], %swap3A_447 {strides = array<i32>} : memref<128x64xf32, #tpu.memory_space<vmem>>, vector<1x16xf32>,
        %add3A_448 = arith.constant 6 : i32
        %add3A_449 = arith.addi %mul3A_61, %add3A_448 : i32
        %get3A_450 = arith.index_cast %add3A_449 : i32 to index
        %get3A_451 = arith.constant 16 : index
        %get3A_452 = tpu.vector_load %arg17[%get3A_450, %get3A_451] {strides = array<i32>} : memref<128x64xf32, #tpu.memory_space<vmem>>, vector<1x16xf32>,
        %get3A_453 = vector.shape_cast %get3A_452 : vector<1x16xf32> to vector<16xf32>
        %mul3A_454 = vector.broadcast %squeeze3A_432 : f32 to vector<16xf32>
        %mul3A_455 = arith.mulf %get3A_453, %mul3A_454 : vector<16xf32>
        %add3A_456 = arith.constant 6 : i32
        %add3A_457 = arith.addi %mul3A_61, %add3A_456 : i32
        %swap3A_458 = arith.index_cast %add3A_457 : i32 to index
        %swap3A_459 = arith.constant 16 : index
        %swap3A_460 = tpu.vector_load %arg17[%swap3A_458, %swap3A_459] {strides = array<i32>} : memref<128x64xf32, #tpu.memory_space<vmem>>, vector<1x16xf32>,
        %swap3A_461 = vector.shape_cast %swap3A_460 : vector<1x16xf32> to vector<16xf32>
        %swap3A_462 = vector.shape_cast %mul3A_455 : vector<16xf32> to vector<1x16xf32>
        tpu.vector_store %arg17[%swap3A_458, %swap3A_459], %swap3A_462 {strides = array<i32>} : memref<128x64xf32, #tpu.memory_space<vmem>>, vector<1x16xf32>,
        %add3A_463 = arith.constant 6 : i32
        %add3A_464 = arith.addi %mul3A_61, %add3A_463 : i32
        %get3A_465 = arith.index_cast %add3A_464 : i32 to index
        %get3A_466 = arith.constant 32 : index
        %get3A_467 = tpu.vector_load %arg17[%get3A_465, %get3A_466] {strides = array<i32>} : memref<128x64xf32, #tpu.memory_space<vmem>>, vector<1x16xf32>,
        %get3A_468 = vector.shape_cast %get3A_467 : vector<1x16xf32> to vector<16xf32>
        %mul3A_469 = vector.broadcast %squeeze3A_432 : f32 to vector<16xf32>
        %mul3A_470 = arith.mulf %get3A_468, %mul3A_469 : vector<16xf32>
        %add3A_471 = arith.constant 6 : i32
        %add3A_472 = arith.addi %mul3A_61, %add3A_471 : i32
        %swap3A_473 = arith.index_cast %add3A_472 : i32 to index
        %swap3A_474 = arith.constant 32 : index
        %swap3A_475 = tpu.vector_load %arg17[%swap3A_473, %swap3A_474] {strides = array<i32>} : memref<128x64xf32, #tpu.memory_space<vmem>>, vector<1x16xf32>,
        %swap3A_476 = vector.shape_cast %swap3A_475 : vector<1x16xf32> to vector<16xf32>
        %swap3A_477 = vector.shape_cast %mul3A_470 : vector<16xf32> to vector<1x16xf32>
        tpu.vector_store %arg17[%swap3A_473, %swap3A_474], %swap3A_477 {strides = array<i32>} : memref<128x64xf32, #tpu.memory_space<vmem>>, vector<1x16xf32>,
        %add3A_478 = arith.constant 6 : i32
        %add3A_479 = arith.addi %mul3A_61, %add3A_478 : i32
        %get3A_480 = arith.index_cast %add3A_479 : i32 to index
        %get3A_481 = arith.constant 48 : index
        %get3A_482 = tpu.vector_load %arg17[%get3A_480, %get3A_481] {strides = array<i32>} : memref<128x64xf32, #tpu.memory_space<vmem>>, vector<1x16xf32>,
        %get3A_483 = vector.shape_cast %get3A_482 : vector<1x16xf32> to vector<16xf32>
        %mul3A_484 = vector.broadcast %squeeze3A_432 : f32 to vector<16xf32>
        %mul3A_485 = arith.mulf %get3A_483, %mul3A_484 : vector<16xf32>
        %add3A_486 = arith.constant 6 : i32
        %add3A_487 = arith.addi %mul3A_61, %add3A_486 : i32
        %swap3A_488 = arith.index_cast %add3A_487 : i32 to index
        %swap3A_489 = arith.constant 48 : index
        %swap3A_490 = tpu.vector_load %arg17[%swap3A_488, %swap3A_489] {strides = array<i32>} : memref<128x64xf32, #tpu.memory_space<vmem>>, vector<1x16xf32>,
        %swap3A_491 = vector.shape_cast %swap3A_490 : vector<1x16xf32> to vector<16xf32>
        %swap3A_492 = vector.shape_cast %mul3A_485 : vector<16xf32> to vector<1x16xf32>
        tpu.vector_store %arg17[%swap3A_488, %swap3A_489], %swap3A_492 {strides = array<i32>} : memref<128x64xf32, #tpu.memory_space<vmem>>, vector<1x16xf32>,
        %slice3A_493 = vector.extract_strided_slice %get3A_59 {offsets = [7], sizes = [1], strides = [1]} : vector<16xf32> to vector<1xf32>
        %squeeze3A_494 = vector.extract %slice3A_493[0] : f32 from vector<1xf32>
        %add3A_495 = arith.constant 7 : i32
        %add3A_496 = arith.addi %mul3A_61, %add3A_495 : i32
        %get3A_497 = arith.index_cast %add3A_496 : i32 to index
        %get3A_498 = arith.constant 0 : index
        %get3A_499 = tpu.vector_load %arg17[%get3A_497, %get3A_498] {strides = array<i32>} : memref<128x64xf32, #tpu.memory_space<vmem>>, vector<1x16xf32>,
        %get3A_500 = vector.shape_cast %get3A_499 : vector<1x16xf32> to vector<16xf32>
        %mul3A_501 = vector.broadcast %squeeze3A_494 : f32 to vector<16xf32>
        %mul3A_502 = arith.mulf %get3A_500, %mul3A_501 : vector<16xf32>
        %add3A_503 = arith.constant 7 : i32
        %add3A_504 = arith.addi %mul3A_61, %add3A_503 : i32
        %swap3A_505 = arith.index_cast %add3A_504 : i32 to index
        %swap3A_506 = arith.constant 0 : index
        %swap3A_507 = tpu.vector_load %arg17[%swap3A_505, %swap3A_506] {strides = array<i32>} : memref<128x64xf32, #tpu.memory_space<vmem>>, vector<1x16xf32>,
        %swap3A_508 = vector.shape_cast %swap3A_507 : vector<1x16xf32> to vector<16xf32>
        %swap3A_509 = vector.shape_cast %mul3A_502 : vector<16xf32> to vector<1x16xf32>
        tpu.vector_store %arg17[%swap3A_505, %swap3A_506], %swap3A_509 {strides = array<i32>} : memref<128x64xf32, #tpu.memory_space<vmem>>, vector<1x16xf32>,
        %add3A_510 = arith.constant 7 : i32
        %add3A_511 = arith.addi %mul3A_61, %add3A_510 : i32
        %get3A_512 = arith.index_cast %add3A_511 : i32 to index
        %get3A_513 = arith.constant 16 : index
        %get3A_514 = tpu.vector_load %arg17[%get3A_512, %get3A_513] {strides = array<i32>} : memref<128x64xf32, #tpu.memory_space<vmem>>, vector<1x16xf32>,
        %get3A_515 = vector.shape_cast %get3A_514 : vector<1x16xf32> to vector<16xf32>
        %mul3A_516 = vector.broadcast %squeeze3A_494 : f32 to vector<16xf32>
        %mul3A_517 = arith.mulf %get3A_515, %mul3A_516 : vector<16xf32>
        %add3A_518 = arith.constant 7 : i32
        %add3A_519 = arith.addi %mul3A_61, %add3A_518 : i32
        %swap3A_520 = arith.index_cast %add3A_519 : i32 to index
        %swap3A_521 = arith.constant 16 : index
        %swap3A_522 = tpu.vector_load %arg17[%swap3A_520, %swap3A_521] {strides = array<i32>} : memref<128x64xf32, #tpu.memory_space<vmem>>, vector<1x16xf32>,
        %swap3A_523 = vector.shape_cast %swap3A_522 : vector<1x16xf32> to vector<16xf32>
        %swap3A_524 = vector.shape_cast %mul3A_517 : vector<16xf32> to vector<1x16xf32>
        tpu.vector_store %arg17[%swap3A_520, %swap3A_521], %swap3A_524 {strides = array<i32>} : memref<128x64xf32, #tpu.memory_space<vmem>>, vector<1x16xf32>,
        %add3A_525 = arith.constant 7 : i32
        %add3A_526 = arith.addi %mul3A_61, %add3A_525 : i32
        %get3A_527 = arith.index_cast %add3A_526 : i32 to index
        %get3A_528 = arith.constant 32 : index
        %get3A_529 = tpu.vector_load %arg17[%get3A_527, %get3A_528] {strides = array<i32>} : memref<128x64xf32, #tpu.memory_space<vmem>>, vector<1x16xf32>,
        %get3A_530 = vector.shape_cast %get3A_529 : vector<1x16xf32> to vector<16xf32>
        %mul3A_531 = vector.broadcast %squeeze3A_494 : f32 to vector<16xf32>
        %mul3A_532 = arith.mulf %get3A_530, %mul3A_531 : vector<16xf32>
        %add3A_533 = arith.constant 7 : i32
        %add3A_534 = arith.addi %mul3A_61, %add3A_533 : i32
        %swap3A_535 = arith.index_cast %add3A_534 : i32 to index
        %swap3A_536 = arith.constant 32 : index
        %swap3A_537 = tpu.vector_load %arg17[%swap3A_535, %swap3A_536] {strides = array<i32>} : memref<128x64xf32, #tpu.memory_space<vmem>>, vector<1x16xf32>,
        %swap3A_538 = vector.shape_cast %swap3A_537 : vector<1x16xf32> to vector<16xf32>
        %swap3A_539 = vector.shape_cast %mul3A_532 : vector<16xf32> to vector<1x16xf32>
        tpu.vector_store %arg17[%swap3A_535, %swap3A_536], %swap3A_539 {strides = array<i32>} : memref<128x64xf32, #tpu.memory_space<vmem>>, vector<1x16xf32>,
        %add3A_540 = arith.constant 7 : i32
        %add3A_541 = arith.addi %mul3A_61, %add3A_540 : i32
        %get3A_542 = arith.index_cast %add3A_541 : i32 to index
        %get3A_543 = arith.constant 48 : index
        %get3A_544 = tpu.vector_load %arg17[%get3A_542, %get3A_543] {strides = array<i32>} : memref<128x64xf32, #tpu.memory_space<vmem>>, vector<1x16xf32>,
        %get3A_545 = vector.shape_cast %get3A_544 : vector<1x16xf32> to vector<16xf32>
        %mul3A_546 = vector.broadcast %squeeze3A_494 : f32 to vector<16xf32>
        %mul3A_547 = arith.mulf %get3A_545, %mul3A_546 : vector<16xf32>
        %add3A_548 = arith.constant 7 : i32
        %add3A_549 = arith.addi %mul3A_61, %add3A_548 : i32
        %swap3A_550 = arith.index_cast %add3A_549 : i32 to index
        %swap3A_551 = arith.constant 48 : index
        %swap3A_552 = tpu.vector_load %arg17[%swap3A_550, %swap3A_551] {strides = array<i32>} : memref<128x64xf32, #tpu.memory_space<vmem>>, vector<1x16xf32>,
        %swap3A_553 = vector.shape_cast %swap3A_552 : vector<1x16xf32> to vector<16xf32>
        %swap3A_554 = vector.shape_cast %mul3A_547 : vector<16xf32> to vector<1x16xf32>
        tpu.vector_store %arg17[%swap3A_550, %swap3A_551], %swap3A_554 {strides = array<i32>} : memref<128x64xf32, #tpu.memory_space<vmem>>, vector<1x16xf32>,
        %slice3A_555 = vector.extract_strided_slice %get3A_59 {offsets = [8], sizes = [1], strides = [1]} : vector<16xf32> to vector<1xf32>
        %squeeze3A_556 = vector.extract %slice3A_555[0] : f32 from vector<1xf32>
        %add3A_557 = arith.constant 8 : i32
        %add3A_558 = arith.addi %mul3A_61, %add3A_557 : i32
        %get3A_559 = arith.index_cast %add3A_558 : i32 to index
        %get3A_560 = arith.constant 0 : index
        %get3A_561 = tpu.vector_load %arg17[%get3A_559, %get3A_560] {strides = array<i32>} : memref<128x64xf32, #tpu.memory_space<vmem>>, vector<1x16xf32>,
        %get3A_562 = vector.shape_cast %get3A_561 : vector<1x16xf32> to vector<16xf32>
        %mul3A_563 = vector.broadcast %squeeze3A_556 : f32 to vector<16xf32>
        %mul3A_564 = arith.mulf %get3A_562, %mul3A_563 : vector<16xf32>
        %add3A_565 = arith.constant 8 : i32
        %add3A_566 = arith.addi %mul3A_61, %add3A_565 : i32
        %swap3A_567 = arith.index_cast %add3A_566 : i32 to index
        %swap3A_568 = arith.constant 0 : index
        %swap3A_569 = tpu.vector_load %arg17[%swap3A_567, %swap3A_568] {strides = array<i32>} : memref<128x64xf32, #tpu.memory_space<vmem>>, vector<1x16xf32>,
        %swap3A_570 = vector.shape_cast %swap3A_569 : vector<1x16xf32> to vector<16xf32>
        %swap3A_571 = vector.shape_cast %mul3A_564 : vector<16xf32> to vector<1x16xf32>
        tpu.vector_store %arg17[%swap3A_567, %swap3A_568], %swap3A_571 {strides = array<i32>} : memref<128x64xf32, #tpu.memory_space<vmem>>, vector<1x16xf32>,
        %add3A_572 = arith.constant 8 : i32
        %add3A_573 = arith.addi %mul3A_61, %add3A_572 : i32
        %get3A_574 = arith.index_cast %add3A_573 : i32 to index
        %get3A_575 = arith.constant 16 : index
        %get3A_576 = tpu.vector_load %arg17[%get3A_574, %get3A_575] {strides = array<i32>} : memref<128x64xf32, #tpu.memory_space<vmem>>, vector<1x16xf32>,
        %get3A_577 = vector.shape_cast %get3A_576 : vector<1x16xf32> to vector<16xf32>
        %mul3A_578 = vector.broadcast %squeeze3A_556 : f32 to vector<16xf32>
        %mul3A_579 = arith.mulf %get3A_577, %mul3A_578 : vector<16xf32>
        %add3A_580 = arith.constant 8 : i32
        %add3A_581 = arith.addi %mul3A_61, %add3A_580 : i32
        %swap3A_582 = arith.index_cast %add3A_581 : i32 to index
        %swap3A_583 = arith.constant 16 : index
        %swap3A_584 = tpu.vector_load %arg17[%swap3A_582, %swap3A_583] {strides = array<i32>} : memref<128x64xf32, #tpu.memory_space<vmem>>, vector<1x16xf32>,
        %swap3A_585 = vector.shape_cast %swap3A_584 : vector<1x16xf32> to vector<16xf32>
        %swap3A_586 = vector.shape_cast %mul3A_579 : vector<16xf32> to vector<1x16xf32>
        tpu.vector_store %arg17[%swap3A_582, %swap3A_583], %swap3A_586 {strides = array<i32>} : memref<128x64xf32, #tpu.memory_space<vmem>>, vector<1x16xf32>,
        %add3A_587 = arith.constant 8 : i32
        %add3A_588 = arith.addi %mul3A_61, %add3A_587 : i32
        %get3A_589 = arith.index_cast %add3A_588 : i32 to index
        %get3A_590 = arith.constant 32 : index
        %get3A_591 = tpu.vector_load %arg17[%get3A_589, %get3A_590] {strides = array<i32>} : memref<128x64xf32, #tpu.memory_space<vmem>>, vector<1x16xf32>,
        %get3A_592 = vector.shape_cast %get3A_591 : vector<1x16xf32> to vector<16xf32>
        %mul3A_593 = vector.broadcast %squeeze3A_556 : f32 to vector<16xf32>
        %mul3A_594 = arith.mulf %get3A_592, %mul3A_593 : vector<16xf32>
        %add3A_595 = arith.constant 8 : i32
        %add3A_596 = arith.addi %mul3A_61, %add3A_595 : i32
        %swap3A_597 = arith.index_cast %add3A_596 : i32 to index
        %swap3A_598 = arith.constant 32 : index
        %swap3A_599 = tpu.vector_load %arg17[%swap3A_597, %swap3A_598] {strides = array<i32>} : memref<128x64xf32, #tpu.memory_space<vmem>>, vector<1x16xf32>,
        %swap3A_600 = vector.shape_cast %swap3A_599 : vector<1x16xf32> to vector<16xf32>
        %swap3A_601 = vector.shape_cast %mul3A_594 : vector<16xf32> to vector<1x16xf32>
        tpu.vector_store %arg17[%swap3A_597, %swap3A_598], %swap3A_601 {strides = array<i32>} : memref<128x64xf32, #tpu.memory_space<vmem>>, vector<1x16xf32>,
        %add3A_602 = arith.constant 8 : i32
        %add3A_603 = arith.addi %mul3A_61, %add3A_602 : i32
        %get3A_604 = arith.index_cast %add3A_603 : i32 to index
        %get3A_605 = arith.constant 48 : index
        %get3A_606 = tpu.vector_load %arg17[%get3A_604, %get3A_605] {strides = array<i32>} : memref<128x64xf32, #tpu.memory_space<vmem>>, vector<1x16xf32>,
        %get3A_607 = vector.shape_cast %get3A_606 : vector<1x16xf32> to vector<16xf32>
        %mul3A_608 = vector.broadcast %squeeze3A_556 : f32 to vector<16xf32>
        %mul3A_609 = arith.mulf %get3A_607, %mul3A_608 : vector<16xf32>
        %add3A_610 = arith.constant 8 : i32
        %add3A_611 = arith.addi %mul3A_61, %add3A_610 : i32
        %swap3A_612 = arith.index_cast %add3A_611 : i32 to index
        %swap3A_613 = arith.constant 48 : index
        %swap3A_614 = tpu.vector_load %arg17[%swap3A_612, %swap3A_613] {strides = array<i32>} : memref<128x64xf32, #tpu.memory_space<vmem>>, vector<1x16xf32>,
        %swap3A_615 = vector.shape_cast %swap3A_614 : vector<1x16xf32> to vector<16xf32>
        %swap3A_616 = vector.shape_cast %mul3A_609 : vector<16xf32> to vector<1x16xf32>
        tpu.vector_store %arg17[%swap3A_612, %swap3A_613], %swap3A_616 {strides = array<i32>} : memref<128x64xf32, #tpu.memory_space<vmem>>, vector<1x16xf32>,
        %slice3A_617 = vector.extract_strided_slice %get3A_59 {offsets = [9], sizes = [1], strides = [1]} : vector<16xf32> to vector<1xf32>
        %squeeze3A_618 = vector.extract %slice3A_617[0] : f32 from vector<1xf32>
        %add3A_619 = arith.constant 9 : i32
        %add3A_620 = arith.addi %mul3A_61, %add3A_619 : i32
        %get3A_621 = arith.index_cast %add3A_620 : i32 to index
        %get3A_622 = arith.constant 0 : index
        %get3A_623 = tpu.vector_load %arg17[%get3A_621, %get3A_622] {strides = array<i32>} : memref<128x64xf32, #tpu.memory_space<vmem>>, vector<1x16xf32>,
        %get3A_624 = vector.shape_cast %get3A_623 : vector<1x16xf32> to vector<16xf32>
        %mul3A_625 = vector.broadcast %squeeze3A_618 : f32 to vector<16xf32>
        %mul3A_626 = arith.mulf %get3A_624, %mul3A_625 : vector<16xf32>
        %add3A_627 = arith.constant 9 : i32
        %add3A_628 = arith.addi %mul3A_61, %add3A_627 : i32
        %swap3A_629 = arith.index_cast %add3A_628 : i32 to index
        %swap3A_630 = arith.constant 0 : index
        %swap3A_631 = tpu.vector_load %arg17[%swap3A_629, %swap3A_630] {strides = array<i32>} : memref<128x64xf32, #tpu.memory_space<vmem>>, vector<1x16xf32>,
        %swap3A_632 = vector.shape_cast %swap3A_631 : vector<1x16xf32> to vector<16xf32>
        %swap3A_633 = vector.shape_cast %mul3A_626 : vector<16xf32> to vector<1x16xf32>
        tpu.vector_store %arg17[%swap3A_629, %swap3A_630], %swap3A_633 {strides = array<i32>} : memref<128x64xf32, #tpu.memory_space<vmem>>, vector<1x16xf32>,
        %add3A_634 = arith.constant 9 : i32
        %add3A_635 = arith.addi %mul3A_61, %add3A_634 : i32
        %get3A_636 = arith.index_cast %add3A_635 : i32 to index
        %get3A_637 = arith.constant 16 : index
        %get3A_638 = tpu.vector_load %arg17[%get3A_636, %get3A_637] {strides = array<i32>} : memref<128x64xf32, #tpu.memory_space<vmem>>, vector<1x16xf32>,
        %get3A_639 = vector.shape_cast %get3A_638 : vector<1x16xf32> to vector<16xf32>
        %mul3A_640 = vector.broadcast %squeeze3A_618 : f32 to vector<16xf32>
        %mul3A_641 = arith.mulf %get3A_639, %mul3A_640 : vector<16xf32>
        %add3A_642 = arith.constant 9 : i32
        %add3A_643 = arith.addi %mul3A_61, %add3A_642 : i32
        %swap3A_644 = arith.index_cast %add3A_643 : i32 to index
        %swap3A_645 = arith.constant 16 : index
        %swap3A_646 = tpu.vector_load %arg17[%swap3A_644, %swap3A_645] {strides = array<i32>} : memref<128x64xf32, #tpu.memory_space<vmem>>, vector<1x16xf32>,
        %swap3A_647 = vector.shape_cast %swap3A_646 : vector<1x16xf32> to vector<16xf32>
        %swap3A_648 = vector.shape_cast %mul3A_641 : vector<16xf32> to vector<1x16xf32>
        tpu.vector_store %arg17[%swap3A_644, %swap3A_645], %swap3A_648 {strides = array<i32>} : memref<128x64xf32, #tpu.memory_space<vmem>>, vector<1x16xf32>,
        %add3A_649 = arith.constant 9 : i32
        %add3A_650 = arith.addi %mul3A_61, %add3A_649 : i32
        %get3A_651 = arith.index_cast %add3A_650 : i32 to index
        %get3A_652 = arith.constant 32 : index
        %get3A_653 = tpu.vector_load %arg17[%get3A_651, %get3A_652] {strides = array<i32>} : memref<128x64xf32, #tpu.memory_space<vmem>>, vector<1x16xf32>,
        %get3A_654 = vector.shape_cast %get3A_653 : vector<1x16xf32> to vector<16xf32>
        %mul3A_655 = vector.broadcast %squeeze3A_618 : f32 to vector<16xf32>
        %mul3A_656 = arith.mulf %get3A_654, %mul3A_655 : vector<16xf32>
        %add3A_657 = arith.constant 9 : i32
        %add3A_658 = arith.addi %mul3A_61, %add3A_657 : i32
        %swap3A_659 = arith.index_cast %add3A_658 : i32 to index
        %swap3A_660 = arith.constant 32 : index
        %swap3A_661 = tpu.vector_load %arg17[%swap3A_659, %swap3A_660] {strides = array<i32>} : memref<128x64xf32, #tpu.memory_space<vmem>>, vector<1x16xf32>,
        %swap3A_662 = vector.shape_cast %swap3A_661 : vector<1x16xf32> to vector<16xf32>
        %swap3A_663 = vector.shape_cast %mul3A_656 : vector<16xf32> to vector<1x16xf32>
        tpu.vector_store %arg17[%swap3A_659, %swap3A_660], %swap3A_663 {strides = array<i32>} : memref<128x64xf32, #tpu.memory_space<vmem>>, vector<1x16xf32>,
        %add3A_664 = arith.constant 9 : i32
        %add3A_665 = arith.addi %mul3A_61, %add3A_664 : i32
        %get3A_666 = arith.index_cast %add3A_665 : i32 to index
        %get3A_667 = arith.constant 48 : index
        %get3A_668 = tpu.vector_load %arg17[%get3A_666, %get3A_667] {strides = array<i32>} : memref<128x64xf32, #tpu.memory_space<vmem>>, vector<1x16xf32>,
        %get3A_669 = vector.shape_cast %get3A_668 : vector<1x16xf32> to vector<16xf32>
        %mul3A_670 = vector.broadcast %squeeze3A_618 : f32 to vector<16xf32>
        %mul3A_671 = arith.mulf %get3A_669, %mul3A_670 : vector<16xf32>
        %add3A_672 = arith.constant 9 : i32
        %add3A_673 = arith.addi %mul3A_61, %add3A_672 : i32
        %swap3A_674 = arith.index_cast %add3A_673 : i32 to index
        %swap3A_675 = arith.constant 48 : index
        %swap3A_676 = tpu.vector_load %arg17[%swap3A_674, %swap3A_675] {strides = array<i32>} : memref<128x64xf32, #tpu.memory_space<vmem>>, vector<1x16xf32>,
        %swap3A_677 = vector.shape_cast %swap3A_676 : vector<1x16xf32> to vector<16xf32>
        %swap3A_678 = vector.shape_cast %mul3A_671 : vector<16xf32> to vector<1x16xf32>
        tpu.vector_store %arg17[%swap3A_674, %swap3A_675], %swap3A_678 {strides = array<i32>} : memref<128x64xf32, #tpu.memory_space<vmem>>, vector<1x16xf32>,
        %slice3A_679 = vector.extract_strided_slice %get3A_59 {offsets = [10], sizes = [1], strides = [1]} : vector<16xf32> to vector<1xf32>
        %squeeze3A_680 = vector.extract %slice3A_679[0] : f32 from vector<1xf32>
        %add3A_681 = arith.constant 10 : i32
        %add3A_682 = arith.addi %mul3A_61, %add3A_681 : i32
        %get3A_683 = arith.index_cast %add3A_682 : i32 to index
        %get3A_684 = arith.constant 0 : index
        %get3A_685 = tpu.vector_load %arg17[%get3A_683, %get3A_684] {strides = array<i32>} : memref<128x64xf32, #tpu.memory_space<vmem>>, vector<1x16xf32>,
        %get3A_686 = vector.shape_cast %get3A_685 : vector<1x16xf32> to vector<16xf32>
        %mul3A_687 = vector.broadcast %squeeze3A_680 : f32 to vector<16xf32>
        %mul3A_688 = arith.mulf %get3A_686, %mul3A_687 : vector<16xf32>
        %add3A_689 = arith.constant 10 : i32
        %add3A_690 = arith.addi %mul3A_61, %add3A_689 : i32
        %swap3A_691 = arith.index_cast %add3A_690 : i32 to index
        %swap3A_692 = arith.constant 0 : index
        %swap3A_693 = tpu.vector_load %arg17[%swap3A_691, %swap3A_692] {strides = array<i32>} : memref<128x64xf32, #tpu.memory_space<vmem>>, vector<1x16xf32>,
        %swap3A_694 = vector.shape_cast %swap3A_693 : vector<1x16xf32> to vector<16xf32>
        %swap3A_695 = vector.shape_cast %mul3A_688 : vector<16xf32> to vector<1x16xf32>
        tpu.vector_store %arg17[%swap3A_691, %swap3A_692], %swap3A_695 {strides = array<i32>} : memref<128x64xf32, #tpu.memory_space<vmem>>, vector<1x16xf32>,
        %add3A_696 = arith.constant 10 : i32
        %add3A_697 = arith.addi %mul3A_61, %add3A_696 : i32
        %get3A_698 = arith.index_cast %add3A_697 : i32 to index
        %get3A_699 = arith.constant 16 : index
        %get3A_700 = tpu.vector_load %arg17[%get3A_698, %get3A_699] {strides = array<i32>} : memref<128x64xf32, #tpu.memory_space<vmem>>, vector<1x16xf32>,
        %get3A_701 = vector.shape_cast %get3A_700 : vector<1x16xf32> to vector<16xf32>
        %mul3A_702 = vector.broadcast %squeeze3A_680 : f32 to vector<16xf32>
        %mul3A_703 = arith.mulf %get3A_701, %mul3A_702 : vector<16xf32>
        %add3A_704 = arith.constant 10 : i32
        %add3A_705 = arith.addi %mul3A_61, %add3A_704 : i32
        %swap3A_706 = arith.index_cast %add3A_705 : i32 to index
        %swap3A_707 = arith.constant 16 : index
        %swap3A_708 = tpu.vector_load %arg17[%swap3A_706, %swap3A_707] {strides = array<i32>} : memref<128x64xf32, #tpu.memory_space<vmem>>, vector<1x16xf32>,
        %swap3A_709 = vector.shape_cast %swap3A_708 : vector<1x16xf32> to vector<16xf32>
        %swap3A_710 = vector.shape_cast %mul3A_703 : vector<16xf32> to vector<1x16xf32>
        tpu.vector_store %arg17[%swap3A_706, %swap3A_707], %swap3A_710 {strides = array<i32>} : memref<128x64xf32, #tpu.memory_space<vmem>>, vector<1x16xf32>,
        %add3A_711 = arith.constant 10 : i32
        %add3A_712 = arith.addi %mul3A_61, %add3A_711 : i32
        %get3A_713 = arith.index_cast %add3A_712 : i32 to index
        %get3A_714 = arith.constant 32 : index
        %get3A_715 = tpu.vector_load %arg17[%get3A_713, %get3A_714] {strides = array<i32>} : memref<128x64xf32, #tpu.memory_space<vmem>>, vector<1x16xf32>,
        %get3A_716 = vector.shape_cast %get3A_715 : vector<1x16xf32> to vector<16xf32>
        %mul3A_717 = vector.broadcast %squeeze3A_680 : f32 to vector<16xf32>
        %mul3A_718 = arith.mulf %get3A_716, %mul3A_717 : vector<16xf32>
        %add3A_719 = arith.constant 10 : i32
        %add3A_720 = arith.addi %mul3A_61, %add3A_719 : i32
        %swap3A_721 = arith.index_cast %add3A_720 : i32 to index
        %swap3A_722 = arith.constant 32 : index
        %swap3A_723 = tpu.vector_load %arg17[%swap3A_721, %swap3A_722] {strides = array<i32>} : memref<128x64xf32, #tpu.memory_space<vmem>>, vector<1x16xf32>,
        %swap3A_724 = vector.shape_cast %swap3A_723 : vector<1x16xf32> to vector<16xf32>
        %swap3A_725 = vector.shape_cast %mul3A_718 : vector<16xf32> to vector<1x16xf32>
        tpu.vector_store %arg17[%swap3A_721, %swap3A_722], %swap3A_725 {strides = array<i32>} : memref<128x64xf32, #tpu.memory_space<vmem>>, vector<1x16xf32>,
        %add3A_726 = arith.constant 10 : i32
        %add3A_727 = arith.addi %mul3A_61, %add3A_726 : i32
        %get3A_728 = arith.index_cast %add3A_727 : i32 to index
        %get3A_729 = arith.constant 48 : index
        %get3A_730 = tpu.vector_load %arg17[%get3A_728, %get3A_729] {strides = array<i32>} : memref<128x64xf32, #tpu.memory_space<vmem>>, vector<1x16xf32>,
        %get3A_731 = vector.shape_cast %get3A_730 : vector<1x16xf32> to vector<16xf32>
        %mul3A_732 = vector.broadcast %squeeze3A_680 : f32 to vector<16xf32>
        %mul3A_733 = arith.mulf %get3A_731, %mul3A_732 : vector<16xf32>
        %add3A_734 = arith.constant 10 : i32
        %add3A_735 = arith.addi %mul3A_61, %add3A_734 : i32
        %swap3A_736 = arith.index_cast %add3A_735 : i32 to index
        %swap3A_737 = arith.constant 48 : index
        %swap3A_738 = tpu.vector_load %arg17[%swap3A_736, %swap3A_737] {strides = array<i32>} : memref<128x64xf32, #tpu.memory_space<vmem>>, vector<1x16xf32>,
        %swap3A_739 = vector.shape_cast %swap3A_738 : vector<1x16xf32> to vector<16xf32>
        %swap3A_740 = vector.shape_cast %mul3A_733 : vector<16xf32> to vector<1x16xf32>
        tpu.vector_store %arg17[%swap3A_736, %swap3A_737], %swap3A_740 {strides = array<i32>} : memref<128x64xf32, #tpu.memory_space<vmem>>, vector<1x16xf32>,
        %slice3A_741 = vector.extract_strided_slice %get3A_59 {offsets = [11], sizes = [1], strides = [1]} : vector<16xf32> to vector<1xf32>
        %squeeze3A_742 = vector.extract %slice3A_741[0] : f32 from vector<1xf32>
        %add3A_743 = arith.constant 11 : i32
        %add3A_744 = arith.addi %mul3A_61, %add3A_743 : i32
        %get3A_745 = arith.index_cast %add3A_744 : i32 to index
        %get3A_746 = arith.constant 0 : index
        %get3A_747 = tpu.vector_load %arg17[%get3A_745, %get3A_746] {strides = array<i32>} : memref<128x64xf32, #tpu.memory_space<vmem>>, vector<1x16xf32>,
        %get3A_748 = vector.shape_cast %get3A_747 : vector<1x16xf32> to vector<16xf32>
        %mul3A_749 = vector.broadcast %squeeze3A_742 : f32 to vector<16xf32>
        %mul3A_750 = arith.mulf %get3A_748, %mul3A_749 : vector<16xf32>
        %add3A_751 = arith.constant 11 : i32
        %add3A_752 = arith.addi %mul3A_61, %add3A_751 : i32
        %swap3A_753 = arith.index_cast %add3A_752 : i32 to index
        %swap3A_754 = arith.constant 0 : index
        %swap3A_755 = tpu.vector_load %arg17[%swap3A_753, %swap3A_754] {strides = array<i32>} : memref<128x64xf32, #tpu.memory_space<vmem>>, vector<1x16xf32>,
        %swap3A_756 = vector.shape_cast %swap3A_755 : vector<1x16xf32> to vector<16xf32>
        %swap3A_757 = vector.shape_cast %mul3A_750 : vector<16xf32> to vector<1x16xf32>
        tpu.vector_store %arg17[%swap3A_753, %swap3A_754], %swap3A_757 {strides = array<i32>} : memref<128x64xf32, #tpu.memory_space<vmem>>, vector<1x16xf32>,
        %add3A_758 = arith.constant 11 : i32
        %add3A_759 = arith.addi %mul3A_61, %add3A_758 : i32
        %get3A_760 = arith.index_cast %add3A_759 : i32 to index
        %get3A_761 = arith.constant 16 : index
        %get3A_762 = tpu.vector_load %arg17[%get3A_760, %get3A_761] {strides = array<i32>} : memref<128x64xf32, #tpu.memory_space<vmem>>, vector<1x16xf32>,
        %get3A_763 = vector.shape_cast %get3A_762 : vector<1x16xf32> to vector<16xf32>
        %mul3A_764 = vector.broadcast %squeeze3A_742 : f32 to vector<16xf32>
        %mul3A_765 = arith.mulf %get3A_763, %mul3A_764 : vector<16xf32>
        %add3A_766 = arith.constant 11 : i32
        %add3A_767 = arith.addi %mul3A_61, %add3A_766 : i32
        %swap3A_768 = arith.index_cast %add3A_767 : i32 to index
        %swap3A_769 = arith.constant 16 : index
        %swap3A_770 = tpu.vector_load %arg17[%swap3A_768, %swap3A_769] {strides = array<i32>} : memref<128x64xf32, #tpu.memory_space<vmem>>, vector<1x16xf32>,
        %swap3A_771 = vector.shape_cast %swap3A_770 : vector<1x16xf32> to vector<16xf32>
        %swap3A_772 = vector.shape_cast %mul3A_765 : vector<16xf32> to vector<1x16xf32>
        tpu.vector_store %arg17[%swap3A_768, %swap3A_769], %swap3A_772 {strides = array<i32>} : memref<128x64xf32, #tpu.memory_space<vmem>>, vector<1x16xf32>,
        %add3A_773 = arith.constant 11 : i32
        %add3A_774 = arith.addi %mul3A_61, %add3A_773 : i32
        %get3A_775 = arith.index_cast %add3A_774 : i32 to index
        %get3A_776 = arith.constant 32 : index
        %get3A_777 = tpu.vector_load %arg17[%get3A_775, %get3A_776] {strides = array<i32>} : memref<128x64xf32, #tpu.memory_space<vmem>>, vector<1x16xf32>,
        %get3A_778 = vector.shape_cast %get3A_777 : vector<1x16xf32> to vector<16xf32>
        %mul3A_779 = vector.broadcast %squeeze3A_742 : f32 to vector<16xf32>
        %mul3A_780 = arith.mulf %get3A_778, %mul3A_779 : vector<16xf32>
        %add3A_781 = arith.constant 11 : i32
        %add3A_782 = arith.addi %mul3A_61, %add3A_781 : i32
        %swap3A_783 = arith.index_cast %add3A_782 : i32 to index
        %swap3A_784 = arith.constant 32 : index
        %swap3A_785 = tpu.vector_load %arg17[%swap3A_783, %swap3A_784] {strides = array<i32>} : memref<128x64xf32, #tpu.memory_space<vmem>>, vector<1x16xf32>,
        %swap3A_786 = vector.shape_cast %swap3A_785 : vector<1x16xf32> to vector<16xf32>
        %swap3A_787 = vector.shape_cast %mul3A_780 : vector<16xf32> to vector<1x16xf32>
        tpu.vector_store %arg17[%swap3A_783, %swap3A_784], %swap3A_787 {strides = array<i32>} : memref<128x64xf32, #tpu.memory_space<vmem>>, vector<1x16xf32>,
        %add3A_788 = arith.constant 11 : i32
        %add3A_789 = arith.addi %mul3A_61, %add3A_788 : i32
        %get3A_790 = arith.index_cast %add3A_789 : i32 to index
        %get3A_791 = arith.constant 48 : index
        %get3A_792 = tpu.vector_load %arg17[%get3A_790, %get3A_791] {strides = array<i32>} : memref<128x64xf32, #tpu.memory_space<vmem>>, vector<1x16xf32>,
        %get3A_793 = vector.shape_cast %get3A_792 : vector<1x16xf32> to vector<16xf32>
        %mul3A_794 = vector.broadcast %squeeze3A_742 : f32 to vector<16xf32>
        %mul3A_795 = arith.mulf %get3A_793, %mul3A_794 : vector<16xf32>
        %add3A_796 = arith.constant 11 : i32
        %add3A_797 = arith.addi %mul3A_61, %add3A_796 : i32
        %swap3A_798 = arith.index_cast %add3A_797 : i32 to index
        %swap3A_799 = arith.constant 48 : index
        %swap3A_800 = tpu.vector_load %arg17[%swap3A_798, %swap3A_799] {strides = array<i32>} : memref<128x64xf32, #tpu.memory_space<vmem>>, vector<1x16xf32>,
        %swap3A_801 = vector.shape_cast %swap3A_800 : vector<1x16xf32> to vector<16xf32>
        %swap3A_802 = vector.shape_cast %mul3A_795 : vector<16xf32> to vector<1x16xf32>
        tpu.vector_store %arg17[%swap3A_798, %swap3A_799], %swap3A_802 {strides = array<i32>} : memref<128x64xf32, #tpu.memory_space<vmem>>, vector<1x16xf32>,
        %slice3A_803 = vector.extract_strided_slice %get3A_59 {offsets = [12], sizes = [1], strides = [1]} : vector<16xf32> to vector<1xf32>
        %squeeze3A_804 = vector.extract %slice3A_803[0] : f32 from vector<1xf32>
        %add3A_805 = arith.constant 12 : i32
        %add3A_806 = arith.addi %mul3A_61, %add3A_805 : i32
        %get3A_807 = arith.index_cast %add3A_806 : i32 to index
        %get3A_808 = arith.constant 0 : index
        %get3A_809 = tpu.vector_load %arg17[%get3A_807, %get3A_808] {strides = array<i32>} : memref<128x64xf32, #tpu.memory_space<vmem>>, vector<1x16xf32>,
        %get3A_810 = vector.shape_cast %get3A_809 : vector<1x16xf32> to vector<16xf32>
        %mul3A_811 = vector.broadcast %squeeze3A_804 : f32 to vector<16xf32>
        %mul3A_812 = arith.mulf %get3A_810, %mul3A_811 : vector<16xf32>
        %add3A_813 = arith.constant 12 : i32
        %add3A_814 = arith.addi %mul3A_61, %add3A_813 : i32
        %swap3A_815 = arith.index_cast %add3A_814 : i32 to index
        %swap3A_816 = arith.constant 0 : index
        %swap3A_817 = tpu.vector_load %arg17[%swap3A_815, %swap3A_816] {strides = array<i32>} : memref<128x64xf32, #tpu.memory_space<vmem>>, vector<1x16xf32>,
        %swap3A_818 = vector.shape_cast %swap3A_817 : vector<1x16xf32> to vector<16xf32>
        %swap3A_819 = vector.shape_cast %mul3A_812 : vector<16xf32> to vector<1x16xf32>
        tpu.vector_store %arg17[%swap3A_815, %swap3A_816], %swap3A_819 {strides = array<i32>} : memref<128x64xf32, #tpu.memory_space<vmem>>, vector<1x16xf32>,
        %add3A_820 = arith.constant 12 : i32
        %add3A_821 = arith.addi %mul3A_61, %add3A_820 : i32
        %get3A_822 = arith.index_cast %add3A_821 : i32 to index
        %get3A_823 = arith.constant 16 : index
        %get3A_824 = tpu.vector_load %arg17[%get3A_822, %get3A_823] {strides = array<i32>} : memref<128x64xf32, #tpu.memory_space<vmem>>, vector<1x16xf32>,
        %get3A_825 = vector.shape_cast %get3A_824 : vector<1x16xf32> to vector<16xf32>
        %mul3A_826 = vector.broadcast %squeeze3A_804 : f32 to vector<16xf32>
        %mul3A_827 = arith.mulf %get3A_825, %mul3A_826 : vector<16xf32>
        %add3A_828 = arith.constant 12 : i32
        %add3A_829 = arith.addi %mul3A_61, %add3A_828 : i32
        %swap3A_830 = arith.index_cast %add3A_829 : i32 to index
        %swap3A_831 = arith.constant 16 : index
        %swap3A_832 = tpu.vector_load %arg17[%swap3A_830, %swap3A_831] {strides = array<i32>} : memref<128x64xf32, #tpu.memory_space<vmem>>, vector<1x16xf32>,
        %swap3A_833 = vector.shape_cast %swap3A_832 : vector<1x16xf32> to vector<16xf32>
        %swap3A_834 = vector.shape_cast %mul3A_827 : vector<16xf32> to vector<1x16xf32>
        tpu.vector_store %arg17[%swap3A_830, %swap3A_831], %swap3A_834 {strides = array<i32>} : memref<128x64xf32, #tpu.memory_space<vmem>>, vector<1x16xf32>,
        %add3A_835 = arith.constant 12 : i32
        %add3A_836 = arith.addi %mul3A_61, %add3A_835 : i32
        %get3A_837 = arith.index_cast %add3A_836 : i32 to index
        %get3A_838 = arith.constant 32 : index
        %get3A_839 = tpu.vector_load %arg17[%get3A_837, %get3A_838] {strides = array<i32>} : memref<128x64xf32, #tpu.memory_space<vmem>>, vector<1x16xf32>,
        %get3A_840 = vector.shape_cast %get3A_839 : vector<1x16xf32> to vector<16xf32>
        %mul3A_841 = vector.broadcast %squeeze3A_804 : f32 to vector<16xf32>
        %mul3A_842 = arith.mulf %get3A_840, %mul3A_841 : vector<16xf32>
        %add3A_843 = arith.constant 12 : i32
        %add3A_844 = arith.addi %mul3A_61, %add3A_843 : i32
        %swap3A_845 = arith.index_cast %add3A_844 : i32 to index
        %swap3A_846 = arith.constant 32 : index
        %swap3A_847 = tpu.vector_load %arg17[%swap3A_845, %swap3A_846] {strides = array<i32>} : memref<128x64xf32, #tpu.memory_space<vmem>>, vector<1x16xf32>,
        %swap3A_848 = vector.shape_cast %swap3A_847 : vector<1x16xf32> to vector<16xf32>
        %swap3A_849 = vector.shape_cast %mul3A_842 : vector<16xf32> to vector<1x16xf32>
        tpu.vector_store %arg17[%swap3A_845, %swap3A_846], %swap3A_849 {strides = array<i32>} : memref<128x64xf32, #tpu.memory_space<vmem>>, vector<1x16xf32>,
        %add3A_850 = arith.constant 12 : i32
        %add3A_851 = arith.addi %mul3A_61, %add3A_850 : i32
        %get3A_852 = arith.index_cast %add3A_851 : i32 to index
        %get3A_853 = arith.constant 48 : index
        %get3A_854 = tpu.vector_load %arg17[%get3A_852, %get3A_853] {strides = array<i32>} : memref<128x64xf32, #tpu.memory_space<vmem>>, vector<1x16xf32>,
        %get3A_855 = vector.shape_cast %get3A_854 : vector<1x16xf32> to vector<16xf32>
        %mul3A_856 = vector.broadcast %squeeze3A_804 : f32 to vector<16xf32>
        %mul3A_857 = arith.mulf %get3A_855, %mul3A_856 : vector<16xf32>
        %add3A_858 = arith.constant 12 : i32
        %add3A_859 = arith.addi %mul3A_61, %add3A_858 : i32
        %swap3A_860 = arith.index_cast %add3A_859 : i32 to index
        %swap3A_861 = arith.constant 48 : index
        %swap3A_862 = tpu.vector_load %arg17[%swap3A_860, %swap3A_861] {strides = array<i32>} : memref<128x64xf32, #tpu.memory_space<vmem>>, vector<1x16xf32>,
        %swap3A_863 = vector.shape_cast %swap3A_862 : vector<1x16xf32> to vector<16xf32>
        %swap3A_864 = vector.shape_cast %mul3A_857 : vector<16xf32> to vector<1x16xf32>
        tpu.vector_store %arg17[%swap3A_860, %swap3A_861], %swap3A_864 {strides = array<i32>} : memref<128x64xf32, #tpu.memory_space<vmem>>, vector<1x16xf32>,
        %slice3A_865 = vector.extract_strided_slice %get3A_59 {offsets = [13], sizes = [1], strides = [1]} : vector<16xf32> to vector<1xf32>
        %squeeze3A_866 = vector.extract %slice3A_865[0] : f32 from vector<1xf32>
        %add3A_867 = arith.constant 13 : i32
        %add3A_868 = arith.addi %mul3A_61, %add3A_867 : i32
        %get3A_869 = arith.index_cast %add3A_868 : i32 to index
        %get3A_870 = arith.constant 0 : index
        %get3A_871 = tpu.vector_load %arg17[%get3A_869, %get3A_870] {strides = array<i32>} : memref<128x64xf32, #tpu.memory_space<vmem>>, vector<1x16xf32>,
        %get3A_872 = vector.shape_cast %get3A_871 : vector<1x16xf32> to vector<16xf32>
        %mul3A_873 = vector.broadcast %squeeze3A_866 : f32 to vector<16xf32>
        %mul3A_874 = arith.mulf %get3A_872, %mul3A_873 : vector<16xf32>
        %add3A_875 = arith.constant 13 : i32
        %add3A_876 = arith.addi %mul3A_61, %add3A_875 : i32
        %swap3A_877 = arith.index_cast %add3A_876 : i32 to index
        %swap3A_878 = arith.constant 0 : index
        %swap3A_879 = tpu.vector_load %arg17[%swap3A_877, %swap3A_878] {strides = array<i32>} : memref<128x64xf32, #tpu.memory_space<vmem>>, vector<1x16xf32>,
        %swap3A_880 = vector.shape_cast %swap3A_879 : vector<1x16xf32> to vector<16xf32>
        %swap3A_881 = vector.shape_cast %mul3A_874 : vector<16xf32> to vector<1x16xf32>
        tpu.vector_store %arg17[%swap3A_877, %swap3A_878], %swap3A_881 {strides = array<i32>} : memref<128x64xf32, #tpu.memory_space<vmem>>, vector<1x16xf32>,
        %add3A_882 = arith.constant 13 : i32
        %add3A_883 = arith.addi %mul3A_61, %add3A_882 : i32
        %get3A_884 = arith.index_cast %add3A_883 : i32 to index
        %get3A_885 = arith.constant 16 : index
        %get3A_886 = tpu.vector_load %arg17[%get3A_884, %get3A_885] {strides = array<i32>} : memref<128x64xf32, #tpu.memory_space<vmem>>, vector<1x16xf32>,
        %get3A_887 = vector.shape_cast %get3A_886 : vector<1x16xf32> to vector<16xf32>
        %mul3A_888 = vector.broadcast %squeeze3A_866 : f32 to vector<16xf32>
        %mul3A_889 = arith.mulf %get3A_887, %mul3A_888 : vector<16xf32>
        %add3A_890 = arith.constant 13 : i32
        %add3A_891 = arith.addi %mul3A_61, %add3A_890 : i32
        %swap3A_892 = arith.index_cast %add3A_891 : i32 to index
        %swap3A_893 = arith.constant 16 : index
        %swap3A_894 = tpu.vector_load %arg17[%swap3A_892, %swap3A_893] {strides = array<i32>} : memref<128x64xf32, #tpu.memory_space<vmem>>, vector<1x16xf32>,
        %swap3A_895 = vector.shape_cast %swap3A_894 : vector<1x16xf32> to vector<16xf32>
        %swap3A_896 = vector.shape_cast %mul3A_889 : vector<16xf32> to vector<1x16xf32>
        tpu.vector_store %arg17[%swap3A_892, %swap3A_893], %swap3A_896 {strides = array<i32>} : memref<128x64xf32, #tpu.memory_space<vmem>>, vector<1x16xf32>,
        %add3A_897 = arith.constant 13 : i32
        %add3A_898 = arith.addi %mul3A_61, %add3A_897 : i32
        %get3A_899 = arith.index_cast %add3A_898 : i32 to index
        %get3A_900 = arith.constant 32 : index
        %get3A_901 = tpu.vector_load %arg17[%get3A_899, %get3A_900] {strides = array<i32>} : memref<128x64xf32, #tpu.memory_space<vmem>>, vector<1x16xf32>,
        %get3A_902 = vector.shape_cast %get3A_901 : vector<1x16xf32> to vector<16xf32>
        %mul3A_903 = vector.broadcast %squeeze3A_866 : f32 to vector<16xf32>
        %mul3A_904 = arith.mulf %get3A_902, %mul3A_903 : vector<16xf32>
        %add3A_905 = arith.constant 13 : i32
        %add3A_906 = arith.addi %mul3A_61, %add3A_905 : i32
        %swap3A_907 = arith.index_cast %add3A_906 : i32 to index
        %swap3A_908 = arith.constant 32 : index
        %swap3A_909 = tpu.vector_load %arg17[%swap3A_907, %swap3A_908] {strides = array<i32>} : memref<128x64xf32, #tpu.memory_space<vmem>>, vector<1x16xf32>,
        %swap3A_910 = vector.shape_cast %swap3A_909 : vector<1x16xf32> to vector<16xf32>
        %swap3A_911 = vector.shape_cast %mul3A_904 : vector<16xf32> to vector<1x16xf32>
        tpu.vector_store %arg17[%swap3A_907, %swap3A_908], %swap3A_911 {strides = array<i32>} : memref<128x64xf32, #tpu.memory_space<vmem>>, vector<1x16xf32>,
        %add3A_912 = arith.constant 13 : i32
        %add3A_913 = arith.addi %mul3A_61, %add3A_912 : i32
        %get3A_914 = arith.index_cast %add3A_913 : i32 to index
        %get3A_915 = arith.constant 48 : index
        %get3A_916 = tpu.vector_load %arg17[%get3A_914, %get3A_915] {strides = array<i32>} : memref<128x64xf32, #tpu.memory_space<vmem>>, vector<1x16xf32>,
        %get3A_917 = vector.shape_cast %get3A_916 : vector<1x16xf32> to vector<16xf32>
        %mul3A_918 = vector.broadcast %squeeze3A_866 : f32 to vector<16xf32>
        %mul3A_919 = arith.mulf %get3A_917, %mul3A_918 : vector<16xf32>
        %add3A_920 = arith.constant 13 : i32
        %add3A_921 = arith.addi %mul3A_61, %add3A_920 : i32
        %swap3A_922 = arith.index_cast %add3A_921 : i32 to index
        %swap3A_923 = arith.constant 48 : index
        %swap3A_924 = tpu.vector_load %arg17[%swap3A_922, %swap3A_923] {strides = array<i32>} : memref<128x64xf32, #tpu.memory_space<vmem>>, vector<1x16xf32>,
        %swap3A_925 = vector.shape_cast %swap3A_924 : vector<1x16xf32> to vector<16xf32>
        %swap3A_926 = vector.shape_cast %mul3A_919 : vector<16xf32> to vector<1x16xf32>
        tpu.vector_store %arg17[%swap3A_922, %swap3A_923], %swap3A_926 {strides = array<i32>} : memref<128x64xf32, #tpu.memory_space<vmem>>, vector<1x16xf32>,
        %slice3A_927 = vector.extract_strided_slice %get3A_59 {offsets = [14], sizes = [1], strides = [1]} : vector<16xf32> to vector<1xf32>
        %squeeze3A_928 = vector.extract %slice3A_927[0] : f32 from vector<1xf32>
        %add3A_929 = arith.constant 14 : i32
        %add3A_930 = arith.addi %mul3A_61, %add3A_929 : i32
        %get3A_931 = arith.index_cast %add3A_930 : i32 to index
        %get3A_932 = arith.constant 0 : index
        %get3A_933 = tpu.vector_load %arg17[%get3A_931, %get3A_932] {strides = array<i32>} : memref<128x64xf32, #tpu.memory_space<vmem>>, vector<1x16xf32>,
        %get3A_934 = vector.shape_cast %get3A_933 : vector<1x16xf32> to vector<16xf32>
        %mul3A_935 = vector.broadcast %squeeze3A_928 : f32 to vector<16xf32>
        %mul3A_936 = arith.mulf %get3A_934, %mul3A_935 : vector<16xf32>
        %add3A_937 = arith.constant 14 : i32
        %add3A_938 = arith.addi %mul3A_61, %add3A_937 : i32
        %swap3A_939 = arith.index_cast %add3A_938 : i32 to index
        %swap3A_940 = arith.constant 0 : index
        %swap3A_941 = tpu.vector_load %arg17[%swap3A_939, %swap3A_940] {strides = array<i32>} : memref<128x64xf32, #tpu.memory_space<vmem>>, vector<1x16xf32>,
        %swap3A_942 = vector.shape_cast %swap3A_941 : vector<1x16xf32> to vector<16xf32>
        %swap3A_943 = vector.shape_cast %mul3A_936 : vector<16xf32> to vector<1x16xf32>
        tpu.vector_store %arg17[%swap3A_939, %swap3A_940], %swap3A_943 {strides = array<i32>} : memref<128x64xf32, #tpu.memory_space<vmem>>, vector<1x16xf32>,
        %add3A_944 = arith.constant 14 : i32
        %add3A_945 = arith.addi %mul3A_61, %add3A_944 : i32
        %get3A_946 = arith.index_cast %add3A_945 : i32 to index
        %get3A_947 = arith.constant 16 : index
        %get3A_948 = tpu.vector_load %arg17[%get3A_946, %get3A_947] {strides = array<i32>} : memref<128x64xf32, #tpu.memory_space<vmem>>, vector<1x16xf32>,
        %get3A_949 = vector.shape_cast %get3A_948 : vector<1x16xf32> to vector<16xf32>
        %mul3A_950 = vector.broadcast %squeeze3A_928 : f32 to vector<16xf32>
        %mul3A_951 = arith.mulf %get3A_949, %mul3A_950 : vector<16xf32>
        %add3A_952 = arith.constant 14 : i32
        %add3A_953 = arith.addi %mul3A_61, %add3A_952 : i32
        %swap3A_954 = arith.index_cast %add3A_953 : i32 to index
        %swap3A_955 = arith.constant 16 : index
        %swap3A_956 = tpu.vector_load %arg17[%swap3A_954, %swap3A_955] {strides = array<i32>} : memref<128x64xf32, #tpu.memory_space<vmem>>, vector<1x16xf32>,
        %swap3A_957 = vector.shape_cast %swap3A_956 : vector<1x16xf32> to vector<16xf32>
        %swap3A_958 = vector.shape_cast %mul3A_951 : vector<16xf32> to vector<1x16xf32>
        tpu.vector_store %arg17[%swap3A_954, %swap3A_955], %swap3A_958 {strides = array<i32>} : memref<128x64xf32, #tpu.memory_space<vmem>>, vector<1x16xf32>,
        %add3A_959 = arith.constant 14 : i32
        %add3A_960 = arith.addi %mul3A_61, %add3A_959 : i32
        %get3A_961 = arith.index_cast %add3A_960 : i32 to index
        %get3A_962 = arith.constant 32 : index
        %get3A_963 = tpu.vector_load %arg17[%get3A_961, %get3A_962] {strides = array<i32>} : memref<128x64xf32, #tpu.memory_space<vmem>>, vector<1x16xf32>,
        %get3A_964 = vector.shape_cast %get3A_963 : vector<1x16xf32> to vector<16xf32>
        %mul3A_965 = vector.broadcast %squeeze3A_928 : f32 to vector<16xf32>
        %mul3A_966 = arith.mulf %get3A_964, %mul3A_965 : vector<16xf32>
        %add3A_967 = arith.constant 14 : i32
        %add3A_968 = arith.addi %mul3A_61, %add3A_967 : i32
        %swap3A_969 = arith.index_cast %add3A_968 : i32 to index
        %swap3A_970 = arith.constant 32 : index
        %swap3A_971 = tpu.vector_load %arg17[%swap3A_969, %swap3A_970] {strides = array<i32>} : memref<128x64xf32, #tpu.memory_space<vmem>>, vector<1x16xf32>,
        %swap3A_972 = vector.shape_cast %swap3A_971 : vector<1x16xf32> to vector<16xf32>
        %swap3A_973 = vector.shape_cast %mul3A_966 : vector<16xf32> to vector<1x16xf32>
        tpu.vector_store %arg17[%swap3A_969, %swap3A_970], %swap3A_973 {strides = array<i32>} : memref<128x64xf32, #tpu.memory_space<vmem>>, vector<1x16xf32>,
        %add3A_974 = arith.constant 14 : i32
        %add3A_975 = arith.addi %mul3A_61, %add3A_974 : i32
        %get3A_976 = arith.index_cast %add3A_975 : i32 to index
        %get3A_977 = arith.constant 48 : index
        %get3A_978 = tpu.vector_load %arg17[%get3A_976, %get3A_977] {strides = array<i32>} : memref<128x64xf32, #tpu.memory_space<vmem>>, vector<1x16xf32>,
        %get3A_979 = vector.shape_cast %get3A_978 : vector<1x16xf32> to vector<16xf32>
        %mul3A_980 = vector.broadcast %squeeze3A_928 : f32 to vector<16xf32>
        %mul3A_981 = arith.mulf %get3A_979, %mul3A_980 : vector<16xf32>
        %add3A_982 = arith.constant 14 : i32
        %add3A_983 = arith.addi %mul3A_61, %add3A_982 : i32
        %swap3A_984 = arith.index_cast %add3A_983 : i32 to index
        %swap3A_985 = arith.constant 48 : index
        %swap3A_986 = tpu.vector_load %arg17[%swap3A_984, %swap3A_985] {strides = array<i32>} : memref<128x64xf32, #tpu.memory_space<vmem>>, vector<1x16xf32>,
        %swap3A_987 = vector.shape_cast %swap3A_986 : vector<1x16xf32> to vector<16xf32>
        %swap3A_988 = vector.shape_cast %mul3A_981 : vector<16xf32> to vector<1x16xf32>
        tpu.vector_store %arg17[%swap3A_984, %swap3A_985], %swap3A_988 {strides = array<i32>} : memref<128x64xf32, #tpu.memory_space<vmem>>, vector<1x16xf32>,
        %slice3A_989 = vector.extract_strided_slice %get3A_59 {offsets = [15], sizes = [1], strides = [1]} : vector<16xf32> to vector<1xf32>
        %squeeze3A_990 = vector.extract %slice3A_989[0] : f32 from vector<1xf32>
        %add3A_991 = arith.constant 15 : i32
        %add3A_992 = arith.addi %mul3A_61, %add3A_991 : i32
        %get3A_993 = arith.index_cast %add3A_992 : i32 to index
        %get3A_994 = arith.constant 0 : index
        %get3A_995 = tpu.vector_load %arg17[%get3A_993, %get3A_994] {strides = array<i32>} : memref<128x64xf32, #tpu.memory_space<vmem>>, vector<1x16xf32>,
        %get3A_996 = vector.shape_cast %get3A_995 : vector<1x16xf32> to vector<16xf32>
        %mul3A_997 = vector.broadcast %squeeze3A_990 : f32 to vector<16xf32>
        %mul3A_998 = arith.mulf %get3A_996, %mul3A_997 : vector<16xf32>
        %add3A_999 = arith.constant 15 : i32
        %add3A_1000 = arith.addi %mul3A_61, %add3A_999 : i32
        %swap3A_1001 = arith.index_cast %add3A_1000 : i32 to index
        %swap3A_1002 = arith.constant 0 : index
        %swap3A_1003 = tpu.vector_load %arg17[%swap3A_1001, %swap3A_1002] {strides = array<i32>} : memref<128x64xf32, #tpu.memory_space<vmem>>, vector<1x16xf32>,
        %swap3A_1004 = vector.shape_cast %swap3A_1003 : vector<1x16xf32> to vector<16xf32>
        %swap3A_1005 = vector.shape_cast %mul3A_998 : vector<16xf32> to vector<1x16xf32>
        tpu.vector_store %arg17[%swap3A_1001, %swap3A_1002], %swap3A_1005 {strides = array<i32>} : memref<128x64xf32, #tpu.memory_space<vmem>>, vector<1x16xf32>,
        %add3A_1006 = arith.constant 15 : i32
        %add3A_1007 = arith.addi %mul3A_61, %add3A_1006 : i32
        %get3A_1008 = arith.index_cast %add3A_1007 : i32 to index
        %get3A_1009 = arith.constant 16 : index
        %get3A_1010 = tpu.vector_load %arg17[%get3A_1008, %get3A_1009] {strides = array<i32>} : memref<128x64xf32, #tpu.memory_space<vmem>>, vector<1x16xf32>,
        %get3A_1011 = vector.shape_cast %get3A_1010 : vector<1x16xf32> to vector<16xf32>
        %mul3A_1012 = vector.broadcast %squeeze3A_990 : f32 to vector<16xf32>
        %mul3A_1013 = arith.mulf %get3A_1011, %mul3A_1012 : vector<16xf32>
        %add3A_1014 = arith.constant 15 : i32
        %add3A_1015 = arith.addi %mul3A_61, %add3A_1014 : i32
        %swap3A_1016 = arith.index_cast %add3A_1015 : i32 to index
        %swap3A_1017 = arith.constant 16 : index
        %swap3A_1018 = tpu.vector_load %arg17[%swap3A_1016, %swap3A_1017] {strides = array<i32>} : memref<128x64xf32, #tpu.memory_space<vmem>>, vector<1x16xf32>,
        %swap3A_1019 = vector.shape_cast %swap3A_1018 : vector<1x16xf32> to vector<16xf32>
        %swap3A_1020 = vector.shape_cast %mul3A_1013 : vector<16xf32> to vector<1x16xf32>
        tpu.vector_store %arg17[%swap3A_1016, %swap3A_1017], %swap3A_1020 {strides = array<i32>} : memref<128x64xf32, #tpu.memory_space<vmem>>, vector<1x16xf32>,
        %add3A_1021 = arith.constant 15 : i32
        %add3A_1022 = arith.addi %mul3A_61, %add3A_1021 : i32
        %get3A_1023 = arith.index_cast %add3A_1022 : i32 to index
        %get3A_1024 = arith.constant 32 : index
        %get3A_1025 = tpu.vector_load %arg17[%get3A_1023, %get3A_1024] {strides = array<i32>} : memref<128x64xf32, #tpu.memory_space<vmem>>, vector<1x16xf32>,
        %get3A_1026 = vector.shape_cast %get3A_1025 : vector<1x16xf32> to vector<16xf32>
        %mul3A_1027 = vector.broadcast %squeeze3A_990 : f32 to vector<16xf32>
        %mul3A_1028 = arith.mulf %get3A_1026, %mul3A_1027 : vector<16xf32>
        %add3A_1029 = arith.constant 15 : i32
        %add3A_1030 = arith.addi %mul3A_61, %add3A_1029 : i32
        %swap3A_1031 = arith.index_cast %add3A_1030 : i32 to index
        %swap3A_1032 = arith.constant 32 : index
        %swap3A_1033 = tpu.vector_load %arg17[%swap3A_1031, %swap3A_1032] {strides = array<i32>} : memref<128x64xf32, #tpu.memory_space<vmem>>, vector<1x16xf32>,
        %swap3A_1034 = vector.shape_cast %swap3A_1033 : vector<1x16xf32> to vector<16xf32>
        %swap3A_1035 = vector.shape_cast %mul3A_1028 : vector<16xf32> to vector<1x16xf32>
        tpu.vector_store %arg17[%swap3A_1031, %swap3A_1032], %swap3A_1035 {strides = array<i32>} : memref<128x64xf32, #tpu.memory_space<vmem>>, vector<1x16xf32>,
        %add3A_1036 = arith.constant 15 : i32
        %add3A_1037 = arith.addi %mul3A_61, %add3A_1036 : i32
        %get3A_1038 = arith.index_cast %add3A_1037 : i32 to index
        %get3A_1039 = arith.constant 48 : index
        %get3A_1040 = tpu.vector_load %arg17[%get3A_1038, %get3A_1039] {strides = array<i32>} : memref<128x64xf32, #tpu.memory_space<vmem>>, vector<1x16xf32>,
        %get3A_1041 = vector.shape_cast %get3A_1040 : vector<1x16xf32> to vector<16xf32>
        %mul3A_1042 = vector.broadcast %squeeze3A_990 : f32 to vector<16xf32>
        %mul3A_1043 = arith.mulf %get3A_1041, %mul3A_1042 : vector<16xf32>
        %add3A_1044 = arith.constant 15 : i32
        %add3A_1045 = arith.addi %mul3A_61, %add3A_1044 : i32
        %swap3A_1046 = arith.index_cast %add3A_1045 : i32 to index
        %swap3A_1047 = arith.constant 48 : index
        %swap3A_1048 = tpu.vector_load %arg17[%swap3A_1046, %swap3A_1047] {strides = array<i32>} : memref<128x64xf32, #tpu.memory_space<vmem>>, vector<1x16xf32>,
        %swap3A_1049 = vector.shape_cast %swap3A_1048 : vector<1x16xf32> to vector<16xf32>
        %swap3A_1050 = vector.shape_cast %mul3A_1043 : vector<16xf32> to vector<1x16xf32>
        tpu.vector_store %arg17[%swap3A_1046, %swap3A_1047], %swap3A_1050 {strides = array<i32>} : memref<128x64xf32, #tpu.memory_space<vmem>>, vector<1x16xf32>,
        %scan3A_1051 = arith.constant 0 : i32
        scf.yield %scan3A_1051 : i32
      }
      %scan3A_51 = arith.constant 8 : i32
      "tpu.region"() ({
        %run_scoped3A = tpu.sem_alloc : memref<!tpu.dma_semaphore, #tpu.memory_space<semaphore_mem>>
        %dma_start3A_53 = arith.constant 0 : i32
        %dma_start3A_54 = tpu.memref_slice %arg15[%scan3A_33, %dma_start3A_53] : memref<42x128xi32, #tpu.memory_space<vmem>> -> memref<1x128xi32, #tpu.memory_space<vmem>>
        %dma_start3A_55 = tpu.memref_squeeze %dma_start3A_54 : memref<1x128xi32, #tpu.memory_space<vmem>> -> memref<128xi32, #tpu.memory_space<vmem>>
        %dma_start3A_56 = arith.constant 0 : i32
        %dma_start3A_57 = arith.constant 0 : i32
        %dma_start3A_58 = tpu.memref_slice %arg13[%dma_start3A_56, %dma_start3A_57] : memref<4096x64xf32, #tpu.memory_space<vmem_shared>> -> memref<4096x64xf32, #tpu.memory_space<vmem_shared>>
        tpu.enqueue_indirect_dma source(%arg17 : memref<128x64xf32, #tpu.memory_space<vmem>>) target(%dma_start3A_58 : memref<4096x64xf32, #tpu.memory_space<vmem_shared>>) offsets(%dma_start3A_55 : memref<128xi32, #tpu.memory_space<vmem>>) semaphore(%run_scoped3A : memref<!tpu.dma_semaphore, #tpu.memory_space<semaphore_mem>>) {add = true}
        %dma_wait3A_59 = arith.constant 0 : i32
        %dma_wait3A_60 = tpu.memref_slice %arg15[%scan3A_33, %dma_wait3A_59] : memref<42x128xi32, #tpu.memory_space<vmem>> -> memref<1x128xi32, #tpu.memory_space<vmem>>
        %dma_wait3A_61 = tpu.memref_squeeze %dma_wait3A_60 : memref<1x128xi32, #tpu.memory_space<vmem>> -> memref<128xi32, #tpu.memory_space<vmem>>
        %dma_wait3A_62 = arith.constant 0 : i32
        %dma_wait3A_63 = arith.constant 0 : i32
        %dma_wait3A_64 = tpu.memref_slice %arg13[%dma_wait3A_62, %dma_wait3A_63] : memref<4096x64xf32, #tpu.memory_space<vmem_shared>> -> memref<4096x64xf32, #tpu.memory_space<vmem_shared>>
        tpu.wait_indirect_dma semaphore(%run_scoped3A : memref<!tpu.dma_semaphore, #tpu.memory_space<semaphore_mem>>) src(%arg17 : memref<128x64xf32, #tpu.memory_space<vmem>>) dst(%dma_wait3A_64 : memref<4096x64xf32, #tpu.memory_space<vmem_shared>>)
        tpu.yield
      }) : () -> ()
      %scan3A_52 = arith.constant 0 : i32
      scf.yield %scan3A_52 : i32
    }
    %scan3A_31 = arith.constant 41 : i32
    %barrier3A_32 = arith.constant 0 : index
    tpu.barrier barrier_id(%barrier3A_32)
    "tpu.region"() ({
      %run_scoped3A = tpu.sem_alloc : memref<!tpu.dma_semaphore, #tpu.memory_space<semaphore_mem>>
      %dma_start3A = arith.constant 0 : i32
      %dma_start3A_33 = tpu.memref_slice %arg10[%arg0, %mul3A_2, %dma_start3A] : memref<2x4096x64xf32, #tpu.memory_space<hbm>> -> memref<1x256x64xf32, #tpu.memory_space<hbm>>
      %dma_start3A_34 = tpu.memref_squeeze %dma_start3A_33 : memref<1x256x64xf32, #tpu.memory_space<hbm>> -> memref<256x64xf32, #tpu.memory_space<hbm>>
      %dma_start3A_35 = arith.constant 0 : i32
      %dma_start3A_36 = tpu.memref_slice %arg12[%mul3A_2, %dma_start3A_35] : memref<4096x64xf32, #tpu.memory_space<vmem_shared>> -> memref<256x64xf32, #tpu.memory_space<vmem_shared>>
      tpu.enqueue_dma source(%dma_start3A_36 : memref<256x64xf32, #tpu.memory_space<vmem_shared>>) target(%dma_start3A_34 : memref<256x64xf32, #tpu.memory_space<hbm>>) target_semaphore(%run_scoped3A : memref<!tpu.dma_semaphore, #tpu.memory_space<semaphore_mem>>)
      %dma_wait3A = arith.constant 0 : i32
      %dma_wait3A_37 = tpu.memref_slice %arg10[%arg0, %mul3A_2, %dma_wait3A] : memref<2x4096x64xf32, #tpu.memory_space<hbm>> -> memref<1x256x64xf32, #tpu.memory_space<hbm>>
      %dma_wait3A_38 = tpu.memref_squeeze %dma_wait3A_37 : memref<1x256x64xf32, #tpu.memory_space<hbm>> -> memref<256x64xf32, #tpu.memory_space<hbm>>
      %dma_wait3A_39 = arith.constant 0 : i32
      %dma_wait3A_40 = tpu.memref_slice %arg12[%mul3A_2, %dma_wait3A_39] : memref<4096x64xf32, #tpu.memory_space<vmem_shared>> -> memref<256x64xf32, #tpu.memory_space<vmem_shared>>
      tpu.wait_dma2 semaphore(%run_scoped3A : memref<!tpu.dma_semaphore, #tpu.memory_space<semaphore_mem>>) src(%dma_wait3A_40 : memref<256x64xf32, #tpu.memory_space<vmem_shared>>) dst(%dma_wait3A_38 : memref<256x64xf32, #tpu.memory_space<hbm>>)
      tpu.yield
    }) : () -> ()
    "tpu.region"() ({
      %run_scoped3A = tpu.sem_alloc : memref<!tpu.dma_semaphore, #tpu.memory_space<semaphore_mem>>
      %dma_start3A = arith.constant 0 : i32
      %dma_start3A_33 = tpu.memref_slice %arg11[%arg0, %mul3A_2, %dma_start3A] : memref<2x4096x64xf32, #tpu.memory_space<hbm>> -> memref<1x256x64xf32, #tpu.memory_space<hbm>>
      %dma_start3A_34 = tpu.memref_squeeze %dma_start3A_33 : memref<1x256x64xf32, #tpu.memory_space<hbm>> -> memref<256x64xf32, #tpu.memory_space<hbm>>
      %dma_start3A_35 = arith.constant 0 : i32
      %dma_start3A_36 = tpu.memref_slice %arg13[%mul3A_2, %dma_start3A_35] : memref<4096x64xf32, #tpu.memory_space<vmem_shared>> -> memref<256x64xf32, #tpu.memory_space<vmem_shared>>
      tpu.enqueue_dma source(%dma_start3A_36 : memref<256x64xf32, #tpu.memory_space<vmem_shared>>) target(%dma_start3A_34 : memref<256x64xf32, #tpu.memory_space<hbm>>) target_semaphore(%run_scoped3A : memref<!tpu.dma_semaphore, #tpu.memory_space<semaphore_mem>>)
      %dma_wait3A = arith.constant 0 : i32
      %dma_wait3A_37 = tpu.memref_slice %arg11[%arg0, %mul3A_2, %dma_wait3A] : memref<2x4096x64xf32, #tpu.memory_space<hbm>> -> memref<1x256x64xf32, #tpu.memory_space<hbm>>
      %dma_wait3A_38 = tpu.memref_squeeze %dma_wait3A_37 : memref<1x256x64xf32, #tpu.memory_space<hbm>> -> memref<256x64xf32, #tpu.memory_space<hbm>>
      %dma_wait3A_39 = arith.constant 0 : i32
      %dma_wait3A_40 = tpu.memref_slice %arg13[%mul3A_2, %dma_wait3A_39] : memref<4096x64xf32, #tpu.memory_space<vmem_shared>> -> memref<256x64xf32, #tpu.memory_space<vmem_shared>>
      tpu.wait_dma2 semaphore(%run_scoped3A : memref<!tpu.dma_semaphore, #tpu.memory_space<semaphore_mem>>) src(%dma_wait3A_40 : memref<256x64xf32, #tpu.memory_space<vmem_shared>>) dst(%dma_wait3A_38 : memref<256x64xf32, #tpu.memory_space<hbm>>)
      tpu.yield
    }) : () -> ()
    return
  }
}

#map = affine_map<(d0, d1) -> (0, 0)>
#map1 = affine_map<(d0, d1) -> (0, 0, 0)>
module attributes {stable_mosaic.version = 14 : i64} {
  func.func @body(%arg0: i32, %arg1: i32, %arg2: memref<4096x64xf32, #tpu.memory_space<hbm>>, %arg3: memref<32x42x128xi32, #tpu.memory_space<hbm>>, %arg4: memref<32x42x128xi32, #tpu.memory_space<hbm>>, %arg5: memref<32x42x128xf32, #tpu.memory_space<hbm>>, %arg6: memref<2x4096x64xf32, #tpu.memory_space<hbm>>, %arg7: memref<4096x64xf32, #tpu.memory_space<vmem_shared>>, %arg8: memref<42x128xi32, #tpu.memory_space<vmem>>, %arg9: memref<42x128xi32, #tpu.memory_space<vmem>>, %arg10: memref<42x128xf32, #tpu.memory_space<vmem>>, %arg11: memref<128x64xf32, #tpu.memory_space<vmem>>, %arg12: memref<128x64xf32, #tpu.memory_space<vmem>>, %arg13: memref<128x64xf32, #tpu.memory_space<vmem>>, %arg14: memref<!tpu.dma_semaphore, #tpu.memory_space<semaphore_mem>>, %arg15: memref<!tpu.dma_semaphore, #tpu.memory_space<semaphore_mem>>, %arg16: memref<!tpu.dma_semaphore, #tpu.memory_space<semaphore_mem>>, %arg17: memref<!tpu.dma_semaphore, #tpu.memory_space<semaphore_mem>>, %arg18: memref<!tpu.dma_semaphore, #tpu.memory_space<semaphore_mem>>, %arg19: memref<!tpu.dma_semaphore, #tpu.memory_space<semaphore_mem>>) attributes {dimension_semantics = [#tpu.dimension_semantics<core_parallel>, #tpu.dimension_semantics<subcore_parallel>], iteration_bounds = array<i64: 2, 16>, scalar_prefetch = 0 : i64, scratch_operands = 13 : i64, tpu.core_type = #tpu.core_type<sc_vector_subcore>, window_params = [{transform_indices = #map}, {transform_indices = #map1}, {transform_indices = #map1}, {transform_indices = #map1}, {transform_indices = #map1}]} {
    %mul3A = arith.constant 2 : i32
    %mul3A_0 = arith.muli %arg1, %mul3A : i32
    %add3A = arith.addi %mul3A_0, %arg0 : i32
    %mul3A_1 = arith.constant 256 : i32
    %mul3A_2 = arith.muli %arg1, %mul3A_1 : i32
    %broadcast_in_dim3A = arith.constant 0.000000e+00 : f32
    %broadcast_in_dim3A_3 = vector.broadcast %broadcast_in_dim3A : f32 to vector<16xf32>
    %scan3A = arith.constant 0 : i32
    %scan3A_4 = arith.constant 0 : i32
    %scan3A_5 = arith.constant 128 : i32
    %scan3A_6 = arith.addi %scan3A_4, %scan3A_5 : i32
    %scan3A_7 = arith.constant 1 : i32
    %scan3A_8 = scf.for %scan3A_22 = %scan3A_4 to %scan3A_6 step %scan3A_7 iter_args(%scan3A_23 = %scan3A) -> (i32)  : i32 {
      %swap3A = arith.index_cast %scan3A_22 : i32 to index
      %swap3A_24 = arith.constant 0 : index
      %swap3A_25 = tpu.vector_load %arg13[%swap3A, %swap3A_24] {strides = array<i32>} : memref<128x64xf32, #tpu.memory_space<vmem>>, vector<1x16xf32>,
      %swap3A_26 = vector.shape_cast %swap3A_25 : vector<1x16xf32> to vector<16xf32>
      %swap3A_27 = vector.shape_cast %broadcast_in_dim3A_3 : vector<16xf32> to vector<1x16xf32>
      tpu.vector_store %arg13[%swap3A, %swap3A_24], %swap3A_27 {strides = array<i32>} : memref<128x64xf32, #tpu.memory_space<vmem>>, vector<1x16xf32>,
      %swap3A_28 = arith.index_cast %scan3A_22 : i32 to index
      %swap3A_29 = arith.constant 16 : index
      %swap3A_30 = tpu.vector_load %arg13[%swap3A_28, %swap3A_29] {strides = array<i32>} : memref<128x64xf32, #tpu.memory_space<vmem>>, vector<1x16xf32>,
      %swap3A_31 = vector.shape_cast %swap3A_30 : vector<1x16xf32> to vector<16xf32>
      %swap3A_32 = vector.shape_cast %broadcast_in_dim3A_3 : vector<16xf32> to vector<1x16xf32>
      tpu.vector_store %arg13[%swap3A_28, %swap3A_29], %swap3A_32 {strides = array<i32>} : memref<128x64xf32, #tpu.memory_space<vmem>>, vector<1x16xf32>,
      %swap3A_33 = arith.index_cast %scan3A_22 : i32 to index
      %swap3A_34 = arith.constant 32 : index
      %swap3A_35 = tpu.vector_load %arg13[%swap3A_33, %swap3A_34] {strides = array<i32>} : memref<128x64xf32, #tpu.memory_space<vmem>>, vector<1x16xf32>,
      %swap3A_36 = vector.shape_cast %swap3A_35 : vector<1x16xf32> to vector<16xf32>
      %swap3A_37 = vector.shape_cast %broadcast_in_dim3A_3 : vector<16xf32> to vector<1x16xf32>
      tpu.vector_store %arg13[%swap3A_33, %swap3A_34], %swap3A_37 {strides = array<i32>} : memref<128x64xf32, #tpu.memory_space<vmem>>, vector<1x16xf32>,
      %swap3A_38 = arith.index_cast %scan3A_22 : i32 to index
      %swap3A_39 = arith.constant 48 : index
      %swap3A_40 = tpu.vector_load %arg13[%swap3A_38, %swap3A_39] {strides = array<i32>} : memref<128x64xf32, #tpu.memory_space<vmem>>, vector<1x16xf32>,
      %swap3A_41 = vector.shape_cast %swap3A_40 : vector<1x16xf32> to vector<16xf32>
      %swap3A_42 = vector.shape_cast %broadcast_in_dim3A_3 : vector<16xf32> to vector<1x16xf32>
      tpu.vector_store %arg13[%swap3A_38, %swap3A_39], %swap3A_42 {strides = array<i32>} : memref<128x64xf32, #tpu.memory_space<vmem>>, vector<1x16xf32>,
      %scan3A_43 = arith.constant 0 : i32
      scf.yield %scan3A_43 : i32
    }
    %scan3A_9 = arith.constant 128 : i32
    %add3A_10 = arith.constant 0 : i32
    %add3A_11 = arith.addi %mul3A_2, %add3A_10 : i32
    "tpu.region"() ({
      %run_scoped3A = tpu.sem_alloc : memref<!tpu.dma_semaphore, #tpu.memory_space<semaphore_mem>>
      %dma_start3A = arith.constant 0 : i32
      %dma_start3A_22 = tpu.memref_slice %arg7[%add3A_11, %dma_start3A] : memref<4096x64xf32, #tpu.memory_space<vmem_shared>> -> memref<128x64xf32, #tpu.memory_space<vmem_shared>>
      %dma_start3A_23 = arith.constant 0 : i32
      %dma_start3A_24 = tpu.memref_slice %arg7[%add3A_11, %dma_start3A_23] : memref<4096x64xf32, #tpu.memory_space<vmem_shared>> -> memref<128x64xf32, #tpu.memory_space<vmem_shared>>
      tpu.enqueue_dma source(%arg13 : memref<128x64xf32, #tpu.memory_space<vmem>>) target(%dma_start3A_24 : memref<128x64xf32, #tpu.memory_space<vmem_shared>>) target_semaphore(%run_scoped3A : memref<!tpu.dma_semaphore, #tpu.memory_space<semaphore_mem>>)
      %dma_wait3A = arith.constant 0 : i32
      %dma_wait3A_25 = tpu.memref_slice %arg7[%add3A_11, %dma_wait3A] : memref<4096x64xf32, #tpu.memory_space<vmem_shared>> -> memref<128x64xf32, #tpu.memory_space<vmem_shared>>
      %dma_wait3A_26 = arith.constant 0 : i32
      %dma_wait3A_27 = tpu.memref_slice %arg7[%add3A_11, %dma_wait3A_26] : memref<4096x64xf32, #tpu.memory_space<vmem_shared>> -> memref<128x64xf32, #tpu.memory_space<vmem_shared>>
      tpu.wait_dma2 semaphore(%run_scoped3A : memref<!tpu.dma_semaphore, #tpu.memory_space<semaphore_mem>>) src(%arg13 : memref<128x64xf32, #tpu.memory_space<vmem>>) dst(%dma_wait3A_27 : memref<128x64xf32, #tpu.memory_space<vmem_shared>>)
      tpu.yield
    }) : () -> ()
    %add3A_12 = arith.constant 128 : i32
    %add3A_13 = arith.addi %mul3A_2, %add3A_12 : i32
    "tpu.region"() ({
      %run_scoped3A = tpu.sem_alloc : memref<!tpu.dma_semaphore, #tpu.memory_space<semaphore_mem>>
      %dma_start3A = arith.constant 0 : i32
      %dma_start3A_22 = tpu.memref_slice %arg7[%add3A_13, %dma_start3A] : memref<4096x64xf32, #tpu.memory_space<vmem_shared>> -> memref<128x64xf32, #tpu.memory_space<vmem_shared>>
      %dma_start3A_23 = arith.constant 0 : i32
      %dma_start3A_24 = tpu.memref_slice %arg7[%add3A_13, %dma_start3A_23] : memref<4096x64xf32, #tpu.memory_space<vmem_shared>> -> memref<128x64xf32, #tpu.memory_space<vmem_shared>>
      tpu.enqueue_dma source(%arg13 : memref<128x64xf32, #tpu.memory_space<vmem>>) target(%dma_start3A_24 : memref<128x64xf32, #tpu.memory_space<vmem_shared>>) target_semaphore(%run_scoped3A : memref<!tpu.dma_semaphore, #tpu.memory_space<semaphore_mem>>)
      %dma_wait3A = arith.constant 0 : i32
      %dma_wait3A_25 = tpu.memref_slice %arg7[%add3A_13, %dma_wait3A] : memref<4096x64xf32, #tpu.memory_space<vmem_shared>> -> memref<128x64xf32, #tpu.memory_space<vmem_shared>>
      %dma_wait3A_26 = arith.constant 0 : i32
      %dma_wait3A_27 = tpu.memref_slice %arg7[%add3A_13, %dma_wait3A_26] : memref<4096x64xf32, #tpu.memory_space<vmem_shared>> -> memref<128x64xf32, #tpu.memory_space<vmem_shared>>
      tpu.wait_dma2 semaphore(%run_scoped3A : memref<!tpu.dma_semaphore, #tpu.memory_space<semaphore_mem>>) src(%arg13 : memref<128x64xf32, #tpu.memory_space<vmem>>) dst(%dma_wait3A_27 : memref<128x64xf32, #tpu.memory_space<vmem_shared>>)
      tpu.yield
    }) : () -> ()
    %barrier3A = arith.constant 0 : index
    tpu.barrier barrier_id(%barrier3A)
    "tpu.region"() ({
      %run_scoped3A = tpu.sem_alloc : memref<!tpu.dma_semaphore, #tpu.memory_space<semaphore_mem>>
      %dma_start3A = arith.constant 0 : i32
      %dma_start3A_22 = arith.constant 0 : i32
      %dma_start3A_23 = tpu.memref_slice %arg3[%add3A, %dma_start3A, %dma_start3A_22] : memref<32x42x128xi32, #tpu.memory_space<hbm>> -> memref<1x42x128xi32, #tpu.memory_space<hbm>>
      %dma_start3A_24 = tpu.memref_squeeze %dma_start3A_23 : memref<1x42x128xi32, #tpu.memory_space<hbm>> -> memref<42x128xi32, #tpu.memory_space<hbm>>
      %dma_start3A_25 = arith.constant 0 : i32
      %dma_start3A_26 = arith.constant 0 : i32
      %dma_start3A_27 = tpu.memref_slice %arg3[%add3A, %dma_start3A_25, %dma_start3A_26] : memref<32x42x128xi32, #tpu.memory_space<hbm>> -> memref<1x42x128xi32, #tpu.memory_space<hbm>>
      %dma_start3A_28 = tpu.memref_squeeze %dma_start3A_27 : memref<1x42x128xi32, #tpu.memory_space<hbm>> -> memref<42x128xi32, #tpu.memory_space<hbm>>
      tpu.enqueue_dma source(%dma_start3A_28 : memref<42x128xi32, #tpu.memory_space<hbm>>) target(%arg8 : memref<42x128xi32, #tpu.memory_space<vmem>>) target_semaphore(%run_scoped3A : memref<!tpu.dma_semaphore, #tpu.memory_space<semaphore_mem>>)
      %dma_wait3A = arith.constant 0 : i32
      %dma_wait3A_29 = arith.constant 0 : i32
      %dma_wait3A_30 = tpu.memref_slice %arg3[%add3A, %dma_wait3A, %dma_wait3A_29] : memref<32x42x128xi32, #tpu.memory_space<hbm>> -> memref<1x42x128xi32, #tpu.memory_space<hbm>>
      %dma_wait3A_31 = tpu.memref_squeeze %dma_wait3A_30 : memref<1x42x128xi32, #tpu.memory_space<hbm>> -> memref<42x128xi32, #tpu.memory_space<hbm>>
      %dma_wait3A_32 = arith.constant 0 : i32
      %dma_wait3A_33 = arith.constant 0 : i32
      %dma_wait3A_34 = tpu.memref_slice %arg3[%add3A, %dma_wait3A_32, %dma_wait3A_33] : memref<32x42x128xi32, #tpu.memory_space<hbm>> -> memref<1x42x128xi32, #tpu.memory_space<hbm>>
      %dma_wait3A_35 = tpu.memref_squeeze %dma_wait3A_34 : memref<1x42x128xi32, #tpu.memory_space<hbm>> -> memref<42x128xi32, #tpu.memory_space<hbm>>
      tpu.wait_dma2 semaphore(%run_scoped3A : memref<!tpu.dma_semaphore, #tpu.memory_space<semaphore_mem>>) src(%dma_wait3A_35 : memref<42x128xi32, #tpu.memory_space<hbm>>) dst(%arg8 : memref<42x128xi32, #tpu.memory_space<vmem>>)
      tpu.yield
    }) : () -> ()
    "tpu.region"() ({
      %run_scoped3A = tpu.sem_alloc : memref<!tpu.dma_semaphore, #tpu.memory_space<semaphore_mem>>
      %dma_start3A = arith.constant 0 : i32
      %dma_start3A_22 = arith.constant 0 : i32
      %dma_start3A_23 = tpu.memref_slice %arg4[%add3A, %dma_start3A, %dma_start3A_22] : memref<32x42x128xi32, #tpu.memory_space<hbm>> -> memref<1x42x128xi32, #tpu.memory_space<hbm>>
      %dma_start3A_24 = tpu.memref_squeeze %dma_start3A_23 : memref<1x42x128xi32, #tpu.memory_space<hbm>> -> memref<42x128xi32, #tpu.memory_space<hbm>>
      %dma_start3A_25 = arith.constant 0 : i32
      %dma_start3A_26 = arith.constant 0 : i32
      %dma_start3A_27 = tpu.memref_slice %arg4[%add3A, %dma_start3A_25, %dma_start3A_26] : memref<32x42x128xi32, #tpu.memory_space<hbm>> -> memref<1x42x128xi32, #tpu.memory_space<hbm>>
      %dma_start3A_28 = tpu.memref_squeeze %dma_start3A_27 : memref<1x42x128xi32, #tpu.memory_space<hbm>> -> memref<42x128xi32, #tpu.memory_space<hbm>>
      tpu.enqueue_dma source(%dma_start3A_28 : memref<42x128xi32, #tpu.memory_space<hbm>>) target(%arg9 : memref<42x128xi32, #tpu.memory_space<vmem>>) target_semaphore(%run_scoped3A : memref<!tpu.dma_semaphore, #tpu.memory_space<semaphore_mem>>)
      %dma_wait3A = arith.constant 0 : i32
      %dma_wait3A_29 = arith.constant 0 : i32
      %dma_wait3A_30 = tpu.memref_slice %arg4[%add3A, %dma_wait3A, %dma_wait3A_29] : memref<32x42x128xi32, #tpu.memory_space<hbm>> -> memref<1x42x128xi32, #tpu.memory_space<hbm>>
      %dma_wait3A_31 = tpu.memref_squeeze %dma_wait3A_30 : memref<1x42x128xi32, #tpu.memory_space<hbm>> -> memref<42x128xi32, #tpu.memory_space<hbm>>
      %dma_wait3A_32 = arith.constant 0 : i32
      %dma_wait3A_33 = arith.constant 0 : i32
      %dma_wait3A_34 = tpu.memref_slice %arg4[%add3A, %dma_wait3A_32, %dma_wait3A_33] : memref<32x42x128xi32, #tpu.memory_space<hbm>> -> memref<1x42x128xi32, #tpu.memory_space<hbm>>
      %dma_wait3A_35 = tpu.memref_squeeze %dma_wait3A_34 : memref<1x42x128xi32, #tpu.memory_space<hbm>> -> memref<42x128xi32, #tpu.memory_space<hbm>>
      tpu.wait_dma2 semaphore(%run_scoped3A : memref<!tpu.dma_semaphore, #tpu.memory_space<semaphore_mem>>) src(%dma_wait3A_35 : memref<42x128xi32, #tpu.memory_space<hbm>>) dst(%arg9 : memref<42x128xi32, #tpu.memory_space<vmem>>)
      tpu.yield
    }) : () -> ()
    "tpu.region"() ({
      %run_scoped3A = tpu.sem_alloc : memref<!tpu.dma_semaphore, #tpu.memory_space<semaphore_mem>>
      %dma_start3A = arith.constant 0 : i32
      %dma_start3A_22 = arith.constant 0 : i32
      %dma_start3A_23 = tpu.memref_slice %arg5[%add3A, %dma_start3A, %dma_start3A_22] : memref<32x42x128xf32, #tpu.memory_space<hbm>> -> memref<1x42x128xf32, #tpu.memory_space<hbm>>
      %dma_start3A_24 = tpu.memref_squeeze %dma_start3A_23 : memref<1x42x128xf32, #tpu.memory_space<hbm>> -> memref<42x128xf32, #tpu.memory_space<hbm>>
      %dma_start3A_25 = arith.constant 0 : i32
      %dma_start3A_26 = arith.constant 0 : i32
      %dma_start3A_27 = tpu.memref_slice %arg5[%add3A, %dma_start3A_25, %dma_start3A_26] : memref<32x42x128xf32, #tpu.memory_space<hbm>> -> memref<1x42x128xf32, #tpu.memory_space<hbm>>
      %dma_start3A_28 = tpu.memref_squeeze %dma_start3A_27 : memref<1x42x128xf32, #tpu.memory_space<hbm>> -> memref<42x128xf32, #tpu.memory_space<hbm>>
      tpu.enqueue_dma source(%dma_start3A_28 : memref<42x128xf32, #tpu.memory_space<hbm>>) target(%arg10 : memref<42x128xf32, #tpu.memory_space<vmem>>) target_semaphore(%run_scoped3A : memref<!tpu.dma_semaphore, #tpu.memory_space<semaphore_mem>>)
      %dma_wait3A = arith.constant 0 : i32
      %dma_wait3A_29 = arith.constant 0 : i32
      %dma_wait3A_30 = tpu.memref_slice %arg5[%add3A, %dma_wait3A, %dma_wait3A_29] : memref<32x42x128xf32, #tpu.memory_space<hbm>> -> memref<1x42x128xf32, #tpu.memory_space<hbm>>
      %dma_wait3A_31 = tpu.memref_squeeze %dma_wait3A_30 : memref<1x42x128xf32, #tpu.memory_space<hbm>> -> memref<42x128xf32, #tpu.memory_space<hbm>>
      %dma_wait3A_32 = arith.constant 0 : i32
      %dma_wait3A_33 = arith.constant 0 : i32
      %dma_wait3A_34 = tpu.memref_slice %arg5[%add3A, %dma_wait3A_32, %dma_wait3A_33] : memref<32x42x128xf32, #tpu.memory_space<hbm>> -> memref<1x42x128xf32, #tpu.memory_space<hbm>>
      %dma_wait3A_35 = tpu.memref_squeeze %dma_wait3A_34 : memref<1x42x128xf32, #tpu.memory_space<hbm>> -> memref<42x128xf32, #tpu.memory_space<hbm>>
      tpu.wait_dma2 semaphore(%run_scoped3A : memref<!tpu.dma_semaphore, #tpu.memory_space<semaphore_mem>>) src(%dma_wait3A_35 : memref<42x128xf32, #tpu.memory_space<hbm>>) dst(%arg10 : memref<42x128xf32, #tpu.memory_space<vmem>>)
      tpu.yield
    }) : () -> ()
    %scan3A_14 = arith.constant 0 : i32
    %scan3A_15 = arith.constant 0 : i32
    %scan3A_16 = arith.constant 41 : i32
    %scan3A_17 = arith.addi %scan3A_15, %scan3A_16 : i32
    %scan3A_18 = arith.constant 1 : i32
    %scan3A_19 = scf.for %scan3A_22 = %scan3A_15 to %scan3A_17 step %scan3A_18 iter_args(%scan3A_23 = %scan3A_14) -> (i32)  : i32 {
      %dma_start3A = arith.constant 0 : i32
      %dma_start3A_24 = tpu.memref_slice %arg8[%scan3A_22, %dma_start3A] : memref<42x128xi32, #tpu.memory_space<vmem>> -> memref<1x128xi32, #tpu.memory_space<vmem>>
      %dma_start3A_25 = tpu.memref_squeeze %dma_start3A_24 : memref<1x128xi32, #tpu.memory_space<vmem>> -> memref<128xi32, #tpu.memory_space<vmem>>
      %dma_start3A_26 = arith.constant 0 : i32
      %dma_start3A_27 = arith.constant 0 : i32
      %dma_start3A_28 = tpu.memref_slice %arg2[%dma_start3A_26, %dma_start3A_27] : memref<4096x64xf32, #tpu.memory_space<hbm>> -> memref<4096x64xf32, #tpu.memory_space<hbm>>
      tpu.enqueue_indirect_dma source(%dma_start3A_28 : memref<4096x64xf32, #tpu.memory_space<hbm>>) target(%arg11 : memref<128x64xf32, #tpu.memory_space<vmem>>) offsets(%dma_start3A_25 : memref<128xi32, #tpu.memory_space<vmem>>) semaphore(%arg14 : memref<!tpu.dma_semaphore, #tpu.memory_space<semaphore_mem>>)
      %dma_wait3A = arith.constant 0 : i32
      %dma_wait3A_29 = tpu.memref_slice %arg8[%scan3A_22, %dma_wait3A] : memref<42x128xi32, #tpu.memory_space<vmem>> -> memref<1x128xi32, #tpu.memory_space<vmem>>
      %dma_wait3A_30 = tpu.memref_squeeze %dma_wait3A_29 : memref<1x128xi32, #tpu.memory_space<vmem>> -> memref<128xi32, #tpu.memory_space<vmem>>
      %dma_wait3A_31 = arith.constant 0 : i32
      %dma_wait3A_32 = arith.constant 0 : i32
      %dma_wait3A_33 = tpu.memref_slice %arg2[%dma_wait3A_31, %dma_wait3A_32] : memref<4096x64xf32, #tpu.memory_space<hbm>> -> memref<4096x64xf32, #tpu.memory_space<hbm>>
      tpu.wait_indirect_dma semaphore(%arg14 : memref<!tpu.dma_semaphore, #tpu.memory_space<semaphore_mem>>) src(%dma_wait3A_33 : memref<4096x64xf32, #tpu.memory_space<hbm>>) dst(%arg11 : memref<128x64xf32, #tpu.memory_space<vmem>>)
      %scan3A_34 = arith.constant 0 : i32
      %scan3A_35 = arith.constant 0 : i32
      %scan3A_36 = arith.constant 8 : i32
      %scan3A_37 = arith.addi %scan3A_35, %scan3A_36 : i32
      %scan3A_38 = arith.constant 1 : i32
      %scan3A_39 = scf.for %scan3A_42 = %scan3A_35 to %scan3A_37 step %scan3A_38 iter_args(%scan3A_43 = %scan3A_34) -> (i32)  : i32 {
        %mul3A_44 = arith.constant 16 : i32
        %mul3A_45 = arith.muli %mul3A_44, %scan3A_42 : i32
        %get3A = arith.index_cast %scan3A_22 : i32 to index
        %get3A_46 = arith.index_cast %mul3A_45 : i32 to index
        %get3A_47 = tpu.vector_load %arg10[%get3A, %get3A_46] {strides = array<i32>} : memref<42x128xf32, #tpu.memory_space<vmem>>, vector<1x16xf32>,
        %get3A_48 = vector.shape_cast %get3A_47 : vector<1x16xf32> to vector<16xf32>
        %mul3A_49 = arith.constant 16 : i32
        %mul3A_50 = arith.muli %mul3A_49, %scan3A_42 : i32
        %slice3A = vector.extract_strided_slice %get3A_48 {offsets = [0], sizes = [1], strides = [1]} : vector<16xf32> to vector<1xf32>
        %squeeze3A = vector.extract %slice3A[0] : f32 from vector<1xf32>
        %add3A_51 = arith.constant 0 : i32
        %add3A_52 = arith.addi %mul3A_50, %add3A_51 : i32
        %get3A_53 = arith.index_cast %add3A_52 : i32 to index
        %get3A_54 = arith.constant 0 : index
        %get3A_55 = tpu.vector_load %arg11[%get3A_53, %get3A_54] {strides = array<i32>} : memref<128x64xf32, #tpu.memory_space<vmem>>, vector<1x16xf32>,
        %get3A_56 = vector.shape_cast %get3A_55 : vector<1x16xf32> to vector<16xf32>
        %mul3A_57 = vector.broadcast %squeeze3A : f32 to vector<16xf32>
        %mul3A_58 = arith.mulf %get3A_56, %mul3A_57 : vector<16xf32>
        %add3A_59 = arith.constant 0 : i32
        %add3A_60 = arith.addi %mul3A_50, %add3A_59 : i32
        %swap3A = arith.index_cast %add3A_60 : i32 to index
        %swap3A_61 = arith.constant 0 : index
        %swap3A_62 = tpu.vector_load %arg11[%swap3A, %swap3A_61] {strides = array<i32>} : memref<128x64xf32, #tpu.memory_space<vmem>>, vector<1x16xf32>,
        %swap3A_63 = vector.shape_cast %swap3A_62 : vector<1x16xf32> to vector<16xf32>
        %swap3A_64 = vector.shape_cast %mul3A_58 : vector<16xf32> to vector<1x16xf32>
        tpu.vector_store %arg11[%swap3A, %swap3A_61], %swap3A_64 {strides = array<i32>} : memref<128x64xf32, #tpu.memory_space<vmem>>, vector<1x16xf32>,
        %add3A_65 = arith.constant 0 : i32
        %add3A_66 = arith.addi %mul3A_50, %add3A_65 : i32
        %get3A_67 = arith.index_cast %add3A_66 : i32 to index
        %get3A_68 = arith.constant 16 : index
        %get3A_69 = tpu.vector_load %arg11[%get3A_67, %get3A_68] {strides = array<i32>} : memref<128x64xf32, #tpu.memory_space<vmem>>, vector<1x16xf32>,
        %get3A_70 = vector.shape_cast %get3A_69 : vector<1x16xf32> to vector<16xf32>
        %mul3A_71 = vector.broadcast %squeeze3A : f32 to vector<16xf32>
        %mul3A_72 = arith.mulf %get3A_70, %mul3A_71 : vector<16xf32>
        %add3A_73 = arith.constant 0 : i32
        %add3A_74 = arith.addi %mul3A_50, %add3A_73 : i32
        %swap3A_75 = arith.index_cast %add3A_74 : i32 to index
        %swap3A_76 = arith.constant 16 : index
        %swap3A_77 = tpu.vector_load %arg11[%swap3A_75, %swap3A_76] {strides = array<i32>} : memref<128x64xf32, #tpu.memory_space<vmem>>, vector<1x16xf32>,
        %swap3A_78 = vector.shape_cast %swap3A_77 : vector<1x16xf32> to vector<16xf32>
        %swap3A_79 = vector.shape_cast %mul3A_72 : vector<16xf32> to vector<1x16xf32>
        tpu.vector_store %arg11[%swap3A_75, %swap3A_76], %swap3A_79 {strides = array<i32>} : memref<128x64xf32, #tpu.memory_space<vmem>>, vector<1x16xf32>,
        %add3A_80 = arith.constant 0 : i32
        %add3A_81 = arith.addi %mul3A_50, %add3A_80 : i32
        %get3A_82 = arith.index_cast %add3A_81 : i32 to index
        %get3A_83 = arith.constant 32 : index
        %get3A_84 = tpu.vector_load %arg11[%get3A_82, %get3A_83] {strides = array<i32>} : memref<128x64xf32, #tpu.memory_space<vmem>>, vector<1x16xf32>,
        %get3A_85 = vector.shape_cast %get3A_84 : vector<1x16xf32> to vector<16xf32>
        %mul3A_86 = vector.broadcast %squeeze3A : f32 to vector<16xf32>
        %mul3A_87 = arith.mulf %get3A_85, %mul3A_86 : vector<16xf32>
        %add3A_88 = arith.constant 0 : i32
        %add3A_89 = arith.addi %mul3A_50, %add3A_88 : i32
        %swap3A_90 = arith.index_cast %add3A_89 : i32 to index
        %swap3A_91 = arith.constant 32 : index
        %swap3A_92 = tpu.vector_load %arg11[%swap3A_90, %swap3A_91] {strides = array<i32>} : memref<128x64xf32, #tpu.memory_space<vmem>>, vector<1x16xf32>,
        %swap3A_93 = vector.shape_cast %swap3A_92 : vector<1x16xf32> to vector<16xf32>
        %swap3A_94 = vector.shape_cast %mul3A_87 : vector<16xf32> to vector<1x16xf32>
        tpu.vector_store %arg11[%swap3A_90, %swap3A_91], %swap3A_94 {strides = array<i32>} : memref<128x64xf32, #tpu.memory_space<vmem>>, vector<1x16xf32>,
        %add3A_95 = arith.constant 0 : i32
        %add3A_96 = arith.addi %mul3A_50, %add3A_95 : i32
        %get3A_97 = arith.index_cast %add3A_96 : i32 to index
        %get3A_98 = arith.constant 48 : index
        %get3A_99 = tpu.vector_load %arg11[%get3A_97, %get3A_98] {strides = array<i32>} : memref<128x64xf32, #tpu.memory_space<vmem>>, vector<1x16xf32>,
        %get3A_100 = vector.shape_cast %get3A_99 : vector<1x16xf32> to vector<16xf32>
        %mul3A_101 = vector.broadcast %squeeze3A : f32 to vector<16xf32>
        %mul3A_102 = arith.mulf %get3A_100, %mul3A_101 : vector<16xf32>
        %add3A_103 = arith.constant 0 : i32
        %add3A_104 = arith.addi %mul3A_50, %add3A_103 : i32
        %swap3A_105 = arith.index_cast %add3A_104 : i32 to index
        %swap3A_106 = arith.constant 48 : index
        %swap3A_107 = tpu.vector_load %arg11[%swap3A_105, %swap3A_106] {strides = array<i32>} : memref<128x64xf32, #tpu.memory_space<vmem>>, vector<1x16xf32>,
        %swap3A_108 = vector.shape_cast %swap3A_107 : vector<1x16xf32> to vector<16xf32>
        %swap3A_109 = vector.shape_cast %mul3A_102 : vector<16xf32> to vector<1x16xf32>
        tpu.vector_store %arg11[%swap3A_105, %swap3A_106], %swap3A_109 {strides = array<i32>} : memref<128x64xf32, #tpu.memory_space<vmem>>, vector<1x16xf32>,
        %slice3A_110 = vector.extract_strided_slice %get3A_48 {offsets = [1], sizes = [1], strides = [1]} : vector<16xf32> to vector<1xf32>
        %squeeze3A_111 = vector.extract %slice3A_110[0] : f32 from vector<1xf32>
        %add3A_112 = arith.constant 1 : i32
        %add3A_113 = arith.addi %mul3A_50, %add3A_112 : i32
        %get3A_114 = arith.index_cast %add3A_113 : i32 to index
        %get3A_115 = arith.constant 0 : index
        %get3A_116 = tpu.vector_load %arg11[%get3A_114, %get3A_115] {strides = array<i32>} : memref<128x64xf32, #tpu.memory_space<vmem>>, vector<1x16xf32>,
        %get3A_117 = vector.shape_cast %get3A_116 : vector<1x16xf32> to vector<16xf32>
        %mul3A_118 = vector.broadcast %squeeze3A_111 : f32 to vector<16xf32>
        %mul3A_119 = arith.mulf %get3A_117, %mul3A_118 : vector<16xf32>
        %add3A_120 = arith.constant 1 : i32
        %add3A_121 = arith.addi %mul3A_50, %add3A_120 : i32
        %swap3A_122 = arith.index_cast %add3A_121 : i32 to index
        %swap3A_123 = arith.constant 0 : index
        %swap3A_124 = tpu.vector_load %arg11[%swap3A_122, %swap3A_123] {strides = array<i32>} : memref<128x64xf32, #tpu.memory_space<vmem>>, vector<1x16xf32>,
        %swap3A_125 = vector.shape_cast %swap3A_124 : vector<1x16xf32> to vector<16xf32>
        %swap3A_126 = vector.shape_cast %mul3A_119 : vector<16xf32> to vector<1x16xf32>
        tpu.vector_store %arg11[%swap3A_122, %swap3A_123], %swap3A_126 {strides = array<i32>} : memref<128x64xf32, #tpu.memory_space<vmem>>, vector<1x16xf32>,
        %add3A_127 = arith.constant 1 : i32
        %add3A_128 = arith.addi %mul3A_50, %add3A_127 : i32
        %get3A_129 = arith.index_cast %add3A_128 : i32 to index
        %get3A_130 = arith.constant 16 : index
        %get3A_131 = tpu.vector_load %arg11[%get3A_129, %get3A_130] {strides = array<i32>} : memref<128x64xf32, #tpu.memory_space<vmem>>, vector<1x16xf32>,
        %get3A_132 = vector.shape_cast %get3A_131 : vector<1x16xf32> to vector<16xf32>
        %mul3A_133 = vector.broadcast %squeeze3A_111 : f32 to vector<16xf32>
        %mul3A_134 = arith.mulf %get3A_132, %mul3A_133 : vector<16xf32>
        %add3A_135 = arith.constant 1 : i32
        %add3A_136 = arith.addi %mul3A_50, %add3A_135 : i32
        %swap3A_137 = arith.index_cast %add3A_136 : i32 to index
        %swap3A_138 = arith.constant 16 : index
        %swap3A_139 = tpu.vector_load %arg11[%swap3A_137, %swap3A_138] {strides = array<i32>} : memref<128x64xf32, #tpu.memory_space<vmem>>, vector<1x16xf32>,
        %swap3A_140 = vector.shape_cast %swap3A_139 : vector<1x16xf32> to vector<16xf32>
        %swap3A_141 = vector.shape_cast %mul3A_134 : vector<16xf32> to vector<1x16xf32>
        tpu.vector_store %arg11[%swap3A_137, %swap3A_138], %swap3A_141 {strides = array<i32>} : memref<128x64xf32, #tpu.memory_space<vmem>>, vector<1x16xf32>,
        %add3A_142 = arith.constant 1 : i32
        %add3A_143 = arith.addi %mul3A_50, %add3A_142 : i32
        %get3A_144 = arith.index_cast %add3A_143 : i32 to index
        %get3A_145 = arith.constant 32 : index
        %get3A_146 = tpu.vector_load %arg11[%get3A_144, %get3A_145] {strides = array<i32>} : memref<128x64xf32, #tpu.memory_space<vmem>>, vector<1x16xf32>,
        %get3A_147 = vector.shape_cast %get3A_146 : vector<1x16xf32> to vector<16xf32>
        %mul3A_148 = vector.broadcast %squeeze3A_111 : f32 to vector<16xf32>
        %mul3A_149 = arith.mulf %get3A_147, %mul3A_148 : vector<16xf32>
        %add3A_150 = arith.constant 1 : i32
        %add3A_151 = arith.addi %mul3A_50, %add3A_150 : i32
        %swap3A_152 = arith.index_cast %add3A_151 : i32 to index
        %swap3A_153 = arith.constant 32 : index
        %swap3A_154 = tpu.vector_load %arg11[%swap3A_152, %swap3A_153] {strides = array<i32>} : memref<128x64xf32, #tpu.memory_space<vmem>>, vector<1x16xf32>,
        %swap3A_155 = vector.shape_cast %swap3A_154 : vector<1x16xf32> to vector<16xf32>
        %swap3A_156 = vector.shape_cast %mul3A_149 : vector<16xf32> to vector<1x16xf32>
        tpu.vector_store %arg11[%swap3A_152, %swap3A_153], %swap3A_156 {strides = array<i32>} : memref<128x64xf32, #tpu.memory_space<vmem>>, vector<1x16xf32>,
        %add3A_157 = arith.constant 1 : i32
        %add3A_158 = arith.addi %mul3A_50, %add3A_157 : i32
        %get3A_159 = arith.index_cast %add3A_158 : i32 to index
        %get3A_160 = arith.constant 48 : index
        %get3A_161 = tpu.vector_load %arg11[%get3A_159, %get3A_160] {strides = array<i32>} : memref<128x64xf32, #tpu.memory_space<vmem>>, vector<1x16xf32>,
        %get3A_162 = vector.shape_cast %get3A_161 : vector<1x16xf32> to vector<16xf32>
        %mul3A_163 = vector.broadcast %squeeze3A_111 : f32 to vector<16xf32>
        %mul3A_164 = arith.mulf %get3A_162, %mul3A_163 : vector<16xf32>
        %add3A_165 = arith.constant 1 : i32
        %add3A_166 = arith.addi %mul3A_50, %add3A_165 : i32
        %swap3A_167 = arith.index_cast %add3A_166 : i32 to index
        %swap3A_168 = arith.constant 48 : index
        %swap3A_169 = tpu.vector_load %arg11[%swap3A_167, %swap3A_168] {strides = array<i32>} : memref<128x64xf32, #tpu.memory_space<vmem>>, vector<1x16xf32>,
        %swap3A_170 = vector.shape_cast %swap3A_169 : vector<1x16xf32> to vector<16xf32>
        %swap3A_171 = vector.shape_cast %mul3A_164 : vector<16xf32> to vector<1x16xf32>
        tpu.vector_store %arg11[%swap3A_167, %swap3A_168], %swap3A_171 {strides = array<i32>} : memref<128x64xf32, #tpu.memory_space<vmem>>, vector<1x16xf32>,
        %slice3A_172 = vector.extract_strided_slice %get3A_48 {offsets = [2], sizes = [1], strides = [1]} : vector<16xf32> to vector<1xf32>
        %squeeze3A_173 = vector.extract %slice3A_172[0] : f32 from vector<1xf32>
        %add3A_174 = arith.constant 2 : i32
        %add3A_175 = arith.addi %mul3A_50, %add3A_174 : i32
        %get3A_176 = arith.index_cast %add3A_175 : i32 to index
        %get3A_177 = arith.constant 0 : index
        %get3A_178 = tpu.vector_load %arg11[%get3A_176, %get3A_177] {strides = array<i32>} : memref<128x64xf32, #tpu.memory_space<vmem>>, vector<1x16xf32>,
        %get3A_179 = vector.shape_cast %get3A_178 : vector<1x16xf32> to vector<16xf32>
        %mul3A_180 = vector.broadcast %squeeze3A_173 : f32 to vector<16xf32>
        %mul3A_181 = arith.mulf %get3A_179, %mul3A_180 : vector<16xf32>
        %add3A_182 = arith.constant 2 : i32
        %add3A_183 = arith.addi %mul3A_50, %add3A_182 : i32
        %swap3A_184 = arith.index_cast %add3A_183 : i32 to index
        %swap3A_185 = arith.constant 0 : index
        %swap3A_186 = tpu.vector_load %arg11[%swap3A_184, %swap3A_185] {strides = array<i32>} : memref<128x64xf32, #tpu.memory_space<vmem>>, vector<1x16xf32>,
        %swap3A_187 = vector.shape_cast %swap3A_186 : vector<1x16xf32> to vector<16xf32>
        %swap3A_188 = vector.shape_cast %mul3A_181 : vector<16xf32> to vector<1x16xf32>
        tpu.vector_store %arg11[%swap3A_184, %swap3A_185], %swap3A_188 {strides = array<i32>} : memref<128x64xf32, #tpu.memory_space<vmem>>, vector<1x16xf32>,
        %add3A_189 = arith.constant 2 : i32
        %add3A_190 = arith.addi %mul3A_50, %add3A_189 : i32
        %get3A_191 = arith.index_cast %add3A_190 : i32 to index
        %get3A_192 = arith.constant 16 : index
        %get3A_193 = tpu.vector_load %arg11[%get3A_191, %get3A_192] {strides = array<i32>} : memref<128x64xf32, #tpu.memory_space<vmem>>, vector<1x16xf32>,
        %get3A_194 = vector.shape_cast %get3A_193 : vector<1x16xf32> to vector<16xf32>
        %mul3A_195 = vector.broadcast %squeeze3A_173 : f32 to vector<16xf32>
        %mul3A_196 = arith.mulf %get3A_194, %mul3A_195 : vector<16xf32>
        %add3A_197 = arith.constant 2 : i32
        %add3A_198 = arith.addi %mul3A_50, %add3A_197 : i32
        %swap3A_199 = arith.index_cast %add3A_198 : i32 to index
        %swap3A_200 = arith.constant 16 : index
        %swap3A_201 = tpu.vector_load %arg11[%swap3A_199, %swap3A_200] {strides = array<i32>} : memref<128x64xf32, #tpu.memory_space<vmem>>, vector<1x16xf32>,
        %swap3A_202 = vector.shape_cast %swap3A_201 : vector<1x16xf32> to vector<16xf32>
        %swap3A_203 = vector.shape_cast %mul3A_196 : vector<16xf32> to vector<1x16xf32>
        tpu.vector_store %arg11[%swap3A_199, %swap3A_200], %swap3A_203 {strides = array<i32>} : memref<128x64xf32, #tpu.memory_space<vmem>>, vector<1x16xf32>,
        %add3A_204 = arith.constant 2 : i32
        %add3A_205 = arith.addi %mul3A_50, %add3A_204 : i32
        %get3A_206 = arith.index_cast %add3A_205 : i32 to index
        %get3A_207 = arith.constant 32 : index
        %get3A_208 = tpu.vector_load %arg11[%get3A_206, %get3A_207] {strides = array<i32>} : memref<128x64xf32, #tpu.memory_space<vmem>>, vector<1x16xf32>,
        %get3A_209 = vector.shape_cast %get3A_208 : vector<1x16xf32> to vector<16xf32>
        %mul3A_210 = vector.broadcast %squeeze3A_173 : f32 to vector<16xf32>
        %mul3A_211 = arith.mulf %get3A_209, %mul3A_210 : vector<16xf32>
        %add3A_212 = arith.constant 2 : i32
        %add3A_213 = arith.addi %mul3A_50, %add3A_212 : i32
        %swap3A_214 = arith.index_cast %add3A_213 : i32 to index
        %swap3A_215 = arith.constant 32 : index
        %swap3A_216 = tpu.vector_load %arg11[%swap3A_214, %swap3A_215] {strides = array<i32>} : memref<128x64xf32, #tpu.memory_space<vmem>>, vector<1x16xf32>,
        %swap3A_217 = vector.shape_cast %swap3A_216 : vector<1x16xf32> to vector<16xf32>
        %swap3A_218 = vector.shape_cast %mul3A_211 : vector<16xf32> to vector<1x16xf32>
        tpu.vector_store %arg11[%swap3A_214, %swap3A_215], %swap3A_218 {strides = array<i32>} : memref<128x64xf32, #tpu.memory_space<vmem>>, vector<1x16xf32>,
        %add3A_219 = arith.constant 2 : i32
        %add3A_220 = arith.addi %mul3A_50, %add3A_219 : i32
        %get3A_221 = arith.index_cast %add3A_220 : i32 to index
        %get3A_222 = arith.constant 48 : index
        %get3A_223 = tpu.vector_load %arg11[%get3A_221, %get3A_222] {strides = array<i32>} : memref<128x64xf32, #tpu.memory_space<vmem>>, vector<1x16xf32>,
        %get3A_224 = vector.shape_cast %get3A_223 : vector<1x16xf32> to vector<16xf32>
        %mul3A_225 = vector.broadcast %squeeze3A_173 : f32 to vector<16xf32>
        %mul3A_226 = arith.mulf %get3A_224, %mul3A_225 : vector<16xf32>
        %add3A_227 = arith.constant 2 : i32
        %add3A_228 = arith.addi %mul3A_50, %add3A_227 : i32
        %swap3A_229 = arith.index_cast %add3A_228 : i32 to index
        %swap3A_230 = arith.constant 48 : index
        %swap3A_231 = tpu.vector_load %arg11[%swap3A_229, %swap3A_230] {strides = array<i32>} : memref<128x64xf32, #tpu.memory_space<vmem>>, vector<1x16xf32>,
        %swap3A_232 = vector.shape_cast %swap3A_231 : vector<1x16xf32> to vector<16xf32>
        %swap3A_233 = vector.shape_cast %mul3A_226 : vector<16xf32> to vector<1x16xf32>
        tpu.vector_store %arg11[%swap3A_229, %swap3A_230], %swap3A_233 {strides = array<i32>} : memref<128x64xf32, #tpu.memory_space<vmem>>, vector<1x16xf32>,
        %slice3A_234 = vector.extract_strided_slice %get3A_48 {offsets = [3], sizes = [1], strides = [1]} : vector<16xf32> to vector<1xf32>
        %squeeze3A_235 = vector.extract %slice3A_234[0] : f32 from vector<1xf32>
        %add3A_236 = arith.constant 3 : i32
        %add3A_237 = arith.addi %mul3A_50, %add3A_236 : i32
        %get3A_238 = arith.index_cast %add3A_237 : i32 to index
        %get3A_239 = arith.constant 0 : index
        %get3A_240 = tpu.vector_load %arg11[%get3A_238, %get3A_239] {strides = array<i32>} : memref<128x64xf32, #tpu.memory_space<vmem>>, vector<1x16xf32>,
        %get3A_241 = vector.shape_cast %get3A_240 : vector<1x16xf32> to vector<16xf32>
        %mul3A_242 = vector.broadcast %squeeze3A_235 : f32 to vector<16xf32>
        %mul3A_243 = arith.mulf %get3A_241, %mul3A_242 : vector<16xf32>
        %add3A_244 = arith.constant 3 : i32
        %add3A_245 = arith.addi %mul3A_50, %add3A_244 : i32
        %swap3A_246 = arith.index_cast %add3A_245 : i32 to index
        %swap3A_247 = arith.constant 0 : index
        %swap3A_248 = tpu.vector_load %arg11[%swap3A_246, %swap3A_247] {strides = array<i32>} : memref<128x64xf32, #tpu.memory_space<vmem>>, vector<1x16xf32>,
        %swap3A_249 = vector.shape_cast %swap3A_248 : vector<1x16xf32> to vector<16xf32>
        %swap3A_250 = vector.shape_cast %mul3A_243 : vector<16xf32> to vector<1x16xf32>
        tpu.vector_store %arg11[%swap3A_246, %swap3A_247], %swap3A_250 {strides = array<i32>} : memref<128x64xf32, #tpu.memory_space<vmem>>, vector<1x16xf32>,
        %add3A_251 = arith.constant 3 : i32
        %add3A_252 = arith.addi %mul3A_50, %add3A_251 : i32
        %get3A_253 = arith.index_cast %add3A_252 : i32 to index
        %get3A_254 = arith.constant 16 : index
        %get3A_255 = tpu.vector_load %arg11[%get3A_253, %get3A_254] {strides = array<i32>} : memref<128x64xf32, #tpu.memory_space<vmem>>, vector<1x16xf32>,
        %get3A_256 = vector.shape_cast %get3A_255 : vector<1x16xf32> to vector<16xf32>
        %mul3A_257 = vector.broadcast %squeeze3A_235 : f32 to vector<16xf32>
        %mul3A_258 = arith.mulf %get3A_256, %mul3A_257 : vector<16xf32>
        %add3A_259 = arith.constant 3 : i32
        %add3A_260 = arith.addi %mul3A_50, %add3A_259 : i32
        %swap3A_261 = arith.index_cast %add3A_260 : i32 to index
        %swap3A_262 = arith.constant 16 : index
        %swap3A_263 = tpu.vector_load %arg11[%swap3A_261, %swap3A_262] {strides = array<i32>} : memref<128x64xf32, #tpu.memory_space<vmem>>, vector<1x16xf32>,
        %swap3A_264 = vector.shape_cast %swap3A_263 : vector<1x16xf32> to vector<16xf32>
        %swap3A_265 = vector.shape_cast %mul3A_258 : vector<16xf32> to vector<1x16xf32>
        tpu.vector_store %arg11[%swap3A_261, %swap3A_262], %swap3A_265 {strides = array<i32>} : memref<128x64xf32, #tpu.memory_space<vmem>>, vector<1x16xf32>,
        %add3A_266 = arith.constant 3 : i32
        %add3A_267 = arith.addi %mul3A_50, %add3A_266 : i32
        %get3A_268 = arith.index_cast %add3A_267 : i32 to index
        %get3A_269 = arith.constant 32 : index
        %get3A_270 = tpu.vector_load %arg11[%get3A_268, %get3A_269] {strides = array<i32>} : memref<128x64xf32, #tpu.memory_space<vmem>>, vector<1x16xf32>,
        %get3A_271 = vector.shape_cast %get3A_270 : vector<1x16xf32> to vector<16xf32>
        %mul3A_272 = vector.broadcast %squeeze3A_235 : f32 to vector<16xf32>
        %mul3A_273 = arith.mulf %get3A_271, %mul3A_272 : vector<16xf32>
        %add3A_274 = arith.constant 3 : i32
        %add3A_275 = arith.addi %mul3A_50, %add3A_274 : i32
        %swap3A_276 = arith.index_cast %add3A_275 : i32 to index
        %swap3A_277 = arith.constant 32 : index
        %swap3A_278 = tpu.vector_load %arg11[%swap3A_276, %swap3A_277] {strides = array<i32>} : memref<128x64xf32, #tpu.memory_space<vmem>>, vector<1x16xf32>,
        %swap3A_279 = vector.shape_cast %swap3A_278 : vector<1x16xf32> to vector<16xf32>
        %swap3A_280 = vector.shape_cast %mul3A_273 : vector<16xf32> to vector<1x16xf32>
        tpu.vector_store %arg11[%swap3A_276, %swap3A_277], %swap3A_280 {strides = array<i32>} : memref<128x64xf32, #tpu.memory_space<vmem>>, vector<1x16xf32>,
        %add3A_281 = arith.constant 3 : i32
        %add3A_282 = arith.addi %mul3A_50, %add3A_281 : i32
        %get3A_283 = arith.index_cast %add3A_282 : i32 to index
        %get3A_284 = arith.constant 48 : index
        %get3A_285 = tpu.vector_load %arg11[%get3A_283, %get3A_284] {strides = array<i32>} : memref<128x64xf32, #tpu.memory_space<vmem>>, vector<1x16xf32>,
        %get3A_286 = vector.shape_cast %get3A_285 : vector<1x16xf32> to vector<16xf32>
        %mul3A_287 = vector.broadcast %squeeze3A_235 : f32 to vector<16xf32>
        %mul3A_288 = arith.mulf %get3A_286, %mul3A_287 : vector<16xf32>
        %add3A_289 = arith.constant 3 : i32
        %add3A_290 = arith.addi %mul3A_50, %add3A_289 : i32
        %swap3A_291 = arith.index_cast %add3A_290 : i32 to index
        %swap3A_292 = arith.constant 48 : index
        %swap3A_293 = tpu.vector_load %arg11[%swap3A_291, %swap3A_292] {strides = array<i32>} : memref<128x64xf32, #tpu.memory_space<vmem>>, vector<1x16xf32>,
        %swap3A_294 = vector.shape_cast %swap3A_293 : vector<1x16xf32> to vector<16xf32>
        %swap3A_295 = vector.shape_cast %mul3A_288 : vector<16xf32> to vector<1x16xf32>
        tpu.vector_store %arg11[%swap3A_291, %swap3A_292], %swap3A_295 {strides = array<i32>} : memref<128x64xf32, #tpu.memory_space<vmem>>, vector<1x16xf32>,
        %slice3A_296 = vector.extract_strided_slice %get3A_48 {offsets = [4], sizes = [1], strides = [1]} : vector<16xf32> to vector<1xf32>
        %squeeze3A_297 = vector.extract %slice3A_296[0] : f32 from vector<1xf32>
        %add3A_298 = arith.constant 4 : i32
        %add3A_299 = arith.addi %mul3A_50, %add3A_298 : i32
        %get3A_300 = arith.index_cast %add3A_299 : i32 to index
        %get3A_301 = arith.constant 0 : index
        %get3A_302 = tpu.vector_load %arg11[%get3A_300, %get3A_301] {strides = array<i32>} : memref<128x64xf32, #tpu.memory_space<vmem>>, vector<1x16xf32>,
        %get3A_303 = vector.shape_cast %get3A_302 : vector<1x16xf32> to vector<16xf32>
        %mul3A_304 = vector.broadcast %squeeze3A_297 : f32 to vector<16xf32>
        %mul3A_305 = arith.mulf %get3A_303, %mul3A_304 : vector<16xf32>
        %add3A_306 = arith.constant 4 : i32
        %add3A_307 = arith.addi %mul3A_50, %add3A_306 : i32
        %swap3A_308 = arith.index_cast %add3A_307 : i32 to index
        %swap3A_309 = arith.constant 0 : index
        %swap3A_310 = tpu.vector_load %arg11[%swap3A_308, %swap3A_309] {strides = array<i32>} : memref<128x64xf32, #tpu.memory_space<vmem>>, vector<1x16xf32>,
        %swap3A_311 = vector.shape_cast %swap3A_310 : vector<1x16xf32> to vector<16xf32>
        %swap3A_312 = vector.shape_cast %mul3A_305 : vector<16xf32> to vector<1x16xf32>
        tpu.vector_store %arg11[%swap3A_308, %swap3A_309], %swap3A_312 {strides = array<i32>} : memref<128x64xf32, #tpu.memory_space<vmem>>, vector<1x16xf32>,
        %add3A_313 = arith.constant 4 : i32
        %add3A_314 = arith.addi %mul3A_50, %add3A_313 : i32
        %get3A_315 = arith.index_cast %add3A_314 : i32 to index
        %get3A_316 = arith.constant 16 : index
        %get3A_317 = tpu.vector_load %arg11[%get3A_315, %get3A_316] {strides = array<i32>} : memref<128x64xf32, #tpu.memory_space<vmem>>, vector<1x16xf32>,
        %get3A_318 = vector.shape_cast %get3A_317 : vector<1x16xf32> to vector<16xf32>
        %mul3A_319 = vector.broadcast %squeeze3A_297 : f32 to vector<16xf32>
        %mul3A_320 = arith.mulf %get3A_318, %mul3A_319 : vector<16xf32>
        %add3A_321 = arith.constant 4 : i32
        %add3A_322 = arith.addi %mul3A_50, %add3A_321 : i32
        %swap3A_323 = arith.index_cast %add3A_322 : i32 to index
        %swap3A_324 = arith.constant 16 : index
        %swap3A_325 = tpu.vector_load %arg11[%swap3A_323, %swap3A_324] {strides = array<i32>} : memref<128x64xf32, #tpu.memory_space<vmem>>, vector<1x16xf32>,
        %swap3A_326 = vector.shape_cast %swap3A_325 : vector<1x16xf32> to vector<16xf32>
        %swap3A_327 = vector.shape_cast %mul3A_320 : vector<16xf32> to vector<1x16xf32>
        tpu.vector_store %arg11[%swap3A_323, %swap3A_324], %swap3A_327 {strides = array<i32>} : memref<128x64xf32, #tpu.memory_space<vmem>>, vector<1x16xf32>,
        %add3A_328 = arith.constant 4 : i32
        %add3A_329 = arith.addi %mul3A_50, %add3A_328 : i32
        %get3A_330 = arith.index_cast %add3A_329 : i32 to index
        %get3A_331 = arith.constant 32 : index
        %get3A_332 = tpu.vector_load %arg11[%get3A_330, %get3A_331] {strides = array<i32>} : memref<128x64xf32, #tpu.memory_space<vmem>>, vector<1x16xf32>,
        %get3A_333 = vector.shape_cast %get3A_332 : vector<1x16xf32> to vector<16xf32>
        %mul3A_334 = vector.broadcast %squeeze3A_297 : f32 to vector<16xf32>
        %mul3A_335 = arith.mulf %get3A_333, %mul3A_334 : vector<16xf32>
        %add3A_336 = arith.constant 4 : i32
        %add3A_337 = arith.addi %mul3A_50, %add3A_336 : i32
        %swap3A_338 = arith.index_cast %add3A_337 : i32 to index
        %swap3A_339 = arith.constant 32 : index
        %swap3A_340 = tpu.vector_load %arg11[%swap3A_338, %swap3A_339] {strides = array<i32>} : memref<128x64xf32, #tpu.memory_space<vmem>>, vector<1x16xf32>,
        %swap3A_341 = vector.shape_cast %swap3A_340 : vector<1x16xf32> to vector<16xf32>
        %swap3A_342 = vector.shape_cast %mul3A_335 : vector<16xf32> to vector<1x16xf32>
        tpu.vector_store %arg11[%swap3A_338, %swap3A_339], %swap3A_342 {strides = array<i32>} : memref<128x64xf32, #tpu.memory_space<vmem>>, vector<1x16xf32>,
        %add3A_343 = arith.constant 4 : i32
        %add3A_344 = arith.addi %mul3A_50, %add3A_343 : i32
        %get3A_345 = arith.index_cast %add3A_344 : i32 to index
        %get3A_346 = arith.constant 48 : index
        %get3A_347 = tpu.vector_load %arg11[%get3A_345, %get3A_346] {strides = array<i32>} : memref<128x64xf32, #tpu.memory_space<vmem>>, vector<1x16xf32>,
        %get3A_348 = vector.shape_cast %get3A_347 : vector<1x16xf32> to vector<16xf32>
        %mul3A_349 = vector.broadcast %squeeze3A_297 : f32 to vector<16xf32>
        %mul3A_350 = arith.mulf %get3A_348, %mul3A_349 : vector<16xf32>
        %add3A_351 = arith.constant 4 : i32
        %add3A_352 = arith.addi %mul3A_50, %add3A_351 : i32
        %swap3A_353 = arith.index_cast %add3A_352 : i32 to index
        %swap3A_354 = arith.constant 48 : index
        %swap3A_355 = tpu.vector_load %arg11[%swap3A_353, %swap3A_354] {strides = array<i32>} : memref<128x64xf32, #tpu.memory_space<vmem>>, vector<1x16xf32>,
        %swap3A_356 = vector.shape_cast %swap3A_355 : vector<1x16xf32> to vector<16xf32>
        %swap3A_357 = vector.shape_cast %mul3A_350 : vector<16xf32> to vector<1x16xf32>
        tpu.vector_store %arg11[%swap3A_353, %swap3A_354], %swap3A_357 {strides = array<i32>} : memref<128x64xf32, #tpu.memory_space<vmem>>, vector<1x16xf32>,
        %slice3A_358 = vector.extract_strided_slice %get3A_48 {offsets = [5], sizes = [1], strides = [1]} : vector<16xf32> to vector<1xf32>
        %squeeze3A_359 = vector.extract %slice3A_358[0] : f32 from vector<1xf32>
        %add3A_360 = arith.constant 5 : i32
        %add3A_361 = arith.addi %mul3A_50, %add3A_360 : i32
        %get3A_362 = arith.index_cast %add3A_361 : i32 to index
        %get3A_363 = arith.constant 0 : index
        %get3A_364 = tpu.vector_load %arg11[%get3A_362, %get3A_363] {strides = array<i32>} : memref<128x64xf32, #tpu.memory_space<vmem>>, vector<1x16xf32>,
        %get3A_365 = vector.shape_cast %get3A_364 : vector<1x16xf32> to vector<16xf32>
        %mul3A_366 = vector.broadcast %squeeze3A_359 : f32 to vector<16xf32>
        %mul3A_367 = arith.mulf %get3A_365, %mul3A_366 : vector<16xf32>
        %add3A_368 = arith.constant 5 : i32
        %add3A_369 = arith.addi %mul3A_50, %add3A_368 : i32
        %swap3A_370 = arith.index_cast %add3A_369 : i32 to index
        %swap3A_371 = arith.constant 0 : index
        %swap3A_372 = tpu.vector_load %arg11[%swap3A_370, %swap3A_371] {strides = array<i32>} : memref<128x64xf32, #tpu.memory_space<vmem>>, vector<1x16xf32>,
        %swap3A_373 = vector.shape_cast %swap3A_372 : vector<1x16xf32> to vector<16xf32>
        %swap3A_374 = vector.shape_cast %mul3A_367 : vector<16xf32> to vector<1x16xf32>
        tpu.vector_store %arg11[%swap3A_370, %swap3A_371], %swap3A_374 {strides = array<i32>} : memref<128x64xf32, #tpu.memory_space<vmem>>, vector<1x16xf32>,
        %add3A_375 = arith.constant 5 : i32
        %add3A_376 = arith.addi %mul3A_50, %add3A_375 : i32
        %get3A_377 = arith.index_cast %add3A_376 : i32 to index
        %get3A_378 = arith.constant 16 : index
        %get3A_379 = tpu.vector_load %arg11[%get3A_377, %get3A_378] {strides = array<i32>} : memref<128x64xf32, #tpu.memory_space<vmem>>, vector<1x16xf32>,
        %get3A_380 = vector.shape_cast %get3A_379 : vector<1x16xf32> to vector<16xf32>
        %mul3A_381 = vector.broadcast %squeeze3A_359 : f32 to vector<16xf32>
        %mul3A_382 = arith.mulf %get3A_380, %mul3A_381 : vector<16xf32>
        %add3A_383 = arith.constant 5 : i32
        %add3A_384 = arith.addi %mul3A_50, %add3A_383 : i32
        %swap3A_385 = arith.index_cast %add3A_384 : i32 to index
        %swap3A_386 = arith.constant 16 : index
        %swap3A_387 = tpu.vector_load %arg11[%swap3A_385, %swap3A_386] {strides = array<i32>} : memref<128x64xf32, #tpu.memory_space<vmem>>, vector<1x16xf32>,
        %swap3A_388 = vector.shape_cast %swap3A_387 : vector<1x16xf32> to vector<16xf32>
        %swap3A_389 = vector.shape_cast %mul3A_382 : vector<16xf32> to vector<1x16xf32>
        tpu.vector_store %arg11[%swap3A_385, %swap3A_386], %swap3A_389 {strides = array<i32>} : memref<128x64xf32, #tpu.memory_space<vmem>>, vector<1x16xf32>,
        %add3A_390 = arith.constant 5 : i32
        %add3A_391 = arith.addi %mul3A_50, %add3A_390 : i32
        %get3A_392 = arith.index_cast %add3A_391 : i32 to index
        %get3A_393 = arith.constant 32 : index
        %get3A_394 = tpu.vector_load %arg11[%get3A_392, %get3A_393] {strides = array<i32>} : memref<128x64xf32, #tpu.memory_space<vmem>>, vector<1x16xf32>,
        %get3A_395 = vector.shape_cast %get3A_394 : vector<1x16xf32> to vector<16xf32>
        %mul3A_396 = vector.broadcast %squeeze3A_359 : f32 to vector<16xf32>
        %mul3A_397 = arith.mulf %get3A_395, %mul3A_396 : vector<16xf32>
        %add3A_398 = arith.constant 5 : i32
        %add3A_399 = arith.addi %mul3A_50, %add3A_398 : i32
        %swap3A_400 = arith.index_cast %add3A_399 : i32 to index
        %swap3A_401 = arith.constant 32 : index
        %swap3A_402 = tpu.vector_load %arg11[%swap3A_400, %swap3A_401] {strides = array<i32>} : memref<128x64xf32, #tpu.memory_space<vmem>>, vector<1x16xf32>,
        %swap3A_403 = vector.shape_cast %swap3A_402 : vector<1x16xf32> to vector<16xf32>
        %swap3A_404 = vector.shape_cast %mul3A_397 : vector<16xf32> to vector<1x16xf32>
        tpu.vector_store %arg11[%swap3A_400, %swap3A_401], %swap3A_404 {strides = array<i32>} : memref<128x64xf32, #tpu.memory_space<vmem>>, vector<1x16xf32>,
        %add3A_405 = arith.constant 5 : i32
        %add3A_406 = arith.addi %mul3A_50, %add3A_405 : i32
        %get3A_407 = arith.index_cast %add3A_406 : i32 to index
        %get3A_408 = arith.constant 48 : index
        %get3A_409 = tpu.vector_load %arg11[%get3A_407, %get3A_408] {strides = array<i32>} : memref<128x64xf32, #tpu.memory_space<vmem>>, vector<1x16xf32>,
        %get3A_410 = vector.shape_cast %get3A_409 : vector<1x16xf32> to vector<16xf32>
        %mul3A_411 = vector.broadcast %squeeze3A_359 : f32 to vector<16xf32>
        %mul3A_412 = arith.mulf %get3A_410, %mul3A_411 : vector<16xf32>
        %add3A_413 = arith.constant 5 : i32
        %add3A_414 = arith.addi %mul3A_50, %add3A_413 : i32
        %swap3A_415 = arith.index_cast %add3A_414 : i32 to index
        %swap3A_416 = arith.constant 48 : index
        %swap3A_417 = tpu.vector_load %arg11[%swap3A_415, %swap3A_416] {strides = array<i32>} : memref<128x64xf32, #tpu.memory_space<vmem>>, vector<1x16xf32>,
        %swap3A_418 = vector.shape_cast %swap3A_417 : vector<1x16xf32> to vector<16xf32>
        %swap3A_419 = vector.shape_cast %mul3A_412 : vector<16xf32> to vector<1x16xf32>
        tpu.vector_store %arg11[%swap3A_415, %swap3A_416], %swap3A_419 {strides = array<i32>} : memref<128x64xf32, #tpu.memory_space<vmem>>, vector<1x16xf32>,
        %slice3A_420 = vector.extract_strided_slice %get3A_48 {offsets = [6], sizes = [1], strides = [1]} : vector<16xf32> to vector<1xf32>
        %squeeze3A_421 = vector.extract %slice3A_420[0] : f32 from vector<1xf32>
        %add3A_422 = arith.constant 6 : i32
        %add3A_423 = arith.addi %mul3A_50, %add3A_422 : i32
        %get3A_424 = arith.index_cast %add3A_423 : i32 to index
        %get3A_425 = arith.constant 0 : index
        %get3A_426 = tpu.vector_load %arg11[%get3A_424, %get3A_425] {strides = array<i32>} : memref<128x64xf32, #tpu.memory_space<vmem>>, vector<1x16xf32>,
        %get3A_427 = vector.shape_cast %get3A_426 : vector<1x16xf32> to vector<16xf32>
        %mul3A_428 = vector.broadcast %squeeze3A_421 : f32 to vector<16xf32>
        %mul3A_429 = arith.mulf %get3A_427, %mul3A_428 : vector<16xf32>
        %add3A_430 = arith.constant 6 : i32
        %add3A_431 = arith.addi %mul3A_50, %add3A_430 : i32
        %swap3A_432 = arith.index_cast %add3A_431 : i32 to index
        %swap3A_433 = arith.constant 0 : index
        %swap3A_434 = tpu.vector_load %arg11[%swap3A_432, %swap3A_433] {strides = array<i32>} : memref<128x64xf32, #tpu.memory_space<vmem>>, vector<1x16xf32>,
        %swap3A_435 = vector.shape_cast %swap3A_434 : vector<1x16xf32> to vector<16xf32>
        %swap3A_436 = vector.shape_cast %mul3A_429 : vector<16xf32> to vector<1x16xf32>
        tpu.vector_store %arg11[%swap3A_432, %swap3A_433], %swap3A_436 {strides = array<i32>} : memref<128x64xf32, #tpu.memory_space<vmem>>, vector<1x16xf32>,
        %add3A_437 = arith.constant 6 : i32
        %add3A_438 = arith.addi %mul3A_50, %add3A_437 : i32
        %get3A_439 = arith.index_cast %add3A_438 : i32 to index
        %get3A_440 = arith.constant 16 : index
        %get3A_441 = tpu.vector_load %arg11[%get3A_439, %get3A_440] {strides = array<i32>} : memref<128x64xf32, #tpu.memory_space<vmem>>, vector<1x16xf32>,
        %get3A_442 = vector.shape_cast %get3A_441 : vector<1x16xf32> to vector<16xf32>
        %mul3A_443 = vector.broadcast %squeeze3A_421 : f32 to vector<16xf32>
        %mul3A_444 = arith.mulf %get3A_442, %mul3A_443 : vector<16xf32>
        %add3A_445 = arith.constant 6 : i32
        %add3A_446 = arith.addi %mul3A_50, %add3A_445 : i32
        %swap3A_447 = arith.index_cast %add3A_446 : i32 to index
        %swap3A_448 = arith.constant 16 : index
        %swap3A_449 = tpu.vector_load %arg11[%swap3A_447, %swap3A_448] {strides = array<i32>} : memref<128x64xf32, #tpu.memory_space<vmem>>, vector<1x16xf32>,
        %swap3A_450 = vector.shape_cast %swap3A_449 : vector<1x16xf32> to vector<16xf32>
        %swap3A_451 = vector.shape_cast %mul3A_444 : vector<16xf32> to vector<1x16xf32>
        tpu.vector_store %arg11[%swap3A_447, %swap3A_448], %swap3A_451 {strides = array<i32>} : memref<128x64xf32, #tpu.memory_space<vmem>>, vector<1x16xf32>,
        %add3A_452 = arith.constant 6 : i32
        %add3A_453 = arith.addi %mul3A_50, %add3A_452 : i32
        %get3A_454 = arith.index_cast %add3A_453 : i32 to index
        %get3A_455 = arith.constant 32 : index
        %get3A_456 = tpu.vector_load %arg11[%get3A_454, %get3A_455] {strides = array<i32>} : memref<128x64xf32, #tpu.memory_space<vmem>>, vector<1x16xf32>,
        %get3A_457 = vector.shape_cast %get3A_456 : vector<1x16xf32> to vector<16xf32>
        %mul3A_458 = vector.broadcast %squeeze3A_421 : f32 to vector<16xf32>
        %mul3A_459 = arith.mulf %get3A_457, %mul3A_458 : vector<16xf32>
        %add3A_460 = arith.constant 6 : i32
        %add3A_461 = arith.addi %mul3A_50, %add3A_460 : i32
        %swap3A_462 = arith.index_cast %add3A_461 : i32 to index
        %swap3A_463 = arith.constant 32 : index
        %swap3A_464 = tpu.vector_load %arg11[%swap3A_462, %swap3A_463] {strides = array<i32>} : memref<128x64xf32, #tpu.memory_space<vmem>>, vector<1x16xf32>,
        %swap3A_465 = vector.shape_cast %swap3A_464 : vector<1x16xf32> to vector<16xf32>
        %swap3A_466 = vector.shape_cast %mul3A_459 : vector<16xf32> to vector<1x16xf32>
        tpu.vector_store %arg11[%swap3A_462, %swap3A_463], %swap3A_466 {strides = array<i32>} : memref<128x64xf32, #tpu.memory_space<vmem>>, vector<1x16xf32>,
        %add3A_467 = arith.constant 6 : i32
        %add3A_468 = arith.addi %mul3A_50, %add3A_467 : i32
        %get3A_469 = arith.index_cast %add3A_468 : i32 to index
        %get3A_470 = arith.constant 48 : index
        %get3A_471 = tpu.vector_load %arg11[%get3A_469, %get3A_470] {strides = array<i32>} : memref<128x64xf32, #tpu.memory_space<vmem>>, vector<1x16xf32>,
        %get3A_472 = vector.shape_cast %get3A_471 : vector<1x16xf32> to vector<16xf32>
        %mul3A_473 = vector.broadcast %squeeze3A_421 : f32 to vector<16xf32>
        %mul3A_474 = arith.mulf %get3A_472, %mul3A_473 : vector<16xf32>
        %add3A_475 = arith.constant 6 : i32
        %add3A_476 = arith.addi %mul3A_50, %add3A_475 : i32
        %swap3A_477 = arith.index_cast %add3A_476 : i32 to index
        %swap3A_478 = arith.constant 48 : index
        %swap3A_479 = tpu.vector_load %arg11[%swap3A_477, %swap3A_478] {strides = array<i32>} : memref<128x64xf32, #tpu.memory_space<vmem>>, vector<1x16xf32>,
        %swap3A_480 = vector.shape_cast %swap3A_479 : vector<1x16xf32> to vector<16xf32>
        %swap3A_481 = vector.shape_cast %mul3A_474 : vector<16xf32> to vector<1x16xf32>
        tpu.vector_store %arg11[%swap3A_477, %swap3A_478], %swap3A_481 {strides = array<i32>} : memref<128x64xf32, #tpu.memory_space<vmem>>, vector<1x16xf32>,
        %slice3A_482 = vector.extract_strided_slice %get3A_48 {offsets = [7], sizes = [1], strides = [1]} : vector<16xf32> to vector<1xf32>
        %squeeze3A_483 = vector.extract %slice3A_482[0] : f32 from vector<1xf32>
        %add3A_484 = arith.constant 7 : i32
        %add3A_485 = arith.addi %mul3A_50, %add3A_484 : i32
        %get3A_486 = arith.index_cast %add3A_485 : i32 to index
        %get3A_487 = arith.constant 0 : index
        %get3A_488 = tpu.vector_load %arg11[%get3A_486, %get3A_487] {strides = array<i32>} : memref<128x64xf32, #tpu.memory_space<vmem>>, vector<1x16xf32>,
        %get3A_489 = vector.shape_cast %get3A_488 : vector<1x16xf32> to vector<16xf32>
        %mul3A_490 = vector.broadcast %squeeze3A_483 : f32 to vector<16xf32>
        %mul3A_491 = arith.mulf %get3A_489, %mul3A_490 : vector<16xf32>
        %add3A_492 = arith.constant 7 : i32
        %add3A_493 = arith.addi %mul3A_50, %add3A_492 : i32
        %swap3A_494 = arith.index_cast %add3A_493 : i32 to index
        %swap3A_495 = arith.constant 0 : index
        %swap3A_496 = tpu.vector_load %arg11[%swap3A_494, %swap3A_495] {strides = array<i32>} : memref<128x64xf32, #tpu.memory_space<vmem>>, vector<1x16xf32>,
        %swap3A_497 = vector.shape_cast %swap3A_496 : vector<1x16xf32> to vector<16xf32>
        %swap3A_498 = vector.shape_cast %mul3A_491 : vector<16xf32> to vector<1x16xf32>
        tpu.vector_store %arg11[%swap3A_494, %swap3A_495], %swap3A_498 {strides = array<i32>} : memref<128x64xf32, #tpu.memory_space<vmem>>, vector<1x16xf32>,
        %add3A_499 = arith.constant 7 : i32
        %add3A_500 = arith.addi %mul3A_50, %add3A_499 : i32
        %get3A_501 = arith.index_cast %add3A_500 : i32 to index
        %get3A_502 = arith.constant 16 : index
        %get3A_503 = tpu.vector_load %arg11[%get3A_501, %get3A_502] {strides = array<i32>} : memref<128x64xf32, #tpu.memory_space<vmem>>, vector<1x16xf32>,
        %get3A_504 = vector.shape_cast %get3A_503 : vector<1x16xf32> to vector<16xf32>
        %mul3A_505 = vector.broadcast %squeeze3A_483 : f32 to vector<16xf32>
        %mul3A_506 = arith.mulf %get3A_504, %mul3A_505 : vector<16xf32>
        %add3A_507 = arith.constant 7 : i32
        %add3A_508 = arith.addi %mul3A_50, %add3A_507 : i32
        %swap3A_509 = arith.index_cast %add3A_508 : i32 to index
        %swap3A_510 = arith.constant 16 : index
        %swap3A_511 = tpu.vector_load %arg11[%swap3A_509, %swap3A_510] {strides = array<i32>} : memref<128x64xf32, #tpu.memory_space<vmem>>, vector<1x16xf32>,
        %swap3A_512 = vector.shape_cast %swap3A_511 : vector<1x16xf32> to vector<16xf32>
        %swap3A_513 = vector.shape_cast %mul3A_506 : vector<16xf32> to vector<1x16xf32>
        tpu.vector_store %arg11[%swap3A_509, %swap3A_510], %swap3A_513 {strides = array<i32>} : memref<128x64xf32, #tpu.memory_space<vmem>>, vector<1x16xf32>,
        %add3A_514 = arith.constant 7 : i32
        %add3A_515 = arith.addi %mul3A_50, %add3A_514 : i32
        %get3A_516 = arith.index_cast %add3A_515 : i32 to index
        %get3A_517 = arith.constant 32 : index
        %get3A_518 = tpu.vector_load %arg11[%get3A_516, %get3A_517] {strides = array<i32>} : memref<128x64xf32, #tpu.memory_space<vmem>>, vector<1x16xf32>,
        %get3A_519 = vector.shape_cast %get3A_518 : vector<1x16xf32> to vector<16xf32>
        %mul3A_520 = vector.broadcast %squeeze3A_483 : f32 to vector<16xf32>
        %mul3A_521 = arith.mulf %get3A_519, %mul3A_520 : vector<16xf32>
        %add3A_522 = arith.constant 7 : i32
        %add3A_523 = arith.addi %mul3A_50, %add3A_522 : i32
        %swap3A_524 = arith.index_cast %add3A_523 : i32 to index
        %swap3A_525 = arith.constant 32 : index
        %swap3A_526 = tpu.vector_load %arg11[%swap3A_524, %swap3A_525] {strides = array<i32>} : memref<128x64xf32, #tpu.memory_space<vmem>>, vector<1x16xf32>,
        %swap3A_527 = vector.shape_cast %swap3A_526 : vector<1x16xf32> to vector<16xf32>
        %swap3A_528 = vector.shape_cast %mul3A_521 : vector<16xf32> to vector<1x16xf32>
        tpu.vector_store %arg11[%swap3A_524, %swap3A_525], %swap3A_528 {strides = array<i32>} : memref<128x64xf32, #tpu.memory_space<vmem>>, vector<1x16xf32>,
        %add3A_529 = arith.constant 7 : i32
        %add3A_530 = arith.addi %mul3A_50, %add3A_529 : i32
        %get3A_531 = arith.index_cast %add3A_530 : i32 to index
        %get3A_532 = arith.constant 48 : index
        %get3A_533 = tpu.vector_load %arg11[%get3A_531, %get3A_532] {strides = array<i32>} : memref<128x64xf32, #tpu.memory_space<vmem>>, vector<1x16xf32>,
        %get3A_534 = vector.shape_cast %get3A_533 : vector<1x16xf32> to vector<16xf32>
        %mul3A_535 = vector.broadcast %squeeze3A_483 : f32 to vector<16xf32>
        %mul3A_536 = arith.mulf %get3A_534, %mul3A_535 : vector<16xf32>
        %add3A_537 = arith.constant 7 : i32
        %add3A_538 = arith.addi %mul3A_50, %add3A_537 : i32
        %swap3A_539 = arith.index_cast %add3A_538 : i32 to index
        %swap3A_540 = arith.constant 48 : index
        %swap3A_541 = tpu.vector_load %arg11[%swap3A_539, %swap3A_540] {strides = array<i32>} : memref<128x64xf32, #tpu.memory_space<vmem>>, vector<1x16xf32>,
        %swap3A_542 = vector.shape_cast %swap3A_541 : vector<1x16xf32> to vector<16xf32>
        %swap3A_543 = vector.shape_cast %mul3A_536 : vector<16xf32> to vector<1x16xf32>
        tpu.vector_store %arg11[%swap3A_539, %swap3A_540], %swap3A_543 {strides = array<i32>} : memref<128x64xf32, #tpu.memory_space<vmem>>, vector<1x16xf32>,
        %slice3A_544 = vector.extract_strided_slice %get3A_48 {offsets = [8], sizes = [1], strides = [1]} : vector<16xf32> to vector<1xf32>
        %squeeze3A_545 = vector.extract %slice3A_544[0] : f32 from vector<1xf32>
        %add3A_546 = arith.constant 8 : i32
        %add3A_547 = arith.addi %mul3A_50, %add3A_546 : i32
        %get3A_548 = arith.index_cast %add3A_547 : i32 to index
        %get3A_549 = arith.constant 0 : index
        %get3A_550 = tpu.vector_load %arg11[%get3A_548, %get3A_549] {strides = array<i32>} : memref<128x64xf32, #tpu.memory_space<vmem>>, vector<1x16xf32>,
        %get3A_551 = vector.shape_cast %get3A_550 : vector<1x16xf32> to vector<16xf32>
        %mul3A_552 = vector.broadcast %squeeze3A_545 : f32 to vector<16xf32>
        %mul3A_553 = arith.mulf %get3A_551, %mul3A_552 : vector<16xf32>
        %add3A_554 = arith.constant 8 : i32
        %add3A_555 = arith.addi %mul3A_50, %add3A_554 : i32
        %swap3A_556 = arith.index_cast %add3A_555 : i32 to index
        %swap3A_557 = arith.constant 0 : index
        %swap3A_558 = tpu.vector_load %arg11[%swap3A_556, %swap3A_557] {strides = array<i32>} : memref<128x64xf32, #tpu.memory_space<vmem>>, vector<1x16xf32>,
        %swap3A_559 = vector.shape_cast %swap3A_558 : vector<1x16xf32> to vector<16xf32>
        %swap3A_560 = vector.shape_cast %mul3A_553 : vector<16xf32> to vector<1x16xf32>
        tpu.vector_store %arg11[%swap3A_556, %swap3A_557], %swap3A_560 {strides = array<i32>} : memref<128x64xf32, #tpu.memory_space<vmem>>, vector<1x16xf32>,
        %add3A_561 = arith.constant 8 : i32
        %add3A_562 = arith.addi %mul3A_50, %add3A_561 : i32
        %get3A_563 = arith.index_cast %add3A_562 : i32 to index
        %get3A_564 = arith.constant 16 : index
        %get3A_565 = tpu.vector_load %arg11[%get3A_563, %get3A_564] {strides = array<i32>} : memref<128x64xf32, #tpu.memory_space<vmem>>, vector<1x16xf32>,
        %get3A_566 = vector.shape_cast %get3A_565 : vector<1x16xf32> to vector<16xf32>
        %mul3A_567 = vector.broadcast %squeeze3A_545 : f32 to vector<16xf32>
        %mul3A_568 = arith.mulf %get3A_566, %mul3A_567 : vector<16xf32>
        %add3A_569 = arith.constant 8 : i32
        %add3A_570 = arith.addi %mul3A_50, %add3A_569 : i32
        %swap3A_571 = arith.index_cast %add3A_570 : i32 to index
        %swap3A_572 = arith.constant 16 : index
        %swap3A_573 = tpu.vector_load %arg11[%swap3A_571, %swap3A_572] {strides = array<i32>} : memref<128x64xf32, #tpu.memory_space<vmem>>, vector<1x16xf32>,
        %swap3A_574 = vector.shape_cast %swap3A_573 : vector<1x16xf32> to vector<16xf32>
        %swap3A_575 = vector.shape_cast %mul3A_568 : vector<16xf32> to vector<1x16xf32>
        tpu.vector_store %arg11[%swap3A_571, %swap3A_572], %swap3A_575 {strides = array<i32>} : memref<128x64xf32, #tpu.memory_space<vmem>>, vector<1x16xf32>,
        %add3A_576 = arith.constant 8 : i32
        %add3A_577 = arith.addi %mul3A_50, %add3A_576 : i32
        %get3A_578 = arith.index_cast %add3A_577 : i32 to index
        %get3A_579 = arith.constant 32 : index
        %get3A_580 = tpu.vector_load %arg11[%get3A_578, %get3A_579] {strides = array<i32>} : memref<128x64xf32, #tpu.memory_space<vmem>>, vector<1x16xf32>,
        %get3A_581 = vector.shape_cast %get3A_580 : vector<1x16xf32> to vector<16xf32>
        %mul3A_582 = vector.broadcast %squeeze3A_545 : f32 to vector<16xf32>
        %mul3A_583 = arith.mulf %get3A_581, %mul3A_582 : vector<16xf32>
        %add3A_584 = arith.constant 8 : i32
        %add3A_585 = arith.addi %mul3A_50, %add3A_584 : i32
        %swap3A_586 = arith.index_cast %add3A_585 : i32 to index
        %swap3A_587 = arith.constant 32 : index
        %swap3A_588 = tpu.vector_load %arg11[%swap3A_586, %swap3A_587] {strides = array<i32>} : memref<128x64xf32, #tpu.memory_space<vmem>>, vector<1x16xf32>,
        %swap3A_589 = vector.shape_cast %swap3A_588 : vector<1x16xf32> to vector<16xf32>
        %swap3A_590 = vector.shape_cast %mul3A_583 : vector<16xf32> to vector<1x16xf32>
        tpu.vector_store %arg11[%swap3A_586, %swap3A_587], %swap3A_590 {strides = array<i32>} : memref<128x64xf32, #tpu.memory_space<vmem>>, vector<1x16xf32>,
        %add3A_591 = arith.constant 8 : i32
        %add3A_592 = arith.addi %mul3A_50, %add3A_591 : i32
        %get3A_593 = arith.index_cast %add3A_592 : i32 to index
        %get3A_594 = arith.constant 48 : index
        %get3A_595 = tpu.vector_load %arg11[%get3A_593, %get3A_594] {strides = array<i32>} : memref<128x64xf32, #tpu.memory_space<vmem>>, vector<1x16xf32>,
        %get3A_596 = vector.shape_cast %get3A_595 : vector<1x16xf32> to vector<16xf32>
        %mul3A_597 = vector.broadcast %squeeze3A_545 : f32 to vector<16xf32>
        %mul3A_598 = arith.mulf %get3A_596, %mul3A_597 : vector<16xf32>
        %add3A_599 = arith.constant 8 : i32
        %add3A_600 = arith.addi %mul3A_50, %add3A_599 : i32
        %swap3A_601 = arith.index_cast %add3A_600 : i32 to index
        %swap3A_602 = arith.constant 48 : index
        %swap3A_603 = tpu.vector_load %arg11[%swap3A_601, %swap3A_602] {strides = array<i32>} : memref<128x64xf32, #tpu.memory_space<vmem>>, vector<1x16xf32>,
        %swap3A_604 = vector.shape_cast %swap3A_603 : vector<1x16xf32> to vector<16xf32>
        %swap3A_605 = vector.shape_cast %mul3A_598 : vector<16xf32> to vector<1x16xf32>
        tpu.vector_store %arg11[%swap3A_601, %swap3A_602], %swap3A_605 {strides = array<i32>} : memref<128x64xf32, #tpu.memory_space<vmem>>, vector<1x16xf32>,
        %slice3A_606 = vector.extract_strided_slice %get3A_48 {offsets = [9], sizes = [1], strides = [1]} : vector<16xf32> to vector<1xf32>
        %squeeze3A_607 = vector.extract %slice3A_606[0] : f32 from vector<1xf32>
        %add3A_608 = arith.constant 9 : i32
        %add3A_609 = arith.addi %mul3A_50, %add3A_608 : i32
        %get3A_610 = arith.index_cast %add3A_609 : i32 to index
        %get3A_611 = arith.constant 0 : index
        %get3A_612 = tpu.vector_load %arg11[%get3A_610, %get3A_611] {strides = array<i32>} : memref<128x64xf32, #tpu.memory_space<vmem>>, vector<1x16xf32>,
        %get3A_613 = vector.shape_cast %get3A_612 : vector<1x16xf32> to vector<16xf32>
        %mul3A_614 = vector.broadcast %squeeze3A_607 : f32 to vector<16xf32>
        %mul3A_615 = arith.mulf %get3A_613, %mul3A_614 : vector<16xf32>
        %add3A_616 = arith.constant 9 : i32
        %add3A_617 = arith.addi %mul3A_50, %add3A_616 : i32
        %swap3A_618 = arith.index_cast %add3A_617 : i32 to index
        %swap3A_619 = arith.constant 0 : index
        %swap3A_620 = tpu.vector_load %arg11[%swap3A_618, %swap3A_619] {strides = array<i32>} : memref<128x64xf32, #tpu.memory_space<vmem>>, vector<1x16xf32>,
        %swap3A_621 = vector.shape_cast %swap3A_620 : vector<1x16xf32> to vector<16xf32>
        %swap3A_622 = vector.shape_cast %mul3A_615 : vector<16xf32> to vector<1x16xf32>
        tpu.vector_store %arg11[%swap3A_618, %swap3A_619], %swap3A_622 {strides = array<i32>} : memref<128x64xf32, #tpu.memory_space<vmem>>, vector<1x16xf32>,
        %add3A_623 = arith.constant 9 : i32
        %add3A_624 = arith.addi %mul3A_50, %add3A_623 : i32
        %get3A_625 = arith.index_cast %add3A_624 : i32 to index
        %get3A_626 = arith.constant 16 : index
        %get3A_627 = tpu.vector_load %arg11[%get3A_625, %get3A_626] {strides = array<i32>} : memref<128x64xf32, #tpu.memory_space<vmem>>, vector<1x16xf32>,
        %get3A_628 = vector.shape_cast %get3A_627 : vector<1x16xf32> to vector<16xf32>
        %mul3A_629 = vector.broadcast %squeeze3A_607 : f32 to vector<16xf32>
        %mul3A_630 = arith.mulf %get3A_628, %mul3A_629 : vector<16xf32>
        %add3A_631 = arith.constant 9 : i32
        %add3A_632 = arith.addi %mul3A_50, %add3A_631 : i32
        %swap3A_633 = arith.index_cast %add3A_632 : i32 to index
        %swap3A_634 = arith.constant 16 : index
        %swap3A_635 = tpu.vector_load %arg11[%swap3A_633, %swap3A_634] {strides = array<i32>} : memref<128x64xf32, #tpu.memory_space<vmem>>, vector<1x16xf32>,
        %swap3A_636 = vector.shape_cast %swap3A_635 : vector<1x16xf32> to vector<16xf32>
        %swap3A_637 = vector.shape_cast %mul3A_630 : vector<16xf32> to vector<1x16xf32>
        tpu.vector_store %arg11[%swap3A_633, %swap3A_634], %swap3A_637 {strides = array<i32>} : memref<128x64xf32, #tpu.memory_space<vmem>>, vector<1x16xf32>,
        %add3A_638 = arith.constant 9 : i32
        %add3A_639 = arith.addi %mul3A_50, %add3A_638 : i32
        %get3A_640 = arith.index_cast %add3A_639 : i32 to index
        %get3A_641 = arith.constant 32 : index
        %get3A_642 = tpu.vector_load %arg11[%get3A_640, %get3A_641] {strides = array<i32>} : memref<128x64xf32, #tpu.memory_space<vmem>>, vector<1x16xf32>,
        %get3A_643 = vector.shape_cast %get3A_642 : vector<1x16xf32> to vector<16xf32>
        %mul3A_644 = vector.broadcast %squeeze3A_607 : f32 to vector<16xf32>
        %mul3A_645 = arith.mulf %get3A_643, %mul3A_644 : vector<16xf32>
        %add3A_646 = arith.constant 9 : i32
        %add3A_647 = arith.addi %mul3A_50, %add3A_646 : i32
        %swap3A_648 = arith.index_cast %add3A_647 : i32 to index
        %swap3A_649 = arith.constant 32 : index
        %swap3A_650 = tpu.vector_load %arg11[%swap3A_648, %swap3A_649] {strides = array<i32>} : memref<128x64xf32, #tpu.memory_space<vmem>>, vector<1x16xf32>,
        %swap3A_651 = vector.shape_cast %swap3A_650 : vector<1x16xf32> to vector<16xf32>
        %swap3A_652 = vector.shape_cast %mul3A_645 : vector<16xf32> to vector<1x16xf32>
        tpu.vector_store %arg11[%swap3A_648, %swap3A_649], %swap3A_652 {strides = array<i32>} : memref<128x64xf32, #tpu.memory_space<vmem>>, vector<1x16xf32>,
        %add3A_653 = arith.constant 9 : i32
        %add3A_654 = arith.addi %mul3A_50, %add3A_653 : i32
        %get3A_655 = arith.index_cast %add3A_654 : i32 to index
        %get3A_656 = arith.constant 48 : index
        %get3A_657 = tpu.vector_load %arg11[%get3A_655, %get3A_656] {strides = array<i32>} : memref<128x64xf32, #tpu.memory_space<vmem>>, vector<1x16xf32>,
        %get3A_658 = vector.shape_cast %get3A_657 : vector<1x16xf32> to vector<16xf32>
        %mul3A_659 = vector.broadcast %squeeze3A_607 : f32 to vector<16xf32>
        %mul3A_660 = arith.mulf %get3A_658, %mul3A_659 : vector<16xf32>
        %add3A_661 = arith.constant 9 : i32
        %add3A_662 = arith.addi %mul3A_50, %add3A_661 : i32
        %swap3A_663 = arith.index_cast %add3A_662 : i32 to index
        %swap3A_664 = arith.constant 48 : index
        %swap3A_665 = tpu.vector_load %arg11[%swap3A_663, %swap3A_664] {strides = array<i32>} : memref<128x64xf32, #tpu.memory_space<vmem>>, vector<1x16xf32>,
        %swap3A_666 = vector.shape_cast %swap3A_665 : vector<1x16xf32> to vector<16xf32>
        %swap3A_667 = vector.shape_cast %mul3A_660 : vector<16xf32> to vector<1x16xf32>
        tpu.vector_store %arg11[%swap3A_663, %swap3A_664], %swap3A_667 {strides = array<i32>} : memref<128x64xf32, #tpu.memory_space<vmem>>, vector<1x16xf32>,
        %slice3A_668 = vector.extract_strided_slice %get3A_48 {offsets = [10], sizes = [1], strides = [1]} : vector<16xf32> to vector<1xf32>
        %squeeze3A_669 = vector.extract %slice3A_668[0] : f32 from vector<1xf32>
        %add3A_670 = arith.constant 10 : i32
        %add3A_671 = arith.addi %mul3A_50, %add3A_670 : i32
        %get3A_672 = arith.index_cast %add3A_671 : i32 to index
        %get3A_673 = arith.constant 0 : index
        %get3A_674 = tpu.vector_load %arg11[%get3A_672, %get3A_673] {strides = array<i32>} : memref<128x64xf32, #tpu.memory_space<vmem>>, vector<1x16xf32>,
        %get3A_675 = vector.shape_cast %get3A_674 : vector<1x16xf32> to vector<16xf32>
        %mul3A_676 = vector.broadcast %squeeze3A_669 : f32 to vector<16xf32>
        %mul3A_677 = arith.mulf %get3A_675, %mul3A_676 : vector<16xf32>
        %add3A_678 = arith.constant 10 : i32
        %add3A_679 = arith.addi %mul3A_50, %add3A_678 : i32
        %swap3A_680 = arith.index_cast %add3A_679 : i32 to index
        %swap3A_681 = arith.constant 0 : index
        %swap3A_682 = tpu.vector_load %arg11[%swap3A_680, %swap3A_681] {strides = array<i32>} : memref<128x64xf32, #tpu.memory_space<vmem>>, vector<1x16xf32>,
        %swap3A_683 = vector.shape_cast %swap3A_682 : vector<1x16xf32> to vector<16xf32>
        %swap3A_684 = vector.shape_cast %mul3A_677 : vector<16xf32> to vector<1x16xf32>
        tpu.vector_store %arg11[%swap3A_680, %swap3A_681], %swap3A_684 {strides = array<i32>} : memref<128x64xf32, #tpu.memory_space<vmem>>, vector<1x16xf32>,
        %add3A_685 = arith.constant 10 : i32
        %add3A_686 = arith.addi %mul3A_50, %add3A_685 : i32
        %get3A_687 = arith.index_cast %add3A_686 : i32 to index
        %get3A_688 = arith.constant 16 : index
        %get3A_689 = tpu.vector_load %arg11[%get3A_687, %get3A_688] {strides = array<i32>} : memref<128x64xf32, #tpu.memory_space<vmem>>, vector<1x16xf32>,
        %get3A_690 = vector.shape_cast %get3A_689 : vector<1x16xf32> to vector<16xf32>
        %mul3A_691 = vector.broadcast %squeeze3A_669 : f32 to vector<16xf32>
        %mul3A_692 = arith.mulf %get3A_690, %mul3A_691 : vector<16xf32>
        %add3A_693 = arith.constant 10 : i32
        %add3A_694 = arith.addi %mul3A_50, %add3A_693 : i32
        %swap3A_695 = arith.index_cast %add3A_694 : i32 to index
        %swap3A_696 = arith.constant 16 : index
        %swap3A_697 = tpu.vector_load %arg11[%swap3A_695, %swap3A_696] {strides = array<i32>} : memref<128x64xf32, #tpu.memory_space<vmem>>, vector<1x16xf32>,
        %swap3A_698 = vector.shape_cast %swap3A_697 : vector<1x16xf32> to vector<16xf32>
        %swap3A_699 = vector.shape_cast %mul3A_692 : vector<16xf32> to vector<1x16xf32>
        tpu.vector_store %arg11[%swap3A_695, %swap3A_696], %swap3A_699 {strides = array<i32>} : memref<128x64xf32, #tpu.memory_space<vmem>>, vector<1x16xf32>,
        %add3A_700 = arith.constant 10 : i32
        %add3A_701 = arith.addi %mul3A_50, %add3A_700 : i32
        %get3A_702 = arith.index_cast %add3A_701 : i32 to index
        %get3A_703 = arith.constant 32 : index
        %get3A_704 = tpu.vector_load %arg11[%get3A_702, %get3A_703] {strides = array<i32>} : memref<128x64xf32, #tpu.memory_space<vmem>>, vector<1x16xf32>,
        %get3A_705 = vector.shape_cast %get3A_704 : vector<1x16xf32> to vector<16xf32>
        %mul3A_706 = vector.broadcast %squeeze3A_669 : f32 to vector<16xf32>
        %mul3A_707 = arith.mulf %get3A_705, %mul3A_706 : vector<16xf32>
        %add3A_708 = arith.constant 10 : i32
        %add3A_709 = arith.addi %mul3A_50, %add3A_708 : i32
        %swap3A_710 = arith.index_cast %add3A_709 : i32 to index
        %swap3A_711 = arith.constant 32 : index
        %swap3A_712 = tpu.vector_load %arg11[%swap3A_710, %swap3A_711] {strides = array<i32>} : memref<128x64xf32, #tpu.memory_space<vmem>>, vector<1x16xf32>,
        %swap3A_713 = vector.shape_cast %swap3A_712 : vector<1x16xf32> to vector<16xf32>
        %swap3A_714 = vector.shape_cast %mul3A_707 : vector<16xf32> to vector<1x16xf32>
        tpu.vector_store %arg11[%swap3A_710, %swap3A_711], %swap3A_714 {strides = array<i32>} : memref<128x64xf32, #tpu.memory_space<vmem>>, vector<1x16xf32>,
        %add3A_715 = arith.constant 10 : i32
        %add3A_716 = arith.addi %mul3A_50, %add3A_715 : i32
        %get3A_717 = arith.index_cast %add3A_716 : i32 to index
        %get3A_718 = arith.constant 48 : index
        %get3A_719 = tpu.vector_load %arg11[%get3A_717, %get3A_718] {strides = array<i32>} : memref<128x64xf32, #tpu.memory_space<vmem>>, vector<1x16xf32>,
        %get3A_720 = vector.shape_cast %get3A_719 : vector<1x16xf32> to vector<16xf32>
        %mul3A_721 = vector.broadcast %squeeze3A_669 : f32 to vector<16xf32>
        %mul3A_722 = arith.mulf %get3A_720, %mul3A_721 : vector<16xf32>
        %add3A_723 = arith.constant 10 : i32
        %add3A_724 = arith.addi %mul3A_50, %add3A_723 : i32
        %swap3A_725 = arith.index_cast %add3A_724 : i32 to index
        %swap3A_726 = arith.constant 48 : index
        %swap3A_727 = tpu.vector_load %arg11[%swap3A_725, %swap3A_726] {strides = array<i32>} : memref<128x64xf32, #tpu.memory_space<vmem>>, vector<1x16xf32>,
        %swap3A_728 = vector.shape_cast %swap3A_727 : vector<1x16xf32> to vector<16xf32>
        %swap3A_729 = vector.shape_cast %mul3A_722 : vector<16xf32> to vector<1x16xf32>
        tpu.vector_store %arg11[%swap3A_725, %swap3A_726], %swap3A_729 {strides = array<i32>} : memref<128x64xf32, #tpu.memory_space<vmem>>, vector<1x16xf32>,
        %slice3A_730 = vector.extract_strided_slice %get3A_48 {offsets = [11], sizes = [1], strides = [1]} : vector<16xf32> to vector<1xf32>
        %squeeze3A_731 = vector.extract %slice3A_730[0] : f32 from vector<1xf32>
        %add3A_732 = arith.constant 11 : i32
        %add3A_733 = arith.addi %mul3A_50, %add3A_732 : i32
        %get3A_734 = arith.index_cast %add3A_733 : i32 to index
        %get3A_735 = arith.constant 0 : index
        %get3A_736 = tpu.vector_load %arg11[%get3A_734, %get3A_735] {strides = array<i32>} : memref<128x64xf32, #tpu.memory_space<vmem>>, vector<1x16xf32>,
        %get3A_737 = vector.shape_cast %get3A_736 : vector<1x16xf32> to vector<16xf32>
        %mul3A_738 = vector.broadcast %squeeze3A_731 : f32 to vector<16xf32>
        %mul3A_739 = arith.mulf %get3A_737, %mul3A_738 : vector<16xf32>
        %add3A_740 = arith.constant 11 : i32
        %add3A_741 = arith.addi %mul3A_50, %add3A_740 : i32
        %swap3A_742 = arith.index_cast %add3A_741 : i32 to index
        %swap3A_743 = arith.constant 0 : index
        %swap3A_744 = tpu.vector_load %arg11[%swap3A_742, %swap3A_743] {strides = array<i32>} : memref<128x64xf32, #tpu.memory_space<vmem>>, vector<1x16xf32>,
        %swap3A_745 = vector.shape_cast %swap3A_744 : vector<1x16xf32> to vector<16xf32>
        %swap3A_746 = vector.shape_cast %mul3A_739 : vector<16xf32> to vector<1x16xf32>
        tpu.vector_store %arg11[%swap3A_742, %swap3A_743], %swap3A_746 {strides = array<i32>} : memref<128x64xf32, #tpu.memory_space<vmem>>, vector<1x16xf32>,
        %add3A_747 = arith.constant 11 : i32
        %add3A_748 = arith.addi %mul3A_50, %add3A_747 : i32
        %get3A_749 = arith.index_cast %add3A_748 : i32 to index
        %get3A_750 = arith.constant 16 : index
        %get3A_751 = tpu.vector_load %arg11[%get3A_749, %get3A_750] {strides = array<i32>} : memref<128x64xf32, #tpu.memory_space<vmem>>, vector<1x16xf32>,
        %get3A_752 = vector.shape_cast %get3A_751 : vector<1x16xf32> to vector<16xf32>
        %mul3A_753 = vector.broadcast %squeeze3A_731 : f32 to vector<16xf32>
        %mul3A_754 = arith.mulf %get3A_752, %mul3A_753 : vector<16xf32>
        %add3A_755 = arith.constant 11 : i32
        %add3A_756 = arith.addi %mul3A_50, %add3A_755 : i32
        %swap3A_757 = arith.index_cast %add3A_756 : i32 to index
        %swap3A_758 = arith.constant 16 : index
        %swap3A_759 = tpu.vector_load %arg11[%swap3A_757, %swap3A_758] {strides = array<i32>} : memref<128x64xf32, #tpu.memory_space<vmem>>, vector<1x16xf32>,
        %swap3A_760 = vector.shape_cast %swap3A_759 : vector<1x16xf32> to vector<16xf32>
        %swap3A_761 = vector.shape_cast %mul3A_754 : vector<16xf32> to vector<1x16xf32>
        tpu.vector_store %arg11[%swap3A_757, %swap3A_758], %swap3A_761 {strides = array<i32>} : memref<128x64xf32, #tpu.memory_space<vmem>>, vector<1x16xf32>,
        %add3A_762 = arith.constant 11 : i32
        %add3A_763 = arith.addi %mul3A_50, %add3A_762 : i32
        %get3A_764 = arith.index_cast %add3A_763 : i32 to index
        %get3A_765 = arith.constant 32 : index
        %get3A_766 = tpu.vector_load %arg11[%get3A_764, %get3A_765] {strides = array<i32>} : memref<128x64xf32, #tpu.memory_space<vmem>>, vector<1x16xf32>,
        %get3A_767 = vector.shape_cast %get3A_766 : vector<1x16xf32> to vector<16xf32>
        %mul3A_768 = vector.broadcast %squeeze3A_731 : f32 to vector<16xf32>
        %mul3A_769 = arith.mulf %get3A_767, %mul3A_768 : vector<16xf32>
        %add3A_770 = arith.constant 11 : i32
        %add3A_771 = arith.addi %mul3A_50, %add3A_770 : i32
        %swap3A_772 = arith.index_cast %add3A_771 : i32 to index
        %swap3A_773 = arith.constant 32 : index
        %swap3A_774 = tpu.vector_load %arg11[%swap3A_772, %swap3A_773] {strides = array<i32>} : memref<128x64xf32, #tpu.memory_space<vmem>>, vector<1x16xf32>,
        %swap3A_775 = vector.shape_cast %swap3A_774 : vector<1x16xf32> to vector<16xf32>
        %swap3A_776 = vector.shape_cast %mul3A_769 : vector<16xf32> to vector<1x16xf32>
        tpu.vector_store %arg11[%swap3A_772, %swap3A_773], %swap3A_776 {strides = array<i32>} : memref<128x64xf32, #tpu.memory_space<vmem>>, vector<1x16xf32>,
        %add3A_777 = arith.constant 11 : i32
        %add3A_778 = arith.addi %mul3A_50, %add3A_777 : i32
        %get3A_779 = arith.index_cast %add3A_778 : i32 to index
        %get3A_780 = arith.constant 48 : index
        %get3A_781 = tpu.vector_load %arg11[%get3A_779, %get3A_780] {strides = array<i32>} : memref<128x64xf32, #tpu.memory_space<vmem>>, vector<1x16xf32>,
        %get3A_782 = vector.shape_cast %get3A_781 : vector<1x16xf32> to vector<16xf32>
        %mul3A_783 = vector.broadcast %squeeze3A_731 : f32 to vector<16xf32>
        %mul3A_784 = arith.mulf %get3A_782, %mul3A_783 : vector<16xf32>
        %add3A_785 = arith.constant 11 : i32
        %add3A_786 = arith.addi %mul3A_50, %add3A_785 : i32
        %swap3A_787 = arith.index_cast %add3A_786 : i32 to index
        %swap3A_788 = arith.constant 48 : index
        %swap3A_789 = tpu.vector_load %arg11[%swap3A_787, %swap3A_788] {strides = array<i32>} : memref<128x64xf32, #tpu.memory_space<vmem>>, vector<1x16xf32>,
        %swap3A_790 = vector.shape_cast %swap3A_789 : vector<1x16xf32> to vector<16xf32>
        %swap3A_791 = vector.shape_cast %mul3A_784 : vector<16xf32> to vector<1x16xf32>
        tpu.vector_store %arg11[%swap3A_787, %swap3A_788], %swap3A_791 {strides = array<i32>} : memref<128x64xf32, #tpu.memory_space<vmem>>, vector<1x16xf32>,
        %slice3A_792 = vector.extract_strided_slice %get3A_48 {offsets = [12], sizes = [1], strides = [1]} : vector<16xf32> to vector<1xf32>
        %squeeze3A_793 = vector.extract %slice3A_792[0] : f32 from vector<1xf32>
        %add3A_794 = arith.constant 12 : i32
        %add3A_795 = arith.addi %mul3A_50, %add3A_794 : i32
        %get3A_796 = arith.index_cast %add3A_795 : i32 to index
        %get3A_797 = arith.constant 0 : index
        %get3A_798 = tpu.vector_load %arg11[%get3A_796, %get3A_797] {strides = array<i32>} : memref<128x64xf32, #tpu.memory_space<vmem>>, vector<1x16xf32>,
        %get3A_799 = vector.shape_cast %get3A_798 : vector<1x16xf32> to vector<16xf32>
        %mul3A_800 = vector.broadcast %squeeze3A_793 : f32 to vector<16xf32>
        %mul3A_801 = arith.mulf %get3A_799, %mul3A_800 : vector<16xf32>
        %add3A_802 = arith.constant 12 : i32
        %add3A_803 = arith.addi %mul3A_50, %add3A_802 : i32
        %swap3A_804 = arith.index_cast %add3A_803 : i32 to index
        %swap3A_805 = arith.constant 0 : index
        %swap3A_806 = tpu.vector_load %arg11[%swap3A_804, %swap3A_805] {strides = array<i32>} : memref<128x64xf32, #tpu.memory_space<vmem>>, vector<1x16xf32>,
        %swap3A_807 = vector.shape_cast %swap3A_806 : vector<1x16xf32> to vector<16xf32>
        %swap3A_808 = vector.shape_cast %mul3A_801 : vector<16xf32> to vector<1x16xf32>
        tpu.vector_store %arg11[%swap3A_804, %swap3A_805], %swap3A_808 {strides = array<i32>} : memref<128x64xf32, #tpu.memory_space<vmem>>, vector<1x16xf32>,
        %add3A_809 = arith.constant 12 : i32
        %add3A_810 = arith.addi %mul3A_50, %add3A_809 : i32
        %get3A_811 = arith.index_cast %add3A_810 : i32 to index
        %get3A_812 = arith.constant 16 : index
        %get3A_813 = tpu.vector_load %arg11[%get3A_811, %get3A_812] {strides = array<i32>} : memref<128x64xf32, #tpu.memory_space<vmem>>, vector<1x16xf32>,
        %get3A_814 = vector.shape_cast %get3A_813 : vector<1x16xf32> to vector<16xf32>
        %mul3A_815 = vector.broadcast %squeeze3A_793 : f32 to vector<16xf32>
        %mul3A_816 = arith.mulf %get3A_814, %mul3A_815 : vector<16xf32>
        %add3A_817 = arith.constant 12 : i32
        %add3A_818 = arith.addi %mul3A_50, %add3A_817 : i32
        %swap3A_819 = arith.index_cast %add3A_818 : i32 to index
        %swap3A_820 = arith.constant 16 : index
        %swap3A_821 = tpu.vector_load %arg11[%swap3A_819, %swap3A_820] {strides = array<i32>} : memref<128x64xf32, #tpu.memory_space<vmem>>, vector<1x16xf32>,
        %swap3A_822 = vector.shape_cast %swap3A_821 : vector<1x16xf32> to vector<16xf32>
        %swap3A_823 = vector.shape_cast %mul3A_816 : vector<16xf32> to vector<1x16xf32>
        tpu.vector_store %arg11[%swap3A_819, %swap3A_820], %swap3A_823 {strides = array<i32>} : memref<128x64xf32, #tpu.memory_space<vmem>>, vector<1x16xf32>,
        %add3A_824 = arith.constant 12 : i32
        %add3A_825 = arith.addi %mul3A_50, %add3A_824 : i32
        %get3A_826 = arith.index_cast %add3A_825 : i32 to index
        %get3A_827 = arith.constant 32 : index
        %get3A_828 = tpu.vector_load %arg11[%get3A_826, %get3A_827] {strides = array<i32>} : memref<128x64xf32, #tpu.memory_space<vmem>>, vector<1x16xf32>,
        %get3A_829 = vector.shape_cast %get3A_828 : vector<1x16xf32> to vector<16xf32>
        %mul3A_830 = vector.broadcast %squeeze3A_793 : f32 to vector<16xf32>
        %mul3A_831 = arith.mulf %get3A_829, %mul3A_830 : vector<16xf32>
        %add3A_832 = arith.constant 12 : i32
        %add3A_833 = arith.addi %mul3A_50, %add3A_832 : i32
        %swap3A_834 = arith.index_cast %add3A_833 : i32 to index
        %swap3A_835 = arith.constant 32 : index
        %swap3A_836 = tpu.vector_load %arg11[%swap3A_834, %swap3A_835] {strides = array<i32>} : memref<128x64xf32, #tpu.memory_space<vmem>>, vector<1x16xf32>,
        %swap3A_837 = vector.shape_cast %swap3A_836 : vector<1x16xf32> to vector<16xf32>
        %swap3A_838 = vector.shape_cast %mul3A_831 : vector<16xf32> to vector<1x16xf32>
        tpu.vector_store %arg11[%swap3A_834, %swap3A_835], %swap3A_838 {strides = array<i32>} : memref<128x64xf32, #tpu.memory_space<vmem>>, vector<1x16xf32>,
        %add3A_839 = arith.constant 12 : i32
        %add3A_840 = arith.addi %mul3A_50, %add3A_839 : i32
        %get3A_841 = arith.index_cast %add3A_840 : i32 to index
        %get3A_842 = arith.constant 48 : index
        %get3A_843 = tpu.vector_load %arg11[%get3A_841, %get3A_842] {strides = array<i32>} : memref<128x64xf32, #tpu.memory_space<vmem>>, vector<1x16xf32>,
        %get3A_844 = vector.shape_cast %get3A_843 : vector<1x16xf32> to vector<16xf32>
        %mul3A_845 = vector.broadcast %squeeze3A_793 : f32 to vector<16xf32>
        %mul3A_846 = arith.mulf %get3A_844, %mul3A_845 : vector<16xf32>
        %add3A_847 = arith.constant 12 : i32
        %add3A_848 = arith.addi %mul3A_50, %add3A_847 : i32
        %swap3A_849 = arith.index_cast %add3A_848 : i32 to index
        %swap3A_850 = arith.constant 48 : index
        %swap3A_851 = tpu.vector_load %arg11[%swap3A_849, %swap3A_850] {strides = array<i32>} : memref<128x64xf32, #tpu.memory_space<vmem>>, vector<1x16xf32>,
        %swap3A_852 = vector.shape_cast %swap3A_851 : vector<1x16xf32> to vector<16xf32>
        %swap3A_853 = vector.shape_cast %mul3A_846 : vector<16xf32> to vector<1x16xf32>
        tpu.vector_store %arg11[%swap3A_849, %swap3A_850], %swap3A_853 {strides = array<i32>} : memref<128x64xf32, #tpu.memory_space<vmem>>, vector<1x16xf32>,
        %slice3A_854 = vector.extract_strided_slice %get3A_48 {offsets = [13], sizes = [1], strides = [1]} : vector<16xf32> to vector<1xf32>
        %squeeze3A_855 = vector.extract %slice3A_854[0] : f32 from vector<1xf32>
        %add3A_856 = arith.constant 13 : i32
        %add3A_857 = arith.addi %mul3A_50, %add3A_856 : i32
        %get3A_858 = arith.index_cast %add3A_857 : i32 to index
        %get3A_859 = arith.constant 0 : index
        %get3A_860 = tpu.vector_load %arg11[%get3A_858, %get3A_859] {strides = array<i32>} : memref<128x64xf32, #tpu.memory_space<vmem>>, vector<1x16xf32>,
        %get3A_861 = vector.shape_cast %get3A_860 : vector<1x16xf32> to vector<16xf32>
        %mul3A_862 = vector.broadcast %squeeze3A_855 : f32 to vector<16xf32>
        %mul3A_863 = arith.mulf %get3A_861, %mul3A_862 : vector<16xf32>
        %add3A_864 = arith.constant 13 : i32
        %add3A_865 = arith.addi %mul3A_50, %add3A_864 : i32
        %swap3A_866 = arith.index_cast %add3A_865 : i32 to index
        %swap3A_867 = arith.constant 0 : index
        %swap3A_868 = tpu.vector_load %arg11[%swap3A_866, %swap3A_867] {strides = array<i32>} : memref<128x64xf32, #tpu.memory_space<vmem>>, vector<1x16xf32>,
        %swap3A_869 = vector.shape_cast %swap3A_868 : vector<1x16xf32> to vector<16xf32>
        %swap3A_870 = vector.shape_cast %mul3A_863 : vector<16xf32> to vector<1x16xf32>
        tpu.vector_store %arg11[%swap3A_866, %swap3A_867], %swap3A_870 {strides = array<i32>} : memref<128x64xf32, #tpu.memory_space<vmem>>, vector<1x16xf32>,
        %add3A_871 = arith.constant 13 : i32
        %add3A_872 = arith.addi %mul3A_50, %add3A_871 : i32
        %get3A_873 = arith.index_cast %add3A_872 : i32 to index
        %get3A_874 = arith.constant 16 : index
        %get3A_875 = tpu.vector_load %arg11[%get3A_873, %get3A_874] {strides = array<i32>} : memref<128x64xf32, #tpu.memory_space<vmem>>, vector<1x16xf32>,
        %get3A_876 = vector.shape_cast %get3A_875 : vector<1x16xf32> to vector<16xf32>
        %mul3A_877 = vector.broadcast %squeeze3A_855 : f32 to vector<16xf32>
        %mul3A_878 = arith.mulf %get3A_876, %mul3A_877 : vector<16xf32>
        %add3A_879 = arith.constant 13 : i32
        %add3A_880 = arith.addi %mul3A_50, %add3A_879 : i32
        %swap3A_881 = arith.index_cast %add3A_880 : i32 to index
        %swap3A_882 = arith.constant 16 : index
        %swap3A_883 = tpu.vector_load %arg11[%swap3A_881, %swap3A_882] {strides = array<i32>} : memref<128x64xf32, #tpu.memory_space<vmem>>, vector<1x16xf32>,
        %swap3A_884 = vector.shape_cast %swap3A_883 : vector<1x16xf32> to vector<16xf32>
        %swap3A_885 = vector.shape_cast %mul3A_878 : vector<16xf32> to vector<1x16xf32>
        tpu.vector_store %arg11[%swap3A_881, %swap3A_882], %swap3A_885 {strides = array<i32>} : memref<128x64xf32, #tpu.memory_space<vmem>>, vector<1x16xf32>,
        %add3A_886 = arith.constant 13 : i32
        %add3A_887 = arith.addi %mul3A_50, %add3A_886 : i32
        %get3A_888 = arith.index_cast %add3A_887 : i32 to index
        %get3A_889 = arith.constant 32 : index
        %get3A_890 = tpu.vector_load %arg11[%get3A_888, %get3A_889] {strides = array<i32>} : memref<128x64xf32, #tpu.memory_space<vmem>>, vector<1x16xf32>,
        %get3A_891 = vector.shape_cast %get3A_890 : vector<1x16xf32> to vector<16xf32>
        %mul3A_892 = vector.broadcast %squeeze3A_855 : f32 to vector<16xf32>
        %mul3A_893 = arith.mulf %get3A_891, %mul3A_892 : vector<16xf32>
        %add3A_894 = arith.constant 13 : i32
        %add3A_895 = arith.addi %mul3A_50, %add3A_894 : i32
        %swap3A_896 = arith.index_cast %add3A_895 : i32 to index
        %swap3A_897 = arith.constant 32 : index
        %swap3A_898 = tpu.vector_load %arg11[%swap3A_896, %swap3A_897] {strides = array<i32>} : memref<128x64xf32, #tpu.memory_space<vmem>>, vector<1x16xf32>,
        %swap3A_899 = vector.shape_cast %swap3A_898 : vector<1x16xf32> to vector<16xf32>
        %swap3A_900 = vector.shape_cast %mul3A_893 : vector<16xf32> to vector<1x16xf32>
        tpu.vector_store %arg11[%swap3A_896, %swap3A_897], %swap3A_900 {strides = array<i32>} : memref<128x64xf32, #tpu.memory_space<vmem>>, vector<1x16xf32>,
        %add3A_901 = arith.constant 13 : i32
        %add3A_902 = arith.addi %mul3A_50, %add3A_901 : i32
        %get3A_903 = arith.index_cast %add3A_902 : i32 to index
        %get3A_904 = arith.constant 48 : index
        %get3A_905 = tpu.vector_load %arg11[%get3A_903, %get3A_904] {strides = array<i32>} : memref<128x64xf32, #tpu.memory_space<vmem>>, vector<1x16xf32>,
        %get3A_906 = vector.shape_cast %get3A_905 : vector<1x16xf32> to vector<16xf32>
        %mul3A_907 = vector.broadcast %squeeze3A_855 : f32 to vector<16xf32>
        %mul3A_908 = arith.mulf %get3A_906, %mul3A_907 : vector<16xf32>
        %add3A_909 = arith.constant 13 : i32
        %add3A_910 = arith.addi %mul3A_50, %add3A_909 : i32
        %swap3A_911 = arith.index_cast %add3A_910 : i32 to index
        %swap3A_912 = arith.constant 48 : index
        %swap3A_913 = tpu.vector_load %arg11[%swap3A_911, %swap3A_912] {strides = array<i32>} : memref<128x64xf32, #tpu.memory_space<vmem>>, vector<1x16xf32>,
        %swap3A_914 = vector.shape_cast %swap3A_913 : vector<1x16xf32> to vector<16xf32>
        %swap3A_915 = vector.shape_cast %mul3A_908 : vector<16xf32> to vector<1x16xf32>
        tpu.vector_store %arg11[%swap3A_911, %swap3A_912], %swap3A_915 {strides = array<i32>} : memref<128x64xf32, #tpu.memory_space<vmem>>, vector<1x16xf32>,
        %slice3A_916 = vector.extract_strided_slice %get3A_48 {offsets = [14], sizes = [1], strides = [1]} : vector<16xf32> to vector<1xf32>
        %squeeze3A_917 = vector.extract %slice3A_916[0] : f32 from vector<1xf32>
        %add3A_918 = arith.constant 14 : i32
        %add3A_919 = arith.addi %mul3A_50, %add3A_918 : i32
        %get3A_920 = arith.index_cast %add3A_919 : i32 to index
        %get3A_921 = arith.constant 0 : index
        %get3A_922 = tpu.vector_load %arg11[%get3A_920, %get3A_921] {strides = array<i32>} : memref<128x64xf32, #tpu.memory_space<vmem>>, vector<1x16xf32>,
        %get3A_923 = vector.shape_cast %get3A_922 : vector<1x16xf32> to vector<16xf32>
        %mul3A_924 = vector.broadcast %squeeze3A_917 : f32 to vector<16xf32>
        %mul3A_925 = arith.mulf %get3A_923, %mul3A_924 : vector<16xf32>
        %add3A_926 = arith.constant 14 : i32
        %add3A_927 = arith.addi %mul3A_50, %add3A_926 : i32
        %swap3A_928 = arith.index_cast %add3A_927 : i32 to index
        %swap3A_929 = arith.constant 0 : index
        %swap3A_930 = tpu.vector_load %arg11[%swap3A_928, %swap3A_929] {strides = array<i32>} : memref<128x64xf32, #tpu.memory_space<vmem>>, vector<1x16xf32>,
        %swap3A_931 = vector.shape_cast %swap3A_930 : vector<1x16xf32> to vector<16xf32>
        %swap3A_932 = vector.shape_cast %mul3A_925 : vector<16xf32> to vector<1x16xf32>
        tpu.vector_store %arg11[%swap3A_928, %swap3A_929], %swap3A_932 {strides = array<i32>} : memref<128x64xf32, #tpu.memory_space<vmem>>, vector<1x16xf32>,
        %add3A_933 = arith.constant 14 : i32
        %add3A_934 = arith.addi %mul3A_50, %add3A_933 : i32
        %get3A_935 = arith.index_cast %add3A_934 : i32 to index
        %get3A_936 = arith.constant 16 : index
        %get3A_937 = tpu.vector_load %arg11[%get3A_935, %get3A_936] {strides = array<i32>} : memref<128x64xf32, #tpu.memory_space<vmem>>, vector<1x16xf32>,
        %get3A_938 = vector.shape_cast %get3A_937 : vector<1x16xf32> to vector<16xf32>
        %mul3A_939 = vector.broadcast %squeeze3A_917 : f32 to vector<16xf32>
        %mul3A_940 = arith.mulf %get3A_938, %mul3A_939 : vector<16xf32>
        %add3A_941 = arith.constant 14 : i32
        %add3A_942 = arith.addi %mul3A_50, %add3A_941 : i32
        %swap3A_943 = arith.index_cast %add3A_942 : i32 to index
        %swap3A_944 = arith.constant 16 : index
        %swap3A_945 = tpu.vector_load %arg11[%swap3A_943, %swap3A_944] {strides = array<i32>} : memref<128x64xf32, #tpu.memory_space<vmem>>, vector<1x16xf32>,
        %swap3A_946 = vector.shape_cast %swap3A_945 : vector<1x16xf32> to vector<16xf32>
        %swap3A_947 = vector.shape_cast %mul3A_940 : vector<16xf32> to vector<1x16xf32>
        tpu.vector_store %arg11[%swap3A_943, %swap3A_944], %swap3A_947 {strides = array<i32>} : memref<128x64xf32, #tpu.memory_space<vmem>>, vector<1x16xf32>,
        %add3A_948 = arith.constant 14 : i32
        %add3A_949 = arith.addi %mul3A_50, %add3A_948 : i32
        %get3A_950 = arith.index_cast %add3A_949 : i32 to index
        %get3A_951 = arith.constant 32 : index
        %get3A_952 = tpu.vector_load %arg11[%get3A_950, %get3A_951] {strides = array<i32>} : memref<128x64xf32, #tpu.memory_space<vmem>>, vector<1x16xf32>,
        %get3A_953 = vector.shape_cast %get3A_952 : vector<1x16xf32> to vector<16xf32>
        %mul3A_954 = vector.broadcast %squeeze3A_917 : f32 to vector<16xf32>
        %mul3A_955 = arith.mulf %get3A_953, %mul3A_954 : vector<16xf32>
        %add3A_956 = arith.constant 14 : i32
        %add3A_957 = arith.addi %mul3A_50, %add3A_956 : i32
        %swap3A_958 = arith.index_cast %add3A_957 : i32 to index
        %swap3A_959 = arith.constant 32 : index
        %swap3A_960 = tpu.vector_load %arg11[%swap3A_958, %swap3A_959] {strides = array<i32>} : memref<128x64xf32, #tpu.memory_space<vmem>>, vector<1x16xf32>,
        %swap3A_961 = vector.shape_cast %swap3A_960 : vector<1x16xf32> to vector<16xf32>
        %swap3A_962 = vector.shape_cast %mul3A_955 : vector<16xf32> to vector<1x16xf32>
        tpu.vector_store %arg11[%swap3A_958, %swap3A_959], %swap3A_962 {strides = array<i32>} : memref<128x64xf32, #tpu.memory_space<vmem>>, vector<1x16xf32>,
        %add3A_963 = arith.constant 14 : i32
        %add3A_964 = arith.addi %mul3A_50, %add3A_963 : i32
        %get3A_965 = arith.index_cast %add3A_964 : i32 to index
        %get3A_966 = arith.constant 48 : index
        %get3A_967 = tpu.vector_load %arg11[%get3A_965, %get3A_966] {strides = array<i32>} : memref<128x64xf32, #tpu.memory_space<vmem>>, vector<1x16xf32>,
        %get3A_968 = vector.shape_cast %get3A_967 : vector<1x16xf32> to vector<16xf32>
        %mul3A_969 = vector.broadcast %squeeze3A_917 : f32 to vector<16xf32>
        %mul3A_970 = arith.mulf %get3A_968, %mul3A_969 : vector<16xf32>
        %add3A_971 = arith.constant 14 : i32
        %add3A_972 = arith.addi %mul3A_50, %add3A_971 : i32
        %swap3A_973 = arith.index_cast %add3A_972 : i32 to index
        %swap3A_974 = arith.constant 48 : index
        %swap3A_975 = tpu.vector_load %arg11[%swap3A_973, %swap3A_974] {strides = array<i32>} : memref<128x64xf32, #tpu.memory_space<vmem>>, vector<1x16xf32>,
        %swap3A_976 = vector.shape_cast %swap3A_975 : vector<1x16xf32> to vector<16xf32>
        %swap3A_977 = vector.shape_cast %mul3A_970 : vector<16xf32> to vector<1x16xf32>
        tpu.vector_store %arg11[%swap3A_973, %swap3A_974], %swap3A_977 {strides = array<i32>} : memref<128x64xf32, #tpu.memory_space<vmem>>, vector<1x16xf32>,
        %slice3A_978 = vector.extract_strided_slice %get3A_48 {offsets = [15], sizes = [1], strides = [1]} : vector<16xf32> to vector<1xf32>
        %squeeze3A_979 = vector.extract %slice3A_978[0] : f32 from vector<1xf32>
        %add3A_980 = arith.constant 15 : i32
        %add3A_981 = arith.addi %mul3A_50, %add3A_980 : i32
        %get3A_982 = arith.index_cast %add3A_981 : i32 to index
        %get3A_983 = arith.constant 0 : index
        %get3A_984 = tpu.vector_load %arg11[%get3A_982, %get3A_983] {strides = array<i32>} : memref<128x64xf32, #tpu.memory_space<vmem>>, vector<1x16xf32>,
        %get3A_985 = vector.shape_cast %get3A_984 : vector<1x16xf32> to vector<16xf32>
        %mul3A_986 = vector.broadcast %squeeze3A_979 : f32 to vector<16xf32>
        %mul3A_987 = arith.mulf %get3A_985, %mul3A_986 : vector<16xf32>
        %add3A_988 = arith.constant 15 : i32
        %add3A_989 = arith.addi %mul3A_50, %add3A_988 : i32
        %swap3A_990 = arith.index_cast %add3A_989 : i32 to index
        %swap3A_991 = arith.constant 0 : index
        %swap3A_992 = tpu.vector_load %arg11[%swap3A_990, %swap3A_991] {strides = array<i32>} : memref<128x64xf32, #tpu.memory_space<vmem>>, vector<1x16xf32>,
        %swap3A_993 = vector.shape_cast %swap3A_992 : vector<1x16xf32> to vector<16xf32>
        %swap3A_994 = vector.shape_cast %mul3A_987 : vector<16xf32> to vector<1x16xf32>
        tpu.vector_store %arg11[%swap3A_990, %swap3A_991], %swap3A_994 {strides = array<i32>} : memref<128x64xf32, #tpu.memory_space<vmem>>, vector<1x16xf32>,
        %add3A_995 = arith.constant 15 : i32
        %add3A_996 = arith.addi %mul3A_50, %add3A_995 : i32
        %get3A_997 = arith.index_cast %add3A_996 : i32 to index
        %get3A_998 = arith.constant 16 : index
        %get3A_999 = tpu.vector_load %arg11[%get3A_997, %get3A_998] {strides = array<i32>} : memref<128x64xf32, #tpu.memory_space<vmem>>, vector<1x16xf32>,
        %get3A_1000 = vector.shape_cast %get3A_999 : vector<1x16xf32> to vector<16xf32>
        %mul3A_1001 = vector.broadcast %squeeze3A_979 : f32 to vector<16xf32>
        %mul3A_1002 = arith.mulf %get3A_1000, %mul3A_1001 : vector<16xf32>
        %add3A_1003 = arith.constant 15 : i32
        %add3A_1004 = arith.addi %mul3A_50, %add3A_1003 : i32
        %swap3A_1005 = arith.index_cast %add3A_1004 : i32 to index
        %swap3A_1006 = arith.constant 16 : index
        %swap3A_1007 = tpu.vector_load %arg11[%swap3A_1005, %swap3A_1006] {strides = array<i32>} : memref<128x64xf32, #tpu.memory_space<vmem>>, vector<1x16xf32>,
        %swap3A_1008 = vector.shape_cast %swap3A_1007 : vector<1x16xf32> to vector<16xf32>
        %swap3A_1009 = vector.shape_cast %mul3A_1002 : vector<16xf32> to vector<1x16xf32>
        tpu.vector_store %arg11[%swap3A_1005, %swap3A_1006], %swap3A_1009 {strides = array<i32>} : memref<128x64xf32, #tpu.memory_space<vmem>>, vector<1x16xf32>,
        %add3A_1010 = arith.constant 15 : i32
        %add3A_1011 = arith.addi %mul3A_50, %add3A_1010 : i32
        %get3A_1012 = arith.index_cast %add3A_1011 : i32 to index
        %get3A_1013 = arith.constant 32 : index
        %get3A_1014 = tpu.vector_load %arg11[%get3A_1012, %get3A_1013] {strides = array<i32>} : memref<128x64xf32, #tpu.memory_space<vmem>>, vector<1x16xf32>,
        %get3A_1015 = vector.shape_cast %get3A_1014 : vector<1x16xf32> to vector<16xf32>
        %mul3A_1016 = vector.broadcast %squeeze3A_979 : f32 to vector<16xf32>
        %mul3A_1017 = arith.mulf %get3A_1015, %mul3A_1016 : vector<16xf32>
        %add3A_1018 = arith.constant 15 : i32
        %add3A_1019 = arith.addi %mul3A_50, %add3A_1018 : i32
        %swap3A_1020 = arith.index_cast %add3A_1019 : i32 to index
        %swap3A_1021 = arith.constant 32 : index
        %swap3A_1022 = tpu.vector_load %arg11[%swap3A_1020, %swap3A_1021] {strides = array<i32>} : memref<128x64xf32, #tpu.memory_space<vmem>>, vector<1x16xf32>,
        %swap3A_1023 = vector.shape_cast %swap3A_1022 : vector<1x16xf32> to vector<16xf32>
        %swap3A_1024 = vector.shape_cast %mul3A_1017 : vector<16xf32> to vector<1x16xf32>
        tpu.vector_store %arg11[%swap3A_1020, %swap3A_1021], %swap3A_1024 {strides = array<i32>} : memref<128x64xf32, #tpu.memory_space<vmem>>, vector<1x16xf32>,
        %add3A_1025 = arith.constant 15 : i32
        %add3A_1026 = arith.addi %mul3A_50, %add3A_1025 : i32
        %get3A_1027 = arith.index_cast %add3A_1026 : i32 to index
        %get3A_1028 = arith.constant 48 : index
        %get3A_1029 = tpu.vector_load %arg11[%get3A_1027, %get3A_1028] {strides = array<i32>} : memref<128x64xf32, #tpu.memory_space<vmem>>, vector<1x16xf32>,
        %get3A_1030 = vector.shape_cast %get3A_1029 : vector<1x16xf32> to vector<16xf32>
        %mul3A_1031 = vector.broadcast %squeeze3A_979 : f32 to vector<16xf32>
        %mul3A_1032 = arith.mulf %get3A_1030, %mul3A_1031 : vector<16xf32>
        %add3A_1033 = arith.constant 15 : i32
        %add3A_1034 = arith.addi %mul3A_50, %add3A_1033 : i32
        %swap3A_1035 = arith.index_cast %add3A_1034 : i32 to index
        %swap3A_1036 = arith.constant 48 : index
        %swap3A_1037 = tpu.vector_load %arg11[%swap3A_1035, %swap3A_1036] {strides = array<i32>} : memref<128x64xf32, #tpu.memory_space<vmem>>, vector<1x16xf32>,
        %swap3A_1038 = vector.shape_cast %swap3A_1037 : vector<1x16xf32> to vector<16xf32>
        %swap3A_1039 = vector.shape_cast %mul3A_1032 : vector<16xf32> to vector<1x16xf32>
        tpu.vector_store %arg11[%swap3A_1035, %swap3A_1036], %swap3A_1039 {strides = array<i32>} : memref<128x64xf32, #tpu.memory_space<vmem>>, vector<1x16xf32>,
        %scan3A_1040 = arith.constant 0 : i32
        scf.yield %scan3A_1040 : i32
      }
      %scan3A_40 = arith.constant 8 : i32
      "tpu.region"() ({
        %run_scoped3A = tpu.sem_alloc : memref<!tpu.dma_semaphore, #tpu.memory_space<semaphore_mem>>
        %dma_start3A_42 = arith.constant 0 : i32
        %dma_start3A_43 = tpu.memref_slice %arg9[%scan3A_22, %dma_start3A_42] : memref<42x128xi32, #tpu.memory_space<vmem>> -> memref<1x128xi32, #tpu.memory_space<vmem>>
        %dma_start3A_44 = tpu.memref_squeeze %dma_start3A_43 : memref<1x128xi32, #tpu.memory_space<vmem>> -> memref<128xi32, #tpu.memory_space<vmem>>
        %dma_start3A_45 = arith.constant 0 : i32
        %dma_start3A_46 = arith.constant 0 : i32
        %dma_start3A_47 = tpu.memref_slice %arg7[%dma_start3A_45, %dma_start3A_46] : memref<4096x64xf32, #tpu.memory_space<vmem_shared>> -> memref<4096x64xf32, #tpu.memory_space<vmem_shared>>
        tpu.enqueue_indirect_dma source(%arg11 : memref<128x64xf32, #tpu.memory_space<vmem>>) target(%dma_start3A_47 : memref<4096x64xf32, #tpu.memory_space<vmem_shared>>) offsets(%dma_start3A_44 : memref<128xi32, #tpu.memory_space<vmem>>) semaphore(%run_scoped3A : memref<!tpu.dma_semaphore, #tpu.memory_space<semaphore_mem>>) {add = true}
        %dma_wait3A_48 = arith.constant 0 : i32
        %dma_wait3A_49 = tpu.memref_slice %arg9[%scan3A_22, %dma_wait3A_48] : memref<42x128xi32, #tpu.memory_space<vmem>> -> memref<1x128xi32, #tpu.memory_space<vmem>>
        %dma_wait3A_50 = tpu.memref_squeeze %dma_wait3A_49 : memref<1x128xi32, #tpu.memory_space<vmem>> -> memref<128xi32, #tpu.memory_space<vmem>>
        %dma_wait3A_51 = arith.constant 0 : i32
        %dma_wait3A_52 = arith.constant 0 : i32
        %dma_wait3A_53 = tpu.memref_slice %arg7[%dma_wait3A_51, %dma_wait3A_52] : memref<4096x64xf32, #tpu.memory_space<vmem_shared>> -> memref<4096x64xf32, #tpu.memory_space<vmem_shared>>
        tpu.wait_indirect_dma semaphore(%run_scoped3A : memref<!tpu.dma_semaphore, #tpu.memory_space<semaphore_mem>>) src(%arg11 : memref<128x64xf32, #tpu.memory_space<vmem>>) dst(%dma_wait3A_53 : memref<4096x64xf32, #tpu.memory_space<vmem_shared>>)
        tpu.yield
      }) : () -> ()
      %scan3A_41 = arith.constant 0 : i32
      scf.yield %scan3A_41 : i32
    }
    %scan3A_20 = arith.constant 41 : i32
    %barrier3A_21 = arith.constant 0 : index
    tpu.barrier barrier_id(%barrier3A_21)
    "tpu.region"() ({
      %run_scoped3A = tpu.sem_alloc : memref<!tpu.dma_semaphore, #tpu.memory_space<semaphore_mem>>
      %dma_start3A = arith.constant 0 : i32
      %dma_start3A_22 = tpu.memref_slice %arg6[%arg0, %mul3A_2, %dma_start3A] : memref<2x4096x64xf32, #tpu.memory_space<hbm>> -> memref<1x256x64xf32, #tpu.memory_space<hbm>>
      %dma_start3A_23 = tpu.memref_squeeze %dma_start3A_22 : memref<1x256x64xf32, #tpu.memory_space<hbm>> -> memref<256x64xf32, #tpu.memory_space<hbm>>
      %dma_start3A_24 = arith.constant 0 : i32
      %dma_start3A_25 = tpu.memref_slice %arg7[%mul3A_2, %dma_start3A_24] : memref<4096x64xf32, #tpu.memory_space<vmem_shared>> -> memref<256x64xf32, #tpu.memory_space<vmem_shared>>
      tpu.enqueue_dma source(%dma_start3A_25 : memref<256x64xf32, #tpu.memory_space<vmem_shared>>) target(%dma_start3A_23 : memref<256x64xf32, #tpu.memory_space<hbm>>) target_semaphore(%run_scoped3A : memref<!tpu.dma_semaphore, #tpu.memory_space<semaphore_mem>>)
      %dma_wait3A = arith.constant 0 : i32
      %dma_wait3A_26 = tpu.memref_slice %arg6[%arg0, %mul3A_2, %dma_wait3A] : memref<2x4096x64xf32, #tpu.memory_space<hbm>> -> memref<1x256x64xf32, #tpu.memory_space<hbm>>
      %dma_wait3A_27 = tpu.memref_squeeze %dma_wait3A_26 : memref<1x256x64xf32, #tpu.memory_space<hbm>> -> memref<256x64xf32, #tpu.memory_space<hbm>>
      %dma_wait3A_28 = arith.constant 0 : i32
      %dma_wait3A_29 = tpu.memref_slice %arg7[%mul3A_2, %dma_wait3A_28] : memref<4096x64xf32, #tpu.memory_space<vmem_shared>> -> memref<256x64xf32, #tpu.memory_space<vmem_shared>>
      tpu.wait_dma2 semaphore(%run_scoped3A : memref<!tpu.dma_semaphore, #tpu.memory_space<semaphore_mem>>) src(%dma_wait3A_29 : memref<256x64xf32, #tpu.memory_space<vmem_shared>>) dst(%dma_wait3A_27 : memref<256x64xf32, #tpu.memory_space<hbm>>)
      tpu.yield
    }) : () -> ()
    return
  }
}

module attributes {stable_mosaic.version = 14 : i64} {
  func.func @_fuse_body(%arg0: memref<4096x64xf32, #tpu.memory_space<vmem>>, %arg1: memref<4096x64xf32, #tpu.memory_space<vmem>>, %arg2: memref<64x1xf32, #tpu.memory_space<vmem>>, %arg3: memref<2x4096x64xf32, #tpu.memory_space<vmem>>, %arg4: memref<2x4096x64xf32, #tpu.memory_space<vmem>>, %arg5: memref<4096x1xf32, #tpu.memory_space<vmem>>, %arg6: memref<4096x1xf32, #tpu.memory_space<vmem>>, %arg7: memref<4096x64xf32, #tpu.memory_space<vmem>>, %arg8: memref<4096x64xf32, #tpu.memory_space<vmem>>, %arg9: memref<4096x1xf32, #tpu.memory_space<vmem>>, %arg10: memref<4096x64xf32, #tpu.memory_space<vmem>>) attributes {dimension_semantics = [], scalar_prefetch = 0 : i64, scratch_operands = 0 : i64, tpu.core_type = #tpu.core_type<tc>} {
    %get3A = arith.constant 0 : index
    %get3A_0 = arith.constant 0 : index
    %get3A_1 = vector.load %arg1[%get3A, %get3A_0] : memref<4096x64xf32, #tpu.memory_space<vmem>>, vector<4096x64xf32>
    %get3A_2 = arith.constant 0 : index
    %get3A_3 = arith.constant 0 : index
    %get3A_4 = vector.load %arg0[%get3A_2, %get3A_3] : memref<4096x64xf32, #tpu.memory_space<vmem>>, vector<4096x64xf32>
    %dot_general3A = arith.constant dense<0.000000e+00> : vector<64x64xf32>
    %dot_general3A_5 = tpu.matmul %get3A_1, %get3A_4, %dot_general3A {dimension_numbers = #tpu.dot_dimension_numbers<[0], [0], [1], [1], [0, 1, 1, 1], [], []>, transpose_lhs_hint = false} : vector<4096x64xf32>, vector<4096x64xf32>, vector<64x64xf32> -> vector<64x64xf32>
    %get3A_6 = arith.constant 0 : index
    %get3A_7 = arith.constant 0 : index
    %get3A_8 = vector.load %arg2[%get3A_6, %get3A_7] : memref<64x1xf32, #tpu.memory_space<vmem>>, vector<64x1xf32>
    %add3A = vector.broadcast %get3A_8 : vector<64x1xf32> to vector<64x64xf32>
    %add3A_9 = arith.addf %dot_general3A_5, %add3A : vector<64x64xf32>
    %logistic3A = arith.negf %add3A_9 : vector<64x64xf32>
    %logistic3A_10 = math.exp %logistic3A : vector<64x64xf32>
    %logistic3A_11 = arith.constant 1.000000e+00 : f32
    %logistic3A_12 = vector.broadcast %logistic3A_11 : f32 to vector<64x64xf32>
    %logistic3A_13 = arith.addf %logistic3A_12, %logistic3A_10 : vector<64x64xf32>
    %logistic3A_14 = arith.divf %logistic3A_12, %logistic3A_13 : vector<64x64xf32>
    %broadcast_in_dim3A = vector.shape_cast %logistic3A_14 : vector<64x64xf32> to vector<64x1x64xf32>
    %broadcast_in_dim3A_15 = vector.shape_cast %broadcast_in_dim3A : vector<64x1x64xf32> to vector<64x1x64xf32>
    %broadcast_in_dim3A_16 = vector.broadcast %broadcast_in_dim3A_15 : vector<64x1x64xf32> to vector<64x64x64xf32>
    %reshape3A = vector.shape_cast %broadcast_in_dim3A_16 : vector<64x64x64xf32> to vector<4096x64xf32>
    %get3A_17 = arith.constant 0 : index
    %get3A_18 = arith.constant 0 : index
    %get3A_19 = arith.constant 0 : index
    %get3A_20 = vector.load %arg3[%get3A_17, %get3A_18, %get3A_19] : memref<2x4096x64xf32, #tpu.memory_space<vmem>>, vector<1x4096x64xf32>
    %get3A_21 = vector.shape_cast %get3A_20 : vector<1x4096x64xf32> to vector<4096x64xf32>
    %get3A_22 = arith.constant 1 : index
    %get3A_23 = arith.constant 0 : index
    %get3A_24 = arith.constant 0 : index
    %get3A_25 = vector.load %arg3[%get3A_22, %get3A_23, %get3A_24] : memref<2x4096x64xf32, #tpu.memory_space<vmem>>, vector<1x4096x64xf32>
    %get3A_26 = vector.shape_cast %get3A_25 : vector<1x4096x64xf32> to vector<4096x64xf32>
    %add3A_27 = arith.addf %get3A_21, %get3A_26 : vector<4096x64xf32>
    %get3A_28 = arith.constant 0 : index
    %get3A_29 = arith.constant 0 : index
    %get3A_30 = vector.load %arg5[%get3A_28, %get3A_29] : memref<4096x1xf32, #tpu.memory_space<vmem>>, vector<4096x1xf32>
    %add3A_31 = vector.broadcast %get3A_30 : vector<4096x1xf32> to vector<4096x64xf32>
    %add3A_32 = arith.addf %add3A_27, %add3A_31 : vector<4096x64xf32>
    %mul3A = arith.mulf %add3A_32, %reshape3A : vector<4096x64xf32>
    %get3A_33 = arith.constant 0 : index
    %get3A_34 = arith.constant 0 : index
    %get3A_35 = arith.constant 0 : index
    %get3A_36 = vector.load %arg4[%get3A_33, %get3A_34, %get3A_35] : memref<2x4096x64xf32, #tpu.memory_space<vmem>>, vector<1x4096x64xf32>
    %get3A_37 = vector.shape_cast %get3A_36 : vector<1x4096x64xf32> to vector<4096x64xf32>
    %get3A_38 = arith.constant 1 : index
    %get3A_39 = arith.constant 0 : index
    %get3A_40 = arith.constant 0 : index
    %get3A_41 = vector.load %arg4[%get3A_38, %get3A_39, %get3A_40] : memref<2x4096x64xf32, #tpu.memory_space<vmem>>, vector<1x4096x64xf32>
    %get3A_42 = vector.shape_cast %get3A_41 : vector<1x4096x64xf32> to vector<4096x64xf32>
    %add3A_43 = arith.addf %get3A_37, %get3A_42 : vector<4096x64xf32>
    %get3A_44 = arith.constant 0 : index
    %get3A_45 = arith.constant 0 : index
    %get3A_46 = vector.load %arg6[%get3A_44, %get3A_45] : memref<4096x1xf32, #tpu.memory_space<vmem>>, vector<4096x1xf32>
    %add3A_47 = vector.broadcast %get3A_46 : vector<4096x1xf32> to vector<4096x64xf32>
    %add3A_48 = arith.addf %add3A_43, %add3A_47 : vector<4096x64xf32>
    %add3A_49 = arith.addf %mul3A, %add3A_48 : vector<4096x64xf32>
    %tanh3A = math.tanh %add3A_49 : vector<4096x64xf32>
    %get3A_50 = arith.constant 0 : index
    %get3A_51 = arith.constant 0 : index
    %get3A_52 = vector.load %arg7[%get3A_50, %get3A_51] : memref<4096x64xf32, #tpu.memory_space<vmem>>, vector<4096x64xf32>
    %get3A_53 = arith.constant 0 : index
    %get3A_54 = arith.constant 0 : index
    %get3A_55 = vector.load %arg8[%get3A_53, %get3A_54] : memref<4096x64xf32, #tpu.memory_space<vmem>>, vector<4096x64xf32>
    %sub3A = arith.subf %tanh3A, %get3A_52 : vector<4096x64xf32>
    %mul3A_56 = arith.mulf %get3A_55, %sub3A : vector<4096x64xf32>
    %get3A_57 = arith.constant 0 : index
    %get3A_58 = arith.constant 0 : index
    %get3A_59 = vector.load %arg9[%get3A_57, %get3A_58] : memref<4096x1xf32, #tpu.memory_space<vmem>>, vector<4096x1xf32>
    %div3A = arith.constant 1.000000e-01 : f32
    %div3A_60 = vector.broadcast %div3A : f32 to vector<4096x1xf32>
    %div3A_61 = arith.divf %div3A_60, %get3A_59 : vector<4096x1xf32>
    %mul3A_62 = vector.broadcast %div3A_61 : vector<4096x1xf32> to vector<4096x64xf32>
    %mul3A_63 = arith.mulf %mul3A_56, %mul3A_62 : vector<4096x64xf32>
    %add3A_64 = arith.addf %get3A_52, %mul3A_63 : vector<4096x64xf32>
    %swap3A = arith.constant 0 : index
    %swap3A_65 = arith.constant 0 : index
    %swap3A_66 = vector.load %arg10[%swap3A, %swap3A_65] : memref<4096x64xf32, #tpu.memory_space<vmem>>, vector<4096x64xf32>
    tpu.vector_store %arg10[%swap3A, %swap3A_65], %add3A_64 {strides = array<i32>} : memref<4096x64xf32, #tpu.memory_space<vmem>>, vector<4096x64xf32>,
    return
  }
}

module attributes {stable_mosaic.version = 14 : i64} {
  func.func @_combine_body(%arg0: memref<2x4096x64xf32, #tpu.memory_space<vmem>>, %arg1: memref<4096x1xf32, #tpu.memory_space<vmem>>, %arg2: memref<4096x64xf32, #tpu.memory_space<vmem>>) attributes {dimension_semantics = [], scalar_prefetch = 0 : i64, scratch_operands = 0 : i64, tpu.core_type = #tpu.core_type<tc>} {
    %get3A = arith.constant 0 : index
    %get3A_0 = arith.constant 0 : index
    %get3A_1 = arith.constant 0 : index
    %get3A_2 = vector.load %arg0[%get3A, %get3A_0, %get3A_1] : memref<2x4096x64xf32, #tpu.memory_space<vmem>>, vector<1x4096x64xf32>
    %get3A_3 = vector.shape_cast %get3A_2 : vector<1x4096x64xf32> to vector<4096x64xf32>
    %get3A_4 = arith.constant 1 : index
    %get3A_5 = arith.constant 0 : index
    %get3A_6 = arith.constant 0 : index
    %get3A_7 = vector.load %arg0[%get3A_4, %get3A_5, %get3A_6] : memref<2x4096x64xf32, #tpu.memory_space<vmem>>, vector<1x4096x64xf32>
    %get3A_8 = vector.shape_cast %get3A_7 : vector<1x4096x64xf32> to vector<4096x64xf32>
    %add3A = arith.addf %get3A_3, %get3A_8 : vector<4096x64xf32>
    %get3A_9 = arith.constant 0 : index
    %get3A_10 = arith.constant 0 : index
    %get3A_11 = vector.load %arg1[%get3A_9, %get3A_10] : memref<4096x1xf32, #tpu.memory_space<vmem>>, vector<4096x1xf32>
    %add3A_12 = vector.broadcast %get3A_11 : vector<4096x1xf32> to vector<4096x64xf32>
    %add3A_13 = arith.addf %add3A, %add3A_12 : vector<4096x64xf32>
    %swap3A = arith.constant 0 : index
    %swap3A_14 = arith.constant 0 : index
    %swap3A_15 = vector.load %arg2[%swap3A, %swap3A_14] : memref<4096x64xf32, #tpu.memory_space<vmem>>, vector<4096x64xf32>
    tpu.vector_store %arg2[%swap3A, %swap3A_14], %add3A_13 {strides = array<i32>} : memref<4096x64xf32, #tpu.memory_space<vmem>>, vector<4096x64xf32>,
    return
  }
}

</mosaic_0001>

<sc_bundles>
// kernel: kernel.6.cloned.1.call-start
scs
__scs_entry_jumppad:
0x0: {  	(pc) =	sbr.rel $0x88, $3  }
0x1: {  	(tag) =	ssettag $0x0;
	lr =	simm.s32 $0x1  }
0x2: {  	[smem:$0x3F8F] =	sst lr;
	_ =	strace $0xD0000000  }
0x3: {  	_ = 	snop  }
0x4: {  	_ = 	snop  }
0x5: {  	_ = 	snop  }
0x6: {  	_ = 	snop  }
0x7: {  	_ = 	snop  }
__scs_overlays_trampoline_lowered:
0x8: {  	[smem:$0x3F9E] =	sst s0  }
0x9: {  	[smem:$0x3F9F] =	sst s1  }
0xa: {  	[smem:$0x3FA0] =	sst s2  }
0xb: {  	[smem:$0x3FA1] =	sst s3  }
0xc: {  	[smem:$0x3FA2] =	sst s4  }
0xd: {  	[smem:$0x3FA3] =	sst s5  }
0xe: {  	[smem:$0x3FA4] =	sst s6  }
0xf: {  	[smem:$0x3FA5] =	sst s7  }
0x10: {  	[smem:$0x3FA6] =	sst s8  }
0x11: {  	[smem:$0x3FA7] =	sst s9;
	s0 =	simm.s32 @!p0 $0x0  }
0x12: {  	s1 =	sld [smem:$0x3F8D];
	s0 =	simm.s32 @p0 $0x1  }
0x13: {  	[smem:$0x3FA8] =	sst s0;
	s0 =	simm.s32 @!p1 $0x0  }
0x14: {  	s2 =	sld [smem:$0x3F8C];
	s0 =	simm.s32 @p1 $0x1  }
0x15: {  	[smem:$0x3FA9] =	sst s0;
	s0 =	simm.s32 @!p2 $0x0  }
0x16: {  	s3 =	sld [smem:$0x3FDB];
	s0 =	simm.s32 @p2 $0x1  }
0x17: {  	s4 =	simm.s32 $0x1BF5;
	[smem:$0x3FAB] =	sst s0  }
0x18: {  	s0 =	sld [smem:$0x3F8E];
	_ =	swait.ge [sflag:s4], $0x0  }
0x19: {  	s7 =	sld [smem:$0x3F8F]  }
0x1a: {  	s8 =	sadd.s32 $0xFFFFE003, lr  }
0x1b: {  	s9 =	sadd.s32 $0xFFFFFEF7, lr;
	s5 =	simm.s32 $0xFFFFFFFF;
	p2 =	slt.u32 s8, $0xFFFFF086  }
0x1c: {  	p1 =	slt.u32 s9, $0xF7A;
	s5 =	simm.s32 @!p2 $0x0  }
0x1d: {  	s5 =	simm.s32 @p1 $0x1;
	p0 =	seq.s32 s7, s2  }
0x1e: {  	s7 =	smul.u32 @!p0 $0xF7A, s2;
	p2 =	seq.s32 @!p0 s5, $0x0  }
0x1f: {  	s9 =	smul.u32 $0xF7A, s1;
	s8 =	simm.s32 @!p0 $0x1BF5;
	p2 =	por !p2, p0  }
0x20: {  	[sflag:s8] =	ssyncset.s32 @!p0 $0xFFFFF086;
	s6 =	sadd.s32 @!p0 s3, s7;
	s7 =	simm.s32 @!p0 $0x108  }
0x21: {  	s3 =	sadd.s32 s3, s9;
	s6 =	sadd.s32 @!p0 $0x88, s6;
	s7 =	simm.s32 @p2 $0x1082  }
0x22: {  	[simem:s7], [sflag:s8] =	dma.local @!p0 [hbm:s6], $0xF7A  }
0x23: {  	s9 =	sor.u32 $0xD0000000, s2;
	s6 =	simm.s32 $0x108;
	_ =	swait.ge @!p0 [sflag:s8], $0x0  }
0x24: {  	s3 =	sadd.s32 $0x88, s3;
	s6 =	simm.s32 @!p1 $0x1082;
	[sflag:s4] =	ssyncset.s32 $0xFFFFF086  }
0x25: {  	[simem:s6], [sflag:s4] =	dma.local [hbm:s3], $0xF7A  }
0x26: {  	[smem:$0x3F8F] =	sst s1;
	(tag) =	ssettag s2;
	_ =	strace s9  }
0x27: {  	s1 =	sld [smem:$0x3F9F]  }
0x28: {  	s2 =	sld [smem:$0x3FA0]  }
0x29: {  	s4 =	sld [smem:$0x3FA2]  }
0x2a: {  	p0 =	seq.s32 s5, $0x0;
	s5 =	sld [smem:$0x3FA3]  }
0x2b: {  	s6 =	sld [smem:$0x3FA4]  }
0x2c: {  	s7 =	sld [smem:$0x3FA5]  }
0x2d: {  	s3 =	simm.s32 $0x108;
	s8 =	sld [smem:$0x3FA6]  }
0x2e: {  	s3 =	simm.s32 @!p0 $0x1082;
	s9 =	sld [smem:$0x3FA7]  }
0x2f: {  	lr =	sadd.s32 s0, s3;
	s0 =	sld [smem:$0x3F9E]  }
0x30: {  	s3 =	sld [smem:$0x3FA1]  }
0x31: {  	[smem:$0x3FAA] =	sst s10  }
0x32: {  	s10 =	sld [smem:$0x3FA8];
	_ =	sdelay $0x3  }
0x33: {  	p0 =	seq.s32 s10, $0x1;
	s10 =	sld [smem:$0x3FAA];
	_ =	sdelay $0x3  }
0x34: {  	[smem:$0x3FAA] =	sst s10  }
0x35: {  	s10 =	sld [smem:$0x3FA9];
	_ =	sdelay $0x3  }
0x36: {  	p1 =	seq.s32 s10, $0x1;
	s10 =	sld [smem:$0x3FAA];
	_ =	sdelay $0x3  }
0x37: {  	[smem:$0x3FAA] =	sst s10  }
0x38: {  	s10 =	sld [smem:$0x3FAB]  }
0x39: {  	_ = 	snop;
	(pc) =	sbr.ind lr, $3  }
0x3a: {  	_ = 	snop  }
0x3b: {  	_ = 	snop  }
0x3c: {  	p2 =	seq.s32 s10, $0x1;
	s10 =	sld [smem:$0x3FAA]  }
0x3d: {  	_ =	shalt  }
0x3e: {  	_ =	shalt  }
0x3f: {  	_ =	shalt  }
0x40: {  	_ =	shalt  }
0x41: {  	_ =	shalt  }
0x42: {  	_ =	shalt  }
0x43: {  	_ =	shalt  }
0x44: {  	_ =	shalt  }
0x45: {  	_ =	shalt  }
0x46: {  	_ =	shalt  }
0x47: {  	_ =	shalt  }
0x48: {  	_ =	shalt  }
0x49: {  	_ =	shalt  }
0x4a: {  	_ =	shalt  }
0x4b: {  	_ =	shalt  }
0x4c: {  	_ =	shalt  }
0x4d: {  	_ =	shalt  }
0x4e: {  	_ =	shalt  }
0x4f: {  	_ =	shalt  }
0x50: {  	_ =	shalt  }
0x51: {  	_ =	shalt  }
0x52: {  	_ =	shalt  }
0x53: {  	_ =	shalt  }
0x54: {  	_ =	shalt  }
0x55: {  	_ =	shalt  }
0x56: {  	_ =	shalt  }
0x57: {  	_ =	shalt  }
0x58: {  	_ =	shalt  }
0x59: {  	_ =	shalt  }
0x5a: {  	_ =	shalt  }
0x5b: {  	_ =	shalt  }
0x5c: {  	_ =	shalt  }
0x5d: {  	_ =	shalt  }
0x5e: {  	_ =	shalt  }
0x5f: {  	_ =	shalt  }
0x60: {  	_ =	shalt  }
0x61: {  	_ =	shalt  }
0x62: {  	_ =	shalt  }
0x63: {  	_ =	shalt  }
0x64: {  	_ =	shalt  }
0x65: {  	_ =	shalt  }
0x66: {  	_ =	shalt  }
0x67: {  	_ =	shalt  }
0x68: {  	_ =	shalt  }
0x69: {  	_ =	shalt  }
0x6a: {  	_ =	shalt  }
0x6b: {  	_ =	shalt  }
0x6c: {  	_ =	shalt  }
0x6d: {  	_ =	shalt  }
0x6e: {  	_ =	shalt  }
0x6f: {  	_ =	shalt  }
0x70: {  	_ =	shalt  }
0x71: {  	_ =	shalt  }
0x72: {  	_ =	shalt  }
0x73: {  	_ =	shalt  }
0x74: {  	_ =	shalt  }
0x75: {  	_ =	shalt  }
0x76: {  	_ =	shalt  }
0x77: {  	_ =	shalt  }
0x78: {  	_ =	shalt  }
0x79: {  	_ =	shalt  }
0x7a: {  	_ =	shalt  }
0x7b: {  	_ =	shalt  }
0x7c: {  	_ =	shalt  }
0x7d: {  	_ =	shalt  }
0x7e: {  	_ =	shalt  }
0x7f: {  	_ =	shalt  }
0x80: {  	_ =	shalt  }
0x81: {  	_ =	shalt  }
0x82: {  	_ =	shalt  }
0x83: {  	_ =	shalt  }
0x84: {  	_ =	shalt  }
0x85: {  	_ =	shalt  }
0x86: {  	_ =	shalt  }
0x87: {  	_ =	shalt  }
.Lfunc_end0:
.L_simem_size_0:
called_computation_lowered:
.L_overlay_start_0:
0x88: {  	s2 =	sld [smem:$0x3FD9]  }
0x89: {  	s3 =	sld [smem:$0x3FFE];
	_ =	sdelay $0x1  }
0x8a: {  	s1 =	srdreg.scid  }
0x8b: {  	s0 =	sand.u32 $0x1, s1  }
0x8c: {  	s14 =	sshll.u32 s0, $0xA;
	s2 =	sadd.s32 s3, s2  }
0x8d: {  	s2 =	sadd.s32 s2, s14  }
0x8e: {  	[smem:$0x3FB6] =	sst s2  }
0x8f: {  	_ = 	snop  }
0x90: {  	s2 =	sld [smem:$0x3FD0];
	_ =	sdelay $0x2  }
0x91: {  	s15 =	simm.s32 $0xA;
	s4 =	simm.s32 $0x10  }
0x92: {  	[smem:s4], [sflag:s15] =	dma.local [hbm:s2], $0x1  }
0x93: {  	_ =	swait.eq [sflag:s15], $0x1  }
0x94: {  	[sflag:s15] =	ssyncset.done $0x0  }
0x95: {  	s16 =	sld [smem:$0x10];
	[sflag:s15] =	ssyncadd.s32 $0xFFFFFFFF  }
0x96: {  	s17 =	sld [smem:$0x11];
	(tm) =	ssettm $0x1  }
0x97: {  	s18 =	sld [smem:$0x3FFB];
	_ =	sdelay $0x3  }
0x98: {  	_ =	strace s18  }
0x99: {  	s4 =	sld [smem:$0x3FFC];
	_ =	sdelay $0x3  }
0x9a: {  	_ =	strace s4  }
0x9b: {  	s4 =	sld [smem:$0x3FFD];
	_ =	sdelay $0x3  }
0x9c: {  	_ =	strace s4  }
0x9d: {  	_ =	strace $0x8FFFFFFF  }
0x9e: {  	s19 =	sld [smem:$0x3FDB];
	_ =	sdelay $0x1  }
0x9f: {  	s5 =	simm.s32 $_scs_section_size  }
0xa0: {  	s6 =	simm.s32 $_size__tile_overlayer_lowered;
	s7 =	simm.s32 $_tile_overlayer_lowered  }
0xa1: {  	s22 =	simm.s32 $0x1BFF;
	s21 =	sshll.u32 s7, $0x1;
	s4 =	sadd.s32 s5, s19  }
0xa2: {  	s8 =	simm.s32 $0x0;
	s20 =	sshll.u32 s6, $0x1;
	s6 =	sadd.s32 s21, s4  }
0xa3: {  	[timem:s8], [sflag:s22] =	dma.local [hbm:s6], s20  }
0xa4: {  	_ =	swait.ge [sflag:s22], s20  }
0xa5: {  	s5 =	ssub.s32 $0x0, s20;
	[sflag:s22] =	ssyncset.done $0x0  }
0xa6: {  	[sflag:s22] =	ssyncadd.s32 s5;
	_ =	sdelay $0x1  }
0xa7: {  	s23 =	simm.s32 $0x1B8B  }
0xa8: {  	_ =	swait.ge [sflag:s23], $0x1  }
0xa9: {  	[sflag:s23] =	ssyncset.done $0x0  }
0xaa: {  	s25 =	simm.s32 $0x1B8E;
	s24 =	sld [smem:$0x3FFE];
	[sflag:s23] =	ssyncadd.s32 $0xFFFFFFFF  }
0xab: {  	s26 =	simm.s32 $execute0_lowered;
	[smem:$0x3FD2] =	sst s25  }
0xac: {  	s6 =	sshll.u32 s26, $0x1;
	_ =	strace $0x80000046;
	[dreg:$0x1] =	wrdreg $0xFFFFFFFF  }
0xad: {  	s28 =	simm.s32 $_size_execute0_lowered;
	s4 =	sadd.s32 s4, s6;
	[dreg:$0x0] =	wrdreg $0x0  }
0xae: {  	s6 =	sshll.u32 s28, $0x1;
	[dreg:$0x2] =	wrdreg s4  }
0xaf: {  	[dreg:$0x3] =	wrdreg s6  }
0xb0: {  	[dreg:$0x4] =	wrdreg $0xC0  }
0xb1: {  	_ =	task [dreg:s8], $0x5FFFF  }
0xb2: {  	[dreg:$0x1] =	wrdreg $0xFFFFFFFF  }
0xb3: {  	[dreg:$0x0] =	wrdreg $0x60  }
0xb4: {  	[dreg:$0x2] =	wrdreg s17  }
0xb5: {  	[dreg:$0x3] =	wrdreg s16  }
0xb6: {  	[dreg:$0x4] =	wrdreg s24  }
0xb7: {  	[dreg:$0x5] =	wrdreg $0x0  }
0xb8: {  	[dreg:$0x6] =	wrdreg $0x40000  }
0xb9: {  	[dreg:$0x7] =	wrdreg $0x9  }
0xba: {  	_ =	task.clear_ibuf [dreg:s8], $0x8FFFF;
	_ =	strace $0x90000046  }
0xbb: {  	s29 =	simm.s32 $0x9;
	_ =	strace $0x80000048  }
0xbc: {  	_ =	swait.ge [sflag:s29], $0x1  }
0xbd: {  	[sflag:s29] =	ssyncadd.s32 $0xFFFFFFFF  }
0xbe: {  	_ =	strace $0x90000048  }
0xbf: {  	_ =	sfence  }
0xc0: {  	s30 =	sld [smem:$0x0];
	_ =	sdelay $0x2  }
0xc1: {  	s31 =	sshll.u32 s1, $0xD;
	s1 =	sshrl.u32 s1, $0x2  }
0xc2: {  	s3 =	sand.u32 $0x4000, s31;
	s1 =	sadd.s32 s1, s30  }
0xc3: {  	s0 =	sor.u32 s3, s0;
	s1 =	sshll.u32 s1, $0x11  }
0xc4: {  	s0 =	sor.u32 s1, s0  }
0xc5: {  	s0 =	sadd.s32 $0x8F2B, s0  }
0xc6: {  	[sflag:s0] =	ssyncadd.remote.s32 $0x1  }
0xc7: {  	_ =	sfence.sel $0xFFFF  }
0xc8: {  	[dreg:$0x0] =	wrdreg $0xFFFFFFFF;
	(pc) =	sbr.abs _section_cstart, $3  }
0xc9: {  	[dreg:$0x1] =	wrdreg $0xFFFFFFFF  }
0xca: {  	_ =	task.clear_ibuf [dreg:s8], $0x2FFFF;
	_ =	strace $0x9FFFFFFF  }
0xcb: {  	(tm) =	ssettm $0x7FFFFFFF  }
tec
execute0_lowered:
.L_overlay_start_1:
0x0: {  	(tag) =	ssettag $0x1  }
0x1: {  	s1 =	rddreg [dreg:$0x0]  }
0x2: {  	s2 =	rddreg [dreg:$0x1]  }
0x3: {  	s0 =	rddreg [dreg:$0x2]  }
0x4: {  	s4 =	rddreg [dreg:$0x3]  }
0x5: {  	s5 =	rddreg [dreg:$0x4]  }
0x6: {  	s7 =	srdreg.scid;
	s3 =	stileid.u32;
	s6 =	simm.s32 $0x0  }
0x7: {  	s20 =	simm.s32 $0xDF00;
	s21 =	simm.s32 $0x2;
	s22 =	simm.s32 $0x8000  }
0x8: {  	s23 =	simm.s32 $0x9500;
	s24 =	simm.s32 $0x80;
	s25 =	simm.s32 $0xBF00  }
0x9: {  	s26 =	simm.s32 $0x1;
	s7 =	sand.u32 $0x1, s7;
	s8 =	sshll.u32 s3, $0x1  }
0xa: {  	[smem:$0x7FF] =	sst s6;
	s9 =	sshll.u32 s3, $0xE;
	s8 =	sor.u32 s7, s8  }
0xb: {  	s10 =	sshll.u32 s7, $0x12;
	_ =	strace $0x80000047;
	s7 =	ssub.s32 $0x2, s7  }
0xc: {  	s31 =	sor.u32 $0x2000, s9;
	s10 =	sor.u32 s9, s10;
	s30 =	sshrl.u32 s7, $0x1  }
0xd: {  	s8 =	smul.u32 $0x2A0, s8;
	s29 =	sshrl.u32 s10, $0x3;
	s19 =	ssub.s32 s7, s30  }
0xe: {  	s7 =	sadd.s32 s9, s4;
	s9 =	sadd.s32 s9, s5;
	s10 =	sadd.s32 s31, s5  }
0xf: {  	s16 =	sadd.s32 s8, s0;
	s0 =	sadd.s32 s29, s0;
	s8 =	sadd.s32 s31, s4  }
0x10: {  	s19 =	smax.u32 s19, $0x1;
	s11 =	sadd.s32 $0xD800, s16;
	s12 =	sadd.s32 $0x8400, s16  }
0x11: {  	s13 =	sadd.s32 $0x3000, s16;
	s14 =	sadd.s32 $0x1D400, s16;
	s15 =	sadd.s32 $0x18000, s16  }
0x12: {  	v0 =	vimm.f32 $0.0e+00;
	s16 =	sadd.s32 $0x12C00, s16;
	s17 =	sadd.s32 $0x32800, s0;
	s18 =	sadd.s32 $0x22800, s0  }
.LBB2_1:
0x13: {  	s28 =	simm.s32 $0x100;
	s0 =	simm.s32 $0x0  }
.LBB2_2:
0x14: {  	p0 =	sne.s32 s28, $0x7F00;
	[tilespmem:s0+$0xDF30] =	vst v0;
	s29 =	smov.u32 s28;
	s28 =	sadd.s32 $0x100, s28  }
.Ltmp0:
0x15: {  	[tilespmem:s0+$0xDF20] =	vst v0;
	(pc) =	sbr.rel @p0 .LBB2_2-.Ltmp0, $3  }
0x16: {  	[tilespmem:s0+$0xDF00] =	vst v0  }
0x17: {  	[tilespmem:s0+$0xDF10] =	vst v0;
	_ =	sdelay $0x1  }
0x18: {  	s0 =	sshra.s32 s29, $0x2  }
0x19: {  	[tilespmem:s0+$0xDF30] =	vst v0  }
0x1a: {  	[tilespmem:s0+$0xDF20] =	vst v0  }
0x1b: {  	[tilespmem:s0+$0xDF00] =	vst v0  }
0x1c: {  	[tilespmem:s0+$0xDF10] =	vst v0  }
0x1d: {  	[spmem:s7] =	stream.linear.scatter [tilespmem:s20], [sflag:$0x2], $0x2000, $0x38;
	[tilespmem:$0xFF00] =	vst v63  }
0x1e: {  	_ =	swait.ge [sflag:s21], $0x2000  }
0x1f: {  	[sflag:s21] =	ssyncset.done $0x0  }
0x20: {  	[sflag:s21] =	ssyncadd.s32 $0xFFFFE000  }
0x21: {  	[spmem:s8] =	stream.linear.scatter [tilespmem:s20], [sflag:$0x2], $0x2000, $0x38;
	[tilespmem:$0xFF00] =	vst v63  }
0x22: {  	_ =	swait.ge [sflag:s21], $0x2000  }
0x23: {  	[sflag:s21] =	ssyncset.done $0x0  }
0x24: {  	[sflag:s21] =	ssyncadd.s32 $0xFFFFE000  }
0x25: {  	[spmem:s9] =	stream.linear.scatter [tilespmem:s20], [sflag:$0x2], $0x2000, $0x38;
	[tilespmem:$0xFF00] =	vst v63  }
0x26: {  	_ =	swait.ge [sflag:s21], $0x2000  }
0x27: {  	[sflag:s21] =	ssyncset.done $0x0  }
0x28: {  	[sflag:s21] =	ssyncadd.s32 $0xFFFFE000  }
0x29: {  	[spmem:s10] =	stream.linear.scatter [tilespmem:s20], [sflag:$0x2], $0x2000, $0x38;
	[tilespmem:$0xFF00] =	vst v63  }
0x2a: {  	_ =	swait.ge [sflag:s21], $0x2000  }
0x2b: {  	[sflag:s21] =	ssyncset.done $0x0  }
0x2c: {  	[sflag:s21] =	ssyncadd.s32 $0xFFFFE000  }
0x2d: {  	s28 =	simm.s32 $0x0;
	[bflag:$0x0] =	sbarrier.arrive $0xFFFF  }
0x2e: {  	[tilespmem:s22], [sflag:$0x2] =	stream.linear.gather [hbm4b:s11+s28], $0x1500, $0x38;
	[tilespmem:$0xFF00] =	vst v63  }
0x2f: {  	_ =	swait.ge [sflag:s21], $0x1500  }
0x30: {  	[sflag:s21] =	ssyncset.done $0x0  }
0x31: {  	[sflag:s21] =	ssyncadd.s32 $0xFFFFEB00  }
0x32: {  	[tilespmem:s23], [sflag:$0x2] =	stream.linear.gather [hbm4b:s12+s28], $0x1500, $0x38;
	[tilespmem:$0xFF00] =	vst v63  }
0x33: {  	_ =	swait.ge [sflag:s21], $0x1500  }
0x34: {  	[sflag:s21] =	ssyncset.done $0x0  }
0x35: {  	s29 =	simm.s32 $0xAA00;
	[sflag:s21] =	ssyncadd.s32 $0xFFFFEB00  }
0x36: {  	[tilespmem:s29], [sflag:$0x2] =	stream.linear.gather [hbm4b:s13+s28], $0x1500, $0x38;
	[tilespmem:$0xFF00] =	vst v63  }
0x37: {  	_ =	swait.ge [sflag:s21], $0x1500  }
0x38: {  	[sflag:s21] =	ssyncset.done $0x0  }
0x39: {  	[sflag:s21] =	ssyncadd.s32 $0xFFFFEB00  }
.LBB2_4:
0x3a: {  	s30 =	sshll.u32 s28, $0x7  }
0x3b: {  	s0 =	sadd.s32 $0x8000, s30  }
0x3c: {  	v1 =	vmov s29;
	[tilespmem:s25], [sflag:$0x1] =	stream.indirect.gather [hbm4b:s1+s24], $0x40, s0, s24, $0xb8;
	[tilespmem:$0xFF00] =	vst v63  }
0x3d: {  	_ =	swait.ge [sflag:s26], $0x2000  }
0x3e: {  	[sflag:s26] =	ssyncset.done $0x0  }
0x3f: {  	s31 =	simm.s32 $0xC100;
	s0 =	simm.s32 $0x0;
	[sflag:s26] =	ssyncadd.s32 $0xFFFFE000  }
.LBB2_5:
0x40: {  	s3 =	sshra.s32 s0, $0x2  }
0x41: {  	v2 =	vld.idx.msk [tilespmem:v1+s3+$0x0 ss:$0x1], $0xffff;
	_ =	sdelay $0x1  }
0x42: {  	v3 =	vld [tilespmem:s31+$0xFFFFFE00];
	_ =	sdelay $0x2  }
0x43: {  	v4 =	vbroadcast v2, $0x0;
	_ =	sdelay $0x1  }
0x44: {  	v3 =	vmul.f32 v4, v3;
	_ =	sdelay $0x1  }
0x45: {  	[tilespmem:s31+$0xFFFFFE00] =	vst v3;
	v3 =	vld [tilespmem:s31+$0xFFFFFE10];
	_ =	sdelay $0x4  }
0x46: {  	v3 =	vmul.f32 v3, v4;
	_ =	sdelay $0x1  }
0x47: {  	[tilespmem:s31+$0xFFFFFE10] =	vst v3;
	v3 =	vld [tilespmem:s31+$0xFFFFFE20];
	_ =	sdelay $0x4  }
0x48: {  	v3 =	vmul.f32 v3, v4;
	_ =	sdelay $0x1  }
0x49: {  	[tilespmem:s31+$0xFFFFFE20] =	vst v3;
	v3 =	vld [tilespmem:s31+$0xFFFFFE30];
	_ =	sdelay $0x4  }
0x4a: {  	v3 =	vmul.f32 v3, v4;
	_ =	sdelay $0x1  }
0x4b: {  	[tilespmem:s31+$0xFFFFFE30] =	vst v3;
	v3 =	vld [tilespmem:s31+$0xFFFFFE40];
	_ =	sdelay $0x2  }
0x4c: {  	v50 =	vbroadcast v2, $0x1;
	_ =	sdelay $0x1  }
0x4d: {  	v3 =	vmul.f32 v3, v50;
	_ =	sdelay $0x1  }
0x4e: {  	[tilespmem:s31+$0xFFFFFE40] =	vst v3;
	v3 =	vld [tilespmem:s31+$0xFFFFFE50];
	_ =	sdelay $0x4  }
0x4f: {  	v3 =	vmul.f32 v3, v50;
	_ =	sdelay $0x1  }
0x50: {  	[tilespmem:s31+$0xFFFFFE50] =	vst v3;
	v3 =	vld [tilespmem:s31+$0xFFFFFE60];
	_ =	sdelay $0x4  }
0x51: {  	v3 =	vmul.f32 v3, v50;
	_ =	sdelay $0x1  }
0x52: {  	[tilespmem:s31+$0xFFFFFE60] =	vst v3;
	v3 =	vld [tilespmem:s31+$0xFFFFFE70];
	_ =	sdelay $0x4  }
0x53: {  	v3 =	vmul.f32 v3, v50;
	_ =	sdelay $0x1  }
0x54: {  	[tilespmem:s31+$0xFFFFFE70] =	vst v3;
	v3 =	vld [tilespmem:s31+$0xFFFFFE80];
	_ =	sdelay $0x2  }
0x55: {  	v51 =	vbroadcast v2, $0x2;
	_ =	sdelay $0x1  }
0x56: {  	v3 =	vmul.f32 v3, v51;
	_ =	sdelay $0x1  }
0x57: {  	[tilespmem:s31+$0xFFFFFE80] =	vst v3;
	v3 =	vld [tilespmem:s31+$0xFFFFFE90];
	_ =	sdelay $0x4  }
0x58: {  	v3 =	vmul.f32 v3, v51;
	_ =	sdelay $0x1  }
0x59: {  	[tilespmem:s31+$0xFFFFFE90] =	vst v3;
	v3 =	vld [tilespmem:s31+$0xFFFFFEA0];
	_ =	sdelay $0x4  }
0x5a: {  	v3 =	vmul.f32 v3, v51;
	_ =	sdelay $0x1  }
0x5b: {  	[tilespmem:s31+$0xFFFFFEA0] =	vst v3;
	v3 =	vld [tilespmem:s31+$0xFFFFFEB0];
	_ =	sdelay $0x4  }
0x5c: {  	v3 =	vmul.f32 v3, v51;
	_ =	sdelay $0x1  }
0x5d: {  	[tilespmem:s31+$0xFFFFFEB0] =	vst v3;
	v3 =	vld [tilespmem:s31+$0xFFFFFEC0];
	_ =	sdelay $0x2  }
0x5e: {  	v52 =	vbroadcast v2, $0x3;
	_ =	sdelay $0x1  }
0x5f: {  	v3 =	vmul.f32 v3, v52;
	_ =	sdelay $0x1  }
0x60: {  	[tilespmem:s31+$0xFFFFFEC0] =	vst v3;
	v3 =	vld [tilespmem:s31+$0xFFFFFED0];
	_ =	sdelay $0x4  }
0x61: {  	v3 =	vmul.f32 v3, v52;
	_ =	sdelay $0x1  }
0x62: {  	[tilespmem:s31+$0xFFFFFED0] =	vst v3;
	v3 =	vld [tilespmem:s31+$0xFFFFFEE0];
	_ =	sdelay $0x4  }
0x63: {  	v3 =	vmul.f32 v3, v52;
	_ =	sdelay $0x1  }
0x64: {  	[tilespmem:s31+$0xFFFFFEE0] =	vst v3;
	v3 =	vld [tilespmem:s31+$0xFFFFFEF0];
	_ =	sdelay $0x4  }
0x65: {  	v3 =	vmul.f32 v3, v52;
	_ =	sdelay $0x1  }
0x66: {  	[tilespmem:s31+$0xFFFFFEF0] =	vst v3;
	v3 =	vld [tilespmem:s31+$0xFFFFFF00];
	_ =	sdelay $0x2  }
0x67: {  	v53 =	vbroadcast v2, $0x4;
	_ =	sdelay $0x1  }
0x68: {  	v3 =	vmul.f32 v3, v53;
	_ =	sdelay $0x1  }
0x69: {  	[tilespmem:s31+$0xFFFFFF00] =	vst v3;
	v3 =	vld [tilespmem:s31+$0xFFFFFF10];
	_ =	sdelay $0x4  }
0x6a: {  	v3 =	vmul.f32 v3, v53;
	_ =	sdelay $0x1  }
0x6b: {  	[tilespmem:s31+$0xFFFFFF10] =	vst v3;
	v3 =	vld [tilespmem:s31+$0xFFFFFF20];
	_ =	sdelay $0x4  }
0x6c: {  	v3 =	vmul.f32 v3, v53;
	_ =	sdelay $0x1  }
0x6d: {  	[tilespmem:s31+$0xFFFFFF20] =	vst v3;
	v3 =	vld [tilespmem:s31+$0xFFFFFF30];
	_ =	sdelay $0x4  }
0x6e: {  	v3 =	vmul.f32 v3, v53;
	_ =	sdelay $0x1  }
0x6f: {  	[tilespmem:s31+$0xFFFFFF30] =	vst v3;
	v3 =	vld [tilespmem:s31+$0xFFFFFF40];
	_ =	sdelay $0x2  }
0x70: {  	v54 =	vbroadcast v2, $0x5;
	_ =	sdelay $0x1  }
0x71: {  	v3 =	vmul.f32 v3, v54;
	_ =	sdelay $0x1  }
0x72: {  	[tilespmem:s31+$0xFFFFFF40] =	vst v3;
	v3 =	vld [tilespmem:s31+$0xFFFFFF50];
	_ =	sdelay $0x4  }
0x73: {  	v3 =	vmul.f32 v3, v54;
	_ =	sdelay $0x1  }
0x74: {  	[tilespmem:s31+$0xFFFFFF50] =	vst v3;
	v3 =	vld [tilespmem:s31+$0xFFFFFF60];
	_ =	sdelay $0x4  }
0x75: {  	v3 =	vmul.f32 v3, v54;
	_ =	sdelay $0x1  }
0x76: {  	[tilespmem:s31+$0xFFFFFF60] =	vst v3;
	v3 =	vld [tilespmem:s31+$0xFFFFFF70];
	_ =	sdelay $0x4  }
0x77: {  	v3 =	vmul.f32 v3, v54;
	_ =	sdelay $0x1  }
0x78: {  	[tilespmem:s31+$0xFFFFFF70] =	vst v3;
	v3 =	vld [tilespmem:s31+$0xFFFFFF80];
	_ =	sdelay $0x2  }
0x79: {  	v55 =	vbroadcast v2, $0x6;
	_ =	sdelay $0x1  }
0x7a: {  	v3 =	vmul.f32 v3, v55;
	_ =	sdelay $0x1  }
0x7b: {  	[tilespmem:s31+$0xFFFFFF80] =	vst v3;
	v3 =	vld [tilespmem:s31+$0xFFFFFF90];
	_ =	sdelay $0x4  }
0x7c: {  	v3 =	vmul.f32 v3, v55;
	_ =	sdelay $0x1  }
0x7d: {  	[tilespmem:s31+$0xFFFFFF90] =	vst v3;
	v3 =	vld [tilespmem:s31+$0xFFFFFFA0];
	_ =	sdelay $0x4  }
0x7e: {  	v3 =	vmul.f32 v3, v55;
	_ =	sdelay $0x1  }
0x7f: {  	[tilespmem:s31+$0xFFFFFFA0] =	vst v3;
	v3 =	vld [tilespmem:s31+$0xFFFFFFB0];
	_ =	sdelay $0x4  }
0x80: {  	v3 =	vmul.f32 v3, v55;
	_ =	sdelay $0x1  }
0x81: {  	[tilespmem:s31+$0xFFFFFFB0] =	vst v3;
	v3 =	vld [tilespmem:s31+$0xFFFFFFC0];
	_ =	sdelay $0x2  }
0x82: {  	v56 =	vbroadcast v2, $0x7;
	_ =	sdelay $0x1  }
0x83: {  	v3 =	vmul.f32 v3, v56;
	_ =	sdelay $0x1  }
0x84: {  	[tilespmem:s31+$0xFFFFFFC0] =	vst v3;
	v3 =	vld [tilespmem:s31+$0xFFFFFFD0];
	_ =	sdelay $0x4  }
0x85: {  	v3 =	vmul.f32 v3, v56;
	_ =	sdelay $0x1  }
0x86: {  	[tilespmem:s31+$0xFFFFFFD0] =	vst v3;
	v3 =	vld [tilespmem:s31+$0xFFFFFFE0];
	_ =	sdelay $0x4  }
0x87: {  	v3 =	vmul.f32 v3, v56;
	_ =	sdelay $0x1  }
0x88: {  	[tilespmem:s31+$0xFFFFFFE0] =	vst v3;
	v3 =	vld [tilespmem:s31+$0xFFFFFFF0];
	_ =	sdelay $0x4  }
0x89: {  	v3 =	vmul.f32 v3, v56;
	_ =	sdelay $0x1  }
0x8a: {  	[tilespmem:s31+$0xFFFFFFF0] =	vst v3;
	v3 =	vld [tilespmem:s31+$0x0];
	_ =	sdelay $0x2  }
0x8b: {  	v57 =	vbroadcast v2, $0x8;
	_ =	sdelay $0x1  }
0x8c: {  	v3 =	vmul.f32 v3, v57;
	_ =	sdelay $0x1  }
0x8d: {  	[tilespmem:s31+$0x0] =	vst v3;
	v3 =	vld [tilespmem:s31+$0x10];
	_ =	sdelay $0x4  }
0x8e: {  	v3 =	vmul.f32 v3, v57;
	_ =	sdelay $0x1  }
0x8f: {  	[tilespmem:s31+$0x10] =	vst v3;
	v3 =	vld [tilespmem:s31+$0x20];
	_ =	sdelay $0x4  }
0x90: {  	v3 =	vmul.f32 v3, v57;
	_ =	sdelay $0x1  }
0x91: {  	[tilespmem:s31+$0x20] =	vst v3;
	v3 =	vld [tilespmem:s31+$0x30];
	_ =	sdelay $0x4  }
0x92: {  	v3 =	vmul.f32 v3, v57;
	_ =	sdelay $0x1  }
0x93: {  	[tilespmem:s31+$0x30] =	vst v3;
	v3 =	vld [tilespmem:s31+$0x40];
	_ =	sdelay $0x2  }
0x94: {  	v58 =	vbroadcast v2, $0x9;
	_ =	sdelay $0x1  }
0x95: {  	v3 =	vmul.f32 v3, v58;
	_ =	sdelay $0x1  }
0x96: {  	[tilespmem:s31+$0x40] =	vst v3;
	v3 =	vld [tilespmem:s31+$0x50];
	_ =	sdelay $0x4  }
0x97: {  	v3 =	vmul.f32 v3, v58;
	_ =	sdelay $0x1  }
0x98: {  	[tilespmem:s31+$0x50] =	vst v3;
	v3 =	vld [tilespmem:s31+$0x60];
	_ =	sdelay $0x4  }
0x99: {  	v3 =	vmul.f32 v3, v58;
	_ =	sdelay $0x1  }
0x9a: {  	[tilespmem:s31+$0x60] =	vst v3;
	v3 =	vld [tilespmem:s31+$0x70];
	_ =	sdelay $0x4  }
0x9b: {  	v3 =	vmul.f32 v3, v58;
	_ =	sdelay $0x1  }
0x9c: {  	[tilespmem:s31+$0x70] =	vst v3;
	v3 =	vld [tilespmem:s31+$0x80];
	_ =	sdelay $0x2  }
0x9d: {  	v59 =	vbroadcast v2, $0xA;
	_ =	sdelay $0x1  }
0x9e: {  	v3 =	vmul.f32 v3, v59;
	_ =	sdelay $0x1  }
0x9f: {  	[tilespmem:s31+$0x80] =	vst v3;
	v3 =	vld [tilespmem:s31+$0x90];
	_ =	sdelay $0x4  }
0xa0: {  	v3 =	vmul.f32 v3, v59;
	_ =	sdelay $0x1  }
0xa1: {  	[tilespmem:s31+$0x90] =	vst v3;
	v3 =	vld [tilespmem:s31+$0xA0];
	_ =	sdelay $0x4  }
0xa2: {  	v3 =	vmul.f32 v3, v59;
	_ =	sdelay $0x1  }
0xa3: {  	[tilespmem:s31+$0xA0] =	vst v3;
	v3 =	vld [tilespmem:s31+$0xB0];
	_ =	sdelay $0x4  }
0xa4: {  	v3 =	vmul.f32 v3, v59;
	_ =	sdelay $0x1  }
0xa5: {  	[tilespmem:s31+$0xB0] =	vst v3;
	v3 =	vld [tilespmem:s31+$0xC0];
	_ =	sdelay $0x2  }
0xa6: {  	v60 =	vbroadcast v2, $0xB;
	_ =	sdelay $0x1  }
0xa7: {  	v3 =	vmul.f32 v3, v60;
	_ =	sdelay $0x1  }
0xa8: {  	[tilespmem:s31+$0xC0] =	vst v3;
	v3 =	vld [tilespmem:s31+$0xD0];
	_ =	sdelay $0x4  }
0xa9: {  	v3 =	vmul.f32 v3, v60;
	_ =	sdelay $0x1  }
0xaa: {  	[tilespmem:s31+$0xD0] =	vst v3;
	v3 =	vld [tilespmem:s31+$0xE0];
	_ =	sdelay $0x4  }
0xab: {  	v3 =	vmul.f32 v3, v60;
	_ =	sdelay $0x1  }
0xac: {  	[tilespmem:s31+$0xE0] =	vst v3;
	v3 =	vld [tilespmem:s31+$0xF0];
	_ =	sdelay $0x4  }
0xad: {  	v3 =	vmul.f32 v3, v60;
	_ =	sdelay $0x1  }
0xae: {  	[tilespmem:s31+$0xF0] =	vst v3;
	v3 =	vld [tilespmem:s31+$0x100];
	_ =	sdelay $0x2  }
0xaf: {  	v61 =	vbroadcast v2, $0xC;
	_ =	sdelay $0x1  }
0xb0: {  	v3 =	vmul.f32 v3, v61;
	_ =	sdelay $0x1  }
0xb1: {  	[tilespmem:s31+$0x100] =	vst v3;
	v3 =	vld [tilespmem:s31+$0x110];
	_ =	sdelay $0x4  }
0xb2: {  	v3 =	vmul.f32 v3, v61;
	_ =	sdelay $0x1  }
0xb3: {  	[tilespmem:s31+$0x110] =	vst v3;
	v3 =	vld [tilespmem:s31+$0x120];
	_ =	sdelay $0x4  }
0xb4: {  	v3 =	vmul.f32 v3, v61;
	_ =	sdelay $0x1  }
0xb5: {  	[tilespmem:s31+$0x120] =	vst v3;
	v3 =	vld [tilespmem:s31+$0x130];
	_ =	sdelay $0x4  }
0xb6: {  	v3 =	vmul.f32 v3, v61;
	_ =	sdelay $0x1  }
0xb7: {  	[tilespmem:s31+$0x130] =	vst v3;
	v3 =	vld [tilespmem:s31+$0x140];
	_ =	sdelay $0x2  }
0xb8: {  	v62 =	vbroadcast v2, $0xD;
	_ =	sdelay $0x1  }
0xb9: {  	v3 =	vmul.f32 v3, v62;
	_ =	sdelay $0x1  }
0xba: {  	[tilespmem:s31+$0x140] =	vst v3;
	v3 =	vld [tilespmem:s31+$0x150];
	_ =	sdelay $0x4  }
0xbb: {  	v3 =	vmul.f32 v3, v62;
	_ =	sdelay $0x1  }
0xbc: {  	[tilespmem:s31+$0x150] =	vst v3;
	v3 =	vld [tilespmem:s31+$0x160];
	_ =	sdelay $0x4  }
0xbd: {  	v3 =	vmul.f32 v3, v62;
	_ =	sdelay $0x1  }
0xbe: {  	[tilespmem:s31+$0x160] =	vst v3;
	v3 =	vld [tilespmem:s31+$0x170];
	_ =	sdelay $0x4  }
0xbf: {  	v3 =	vmul.f32 v3, v62;
	_ =	sdelay $0x1  }
0xc0: {  	[tilespmem:s31+$0x170] =	vst v3;
	v3 =	vld [tilespmem:s31+$0x180];
	_ =	sdelay $0x2  }
0xc1: {  	v63 =	vbroadcast v2, $0xE;
	_ =	sdelay $0x1  }
0xc2: {  	v3 =	vmul.f32 v3, v63;
	_ =	sdelay $0x1  }
0xc3: {  	[tilespmem:s31+$0x180] =	vst v3;
	v3 =	vld [tilespmem:s31+$0x190];
	_ =	sdelay $0x4  }
0xc4: {  	v3 =	vmul.f32 v3, v63;
	_ =	sdelay $0x1  }
0xc5: {  	[tilespmem:s31+$0x190] =	vst v3;
	v3 =	vld [tilespmem:s31+$0x1A0];
	_ =	sdelay $0x4  }
0xc6: {  	v3 =	vmul.f32 v3, v63;
	_ =	sdelay $0x1  }
0xc7: {  	[tilespmem:s31+$0x1A0] =	vst v3;
	v3 =	vld [tilespmem:s31+$0x1B0];
	_ =	sdelay $0x4  }
0xc8: {  	v3 =	vmul.f32 v3, v63;
	_ =	sdelay $0x1  }
0xc9: {  	[tilespmem:s31+$0x1B0] =	vst v3;
	v3 =	vld [tilespmem:s31+$0x1C0];
	_ =	sdelay $0x2  }
0xca: {  	v2 =	vbroadcast v2, $0xF;
	_ =	sdelay $0x1  }
0xcb: {  	v3 =	vmul.f32 v3, v2;
	_ =	sdelay $0x1  }
0xcc: {  	[tilespmem:s31+$0x1C0] =	vst v3;
	v3 =	vld [tilespmem:s31+$0x1D0];
	_ =	sdelay $0x4  }
0xcd: {  	v3 =	vmul.f32 v3, v2;
	_ =	sdelay $0x1  }
0xce: {  	[tilespmem:s31+$0x1D0] =	vst v3;
	v3 =	vld [tilespmem:s31+$0x1E0];
	_ =	sdelay $0x4  }
0xcf: {  	v3 =	vmul.f32 v3, v2;
	_ =	sdelay $0x1  }
0xd0: {  	[tilespmem:s31+$0x1E0] =	vst v3;
	v3 =	vld [tilespmem:s31+$0x1F0];
	_ =	sdelay $0x1  }
0xd1: {  	p0 =	sne.s32 s0, $0x1C0  }
.Ltmp1:
0xd2: {  	_ = 	snop;
	(pc) =	sbr.rel @p0 .LBB2_5-.Ltmp1, $3  }
0xd3: {  	_ = 	snop  }
0xd4: {  	v2 =	vmul.f32 v3, v2;
	_ =	sdelay $0x1  }
0xd5: {  	s0 =	sadd.s32 $0x40, s0;
	[tilespmem:s31+$0x1F0] =	vst v2;
	s31 =	sadd.s32 $0x400, s31  }
0xd6: {  	s28 =	sadd.s32 $0x1, s28  }
0xd7: {  	p0 =	sne.s32 s28, $0x29  }
.Ltmp2:
0xd8: {  	s0 =	sadd.s32 $0x9500, s30;
	(pc) =	sbr.rel @p0 .LBB2_4-.Ltmp2, $4  }
0xd9: {  	[spmem:s4] =	stream.indirect.scatter.add.f32 [tilespmem:s25], [sflag:$0x2], $0x40, s0, s24, $0xb8;
	[tilespmem:$0xFF00] =	vst v63  }
0xda: {  	_ =	swait.ge [sflag:s21], $0x2000  }
0xdb: {  	[sflag:s21] =	ssyncset.done $0x0  }
0xdc: {  	s29 =	sadd.s32 $0x80, s29;
	[sflag:s21] =	ssyncadd.s32 $0xFFFFE000  }
0xdd: {  	s28 =	simm.s32 $0x0  }
0xde: {  	[tilespmem:s22], [sflag:$0x2] =	stream.linear.gather [hbm4b:s14+s28], $0x1500, $0x38;
	[tilespmem:$0xFF00] =	vst v63  }
0xdf: {  	_ =	swait.ge [sflag:s21], $0x1500  }
0xe0: {  	[sflag:s21] =	ssyncset.done $0x0  }
0xe1: {  	[sflag:s21] =	ssyncadd.s32 $0xFFFFEB00  }
0xe2: {  	[tilespmem:s23], [sflag:$0x2] =	stream.linear.gather [hbm4b:s15+s28], $0x1500, $0x38;
	[tilespmem:$0xFF00] =	vst v63  }
0xe3: {  	_ =	swait.ge [sflag:s21], $0x1500  }
0xe4: {  	[sflag:s21] =	ssyncset.done $0x0  }
0xe5: {  	s29 =	simm.s32 $0xAA00;
	[sflag:s21] =	ssyncadd.s32 $0xFFFFEB00  }
0xe6: {  	[tilespmem:s29], [sflag:$0x2] =	stream.linear.gather [hbm4b:s16+s28], $0x1500, $0x38;
	[tilespmem:$0xFF00] =	vst v63  }
0xe7: {  	_ =	swait.ge [sflag:s21], $0x1500  }
0xe8: {  	[sflag:s21] =	ssyncset.done $0x0  }
0xe9: {  	[sflag:s21] =	ssyncadd.s32 $0xFFFFEB00  }
.LBB2_8:
0xea: {  	s30 =	sshll.u32 s28, $0x7  }
0xeb: {  	s0 =	sadd.s32 $0x8000, s30  }
0xec: {  	v1 =	vmov s29;
	[tilespmem:s25], [sflag:$0x1] =	stream.indirect.gather [hbm4b:s2+s24], $0x40, s0, s24, $0xb8;
	[tilespmem:$0xFF00] =	vst v63  }
0xed: {  	_ =	swait.ge [sflag:s26], $0x2000  }
0xee: {  	[sflag:s26] =	ssyncset.done $0x0  }
0xef: {  	s31 =	simm.s32 $0xC100;
	s0 =	simm.s32 $0x0;
	[sflag:s26] =	ssyncadd.s32 $0xFFFFE000  }
.LBB2_9:
0xf0: {  	s3 =	sshra.s32 s0, $0x2  }
0xf1: {  	v2 =	vld.idx.msk [tilespmem:v1+s3+$0x0 ss:$0x1], $0xffff;
	_ =	sdelay $0x1  }
0xf2: {  	v3 =	vld [tilespmem:s31+$0xFFFFFE00];
	_ =	sdelay $0x2  }
0xf3: {  	v4 =	vbroadcast v2, $0x0;
	_ =	sdelay $0x1  }
0xf4: {  	v3 =	vmul.f32 v4, v3;
	_ =	sdelay $0x1  }
0xf5: {  	[tilespmem:s31+$0xFFFFFE00] =	vst v3;
	v3 =	vld [tilespmem:s31+$0xFFFFFE10];
	_ =	sdelay $0x4  }
0xf6: {  	v3 =	vmul.f32 v3, v4;
	_ =	sdelay $0x1  }
0xf7: {  	[tilespmem:s31+$0xFFFFFE10] =	vst v3;
	v3 =	vld [tilespmem:s31+$0xFFFFFE20];
	_ =	sdelay $0x4  }
0xf8: {  	v3 =	vmul.f32 v3, v4;
	_ =	sdelay $0x1  }
0xf9: {  	[tilespmem:s31+$0xFFFFFE20] =	vst v3;
	v3 =	vld [tilespmem:s31+$0xFFFFFE30];
	_ =	sdelay $0x4  }
0xfa: {  	v3 =	vmul.f32 v3, v4;
	_ =	sdelay $0x1  }
0xfb: {  	[tilespmem:s31+$0xFFFFFE30] =	vst v3;
	v3 =	vld [tilespmem:s31+$0xFFFFFE40];
	_ =	sdelay $0x2  }
0xfc: {  	v50 =	vbroadcast v2, $0x1;
	_ =	sdelay $0x1  }
0xfd: {  	v3 =	vmul.f32 v3, v50;
	_ =	sdelay $0x1  }
0xfe: {  	[tilespmem:s31+$0xFFFFFE40] =	vst v3;
	v3 =	vld [tilespmem:s31+$0xFFFFFE50];
	_ =	sdelay $0x4  }
0xff: {  	v3 =	vmul.f32 v3, v50;
	_ =	sdelay $0x1  }
0x100: {  	[tilespmem:s31+$0xFFFFFE50] =	vst v3;
	v3 =	vld [tilespmem:s31+$0xFFFFFE60];
	_ =	sdelay $0x4  }
0x101: {  	v3 =	vmul.f32 v3, v50;
	_ =	sdelay $0x1  }
0x102: {  	[tilespmem:s31+$0xFFFFFE60] =	vst v3;
	v3 =	vld [tilespmem:s31+$0xFFFFFE70];
	_ =	sdelay $0x4  }
0x103: {  	v3 =	vmul.f32 v3, v50;
	_ =	sdelay $0x1  }
0x104: {  	[tilespmem:s31+$0xFFFFFE70] =	vst v3;
	v3 =	vld [tilespmem:s31+$0xFFFFFE80];
	_ =	sdelay $0x2  }
0x105: {  	v51 =	vbroadcast v2, $0x2;
	_ =	sdelay $0x1  }
0x106: {  	v3 =	vmul.f32 v3, v51;
	_ =	sdelay $0x1  }
0x107: {  	[tilespmem:s31+$0xFFFFFE80] =	vst v3;
	v3 =	vld [tilespmem:s31+$0xFFFFFE90];
	_ =	sdelay $0x4  }
0x108: {  	v3 =	vmul.f32 v3, v51;
	_ =	sdelay $0x1  }
0x109: {  	[tilespmem:s31+$0xFFFFFE90] =	vst v3;
	v3 =	vld [tilespmem:s31+$0xFFFFFEA0];
	_ =	sdelay $0x4  }
0x10a: {  	v3 =	vmul.f32 v3, v51;
	_ =	sdelay $0x1  }
0x10b: {  	[tilespmem:s31+$0xFFFFFEA0] =	vst v3;
	v3 =	vld [tilespmem:s31+$0xFFFFFEB0];
	_ =	sdelay $0x4  }
0x10c: {  	v3 =	vmul.f32 v3, v51;
	_ =	sdelay $0x1  }
0x10d: {  	[tilespmem:s31+$0xFFFFFEB0] =	vst v3;
	v3 =	vld [tilespmem:s31+$0xFFFFFEC0];
	_ =	sdelay $0x2  }
0x10e: {  	v52 =	vbroadcast v2, $0x3;
	_ =	sdelay $0x1  }
0x10f: {  	v3 =	vmul.f32 v3, v52;
	_ =	sdelay $0x1  }
0x110: {  	[tilespmem:s31+$0xFFFFFEC0] =	vst v3;
	v3 =	vld [tilespmem:s31+$0xFFFFFED0];
	_ =	sdelay $0x4  }
0x111: {  	v3 =	vmul.f32 v3, v52;
	_ =	sdelay $0x1  }
0x112: {  	[tilespmem:s31+$0xFFFFFED0] =	vst v3;
	v3 =	vld [tilespmem:s31+$0xFFFFFEE0];
	_ =	sdelay $0x4  }
0x113: {  	v3 =	vmul.f32 v3, v52;
	_ =	sdelay $0x1  }
0x114: {  	[tilespmem:s31+$0xFFFFFEE0] =	vst v3;
	v3 =	vld [tilespmem:s31+$0xFFFFFEF0];
	_ =	sdelay $0x4  }
0x115: {  	v3 =	vmul.f32 v3, v52;
	_ =	sdelay $0x1  }
0x116: {  	[tilespmem:s31+$0xFFFFFEF0] =	vst v3;
	v3 =	vld [tilespmem:s31+$0xFFFFFF00];
	_ =	sdelay $0x2  }
0x117: {  	v53 =	vbroadcast v2, $0x4;
	_ =	sdelay $0x1  }
0x118: {  	v3 =	vmul.f32 v3, v53;
	_ =	sdelay $0x1  }
0x119: {  	[tilespmem:s31+$0xFFFFFF00] =	vst v3;
	v3 =	vld [tilespmem:s31+$0xFFFFFF10];
	_ =	sdelay $0x4  }
0x11a: {  	v3 =	vmul.f32 v3, v53;
	_ =	sdelay $0x1  }
0x11b: {  	[tilespmem:s31+$0xFFFFFF10] =	vst v3;
	v3 =	vld [tilespmem:s31+$0xFFFFFF20];
	_ =	sdelay $0x4  }
0x11c: {  	v3 =	vmul.f32 v3, v53;
	_ =	sdelay $0x1  }
0x11d: {  	[tilespmem:s31+$0xFFFFFF20] =	vst v3;
	v3 =	vld [tilespmem:s31+$0xFFFFFF30];
	_ =	sdelay $0x4  }
0x11e: {  	v3 =	vmul.f32 v3, v53;
	_ =	sdelay $0x1  }
0x11f: {  	[tilespmem:s31+$0xFFFFFF30] =	vst v3;
	v3 =	vld [tilespmem:s31+$0xFFFFFF40];
	_ =	sdelay $0x2  }
0x120: {  	v54 =	vbroadcast v2, $0x5;
	_ =	sdelay $0x1  }
0x121: {  	v3 =	vmul.f32 v3, v54;
	_ =	sdelay $0x1  }
0x122: {  	[tilespmem:s31+$0xFFFFFF40] =	vst v3;
	v3 =	vld [tilespmem:s31+$0xFFFFFF50];
	_ =	sdelay $0x4  }
0x123: {  	v3 =	vmul.f32 v3, v54;
	_ =	sdelay $0x1  }
0x124: {  	[tilespmem:s31+$0xFFFFFF50] =	vst v3;
	v3 =	vld [tilespmem:s31+$0xFFFFFF60];
	_ =	sdelay $0x4  }
0x125: {  	v3 =	vmul.f32 v3, v54;
	_ =	sdelay $0x1  }
0x126: {  	[tilespmem:s31+$0xFFFFFF60] =	vst v3;
	v3 =	vld [tilespmem:s31+$0xFFFFFF70];
	_ =	sdelay $0x4  }
0x127: {  	v3 =	vmul.f32 v3, v54;
	_ =	sdelay $0x1  }
0x128: {  	[tilespmem:s31+$0xFFFFFF70] =	vst v3;
	v3 =	vld [tilespmem:s31+$0xFFFFFF80];
	_ =	sdelay $0x2  }
0x129: {  	v55 =	vbroadcast v2, $0x6;
	_ =	sdelay $0x1  }
0x12a: {  	v3 =	vmul.f32 v3, v55;
	_ =	sdelay $0x1  }
0x12b: {  	[tilespmem:s31+$0xFFFFFF80] =	vst v3;
	v3 =	vld [tilespmem:s31+$0xFFFFFF90];
	_ =	sdelay $0x4  }
0x12c: {  	v3 =	vmul.f32 v3, v55;
	_ =	sdelay $0x1  }
0x12d: {  	[tilespmem:s31+$0xFFFFFF90] =	vst v3;
	v3 =	vld [tilespmem:s31+$0xFFFFFFA0];
	_ =	sdelay $0x4  }
0x12e: {  	v3 =	vmul.f32 v3, v55;
	_ =	sdelay $0x1  }
0x12f: {  	[tilespmem:s31+$0xFFFFFFA0] =	vst v3;
	v3 =	vld [tilespmem:s31+$0xFFFFFFB0];
	_ =	sdelay $0x4  }
0x130: {  	v3 =	vmul.f32 v3, v55;
	_ =	sdelay $0x1  }
0x131: {  	[tilespmem:s31+$0xFFFFFFB0] =	vst v3;
	v3 =	vld [tilespmem:s31+$0xFFFFFFC0];
	_ =	sdelay $0x2  }
0x132: {  	v56 =	vbroadcast v2, $0x7;
	_ =	sdelay $0x1  }
0x133: {  	v3 =	vmul.f32 v3, v56;
	_ =	sdelay $0x1  }
0x134: {  	[tilespmem:s31+$0xFFFFFFC0] =	vst v3;
	v3 =	vld [tilespmem:s31+$0xFFFFFFD0];
	_ =	sdelay $0x4  }
0x135: {  	v3 =	vmul.f32 v3, v56;
	_ =	sdelay $0x1  }
0x136: {  	[tilespmem:s31+$0xFFFFFFD0] =	vst v3;
	v3 =	vld [tilespmem:s31+$0xFFFFFFE0];
	_ =	sdelay $0x4  }
0x137: {  	v3 =	vmul.f32 v3, v56;
	_ =	sdelay $0x1  }
0x138: {  	[tilespmem:s31+$0xFFFFFFE0] =	vst v3;
	v3 =	vld [tilespmem:s31+$0xFFFFFFF0];
	_ =	sdelay $0x4  }
0x139: {  	v3 =	vmul.f32 v3, v56;
	_ =	sdelay $0x1  }
0x13a: {  	[tilespmem:s31+$0xFFFFFFF0] =	vst v3;
	v3 =	vld [tilespmem:s31+$0x0];
	_ =	sdelay $0x2  }
0x13b: {  	v57 =	vbroadcast v2, $0x8;
	_ =	sdelay $0x1  }
0x13c: {  	v3 =	vmul.f32 v3, v57;
	_ =	sdelay $0x1  }
0x13d: {  	[tilespmem:s31+$0x0] =	vst v3;
	v3 =	vld [tilespmem:s31+$0x10];
	_ =	sdelay $0x4  }
0x13e: {  	v3 =	vmul.f32 v3, v57;
	_ =	sdelay $0x1  }
0x13f: {  	[tilespmem:s31+$0x10] =	vst v3;
	v3 =	vld [tilespmem:s31+$0x20];
	_ =	sdelay $0x4  }
0x140: {  	v3 =	vmul.f32 v3, v57;
	_ =	sdelay $0x1  }
0x141: {  	[tilespmem:s31+$0x20] =	vst v3;
	v3 =	vld [tilespmem:s31+$0x30];
	_ =	sdelay $0x4  }
0x142: {  	v3 =	vmul.f32 v3, v57;
	_ =	sdelay $0x1  }
0x143: {  	[tilespmem:s31+$0x30] =	vst v3;
	v3 =	vld [tilespmem:s31+$0x40];
	_ =	sdelay $0x2  }
0x144: {  	v58 =	vbroadcast v2, $0x9;
	_ =	sdelay $0x1  }
0x145: {  	v3 =	vmul.f32 v3, v58;
	_ =	sdelay $0x1  }
0x146: {  	[tilespmem:s31+$0x40] =	vst v3;
	v3 =	vld [tilespmem:s31+$0x50];
	_ =	sdelay $0x4  }
0x147: {  	v3 =	vmul.f32 v3, v58;
	_ =	sdelay $0x1  }
0x148: {  	[tilespmem:s31+$0x50] =	vst v3;
	v3 =	vld [tilespmem:s31+$0x60];
	_ =	sdelay $0x4  }
0x149: {  	v3 =	vmul.f32 v3, v58;
	_ =	sdelay $0x1  }
0x14a: {  	[tilespmem:s31+$0x60] =	vst v3;
	v3 =	vld [tilespmem:s31+$0x70];
	_ =	sdelay $0x4  }
0x14b: {  	v3 =	vmul.f32 v3, v58;
	_ =	sdelay $0x1  }
0x14c: {  	[tilespmem:s31+$0x70] =	vst v3;
	v3 =	vld [tilespmem:s31+$0x80];
	_ =	sdelay $0x2  }
0x14d: {  	v59 =	vbroadcast v2, $0xA;
	_ =	sdelay $0x1  }
0x14e: {  	v3 =	vmul.f32 v3, v59;
	_ =	sdelay $0x1  }
0x14f: {  	[tilespmem:s31+$0x80] =	vst v3;
	v3 =	vld [tilespmem:s31+$0x90];
	_ =	sdelay $0x4  }
0x150: {  	v3 =	vmul.f32 v3, v59;
	_ =	sdelay $0x1  }
0x151: {  	[tilespmem:s31+$0x90] =	vst v3;
	v3 =	vld [tilespmem:s31+$0xA0];
	_ =	sdelay $0x4  }
0x152: {  	v3 =	vmul.f32 v3, v59;
	_ =	sdelay $0x1  }
0x153: {  	[tilespmem:s31+$0xA0] =	vst v3;
	v3 =	vld [tilespmem:s31+$0xB0];
	_ =	sdelay $0x4  }
0x154: {  	v3 =	vmul.f32 v3, v59;
	_ =	sdelay $0x1  }
0x155: {  	[tilespmem:s31+$0xB0] =	vst v3;
	v3 =	vld [tilespmem:s31+$0xC0];
	_ =	sdelay $0x2  }
0x156: {  	v60 =	vbroadcast v2, $0xB;
	_ =	sdelay $0x1  }
0x157: {  	v3 =	vmul.f32 v3, v60;
	_ =	sdelay $0x1  }
0x158: {  	[tilespmem:s31+$0xC0] =	vst v3;
	v3 =	vld [tilespmem:s31+$0xD0];
	_ =	sdelay $0x4  }
0x159: {  	v3 =	vmul.f32 v3, v60;
	_ =	sdelay $0x1  }
0x15a: {  	[tilespmem:s31+$0xD0] =	vst v3;
	v3 =	vld [tilespmem:s31+$0xE0];
	_ =	sdelay $0x4  }
0x15b: {  	v3 =	vmul.f32 v3, v60;
	_ =	sdelay $0x1  }
0x15c: {  	[tilespmem:s31+$0xE0] =	vst v3;
	v3 =	vld [tilespmem:s31+$0xF0];
	_ =	sdelay $0x4  }
0x15d: {  	v3 =	vmul.f32 v3, v60;
	_ =	sdelay $0x1  }
0x15e: {  	[tilespmem:s31+$0xF0] =	vst v3;
	v3 =	vld [tilespmem:s31+$0x100];
	_ =	sdelay $0x2  }
0x15f: {  	v61 =	vbroadcast v2, $0xC;
	_ =	sdelay $0x1  }
0x160: {  	v3 =	vmul.f32 v3, v61;
	_ =	sdelay $0x1  }
0x161: {  	[tilespmem:s31+$0x100] =	vst v3;
	v3 =	vld [tilespmem:s31+$0x110];
	_ =	sdelay $0x4  }
0x162: {  	v3 =	vmul.f32 v3, v61;
	_ =	sdelay $0x1  }
0x163: {  	[tilespmem:s31+$0x110] =	vst v3;
	v3 =	vld [tilespmem:s31+$0x120];
	_ =	sdelay $0x4  }
0x164: {  	v3 =	vmul.f32 v3, v61;
	_ =	sdelay $0x1  }
0x165: {  	[tilespmem:s31+$0x120] =	vst v3;
	v3 =	vld [tilespmem:s31+$0x130];
	_ =	sdelay $0x4  }
0x166: {  	v3 =	vmul.f32 v3, v61;
	_ =	sdelay $0x1  }
0x167: {  	[tilespmem:s31+$0x130] =	vst v3;
	v3 =	vld [tilespmem:s31+$0x140];
	_ =	sdelay $0x2  }
0x168: {  	v62 =	vbroadcast v2, $0xD;
	_ =	sdelay $0x1  }
0x169: {  	v3 =	vmul.f32 v3, v62;
	_ =	sdelay $0x1  }
0x16a: {  	[tilespmem:s31+$0x140] =	vst v3;
	v3 =	vld [tilespmem:s31+$0x150];
	_ =	sdelay $0x4  }
0x16b: {  	v3 =	vmul.f32 v3, v62;
	_ =	sdelay $0x1  }
0x16c: {  	[tilespmem:s31+$0x150] =	vst v3;
	v3 =	vld [tilespmem:s31+$0x160];
	_ =	sdelay $0x4  }
0x16d: {  	v3 =	vmul.f32 v3, v62;
	_ =	sdelay $0x1  }
0x16e: {  	[tilespmem:s31+$0x160] =	vst v3;
	v3 =	vld [tilespmem:s31+$0x170];
	_ =	sdelay $0x4  }
0x16f: {  	v3 =	vmul.f32 v3, v62;
	_ =	sdelay $0x1  }
0x170: {  	[tilespmem:s31+$0x170] =	vst v3;
	v3 =	vld [tilespmem:s31+$0x180];
	_ =	sdelay $0x2  }
0x171: {  	v63 =	vbroadcast v2, $0xE;
	_ =	sdelay $0x1  }
0x172: {  	v3 =	vmul.f32 v3, v63;
	_ =	sdelay $0x1  }
0x173: {  	[tilespmem:s31+$0x180] =	vst v3;
	v3 =	vld [tilespmem:s31+$0x190];
	_ =	sdelay $0x4  }
0x174: {  	v3 =	vmul.f32 v3, v63;
	_ =	sdelay $0x1  }
0x175: {  	[tilespmem:s31+$0x190] =	vst v3;
	v3 =	vld [tilespmem:s31+$0x1A0];
	_ =	sdelay $0x4  }
0x176: {  	v3 =	vmul.f32 v3, v63;
	_ =	sdelay $0x1  }
0x177: {  	[tilespmem:s31+$0x1A0] =	vst v3;
	v3 =	vld [tilespmem:s31+$0x1B0];
	_ =	sdelay $0x4  }
0x178: {  	v3 =	vmul.f32 v3, v63;
	_ =	sdelay $0x1  }
0x179: {  	[tilespmem:s31+$0x1B0] =	vst v3;
	v3 =	vld [tilespmem:s31+$0x1C0];
	_ =	sdelay $0x2  }
0x17a: {  	v2 =	vbroadcast v2, $0xF;
	_ =	sdelay $0x1  }
0x17b: {  	v3 =	vmul.f32 v3, v2;
	_ =	sdelay $0x1  }
0x17c: {  	[tilespmem:s31+$0x1C0] =	vst v3;
	v3 =	vld [tilespmem:s31+$0x1D0];
	_ =	sdelay $0x4  }
0x17d: {  	v3 =	vmul.f32 v3, v2;
	_ =	sdelay $0x1  }
0x17e: {  	[tilespmem:s31+$0x1D0] =	vst v3;
	v3 =	vld [tilespmem:s31+$0x1E0];
	_ =	sdelay $0x4  }
0x17f: {  	v3 =	vmul.f32 v3, v2;
	_ =	sdelay $0x1  }
0x180: {  	[tilespmem:s31+$0x1E0] =	vst v3;
	v3 =	vld [tilespmem:s31+$0x1F0];
	_ =	sdelay $0x1  }
0x181: {  	p0 =	sne.s32 s0, $0x1C0  }
.Ltmp3:
0x182: {  	_ = 	snop;
	(pc) =	sbr.rel @p0 .LBB2_9-.Ltmp3, $3  }
0x183: {  	_ = 	snop  }
0x184: {  	v2 =	vmul.f32 v3, v2;
	_ =	sdelay $0x1  }
0x185: {  	s0 =	sadd.s32 $0x40, s0;
	[tilespmem:s31+$0x1F0] =	vst v2;
	s31 =	sadd.s32 $0x400, s31  }
0x186: {  	s28 =	sadd.s32 $0x1, s28  }
0x187: {  	p0 =	sne.s32 s28, $0x29  }
.Ltmp4:
0x188: {  	s0 =	sadd.s32 $0x9500, s30;
	(pc) =	sbr.rel @p0 .LBB2_8-.Ltmp4, $4  }
0x189: {  	[spmem:s5] =	stream.indirect.scatter.add.f32 [tilespmem:s25], [sflag:$0x2], $0x40, s0, s24, $0xb8;
	[tilespmem:$0xFF00] =	vst v63  }
0x18a: {  	_ =	swait.ge [sflag:s21], $0x2000  }
0x18b: {  	[sflag:s21] =	ssyncset.done $0x0  }
0x18c: {  	s29 =	sadd.s32 $0x80, s29;
	[sflag:s21] =	ssyncadd.s32 $0xFFFFE000  }
0x18d: {  	s0 =	stileid.u32  }
0x18e: {  	s0 =	sshll.u32 s0, $0x6  }
0x18f: {  	[bflag:$0x0] =	sbarrier.arrive $0xFFFF;
	s3 =	sshrl.u32 s7, $0x3;
	s0 =	sor.u32 $0x1C02, s0  }
0x190: {  	[hbm:s17], [sflag:s0] =	dma.local [spmem:s3], $0x800  }
0x191: {  	s6 =	sadd.s32 $0x1, s6;
	_ =	swait.ge [sflag:s21], $0x800  }
0x192: {  	p0 =	sne.s32 s6, s19;
	[sflag:s21] =	ssyncset.done $0x0  }
.Ltmp5:
0x193: {  	s31 =	sshrl.u32 s9, $0x3;
	[sflag:s21] =	ssyncadd.s32 $0xFFFFF800;
	(pc) =	sbr.rel @p0 .LBB2_1-.Ltmp5, $4  }
0x194: {  	[hbm:s18], [sflag:s0] =	dma.local [spmem:s31], $0x800  }
0x195: {  	_ =	swait.ge [sflag:s21], $0x800  }
0x196: {  	[sflag:s21] =	ssyncset.done $0x0  }
0x197: {  	[sflag:s21] =	ssyncadd.s32 $0xFFFFF800  }
0x198: {  	_ =	sfence.sel $0x180000  }
0x199: {  	[bflag:$0x0] =	sbarrier.arrive $0xFFFF  }
0x19a: {  	_ =	strace $0x90000047  }
0x19b: {  	s0 =	stileid.u32;
	[bflag:$0x2] =	sbarrier.arrive $0xFFFF  }
0x19c: {  	p0 =	sne.s32 s0, $0x0;
	s0 =	rddreg [dreg:$0x5]  }
0x19d: {  	s0 =	sadd.s32 @!p0 $0x100000, s0  }
0x19e: {  	[sflag:s0] =	ssyncadd.tile.s32 @!p0 $0x1;
	_ =	shalt  }
.Lfunc_end2:
_tile_overlayer_lowered:
.L_overlay_start_2:
0x19f: {  	(tag) =	ssettag $0x2  }
0x1a0: {  	s0 =	rddreg [dreg:$0x0];
	s2 =	stileid.u32  }
0x1a1: {  	s1 =	rddreg [dreg:$0x1];
	p0 =	sne.s32 s2, $0x0  }
0x1a2: {  	s3 =	rddreg [dreg:$0x2];
	[bflag:$0x3] =	sbarrier.arrive $0xFFFF;
	s2 =	simm.s32 @!p0 $0x1C02  }
0x1a3: {  	[timem:s3], [sflag:s2] =	dma.local @!p0 [hbm:s0], s1  }
0x1a4: {  	s0 =	simm.s32 @!p0 $0x2  }
0x1a5: {  	_ =	swait.ge @!p0 [sflag:s0], s1  }
0x1a6: {  	s1 =	ssub.s32 @!p0 $0x0, s1;
	[sflag:s0] =	ssyncset.done @!p0 $0x0  }
0x1a7: {  	[sflag:s0] =	ssyncadd.s32 @!p0 s1  }
0x1a8: {  	[bflag:$0x3] =	sbarrier.arrive $0xFFFF  }
0x1a9: {  	_ =	shalt  }

// kernel: kernel.9.cloned.1.call-start
scs
__scs_entry_jumppad:
0x0: {  	(pc) =	sbr.rel $0x88, $3  }
0x1: {  	(tag) =	ssettag $0x0;
	lr =	simm.s32 $0x1  }
0x2: {  	[smem:$0x3F8F] =	sst lr;
	_ =	strace $0xD0000000  }
0x3: {  	_ = 	snop  }
0x4: {  	_ = 	snop  }
0x5: {  	_ = 	snop  }
0x6: {  	_ = 	snop  }
0x7: {  	_ = 	snop  }
__scs_overlays_trampoline_lowered:
0x8: {  	[smem:$0x3F9E] =	sst s0  }
0x9: {  	[smem:$0x3F9F] =	sst s1  }
0xa: {  	[smem:$0x3FA0] =	sst s2  }
0xb: {  	[smem:$0x3FA1] =	sst s3  }
0xc: {  	[smem:$0x3FA2] =	sst s4  }
0xd: {  	[smem:$0x3FA3] =	sst s5  }
0xe: {  	[smem:$0x3FA4] =	sst s6  }
0xf: {  	[smem:$0x3FA5] =	sst s7  }
0x10: {  	[smem:$0x3FA6] =	sst s8  }
0x11: {  	[smem:$0x3FA7] =	sst s9;
	s0 =	simm.s32 @!p0 $0x0  }
0x12: {  	s1 =	sld [smem:$0x3F8D];
	s0 =	simm.s32 @p0 $0x1  }
0x13: {  	[smem:$0x3FA8] =	sst s0;
	s0 =	simm.s32 @!p1 $0x0  }
0x14: {  	s2 =	sld [smem:$0x3F8C];
	s0 =	simm.s32 @p1 $0x1  }
0x15: {  	[smem:$0x3FA9] =	sst s0;
	s0 =	simm.s32 @!p2 $0x0  }
0x16: {  	s3 =	sld [smem:$0x3FDB];
	s0 =	simm.s32 @p2 $0x1  }
0x17: {  	s4 =	simm.s32 $0x1BF5;
	[smem:$0x3FAB] =	sst s0  }
0x18: {  	s0 =	sld [smem:$0x3F8E];
	_ =	swait.ge [sflag:s4], $0x0  }
0x19: {  	s7 =	sld [smem:$0x3F8F]  }
0x1a: {  	s8 =	sadd.s32 $0xFFFFE003, lr  }
0x1b: {  	s9 =	sadd.s32 $0xFFFFFEF7, lr;
	s5 =	simm.s32 $0xFFFFFFFF;
	p2 =	slt.u32 s8, $0xFFFFF086  }
0x1c: {  	p1 =	slt.u32 s9, $0xF7A;
	s5 =	simm.s32 @!p2 $0x0  }
0x1d: {  	s5 =	simm.s32 @p1 $0x1;
	p0 =	seq.s32 s7, s2  }
0x1e: {  	s7 =	smul.u32 @!p0 $0xF7A, s2;
	p2 =	seq.s32 @!p0 s5, $0x0  }
0x1f: {  	s9 =	smul.u32 $0xF7A, s1;
	s8 =	simm.s32 @!p0 $0x1BF5;
	p2 =	por !p2, p0  }
0x20: {  	[sflag:s8] =	ssyncset.s32 @!p0 $0xFFFFF086;
	s6 =	sadd.s32 @!p0 s3, s7;
	s7 =	simm.s32 @!p0 $0x108  }
0x21: {  	s3 =	sadd.s32 s3, s9;
	s6 =	sadd.s32 @!p0 $0x88, s6;
	s7 =	simm.s32 @p2 $0x1082  }
0x22: {  	[simem:s7], [sflag:s8] =	dma.local @!p0 [hbm:s6], $0xF7A  }
0x23: {  	s9 =	sor.u32 $0xD0000000, s2;
	s6 =	simm.s32 $0x108;
	_ =	swait.ge @!p0 [sflag:s8], $0x0  }
0x24: {  	s3 =	sadd.s32 $0x88, s3;
	s6 =	simm.s32 @!p1 $0x1082;
	[sflag:s4] =	ssyncset.s32 $0xFFFFF086  }
0x25: {  	[simem:s6], [sflag:s4] =	dma.local [hbm:s3], $0xF7A  }
0x26: {  	[smem:$0x3F8F] =	sst s1;
	(tag) =	ssettag s2;
	_ =	strace s9  }
0x27: {  	s1 =	sld [smem:$0x3F9F]  }
0x28: {  	s2 =	sld [smem:$0x3FA0]  }
0x29: {  	s4 =	sld [smem:$0x3FA2]  }
0x2a: {  	p0 =	seq.s32 s5, $0x0;
	s5 =	sld [smem:$0x3FA3]  }
0x2b: {  	s6 =	sld [smem:$0x3FA4]  }
0x2c: {  	s7 =	sld [smem:$0x3FA5]  }
0x2d: {  	s3 =	simm.s32 $0x108;
	s8 =	sld [smem:$0x3FA6]  }
0x2e: {  	s3 =	simm.s32 @!p0 $0x1082;
	s9 =	sld [smem:$0x3FA7]  }
0x2f: {  	lr =	sadd.s32 s0, s3;
	s0 =	sld [smem:$0x3F9E]  }
0x30: {  	s3 =	sld [smem:$0x3FA1]  }
0x31: {  	[smem:$0x3FAA] =	sst s10  }
0x32: {  	s10 =	sld [smem:$0x3FA8];
	_ =	sdelay $0x3  }
0x33: {  	p0 =	seq.s32 s10, $0x1;
	s10 =	sld [smem:$0x3FAA];
	_ =	sdelay $0x3  }
0x34: {  	[smem:$0x3FAA] =	sst s10  }
0x35: {  	s10 =	sld [smem:$0x3FA9];
	_ =	sdelay $0x3  }
0x36: {  	p1 =	seq.s32 s10, $0x1;
	s10 =	sld [smem:$0x3FAA];
	_ =	sdelay $0x3  }
0x37: {  	[smem:$0x3FAA] =	sst s10  }
0x38: {  	s10 =	sld [smem:$0x3FAB]  }
0x39: {  	_ = 	snop;
	(pc) =	sbr.ind lr, $3  }
0x3a: {  	_ = 	snop  }
0x3b: {  	_ = 	snop  }
0x3c: {  	p2 =	seq.s32 s10, $0x1;
	s10 =	sld [smem:$0x3FAA]  }
0x3d: {  	_ =	shalt  }
0x3e: {  	_ =	shalt  }
0x3f: {  	_ =	shalt  }
0x40: {  	_ =	shalt  }
0x41: {  	_ =	shalt  }
0x42: {  	_ =	shalt  }
0x43: {  	_ =	shalt  }
0x44: {  	_ =	shalt  }
0x45: {  	_ =	shalt  }
0x46: {  	_ =	shalt  }
0x47: {  	_ =	shalt  }
0x48: {  	_ =	shalt  }
0x49: {  	_ =	shalt  }
0x4a: {  	_ =	shalt  }
0x4b: {  	_ =	shalt  }
0x4c: {  	_ =	shalt  }
0x4d: {  	_ =	shalt  }
0x4e: {  	_ =	shalt  }
0x4f: {  	_ =	shalt  }
0x50: {  	_ =	shalt  }
0x51: {  	_ =	shalt  }
0x52: {  	_ =	shalt  }
0x53: {  	_ =	shalt  }
0x54: {  	_ =	shalt  }
0x55: {  	_ =	shalt  }
0x56: {  	_ =	shalt  }
0x57: {  	_ =	shalt  }
0x58: {  	_ =	shalt  }
0x59: {  	_ =	shalt  }
0x5a: {  	_ =	shalt  }
0x5b: {  	_ =	shalt  }
0x5c: {  	_ =	shalt  }
0x5d: {  	_ =	shalt  }
0x5e: {  	_ =	shalt  }
0x5f: {  	_ =	shalt  }
0x60: {  	_ =	shalt  }
0x61: {  	_ =	shalt  }
0x62: {  	_ =	shalt  }
0x63: {  	_ =	shalt  }
0x64: {  	_ =	shalt  }
0x65: {  	_ =	shalt  }
0x66: {  	_ =	shalt  }
0x67: {  	_ =	shalt  }
0x68: {  	_ =	shalt  }
0x69: {  	_ =	shalt  }
0x6a: {  	_ =	shalt  }
0x6b: {  	_ =	shalt  }
0x6c: {  	_ =	shalt  }
0x6d: {  	_ =	shalt  }
0x6e: {  	_ =	shalt  }
0x6f: {  	_ =	shalt  }
0x70: {  	_ =	shalt  }
0x71: {  	_ =	shalt  }
0x72: {  	_ =	shalt  }
0x73: {  	_ =	shalt  }
0x74: {  	_ =	shalt  }
0x75: {  	_ =	shalt  }
0x76: {  	_ =	shalt  }
0x77: {  	_ =	shalt  }
0x78: {  	_ =	shalt  }
0x79: {  	_ =	shalt  }
0x7a: {  	_ =	shalt  }
0x7b: {  	_ =	shalt  }
0x7c: {  	_ =	shalt  }
0x7d: {  	_ =	shalt  }
0x7e: {  	_ =	shalt  }
0x7f: {  	_ =	shalt  }
0x80: {  	_ =	shalt  }
0x81: {  	_ =	shalt  }
0x82: {  	_ =	shalt  }
0x83: {  	_ =	shalt  }
0x84: {  	_ =	shalt  }
0x85: {  	_ =	shalt  }
0x86: {  	_ =	shalt  }
0x87: {  	_ =	shalt  }
.Lfunc_end0:
.L_simem_size_0:
called_computation.1_lowered:
.L_overlay_start_0:
0x88: {  	s2 =	sld [smem:$0x3FD9]  }
0x89: {  	s3 =	sld [smem:$0x3FFE];
	_ =	sdelay $0x1  }
0x8a: {  	s1 =	srdreg.scid  }
0x8b: {  	s0 =	sand.u32 $0x1, s1  }
0x8c: {  	s14 =	sshll.u32 s0, $0xA;
	s2 =	sadd.s32 s3, s2  }
0x8d: {  	s2 =	sadd.s32 s2, s14  }
0x8e: {  	[smem:$0x3FB6] =	sst s2  }
0x8f: {  	_ = 	snop  }
0x90: {  	s2 =	sld [smem:$0x3FD0];
	_ =	sdelay $0x2  }
0x91: {  	s15 =	simm.s32 $0xA;
	s4 =	simm.s32 $0x10  }
0x92: {  	[smem:s4], [sflag:s15] =	dma.local [hbm:s2], $0x1  }
0x93: {  	_ =	swait.eq [sflag:s15], $0x1  }
0x94: {  	[sflag:s15] =	ssyncset.done $0x0  }
0x95: {  	[sflag:s15] =	ssyncadd.s32 $0xFFFFFFFF  }
0x96: {  	s16 =	sld [smem:$0x11];
	(tm) =	ssettm $0x1  }
0x97: {  	s17 =	sld [smem:$0x3FFB];
	_ =	sdelay $0x3  }
0x98: {  	_ =	strace s17  }
0x99: {  	s3 =	sld [smem:$0x3FFC];
	_ =	sdelay $0x3  }
0x9a: {  	_ =	strace s3  }
0x9b: {  	s3 =	sld [smem:$0x3FFD];
	_ =	sdelay $0x3  }
0x9c: {  	_ =	strace s3  }
0x9d: {  	_ =	strace $0x8FFFFFFF  }
0x9e: {  	s18 =	sld [smem:$0x3FDB];
	_ =	sdelay $0x1  }
0x9f: {  	s19 =	simm.s32 $_scs_section_size  }
0xa0: {  	s5 =	simm.s32 $_size__tile_overlayer_lowered;
	s6 =	simm.s32 $_tile_overlayer_lowered  }
0xa1: {  	s22 =	simm.s32 $0x1BFF;
	s21 =	sshll.u32 s6, $0x1;
	s3 =	sadd.s32 s19, s18  }
0xa2: {  	s7 =	simm.s32 $0x0;
	s20 =	sshll.u32 s5, $0x1;
	s5 =	sadd.s32 s21, s3  }
0xa3: {  	[timem:s7], [sflag:s22] =	dma.local [hbm:s5], s20  }
0xa4: {  	_ =	swait.ge [sflag:s22], s20  }
0xa5: {  	s4 =	ssub.s32 $0x0, s20;
	[sflag:s22] =	ssyncset.done $0x0  }
0xa6: {  	[sflag:s22] =	ssyncadd.s32 s4;
	_ =	sdelay $0x1  }
0xa7: {  	s23 =	simm.s32 $0x1B8B  }
0xa8: {  	_ =	swait.ge [sflag:s23], $0x1  }
0xa9: {  	[sflag:s23] =	ssyncset.done $0x0  }
0xaa: {  	s25 =	simm.s32 $0x1B8E;
	s24 =	sld [smem:$0x3FFE];
	[sflag:s23] =	ssyncadd.s32 $0xFFFFFFFF  }
0xab: {  	s26 =	simm.s32 $execute0_lowered;
	[smem:$0x3FD2] =	sst s25  }
0xac: {  	s5 =	sshll.u32 s26, $0x1;
	_ =	strace $0x80000049;
	[dreg:$0x1] =	wrdreg $0xFFFFFFFF  }
0xad: {  	s28 =	simm.s32 $_size_execute0_lowered;
	s3 =	sadd.s32 s3, s5;
	[dreg:$0x0] =	wrdreg $0x0  }
0xae: {  	s5 =	sshll.u32 s28, $0x1;
	[dreg:$0x2] =	wrdreg s3  }
0xaf: {  	[dreg:$0x3] =	wrdreg s5  }
0xb0: {  	[dreg:$0x4] =	wrdreg $0xC0  }
0xb1: {  	_ =	task [dreg:s7], $0x5FFFF  }
0xb2: {  	[dreg:$0x1] =	wrdreg $0xFFFFFFFF  }
0xb3: {  	[dreg:$0x0] =	wrdreg $0x60  }
0xb4: {  	[dreg:$0x2] =	wrdreg s16  }
0xb5: {  	[dreg:$0x3] =	wrdreg s24  }
0xb6: {  	[dreg:$0x4] =	wrdreg $0x0  }
0xb7: {  	[dreg:$0x5] =	wrdreg $0x9  }
0xb8: {  	_ =	task.clear_ibuf [dreg:s7], $0x6FFFF;
	_ =	strace $0x90000049  }
0xb9: {  	s29 =	simm.s32 $0x9;
	_ =	strace $0x8000004B  }
0xba: {  	_ =	swait.ge [sflag:s29], $0x1  }
0xbb: {  	[sflag:s29] =	ssyncadd.s32 $0xFFFFFFFF  }
0xbc: {  	_ =	strace $0x9000004B  }
0xbd: {  	_ =	sfence  }
0xbe: {  	s30 =	sld [smem:$0x0];
	_ =	sdelay $0x2  }
0xbf: {  	s31 =	sshll.u32 s1, $0xD;
	s1 =	sshrl.u32 s1, $0x2  }
0xc0: {  	s3 =	sand.u32 $0x4000, s31;
	s1 =	sadd.s32 s1, s30  }
0xc1: {  	s0 =	sor.u32 s3, s0;
	s1 =	sshll.u32 s1, $0x11  }
0xc2: {  	s0 =	sor.u32 s1, s0  }
0xc3: {  	s0 =	sadd.s32 $0x8F2B, s0  }
0xc4: {  	[sflag:s0] =	ssyncadd.remote.s32 $0x1  }
0xc5: {  	_ =	sfence.sel $0xFFFF  }
0xc6: {  	[dreg:$0x0] =	wrdreg $0xFFFFFFFF;
	(pc) =	sbr.abs _section_cstart, $3  }
0xc7: {  	[dreg:$0x1] =	wrdreg $0xFFFFFFFF  }
0xc8: {  	_ =	task.clear_ibuf [dreg:s7], $0x2FFFF;
	_ =	strace $0x9FFFFFFF  }
0xc9: {  	(tm) =	ssettm $0x7FFFFFFF  }
tec
execute0_lowered:
.L_overlay_start_1:
0x0: {  	(tag) =	ssettag $0x1  }
0x1: {  	s1 =	rddreg [dreg:$0x0]  }
0x2: {  	s6 =	rddreg [dreg:$0x1];
	s2 =	srdreg.scid  }
0x3: {  	s0 =	stileid.u32;
	s3 =	rddreg [dreg:$0x2];
	s4 =	simm.s32 $0x0  }
0x4: {  	s13 =	simm.s32 $0x2;
	s14 =	simm.s32 $0x4000;
	s15 =	simm.s32 $0x5500  }
0x5: {  	s16 =	simm.s32 $0x80;
	s17 =	simm.s32 $0x7F00;
	s18 =	simm.s32 $0x1  }
0x6: {  	s5 =	sand.u32 $0x1, s2;
	s7 =	sshll.u32 s0, $0x1;
	s2 =	rddreg [dreg:$0x3]  }
0x7: {  	[smem:$0x7FF] =	sst s4;
	s8 =	sshll.u32 s0, $0xE;
	s7 =	sor.u32 s5, s7  }
0x8: {  	s9 =	sshll.u32 s5, $0x12;
	s31 =	ssub.s32 $0x2, s5;
	s7 =	smul.u32 $0x2A0, s7  }
0x9: {  	_ =	strace $0x8000004A;
	s30 =	sor.u32 s8, s9;
	s11 =	sshrl.u32 s31, $0x1  }
0xa: {  	s11 =	ssub.s32 s31, s11;
	s10 =	sadd.s32 s7, s6;
	s7 =	sshrl.u32 s30, $0x3  }
0xb: {  	s5 =	sadd.s32 s8, s3;
	s11 =	smax.u32 s11, $0x1;
	s12 =	sadd.s32 s7, s6  }
0xc: {  	s6 =	sadd.s32 $0x2000, s5;
	s7 =	sadd.s32 $0x4D000, s10;
	s8 =	sadd.s32 $0x47C00, s10  }
0xd: {  	v0 =	vimm.f32 $0.0e+00;
	s9 =	sadd.s32 $0x42800, s10;
	s10 =	sadd.s32 $0x3000, s12;
	s12 =	simm.s32 $0x9F00  }
.LBB2_1:
0xe: {  	s20 =	simm.s32 $0x100;
	s19 =	simm.s32 $0x0  }
.LBB2_2:
0xf: {  	p0 =	sne.s32 s20, $0x7F00;
	[tilespmem:s19+$0x9F30] =	vst v0;
	s21 =	smov.u32 s20;
	s20 =	sadd.s32 $0x100, s20  }
.Ltmp0:
0x10: {  	[tilespmem:s19+$0x9F20] =	vst v0;
	(pc) =	sbr.rel @p0 .LBB2_2-.Ltmp0, $3  }
0x11: {  	[tilespmem:s19+$0x9F00] =	vst v0  }
0x12: {  	[tilespmem:s19+$0x9F10] =	vst v0;
	_ =	sdelay $0x1  }
0x13: {  	s19 =	sshra.s32 s21, $0x2  }
0x14: {  	[tilespmem:s19+$0x9F30] =	vst v0  }
0x15: {  	[tilespmem:s19+$0x9F20] =	vst v0  }
0x16: {  	[tilespmem:s19+$0x9F00] =	vst v0  }
0x17: {  	[tilespmem:s19+$0x9F10] =	vst v0  }
0x18: {  	[spmem:s5] =	stream.linear.scatter [tilespmem:s12], [sflag:$0x2], $0x2000, $0x38;
	[tilespmem:$0xBF00] =	vst v63  }
0x19: {  	_ =	swait.ge [sflag:s13], $0x2000  }
0x1a: {  	[sflag:s13] =	ssyncset.done $0x0  }
0x1b: {  	[sflag:s13] =	ssyncadd.s32 $0xFFFFE000  }
0x1c: {  	[spmem:s6] =	stream.linear.scatter [tilespmem:s12], [sflag:$0x2], $0x2000, $0x38;
	[tilespmem:$0xBF00] =	vst v63  }
0x1d: {  	_ =	swait.ge [sflag:s13], $0x2000  }
0x1e: {  	[sflag:s13] =	ssyncset.done $0x0  }
0x1f: {  	[sflag:s13] =	ssyncadd.s32 $0xFFFFE000  }
0x20: {  	s19 =	simm.s32 $0x0;
	[bflag:$0x0] =	sbarrier.arrive $0xFFFF  }
0x21: {  	[tilespmem:s14], [sflag:$0x2] =	stream.linear.gather [hbm4b:s7+s19], $0x1500, $0x38;
	[tilespmem:$0xBF00] =	vst v63  }
0x22: {  	_ =	swait.ge [sflag:s13], $0x1500  }
0x23: {  	[sflag:s13] =	ssyncset.done $0x0  }
0x24: {  	[sflag:s13] =	ssyncadd.s32 $0xFFFFEB00  }
0x25: {  	[tilespmem:s15], [sflag:$0x2] =	stream.linear.gather [hbm4b:s8+s19], $0x1500, $0x38;
	[tilespmem:$0xBF00] =	vst v63  }
0x26: {  	_ =	swait.ge [sflag:s13], $0x1500  }
0x27: {  	[sflag:s13] =	ssyncset.done $0x0  }
0x28: {  	s20 =	simm.s32 $0x6A00;
	[sflag:s13] =	ssyncadd.s32 $0xFFFFEB00  }
0x29: {  	[tilespmem:s20], [sflag:$0x2] =	stream.linear.gather [hbm4b:s9+s19], $0x1500, $0x38;
	[tilespmem:$0xBF00] =	vst v63  }
0x2a: {  	_ =	swait.ge [sflag:s13], $0x1500  }
0x2b: {  	[sflag:s13] =	ssyncset.done $0x0  }
0x2c: {  	[sflag:s13] =	ssyncadd.s32 $0xFFFFEB00  }
.LBB2_4:
0x2d: {  	s21 =	sshll.u32 s19, $0x7  }
0x2e: {  	s22 =	sadd.s32 $0x4000, s21  }
0x2f: {  	v1 =	vmov s20;
	[tilespmem:s17], [sflag:$0x1] =	stream.indirect.gather [hbm4b:s1+s16], $0x40, s22, s16, $0xb8;
	[tilespmem:$0xBF00] =	vst v63  }
0x30: {  	_ =	swait.ge [sflag:s18], $0x2000  }
0x31: {  	[sflag:s18] =	ssyncset.done $0x0  }
0x32: {  	s23 =	simm.s32 $0x0;
	s22 =	simm.s32 $0x8100;
	[sflag:s18] =	ssyncadd.s32 $0xFFFFE000  }
.LBB2_5:
0x33: {  	s24 =	sshra.s32 s23, $0x2  }
0x34: {  	v2 =	vld.idx.msk [tilespmem:v1+s24+$0x0 ss:$0x1], $0xffff;
	_ =	sdelay $0x1  }
0x35: {  	v3 =	vld [tilespmem:s22+$0xFFFFFE00];
	_ =	sdelay $0x2  }
0x36: {  	v4 =	vbroadcast v2, $0x0;
	_ =	sdelay $0x1  }
0x37: {  	v3 =	vmul.f32 v4, v3;
	_ =	sdelay $0x1  }
0x38: {  	[tilespmem:s22+$0xFFFFFE00] =	vst v3;
	v3 =	vld [tilespmem:s22+$0xFFFFFE10];
	_ =	sdelay $0x4  }
0x39: {  	v3 =	vmul.f32 v3, v4;
	_ =	sdelay $0x1  }
0x3a: {  	[tilespmem:s22+$0xFFFFFE10] =	vst v3;
	v3 =	vld [tilespmem:s22+$0xFFFFFE20];
	_ =	sdelay $0x4  }
0x3b: {  	v3 =	vmul.f32 v3, v4;
	_ =	sdelay $0x1  }
0x3c: {  	[tilespmem:s22+$0xFFFFFE20] =	vst v3;
	v3 =	vld [tilespmem:s22+$0xFFFFFE30];
	_ =	sdelay $0x4  }
0x3d: {  	v3 =	vmul.f32 v3, v4;
	_ =	sdelay $0x1  }
0x3e: {  	[tilespmem:s22+$0xFFFFFE30] =	vst v3;
	v3 =	vld [tilespmem:s22+$0xFFFFFE40];
	_ =	sdelay $0x2  }
0x3f: {  	v50 =	vbroadcast v2, $0x1;
	_ =	sdelay $0x1  }
0x40: {  	v3 =	vmul.f32 v3, v50;
	_ =	sdelay $0x1  }
0x41: {  	[tilespmem:s22+$0xFFFFFE40] =	vst v3;
	v3 =	vld [tilespmem:s22+$0xFFFFFE50];
	_ =	sdelay $0x4  }
0x42: {  	v3 =	vmul.f32 v3, v50;
	_ =	sdelay $0x1  }
0x43: {  	[tilespmem:s22+$0xFFFFFE50] =	vst v3;
	v3 =	vld [tilespmem:s22+$0xFFFFFE60];
	_ =	sdelay $0x4  }
0x44: {  	v3 =	vmul.f32 v3, v50;
	_ =	sdelay $0x1  }
0x45: {  	[tilespmem:s22+$0xFFFFFE60] =	vst v3;
	v3 =	vld [tilespmem:s22+$0xFFFFFE70];
	_ =	sdelay $0x4  }
0x46: {  	v3 =	vmul.f32 v3, v50;
	_ =	sdelay $0x1  }
0x47: {  	[tilespmem:s22+$0xFFFFFE70] =	vst v3;
	v3 =	vld [tilespmem:s22+$0xFFFFFE80];
	_ =	sdelay $0x2  }
0x48: {  	v51 =	vbroadcast v2, $0x2;
	_ =	sdelay $0x1  }
0x49: {  	v3 =	vmul.f32 v3, v51;
	_ =	sdelay $0x1  }
0x4a: {  	[tilespmem:s22+$0xFFFFFE80] =	vst v3;
	v3 =	vld [tilespmem:s22+$0xFFFFFE90];
	_ =	sdelay $0x4  }
0x4b: {  	v3 =	vmul.f32 v3, v51;
	_ =	sdelay $0x1  }
0x4c: {  	[tilespmem:s22+$0xFFFFFE90] =	vst v3;
	v3 =	vld [tilespmem:s22+$0xFFFFFEA0];
	_ =	sdelay $0x4  }
0x4d: {  	v3 =	vmul.f32 v3, v51;
	_ =	sdelay $0x1  }
0x4e: {  	[tilespmem:s22+$0xFFFFFEA0] =	vst v3;
	v3 =	vld [tilespmem:s22+$0xFFFFFEB0];
	_ =	sdelay $0x4  }
0x4f: {  	v3 =	vmul.f32 v3, v51;
	_ =	sdelay $0x1  }
0x50: {  	[tilespmem:s22+$0xFFFFFEB0] =	vst v3;
	v3 =	vld [tilespmem:s22+$0xFFFFFEC0];
	_ =	sdelay $0x2  }
0x51: {  	v52 =	vbroadcast v2, $0x3;
	_ =	sdelay $0x1  }
0x52: {  	v3 =	vmul.f32 v3, v52;
	_ =	sdelay $0x1  }
0x53: {  	[tilespmem:s22+$0xFFFFFEC0] =	vst v3;
	v3 =	vld [tilespmem:s22+$0xFFFFFED0];
	_ =	sdelay $0x4  }
0x54: {  	v3 =	vmul.f32 v3, v52;
	_ =	sdelay $0x1  }
0x55: {  	[tilespmem:s22+$0xFFFFFED0] =	vst v3;
	v3 =	vld [tilespmem:s22+$0xFFFFFEE0];
	_ =	sdelay $0x4  }
0x56: {  	v3 =	vmul.f32 v3, v52;
	_ =	sdelay $0x1  }
0x57: {  	[tilespmem:s22+$0xFFFFFEE0] =	vst v3;
	v3 =	vld [tilespmem:s22+$0xFFFFFEF0];
	_ =	sdelay $0x4  }
0x58: {  	v3 =	vmul.f32 v3, v52;
	_ =	sdelay $0x1  }
0x59: {  	[tilespmem:s22+$0xFFFFFEF0] =	vst v3;
	v3 =	vld [tilespmem:s22+$0xFFFFFF00];
	_ =	sdelay $0x2  }
0x5a: {  	v53 =	vbroadcast v2, $0x4;
	_ =	sdelay $0x1  }
0x5b: {  	v3 =	vmul.f32 v3, v53;
	_ =	sdelay $0x1  }
0x5c: {  	[tilespmem:s22+$0xFFFFFF00] =	vst v3;
	v3 =	vld [tilespmem:s22+$0xFFFFFF10];
	_ =	sdelay $0x4  }
0x5d: {  	v3 =	vmul.f32 v3, v53;
	_ =	sdelay $0x1  }
0x5e: {  	[tilespmem:s22+$0xFFFFFF10] =	vst v3;
	v3 =	vld [tilespmem:s22+$0xFFFFFF20];
	_ =	sdelay $0x4  }
0x5f: {  	v3 =	vmul.f32 v3, v53;
	_ =	sdelay $0x1  }
0x60: {  	[tilespmem:s22+$0xFFFFFF20] =	vst v3;
	v3 =	vld [tilespmem:s22+$0xFFFFFF30];
	_ =	sdelay $0x4  }
0x61: {  	v3 =	vmul.f32 v3, v53;
	_ =	sdelay $0x1  }
0x62: {  	[tilespmem:s22+$0xFFFFFF30] =	vst v3;
	v3 =	vld [tilespmem:s22+$0xFFFFFF40];
	_ =	sdelay $0x2  }
0x63: {  	v54 =	vbroadcast v2, $0x5;
	_ =	sdelay $0x1  }
0x64: {  	v3 =	vmul.f32 v3, v54;
	_ =	sdelay $0x1  }
0x65: {  	[tilespmem:s22+$0xFFFFFF40] =	vst v3;
	v3 =	vld [tilespmem:s22+$0xFFFFFF50];
	_ =	sdelay $0x4  }
0x66: {  	v3 =	vmul.f32 v3, v54;
	_ =	sdelay $0x1  }
0x67: {  	[tilespmem:s22+$0xFFFFFF50] =	vst v3;
	v3 =	vld [tilespmem:s22+$0xFFFFFF60];
	_ =	sdelay $0x4  }
0x68: {  	v3 =	vmul.f32 v3, v54;
	_ =	sdelay $0x1  }
0x69: {  	[tilespmem:s22+$0xFFFFFF60] =	vst v3;
	v3 =	vld [tilespmem:s22+$0xFFFFFF70];
	_ =	sdelay $0x4  }
0x6a: {  	v3 =	vmul.f32 v3, v54;
	_ =	sdelay $0x1  }
0x6b: {  	[tilespmem:s22+$0xFFFFFF70] =	vst v3;
	v3 =	vld [tilespmem:s22+$0xFFFFFF80];
	_ =	sdelay $0x2  }
0x6c: {  	v55 =	vbroadcast v2, $0x6;
	_ =	sdelay $0x1  }
0x6d: {  	v3 =	vmul.f32 v3, v55;
	_ =	sdelay $0x1  }
0x6e: {  	[tilespmem:s22+$0xFFFFFF80] =	vst v3;
	v3 =	vld [tilespmem:s22+$0xFFFFFF90];
	_ =	sdelay $0x4  }
0x6f: {  	v3 =	vmul.f32 v3, v55;
	_ =	sdelay $0x1  }
0x70: {  	[tilespmem:s22+$0xFFFFFF90] =	vst v3;
	v3 =	vld [tilespmem:s22+$0xFFFFFFA0];
	_ =	sdelay $0x4  }
0x71: {  	v3 =	vmul.f32 v3, v55;
	_ =	sdelay $0x1  }
0x72: {  	[tilespmem:s22+$0xFFFFFFA0] =	vst v3;
	v3 =	vld [tilespmem:s22+$0xFFFFFFB0];
	_ =	sdelay $0x4  }
0x73: {  	v3 =	vmul.f32 v3, v55;
	_ =	sdelay $0x1  }
0x74: {  	[tilespmem:s22+$0xFFFFFFB0] =	vst v3;
	v3 =	vld [tilespmem:s22+$0xFFFFFFC0];
	_ =	sdelay $0x2  }
0x75: {  	v56 =	vbroadcast v2, $0x7;
	_ =	sdelay $0x1  }
0x76: {  	v3 =	vmul.f32 v3, v56;
	_ =	sdelay $0x1  }
0x77: {  	[tilespmem:s22+$0xFFFFFFC0] =	vst v3;
	v3 =	vld [tilespmem:s22+$0xFFFFFFD0];
	_ =	sdelay $0x4  }
0x78: {  	v3 =	vmul.f32 v3, v56;
	_ =	sdelay $0x1  }
0x79: {  	[tilespmem:s22+$0xFFFFFFD0] =	vst v3;
	v3 =	vld [tilespmem:s22+$0xFFFFFFE0];
	_ =	sdelay $0x4  }
0x7a: {  	v3 =	vmul.f32 v3, v56;
	_ =	sdelay $0x1  }
0x7b: {  	[tilespmem:s22+$0xFFFFFFE0] =	vst v3;
	v3 =	vld [tilespmem:s22+$0xFFFFFFF0];
	_ =	sdelay $0x4  }
0x7c: {  	v3 =	vmul.f32 v3, v56;
	_ =	sdelay $0x1  }
0x7d: {  	[tilespmem:s22+$0xFFFFFFF0] =	vst v3;
	v3 =	vld [tilespmem:s22+$0x0];
	_ =	sdelay $0x2  }
0x7e: {  	v57 =	vbroadcast v2, $0x8;
	_ =	sdelay $0x1  }
0x7f: {  	v3 =	vmul.f32 v3, v57;
	_ =	sdelay $0x1  }
0x80: {  	[tilespmem:s22+$0x0] =	vst v3;
	v3 =	vld [tilespmem:s22+$0x10];
	_ =	sdelay $0x4  }
0x81: {  	v3 =	vmul.f32 v3, v57;
	_ =	sdelay $0x1  }
0x82: {  	[tilespmem:s22+$0x10] =	vst v3;
	v3 =	vld [tilespmem:s22+$0x20];
	_ =	sdelay $0x4  }
0x83: {  	v3 =	vmul.f32 v3, v57;
	_ =	sdelay $0x1  }
0x84: {  	[tilespmem:s22+$0x20] =	vst v3;
	v3 =	vld [tilespmem:s22+$0x30];
	_ =	sdelay $0x4  }
0x85: {  	v3 =	vmul.f32 v3, v57;
	_ =	sdelay $0x1  }
0x86: {  	[tilespmem:s22+$0x30] =	vst v3;
	v3 =	vld [tilespmem:s22+$0x40];
	_ =	sdelay $0x2  }
0x87: {  	v58 =	vbroadcast v2, $0x9;
	_ =	sdelay $0x1  }
0x88: {  	v3 =	vmul.f32 v3, v58;
	_ =	sdelay $0x1  }
0x89: {  	[tilespmem:s22+$0x40] =	vst v3;
	v3 =	vld [tilespmem:s22+$0x50];
	_ =	sdelay $0x4  }
0x8a: {  	v3 =	vmul.f32 v3, v58;
	_ =	sdelay $0x1  }
0x8b: {  	[tilespmem:s22+$0x50] =	vst v3;
	v3 =	vld [tilespmem:s22+$0x60];
	_ =	sdelay $0x4  }
0x8c: {  	v3 =	vmul.f32 v3, v58;
	_ =	sdelay $0x1  }
0x8d: {  	[tilespmem:s22+$0x60] =	vst v3;
	v3 =	vld [tilespmem:s22+$0x70];
	_ =	sdelay $0x4  }
0x8e: {  	v3 =	vmul.f32 v3, v58;
	_ =	sdelay $0x1  }
0x8f: {  	[tilespmem:s22+$0x70] =	vst v3;
	v3 =	vld [tilespmem:s22+$0x80];
	_ =	sdelay $0x2  }
0x90: {  	v59 =	vbroadcast v2, $0xA;
	_ =	sdelay $0x1  }
0x91: {  	v3 =	vmul.f32 v3, v59;
	_ =	sdelay $0x1  }
0x92: {  	[tilespmem:s22+$0x80] =	vst v3;
	v3 =	vld [tilespmem:s22+$0x90];
	_ =	sdelay $0x4  }
0x93: {  	v3 =	vmul.f32 v3, v59;
	_ =	sdelay $0x1  }
0x94: {  	[tilespmem:s22+$0x90] =	vst v3;
	v3 =	vld [tilespmem:s22+$0xA0];
	_ =	sdelay $0x4  }
0x95: {  	v3 =	vmul.f32 v3, v59;
	_ =	sdelay $0x1  }
0x96: {  	[tilespmem:s22+$0xA0] =	vst v3;
	v3 =	vld [tilespmem:s22+$0xB0];
	_ =	sdelay $0x4  }
0x97: {  	v3 =	vmul.f32 v3, v59;
	_ =	sdelay $0x1  }
0x98: {  	[tilespmem:s22+$0xB0] =	vst v3;
	v3 =	vld [tilespmem:s22+$0xC0];
	_ =	sdelay $0x2  }
0x99: {  	v60 =	vbroadcast v2, $0xB;
	_ =	sdelay $0x1  }
0x9a: {  	v3 =	vmul.f32 v3, v60;
	_ =	sdelay $0x1  }
0x9b: {  	[tilespmem:s22+$0xC0] =	vst v3;
	v3 =	vld [tilespmem:s22+$0xD0];
	_ =	sdelay $0x4  }
0x9c: {  	v3 =	vmul.f32 v3, v60;
	_ =	sdelay $0x1  }
0x9d: {  	[tilespmem:s22+$0xD0] =	vst v3;
	v3 =	vld [tilespmem:s22+$0xE0];
	_ =	sdelay $0x4  }
0x9e: {  	v3 =	vmul.f32 v3, v60;
	_ =	sdelay $0x1  }
0x9f: {  	[tilespmem:s22+$0xE0] =	vst v3;
	v3 =	vld [tilespmem:s22+$0xF0];
	_ =	sdelay $0x4  }
0xa0: {  	v3 =	vmul.f32 v3, v60;
	_ =	sdelay $0x1  }
0xa1: {  	[tilespmem:s22+$0xF0] =	vst v3;
	v3 =	vld [tilespmem:s22+$0x100];
	_ =	sdelay $0x2  }
0xa2: {  	v61 =	vbroadcast v2, $0xC;
	_ =	sdelay $0x1  }
0xa3: {  	v3 =	vmul.f32 v3, v61;
	_ =	sdelay $0x1  }
0xa4: {  	[tilespmem:s22+$0x100] =	vst v3;
	v3 =	vld [tilespmem:s22+$0x110];
	_ =	sdelay $0x4  }
0xa5: {  	v3 =	vmul.f32 v3, v61;
	_ =	sdelay $0x1  }
0xa6: {  	[tilespmem:s22+$0x110] =	vst v3;
	v3 =	vld [tilespmem:s22+$0x120];
	_ =	sdelay $0x4  }
0xa7: {  	v3 =	vmul.f32 v3, v61;
	_ =	sdelay $0x1  }
0xa8: {  	[tilespmem:s22+$0x120] =	vst v3;
	v3 =	vld [tilespmem:s22+$0x130];
	_ =	sdelay $0x4  }
0xa9: {  	v3 =	vmul.f32 v3, v61;
	_ =	sdelay $0x1  }
0xaa: {  	[tilespmem:s22+$0x130] =	vst v3;
	v3 =	vld [tilespmem:s22+$0x140];
	_ =	sdelay $0x2  }
0xab: {  	v62 =	vbroadcast v2, $0xD;
	_ =	sdelay $0x1  }
0xac: {  	v3 =	vmul.f32 v3, v62;
	_ =	sdelay $0x1  }
0xad: {  	[tilespmem:s22+$0x140] =	vst v3;
	v3 =	vld [tilespmem:s22+$0x150];
	_ =	sdelay $0x4  }
0xae: {  	v3 =	vmul.f32 v3, v62;
	_ =	sdelay $0x1  }
0xaf: {  	[tilespmem:s22+$0x150] =	vst v3;
	v3 =	vld [tilespmem:s22+$0x160];
	_ =	sdelay $0x4  }
0xb0: {  	v3 =	vmul.f32 v3, v62;
	_ =	sdelay $0x1  }
0xb1: {  	[tilespmem:s22+$0x160] =	vst v3;
	v3 =	vld [tilespmem:s22+$0x170];
	_ =	sdelay $0x4  }
0xb2: {  	v3 =	vmul.f32 v3, v62;
	_ =	sdelay $0x1  }
0xb3: {  	[tilespmem:s22+$0x170] =	vst v3;
	v3 =	vld [tilespmem:s22+$0x180];
	_ =	sdelay $0x2  }
0xb4: {  	v63 =	vbroadcast v2, $0xE;
	_ =	sdelay $0x1  }
0xb5: {  	v3 =	vmul.f32 v3, v63;
	_ =	sdelay $0x1  }
0xb6: {  	[tilespmem:s22+$0x180] =	vst v3;
	v3 =	vld [tilespmem:s22+$0x190];
	_ =	sdelay $0x4  }
0xb7: {  	v3 =	vmul.f32 v3, v63;
	_ =	sdelay $0x1  }
0xb8: {  	[tilespmem:s22+$0x190] =	vst v3;
	v3 =	vld [tilespmem:s22+$0x1A0];
	_ =	sdelay $0x4  }
0xb9: {  	v3 =	vmul.f32 v3, v63;
	_ =	sdelay $0x1  }
0xba: {  	[tilespmem:s22+$0x1A0] =	vst v3;
	v3 =	vld [tilespmem:s22+$0x1B0];
	_ =	sdelay $0x4  }
0xbb: {  	v3 =	vmul.f32 v3, v63;
	_ =	sdelay $0x1  }
0xbc: {  	[tilespmem:s22+$0x1B0] =	vst v3;
	v3 =	vld [tilespmem:s22+$0x1C0];
	_ =	sdelay $0x2  }
0xbd: {  	v2 =	vbroadcast v2, $0xF;
	_ =	sdelay $0x1  }
0xbe: {  	v3 =	vmul.f32 v3, v2;
	_ =	sdelay $0x1  }
0xbf: {  	[tilespmem:s22+$0x1C0] =	vst v3;
	v3 =	vld [tilespmem:s22+$0x1D0];
	_ =	sdelay $0x4  }
0xc0: {  	v3 =	vmul.f32 v3, v2;
	_ =	sdelay $0x1  }
0xc1: {  	[tilespmem:s22+$0x1D0] =	vst v3;
	v3 =	vld [tilespmem:s22+$0x1E0];
	_ =	sdelay $0x4  }
0xc2: {  	v3 =	vmul.f32 v3, v2;
	_ =	sdelay $0x1  }
0xc3: {  	[tilespmem:s22+$0x1E0] =	vst v3;
	v3 =	vld [tilespmem:s22+$0x1F0];
	_ =	sdelay $0x1  }
0xc4: {  	p0 =	sne.s32 s23, $0x1C0  }
.Ltmp1:
0xc5: {  	_ = 	snop;
	(pc) =	sbr.rel @p0 .LBB2_5-.Ltmp1, $3  }
0xc6: {  	_ = 	snop  }
0xc7: {  	v2 =	vmul.f32 v3, v2;
	_ =	sdelay $0x1  }
0xc8: {  	s23 =	sadd.s32 $0x40, s23;
	[tilespmem:s22+$0x1F0] =	vst v2;
	s22 =	sadd.s32 $0x400, s22  }
0xc9: {  	s19 =	sadd.s32 $0x1, s19  }
0xca: {  	p0 =	sne.s32 s19, $0x29  }
.Ltmp2:
0xcb: {  	s21 =	sadd.s32 $0x5500, s21;
	(pc) =	sbr.rel @p0 .LBB2_4-.Ltmp2, $4  }
0xcc: {  	[spmem:s3] =	stream.indirect.scatter.add.f32 [tilespmem:s17], [sflag:$0x2], $0x40, s21, s16, $0xb8;
	[tilespmem:$0xBF00] =	vst v63  }
0xcd: {  	_ =	swait.ge [sflag:s13], $0x2000  }
0xce: {  	[sflag:s13] =	ssyncset.done $0x0  }
0xcf: {  	s20 =	sadd.s32 $0x80, s20;
	[sflag:s13] =	ssyncadd.s32 $0xFFFFE000  }
0xd0: {  	s4 =	sadd.s32 $0x1, s4  }
0xd1: {  	s19 =	sshll.u32 s0, $0x6;
	[bflag:$0x0] =	sbarrier.arrive $0xFFFF;
	p0 =	sne.s32 s4, s11  }
.Ltmp3:
0xd2: {  	s20 =	sshrl.u32 s5, $0x3;
	s19 =	sor.u32 $0x1C02, s19;
	(pc) =	sbr.rel @p0 .LBB2_1-.Ltmp3, $4  }
0xd3: {  	[hbm:s10], [sflag:s19] =	dma.local [spmem:s20], $0x800  }
0xd4: {  	_ =	swait.ge [sflag:s13], $0x800  }
0xd5: {  	[sflag:s13] =	ssyncset.done $0x0  }
0xd6: {  	[sflag:s13] =	ssyncadd.s32 $0xFFFFF800  }
0xd7: {  	_ =	sfence.sel $0x180000  }
0xd8: {  	[bflag:$0x0] =	sbarrier.arrive $0xFFFF  }
0xd9: {  	p0 =	sne.s32 s0, $0x0;
	_ =	strace $0x9000004A  }
0xda: {  	s0 =	sadd.s32 @!p0 $0x100000, s2;
	[bflag:$0x2] =	sbarrier.arrive $0xFFFF  }
0xdb: {  	[sflag:s0] =	ssyncadd.tile.s32 @!p0 $0x1;
	_ =	shalt  }
.Lfunc_end2:
_tile_overlayer_lowered:
.L_overlay_start_2:
0xdc: {  	(tag) =	ssettag $0x2  }
0xdd: {  	s0 =	rddreg [dreg:$0x0];
	s2 =	stileid.u32  }
0xde: {  	s1 =	rddreg [dreg:$0x1];
	p0 =	sne.s32 s2, $0x0  }
0xdf: {  	s3 =	rddreg [dreg:$0x2];
	[bflag:$0x3] =	sbarrier.arrive $0xFFFF;
	s2 =	simm.s32 @!p0 $0x1C02  }
0xe0: {  	[timem:s3], [sflag:s2] =	dma.local @!p0 [hbm:s0], s1  }
0xe1: {  	s0 =	simm.s32 @!p0 $0x2  }
0xe2: {  	_ =	swait.ge @!p0 [sflag:s0], s1  }
0xe3: {  	s1 =	ssub.s32 @!p0 $0x0, s1;
	[sflag:s0] =	ssyncset.done @!p0 $0x0  }
0xe4: {  	[sflag:s0] =	ssyncadd.s32 @!p0 s1  }
0xe5: {  	[bflag:$0x3] =	sbarrier.arrive $0xFFFF  }
0xe6: {  	_ =	shalt  }

</sc_bundles>
